<compile_context>
chip_gen: v7x
topology: tpu7x:2x2x1
jax: 0.10.2.dev20260603
libtpu: 0.0.44.dev20260713+nightly
codegen_flags: <defaults>
</compile_context>

<pallas_src>
import jax
import jax.numpy as jnp
from jax import lax
from jax.experimental import pallas as pl
from jax.experimental.pallas import tpu as pltpu
from jax.experimental.pallas import tpu_sc as plsc

N = 10000
NP = 10240
E = 320000
B = 128
NC = 2
NS = 16
EP = 327680
NBB = EP // B
RT = NP // NS
RB = 1024
SLAB = 16


def _make_spmm(tail, dtype, untiled, nbt0, nbt1):
    row_shape = (B,) + tail
    acc_shape = (NP,) + tail

    def body(tab, zeros_hbm, srcs, dsts, out, idxs_v, idxd_v, rows0, rows1,
             acc_sh, gsem0, gsem1, ssem0, ssem1):
        c = lax.axis_index("c")
        s = lax.axis_index("s")
        rows = [rows0, rows1]
        gsem = [gsem0, gsem1]
        ssem = [ssem0, ssem1]

        for k in range(RT // B):
            pltpu.sync_copy(zeros_hbm, acc_sh.at[pl.ds(s * RT + k * B, B)])
        plsc.subcore_barrier()

        def edge_loop(nbt_c, base):
            boff = base + s * nbt_c

            def slab_body(si, carry):
                sboff = boff + si * SLAB
                pltpu.sync_copy(dsts.at[pl.ds(sboff, SLAB)], idxd_v)
                pltpu.sync_copy(srcs.at[pl.ds(sboff, SLAB)], idxs_v)
                gd = {0: pltpu.async_copy(tab.at[idxs_v.at[0]], rows[0],
                                          gsem[0])}
                sd = {}
                for b in range(SLAB):
                    cur = b % 2
                    nxt = (b + 1) % 2
                    gd[b].wait()
                    if b + 1 < SLAB:
                        if b - 1 in sd:
                            sd[b - 1].wait()
                        gd[b + 1] = pltpu.async_copy(
                            tab.at[idxs_v.at[b + 1]], rows[nxt], gsem[nxt])
                    sd[b] = pltpu.async_copy(
                        rows[cur], acc_sh.at[idxd_v.at[b]], ssem[cur],
                        add=True)
                sd[SLAB - 1].wait()
                sd[SLAB - 2].wait()
                return carry

            lax.fori_loop(0, nbt_c // SLAB, slab_body, 0)

        if nbt0 > 0:
            @pl.when(c == 0)
            def _():
                edge_loop(nbt0, 0)
        if nbt1 > 0:
            @pl.when(c == 1)
            def _():
                edge_loop(nbt1, nbt0 * NS)

        plsc.subcore_barrier()
        pltpu.sync_copy(acc_sh.at[pl.ds(s * RT, RT)],
                        out.at[c, pl.ds(s * RT, RT)])

    cp = pltpu.CompilerParams(use_tc_tiling_on_sc=False) if untiled else None
    return pl.kernel(
        body,
        out_type=jax.ShapeDtypeStruct((NC,) + acc_shape, dtype),
        mesh=plsc.VectorSubcoreMesh(core_axis_name="c", subcore_axis_name="s"),
        scratch_types=[
            pltpu.VMEM((SLAB, B), jnp.int32),
            pltpu.VMEM((SLAB, B), jnp.int32),
            pltpu.VMEM(row_shape, dtype),
            pltpu.VMEM(row_shape, dtype),
            pltpu.VMEM_SHARED(acc_shape, dtype),
            pltpu.SemaphoreType.DMA,
            pltpu.SemaphoreType.DMA,
            pltpu.SemaphoreType.DMA,
            pltpu.SemaphoreType.DMA,
        ],
        compiler_params=cp,
    )


def _make_deg_pass():
    F = 16
    nbt = NBB // (NC * NS)
    nslab = nbt // SLAB

    def _fill_zero(ref):
        z16 = jnp.zeros((16,), jnp.float32)

        def zb(i, _):
            r = i // (F // 16)
            j = i % (F // 16)
            ref[r, pl.ds(j * 16, 16)] = z16
            return 0
        lax.fori_loop(0, B * (F // 16), zb, 0)

    def body(ones_hbm, dsts, out, idxd_v, rows_v, acc_sh):
        c = lax.axis_index("c")
        s = lax.axis_index("s")
        boff = c * (nbt * NS) + s * nbt
        _fill_zero(rows_v)
        for k in range(RT // B):
            pltpu.sync_copy(rows_v, acc_sh.at[pl.ds(s * RT + k * B, B)])
        pltpu.sync_copy(ones_hbm, rows_v)
        plsc.subcore_barrier()

        def slab_body(si, carry):
            pltpu.sync_copy(dsts.at[pl.ds(boff + si * SLAB, SLAB)], idxd_v)

            def step(b, inner):
                pltpu.sync_copy(rows_v, acc_sh.at[idxd_v.at[b]], add=True)
                return inner
            lax.fori_loop(0, SLAB, step, 0)
            return carry
        lax.fori_loop(0, nslab, slab_body, 0)

        plsc.subcore_barrier()
        pltpu.sync_copy(acc_sh.at[pl.ds(s * RT, RT)],
                        out.at[c, pl.ds(s * RT, RT)])

    return pl.kernel(
        body,
        out_type=jax.ShapeDtypeStruct((NC, NP, F), jnp.float32),
        mesh=plsc.VectorSubcoreMesh(core_axis_name="c", subcore_axis_name="s"),
        scratch_types=[
            pltpu.VMEM((SLAB, B), jnp.int32),
            pltpu.VMEM((B, F), jnp.float32),
            pltpu.VMEM_SHARED((NP, F), jnp.float32),
        ],
        compiler_params=pltpu.CompilerParams(use_tc_tiling_on_sc=False),
    )


def _dinv_of(d_ref):
    deg = d_ref[0] + d_ref[1] + 1.0
    return lax.rsqrt(jnp.maximum(deg, 1.0))


def _tc1_body(x_ref, w_ref, d_ref, o_ref):
    dinv = _dinv_of(d_ref)
    h = jnp.dot(x_ref[...], w_ref[...], preferred_element_type=jnp.float32)
    o_ref[...] = (h * dinv[:, None]).astype(jnp.bfloat16)


def _tc2_body(a_ref, g_ref, d_ref, b_ref, w_ref, o_ref):
    dinv = _dinv_of(d_ref)
    h2 = None
    for cc in range(2):
        acc_c = (a_ref[0, :, cc, :].astype(jnp.float32)
                 + a_ref[1, :, cc, :].astype(jnp.float32))
        g_c = g_ref[:, cc * 128:(cc + 1) * 128].astype(jnp.float32)
        r = (acc_c + g_c) * dinv[:, None] + b_ref[cc][None, :]
        r = jnp.maximum(r, 0.0)
        p = jnp.dot(r, w_ref[cc], preferred_element_type=jnp.float32)
        h2 = p if h2 is None else h2 + p
    o_ref[...] = (h2 * dinv[:, None]).astype(jnp.bfloat16)


def _tc3_body(a_ref, g_ref, d_ref, b_ref, o_ref):
    dinv = _dinv_of(d_ref)
    acc = (a_ref[0, :, 0, :].astype(jnp.float32)
           + a_ref[1, :, 0, :].astype(jnp.float32))
    o_ref[...] = ((acc + g_ref[...].astype(jnp.float32)) * dinv[:, None]
                  + b_ref[0][None, :])


NBT0 = 144
NBT1 = 16


@jax.jit
def kernel(x, edge_index, W1, b1, W2, b2):
    src = edge_index[0]
    dst = edge_index[1]
    padn = EP - E
    fill = jnp.full((padn,), N, jnp.int32)
    src2d = jnp.concatenate([src, fill]).reshape(NBB, B)
    dst2d = jnp.concatenate([dst, fill]).reshape(NBB, B)
    xp = jnp.zeros((NP, 128), jnp.float32).at[:N].set(x)
    b1r = b1.reshape(2, 128)
    w2r = W2.reshape(2, 128, 128)
    b2r = b2.reshape(1, 128)

    ones_hbm = jnp.ones((B, 16), jnp.float32)
    degp = _make_deg_pass()(ones_hbm, dst2d)
    degcol = degp[:, :, 0]

    g1 = pl.pallas_call(
        _tc1_body,
        grid=(NP // RB,),
        in_specs=[
            pl.BlockSpec((RB, 128), lambda r: (r, 0)),
            pl.BlockSpec((128, 256), lambda r: (0, 0)),
            pl.BlockSpec((2, RB), lambda r: (0, r)),
        ],
        out_specs=pl.BlockSpec((RB, 256), lambda r: (r, 0)),
        out_shape=jax.ShapeDtypeStruct((NP, 256), jnp.bfloat16),
    )(xp, W1, degcol)

    tab1 = g1.reshape(NP, 2, 128)
    zeros_bf = jnp.zeros((B, 2, 128), jnp.bfloat16)
    acc1 = _make_spmm((2, 128), jnp.bfloat16, True, NBT0, NBT1)(
        tab1, zeros_bf, src2d, dst2d)

    g2 = pl.pallas_call(
        _tc2_body,
        grid=(NP // RB,),
        in_specs=[
            pl.BlockSpec((2, RB, 2, 128), lambda r: (0, r, 0, 0)),
            pl.BlockSpec((RB, 256), lambda r: (r, 0)),
            pl.BlockSpec((2, RB), lambda r: (0, r)),
            pl.BlockSpec((2, 128), lambda r: (0, 0)),
            pl.BlockSpec((2, 128, 128), lambda r: (0, 0, 0)),
        ],
        out_specs=pl.BlockSpec((RB, 128), lambda r: (r, 0)),
        out_shape=jax.ShapeDtypeStruct((NP, 128), jnp.bfloat16),
    )(acc1, g1, degcol, b1r, w2r)

    tab2 = g2.reshape(NP, 1, 128)
    zeros_bf2 = jnp.zeros((B, 1, 128), jnp.bfloat16)
    acc2 = _make_spmm((1, 128), jnp.bfloat16, True, NBT0, NBT1)(
        tab2, zeros_bf2, src2d, dst2d)

    z = pl.pallas_call(
        _tc3_body,
        grid=(NP // RB,),
        in_specs=[
            pl.BlockSpec((2, RB, 1, 128), lambda r: (0, r, 0, 0)),
            pl.BlockSpec((RB, 128), lambda r: (r, 0)),
            pl.BlockSpec((2, RB), lambda r: (0, r)),
            pl.BlockSpec((1, 128), lambda r: (0, 0)),
        ],
        out_specs=pl.BlockSpec((RB, 128), lambda r: (r, 0)),
        out_shape=jax.ShapeDtypeStruct((NP, 128), jnp.float32),
    )(acc2, g2, degcol, b2r)

    return z[:N]

# --- scband reference (transcript-rebuilt; emitter-appended) ---
"""Pipeline reference for scband-gae-90589450207433 (READ-ONLY COPY).

The authoritative reference and input builder live on the scoring server;
editing this copy changes nothing except your own understanding.
"""

import jax, jax.numpy as jnp
import numpy as np

N_NODES = 10000
N_EDGES = 320000
D_IN = 128
D_OUT = 128
D_HID = 2 * D_OUT


def setup_inputs(seed: int = 0) -> dict:
    key = jax.random.key(seed)
    k1, k2, k3, k4, k5, k6 = jax.random.split(key, 6)
    x = jax.random.normal(k1, (N_NODES, D_IN), dtype=jnp.float32)
    edge_index = jax.random.randint(k2, (2, N_EDGES), 0, N_NODES, dtype=jnp.int32)
    W1 = jax.random.normal(k3, (D_IN, D_HID), dtype=jnp.float32) * (1.0 / np.sqrt(D_IN))
    b1 = jnp.zeros((D_HID,), dtype=jnp.float32)
    W2 = jax.random.normal(k4, (D_HID, D_OUT), dtype=jnp.float32) * (1.0 / np.sqrt(D_HID))
    b2 = jnp.zeros((D_OUT,), dtype=jnp.float32)
    return {"x": x, "edge_index": edge_index, "W1": W1, "b1": b1, "W2": W2, "b2": b2}


def _gcn_layer(x, edge_index, W, b):
    # GCNConv: add self-loops, symmetric degree normalization, linear transform,
    # gather messages at src, scatter-add to dst.
    N = x.shape[0]
    self_loops = jnp.arange(N, dtype=edge_index.dtype)
    src = jnp.concatenate([edge_index[0], self_loops])
    dst = jnp.concatenate([edge_index[1], self_loops])
    ones = jnp.ones(src.shape[0], dtype=x.dtype)
    deg = jax.ops.segment_sum(ones, dst, num_segments=N)
    dinv = jax.lax.rsqrt(jnp.clip(deg, 1.0, None))
    norm = dinv[src] * dinv[dst]
    h = x @ W
    msg = h[src] * norm[:, None]
    out = jax.ops.segment_sum(msg, dst, num_segments=N)
    return out + b


def reference(x, edge_index, W1, b1, W2, b2):
    h = _gcn_layer(x, edge_index, W1, b1)
    h = jax.nn.relu(h)
    z = _gcn_layer(h, edge_index, W2, b2)
    return z

if __name__ == "__main__":
    import jax
    _d = setup_inputs()
    print(jax.jit(kernel)(*tuple(_d.values())))

</pallas_src>

<mosaic_0001>
#map = affine_map<(d0, d1) -> (0, 0)>
#map1 = affine_map<(d0, d1) -> (0, 0, 0)>
module attributes {stable_mosaic.version = 14 : i64} {
  func.func @body(%arg0: i32, %arg1: i32, %arg2: memref<128x16xf32, #tpu.memory_space<hbm>>, %arg3: memref<2560x128xi32, #tpu.memory_space<hbm>>, %arg4: memref<2x10240x16xf32, #tpu.memory_space<hbm>>, %arg5: memref<16x128xi32, #tpu.memory_space<vmem>>, %arg6: memref<128x16xf32, #tpu.memory_space<vmem>>, %arg7: memref<10240x16xf32, #tpu.memory_space<vmem_shared>>) attributes {dimension_semantics = [#tpu.dimension_semantics<core_parallel>, #tpu.dimension_semantics<subcore_parallel>], iteration_bounds = array<i64: 2, 16>, scalar_prefetch = 0 : i64, scratch_operands = 3 : i64, tpu.core_type = #tpu.core_type<sc_vector_subcore>, window_params = [{transform_indices = #map}, {transform_indices = #map}, {transform_indices = #map1}]} {
    %mul3A = arith.constant 1280 : i32
    %mul3A_0 = arith.muli %arg0, %mul3A : i32
    %mul3A_1 = arith.constant 80 : i32
    %mul3A_2 = arith.muli %arg1, %mul3A_1 : i32
    %add3A = arith.addi %mul3A_0, %mul3A_2 : i32
    %broadcast_in_dim3A = arith.constant 0.000000e+00 : f32
    %broadcast_in_dim3A_3 = vector.broadcast %broadcast_in_dim3A : f32 to vector<16xf32>
    %scan3A = arith.constant 0 : i32
    %scan3A_4 = arith.constant 0 : i32
    %scan3A_5 = arith.constant 128 : i32
    %scan3A_6 = arith.addi %scan3A_4, %scan3A_5 : i32
    %scan3A_7 = arith.constant 1 : i32
    %scan3A_8 = scf.for %scan3A_41 = %scan3A_4 to %scan3A_6 step %scan3A_7 iter_args(%scan3A_42 = %scan3A) -> (i32)  : i32 {
      %jit3A = arith.constant 1 : i32
      %div3A = arith.divsi %scan3A_41, %jit3A : i32
      %sign3A = arith.constant 0 : i32
      %sign3A_43 = arith.cmpi sgt, %scan3A_41, %sign3A : i32
      %sign3A_44 = arith.extui %sign3A_43 : i1 to i32
      %sign3A_45 = arith.constant 0 : i32
      %sign3A_46 = arith.cmpi slt, %scan3A_41, %sign3A_45 : i32
      %sign3A_47 = arith.extui %sign3A_46 : i1 to i32
      %sign3A_48 = arith.subi %sign3A_44, %sign3A_47 : i32
      %sign3A_49 = arith.constant 0 : i32
      %sign3A_50 = arith.cmpi sgt, %jit3A, %sign3A_49 : i32
      %sign3A_51 = arith.extui %sign3A_50 : i1 to i32
      %sign3A_52 = arith.constant 0 : i32
      %sign3A_53 = arith.cmpi slt, %jit3A, %sign3A_52 : i32
      %sign3A_54 = arith.extui %sign3A_53 : i1 to i32
      %sign3A_55 = arith.subi %sign3A_51, %sign3A_54 : i32
      %ne3A = arith.cmpi ne, %sign3A_48, %sign3A_55 : i32
      %rem3A = arith.remsi %scan3A_41, %jit3A : i32
      %ne3A_56 = arith.constant 0 : i32
      %ne3A_57 = arith.cmpi ne, %rem3A, %ne3A_56 : i32
      %and3A = arith.andi %ne3A, %ne3A_57 : i1
      %sub3A = arith.constant 1 : i32
      %sub3A_58 = arith.subi %div3A, %sub3A : i32
      %select_n3A = arith.select %and3A, %sub3A_58, %div3A : i32
      %jit3A_59 = arith.constant 1 : i32
      %eq3A = arith.constant 0 : i32
      %eq3A_60 = arith.cmpi eq, %jit3A_59, %eq3A : i32
      %jit3A_61 = arith.constant 1 : i32
      %select_n3A_62 = arith.select %eq3A_60, %jit3A_61, %jit3A_59 : i32
      %rem3A_63 = arith.remsi %scan3A_41, %select_n3A_62 : i32
      %ne3A_64 = arith.constant 0 : i32
      %ne3A_65 = arith.cmpi ne, %rem3A_63, %ne3A_64 : i32
      %lt3A = arith.constant 0 : i32
      %lt3A_66 = arith.cmpi slt, %rem3A_63, %lt3A : i32
      %lt3A_67 = arith.constant 0 : i32
      %lt3A_68 = arith.cmpi slt, %select_n3A_62, %lt3A_67 : i32
      %ne3A_69 = arith.xori %lt3A_66, %lt3A_68 : i1
      %and3A_70 = arith.andi %ne3A_69, %ne3A_65 : i1
      %add3A_71 = arith.addi %rem3A_63, %select_n3A_62 : i32
      %select_n3A_72 = arith.select %and3A_70, %add3A_71, %rem3A_63 : i32
      %mul3A_73 = arith.constant 16 : i32
      %mul3A_74 = arith.muli %select_n3A_72, %mul3A_73 : i32
      %swap3A = arith.index_cast %select_n3A : i32 to index
      %swap3A_75 = arith.index_cast %mul3A_74 : i32 to index
      %swap3A_76 = tpu.vector_load %arg6[%swap3A, %swap3A_75] {strides = array<i32>} : memref<128x16xf32, #tpu.memory_space<vmem>>, vector<1x16xf32>,
      %swap3A_77 = vector.shape_cast %swap3A_76 : vector<1x16xf32> to vector<16xf32>
      %swap3A_78 = vector.shape_cast %broadcast_in_dim3A_3 : vector<16xf32> to vector<1x16xf32>
      tpu.vector_store %arg6[%swap3A, %swap3A_75], %swap3A_78 {strides = array<i32>} : memref<128x16xf32, #tpu.memory_space<vmem>>, vector<1x16xf32>,
      %scan3A_79 = arith.constant 0 : i32
      scf.yield %scan3A_79 : i32
    }
    %scan3A_9 = arith.constant 128 : i32
    %mul3A_10 = arith.constant 640 : i32
    %mul3A_11 = arith.muli %arg1, %mul3A_10 : i32
    %add3A_12 = arith.constant 0 : i32
    %add3A_13 = arith.addi %mul3A_11, %add3A_12 : i32
    "tpu.region"() ({
      %run_scoped3A = tpu.sem_alloc : memref<!tpu.dma_semaphore, #tpu.memory_space<semaphore_mem>>
      %dma_start3A = arith.constant 0 : i32
      %dma_start3A_41 = tpu.memref_slice %arg7[%add3A_13, %dma_start3A] : memref<10240x16xf32, #tpu.memory_space<vmem_shared>> -> memref<128x16xf32, #tpu.memory_space<vmem_shared>>
      %dma_start3A_42 = arith.constant 0 : i32
      %dma_start3A_43 = tpu.memref_slice %arg7[%add3A_13, %dma_start3A_42] : memref<10240x16xf32, #tpu.memory_space<vmem_shared>> -> memref<128x16xf32, #tpu.memory_space<vmem_shared>>
      tpu.enqueue_dma source(%arg6 : memref<128x16xf32, #tpu.memory_space<vmem>>) target(%dma_start3A_43 : memref<128x16xf32, #tpu.memory_space<vmem_shared>>) target_semaphore(%run_scoped3A : memref<!tpu.dma_semaphore, #tpu.memory_space<semaphore_mem>>)
      %dma_wait3A = arith.constant 0 : i32
      %dma_wait3A_44 = tpu.memref_slice %arg7[%add3A_13, %dma_wait3A] : memref<10240x16xf32, #tpu.memory_space<vmem_shared>> -> memref<128x16xf32, #tpu.memory_space<vmem_shared>>
      %dma_wait3A_45 = arith.constant 0 : i32
      %dma_wait3A_46 = tpu.memref_slice %arg7[%add3A_13, %dma_wait3A_45] : memref<10240x16xf32, #tpu.memory_space<vmem_shared>> -> memref<128x16xf32, #tpu.memory_space<vmem_shared>>
      tpu.wait_dma2 semaphore(%run_scoped3A : memref<!tpu.dma_semaphore, #tpu.memory_space<semaphore_mem>>) src(%arg6 : memref<128x16xf32, #tpu.memory_space<vmem>>) dst(%dma_wait3A_46 : memref<128x16xf32, #tpu.memory_space<vmem_shared>>)
      tpu.yield
    }) : () -> ()
    %mul3A_14 = arith.constant 640 : i32
    %mul3A_15 = arith.muli %arg1, %mul3A_14 : i32
    %add3A_16 = arith.constant 128 : i32
    %add3A_17 = arith.addi %mul3A_15, %add3A_16 : i32
    "tpu.region"() ({
      %run_scoped3A = tpu.sem_alloc : memref<!tpu.dma_semaphore, #tpu.memory_space<semaphore_mem>>
      %dma_start3A = arith.constant 0 : i32
      %dma_start3A_41 = tpu.memref_slice %arg7[%add3A_17, %dma_start3A] : memref<10240x16xf32, #tpu.memory_space<vmem_shared>> -> memref<128x16xf32, #tpu.memory_space<vmem_shared>>
      %dma_start3A_42 = arith.constant 0 : i32
      %dma_start3A_43 = tpu.memref_slice %arg7[%add3A_17, %dma_start3A_42] : memref<10240x16xf32, #tpu.memory_space<vmem_shared>> -> memref<128x16xf32, #tpu.memory_space<vmem_shared>>
      tpu.enqueue_dma source(%arg6 : memref<128x16xf32, #tpu.memory_space<vmem>>) target(%dma_start3A_43 : memref<128x16xf32, #tpu.memory_space<vmem_shared>>) target_semaphore(%run_scoped3A : memref<!tpu.dma_semaphore, #tpu.memory_space<semaphore_mem>>)
      %dma_wait3A = arith.constant 0 : i32
      %dma_wait3A_44 = tpu.memref_slice %arg7[%add3A_17, %dma_wait3A] : memref<10240x16xf32, #tpu.memory_space<vmem_shared>> -> memref<128x16xf32, #tpu.memory_space<vmem_shared>>
      %dma_wait3A_45 = arith.constant 0 : i32
      %dma_wait3A_46 = tpu.memref_slice %arg7[%add3A_17, %dma_wait3A_45] : memref<10240x16xf32, #tpu.memory_space<vmem_shared>> -> memref<128x16xf32, #tpu.memory_space<vmem_shared>>
      tpu.wait_dma2 semaphore(%run_scoped3A : memref<!tpu.dma_semaphore, #tpu.memory_space<semaphore_mem>>) src(%arg6 : memref<128x16xf32, #tpu.memory_space<vmem>>) dst(%dma_wait3A_46 : memref<128x16xf32, #tpu.memory_space<vmem_shared>>)
      tpu.yield
    }) : () -> ()
    %mul3A_18 = arith.constant 640 : i32
    %mul3A_19 = arith.muli %arg1, %mul3A_18 : i32
    %add3A_20 = arith.constant 256 : i32
    %add3A_21 = arith.addi %mul3A_19, %add3A_20 : i32
    "tpu.region"() ({
      %run_scoped3A = tpu.sem_alloc : memref<!tpu.dma_semaphore, #tpu.memory_space<semaphore_mem>>
      %dma_start3A = arith.constant 0 : i32
      %dma_start3A_41 = tpu.memref_slice %arg7[%add3A_21, %dma_start3A] : memref<10240x16xf32, #tpu.memory_space<vmem_shared>> -> memref<128x16xf32, #tpu.memory_space<vmem_shared>>
      %dma_start3A_42 = arith.constant 0 : i32
      %dma_start3A_43 = tpu.memref_slice %arg7[%add3A_21, %dma_start3A_42] : memref<10240x16xf32, #tpu.memory_space<vmem_shared>> -> memref<128x16xf32, #tpu.memory_space<vmem_shared>>
      tpu.enqueue_dma source(%arg6 : memref<128x16xf32, #tpu.memory_space<vmem>>) target(%dma_start3A_43 : memref<128x16xf32, #tpu.memory_space<vmem_shared>>) target_semaphore(%run_scoped3A : memref<!tpu.dma_semaphore, #tpu.memory_space<semaphore_mem>>)
      %dma_wait3A = arith.constant 0 : i32
      %dma_wait3A_44 = tpu.memref_slice %arg7[%add3A_21, %dma_wait3A] : memref<10240x16xf32, #tpu.memory_space<vmem_shared>> -> memref<128x16xf32, #tpu.memory_space<vmem_shared>>
      %dma_wait3A_45 = arith.constant 0 : i32
      %dma_wait3A_46 = tpu.memref_slice %arg7[%add3A_21, %dma_wait3A_45] : memref<10240x16xf32, #tpu.memory_space<vmem_shared>> -> memref<128x16xf32, #tpu.memory_space<vmem_shared>>
      tpu.wait_dma2 semaphore(%run_scoped3A : memref<!tpu.dma_semaphore, #tpu.memory_space<semaphore_mem>>) src(%arg6 : memref<128x16xf32, #tpu.memory_space<vmem>>) dst(%dma_wait3A_46 : memref<128x16xf32, #tpu.memory_space<vmem_shared>>)
      tpu.yield
    }) : () -> ()
    %mul3A_22 = arith.constant 640 : i32
    %mul3A_23 = arith.muli %arg1, %mul3A_22 : i32
    %add3A_24 = arith.constant 384 : i32
    %add3A_25 = arith.addi %mul3A_23, %add3A_24 : i32
    "tpu.region"() ({
      %run_scoped3A = tpu.sem_alloc : memref<!tpu.dma_semaphore, #tpu.memory_space<semaphore_mem>>
      %dma_start3A = arith.constant 0 : i32
      %dma_start3A_41 = tpu.memref_slice %arg7[%add3A_25, %dma_start3A] : memref<10240x16xf32, #tpu.memory_space<vmem_shared>> -> memref<128x16xf32, #tpu.memory_space<vmem_shared>>
      %dma_start3A_42 = arith.constant 0 : i32
      %dma_start3A_43 = tpu.memref_slice %arg7[%add3A_25, %dma_start3A_42] : memref<10240x16xf32, #tpu.memory_space<vmem_shared>> -> memref<128x16xf32, #tpu.memory_space<vmem_shared>>
      tpu.enqueue_dma source(%arg6 : memref<128x16xf32, #tpu.memory_space<vmem>>) target(%dma_start3A_43 : memref<128x16xf32, #tpu.memory_space<vmem_shared>>) target_semaphore(%run_scoped3A : memref<!tpu.dma_semaphore, #tpu.memory_space<semaphore_mem>>)
      %dma_wait3A = arith.constant 0 : i32
      %dma_wait3A_44 = tpu.memref_slice %arg7[%add3A_25, %dma_wait3A] : memref<10240x16xf32, #tpu.memory_space<vmem_shared>> -> memref<128x16xf32, #tpu.memory_space<vmem_shared>>
      %dma_wait3A_45 = arith.constant 0 : i32
      %dma_wait3A_46 = tpu.memref_slice %arg7[%add3A_25, %dma_wait3A_45] : memref<10240x16xf32, #tpu.memory_space<vmem_shared>> -> memref<128x16xf32, #tpu.memory_space<vmem_shared>>
      tpu.wait_dma2 semaphore(%run_scoped3A : memref<!tpu.dma_semaphore, #tpu.memory_space<semaphore_mem>>) src(%arg6 : memref<128x16xf32, #tpu.memory_space<vmem>>) dst(%dma_wait3A_46 : memref<128x16xf32, #tpu.memory_space<vmem_shared>>)
      tpu.yield
    }) : () -> ()
    %mul3A_26 = arith.constant 640 : i32
    %mul3A_27 = arith.muli %arg1, %mul3A_26 : i32
    %add3A_28 = arith.constant 512 : i32
    %add3A_29 = arith.addi %mul3A_27, %add3A_28 : i32
    "tpu.region"() ({
      %run_scoped3A = tpu.sem_alloc : memref<!tpu.dma_semaphore, #tpu.memory_space<semaphore_mem>>
      %dma_start3A = arith.constant 0 : i32
      %dma_start3A_41 = tpu.memref_slice %arg7[%add3A_29, %dma_start3A] : memref<10240x16xf32, #tpu.memory_space<vmem_shared>> -> memref<128x16xf32, #tpu.memory_space<vmem_shared>>
      %dma_start3A_42 = arith.constant 0 : i32
      %dma_start3A_43 = tpu.memref_slice %arg7[%add3A_29, %dma_start3A_42] : memref<10240x16xf32, #tpu.memory_space<vmem_shared>> -> memref<128x16xf32, #tpu.memory_space<vmem_shared>>
      tpu.enqueue_dma source(%arg6 : memref<128x16xf32, #tpu.memory_space<vmem>>) target(%dma_start3A_43 : memref<128x16xf32, #tpu.memory_space<vmem_shared>>) target_semaphore(%run_scoped3A : memref<!tpu.dma_semaphore, #tpu.memory_space<semaphore_mem>>)
      %dma_wait3A = arith.constant 0 : i32
      %dma_wait3A_44 = tpu.memref_slice %arg7[%add3A_29, %dma_wait3A] : memref<10240x16xf32, #tpu.memory_space<vmem_shared>> -> memref<128x16xf32, #tpu.memory_space<vmem_shared>>
      %dma_wait3A_45 = arith.constant 0 : i32
      %dma_wait3A_46 = tpu.memref_slice %arg7[%add3A_29, %dma_wait3A_45] : memref<10240x16xf32, #tpu.memory_space<vmem_shared>> -> memref<128x16xf32, #tpu.memory_space<vmem_shared>>
      tpu.wait_dma2 semaphore(%run_scoped3A : memref<!tpu.dma_semaphore, #tpu.memory_space<semaphore_mem>>) src(%arg6 : memref<128x16xf32, #tpu.memory_space<vmem>>) dst(%dma_wait3A_46 : memref<128x16xf32, #tpu.memory_space<vmem_shared>>)
      tpu.yield
    }) : () -> ()
    "tpu.region"() ({
      %run_scoped3A = tpu.sem_alloc : memref<!tpu.dma_semaphore, #tpu.memory_space<semaphore_mem>>
      tpu.enqueue_dma source(%arg2 : memref<128x16xf32, #tpu.memory_space<hbm>>) target(%arg6 : memref<128x16xf32, #tpu.memory_space<vmem>>) target_semaphore(%run_scoped3A : memref<!tpu.dma_semaphore, #tpu.memory_space<semaphore_mem>>)
      tpu.wait_dma2 semaphore(%run_scoped3A : memref<!tpu.dma_semaphore, #tpu.memory_space<semaphore_mem>>) src(%arg2 : memref<128x16xf32, #tpu.memory_space<hbm>>) dst(%arg6 : memref<128x16xf32, #tpu.memory_space<vmem>>)
      tpu.yield
    }) : () -> ()
    %barrier3A = arith.constant 0 : index
    tpu.barrier barrier_id(%barrier3A)
    %scan3A_30 = arith.constant 0 : i32
    %scan3A_31 = arith.constant 0 : i32
    %scan3A_32 = arith.constant 5 : i32
    %scan3A_33 = arith.addi %scan3A_31, %scan3A_32 : i32
    %scan3A_34 = arith.constant 1 : i32
    scf.for %scan3A_41 = %scan3A_31 to %scan3A_33 step %scan3A_34  : i32 {
      %mul3A_42 = arith.constant 16 : i32
      %mul3A_43 = arith.muli %scan3A_41, %mul3A_42 : i32
      %add3A_44 = arith.addi %add3A, %mul3A_43 : i32
      "tpu.region"() ({
        %run_scoped3A = tpu.sem_alloc : memref<!tpu.dma_semaphore, #tpu.memory_space<semaphore_mem>>
        %dma_start3A = arith.constant 0 : i32
        %dma_start3A_51 = tpu.memref_slice %arg3[%add3A_44, %dma_start3A] : memref<2560x128xi32, #tpu.memory_space<hbm>> -> memref<16x128xi32, #tpu.memory_space<hbm>>
        %dma_start3A_52 = arith.constant 0 : i32
        %dma_start3A_53 = tpu.memref_slice %arg3[%add3A_44, %dma_start3A_52] : memref<2560x128xi32, #tpu.memory_space<hbm>> -> memref<16x128xi32, #tpu.memory_space<hbm>>
        tpu.enqueue_dma source(%dma_start3A_53 : memref<16x128xi32, #tpu.memory_space<hbm>>) target(%arg5 : memref<16x128xi32, #tpu.memory_space<vmem>>) target_semaphore(%run_scoped3A : memref<!tpu.dma_semaphore, #tpu.memory_space<semaphore_mem>>)
        %dma_wait3A = arith.constant 0 : i32
        %dma_wait3A_54 = tpu.memref_slice %arg3[%add3A_44, %dma_wait3A] : memref<2560x128xi32, #tpu.memory_space<hbm>> -> memref<16x128xi32, #tpu.memory_space<hbm>>
        %dma_wait3A_55 = arith.constant 0 : i32
        %dma_wait3A_56 = tpu.memref_slice %arg3[%add3A_44, %dma_wait3A_55] : memref<2560x128xi32, #tpu.memory_space<hbm>> -> memref<16x128xi32, #tpu.memory_space<hbm>>
        tpu.wait_dma2 semaphore(%run_scoped3A : memref<!tpu.dma_semaphore, #tpu.memory_space<semaphore_mem>>) src(%dma_wait3A_56 : memref<16x128xi32, #tpu.memory_space<hbm>>) dst(%arg5 : memref<16x128xi32, #tpu.memory_space<vmem>>)
        tpu.yield
      }) : () -> ()
      %scan3A_45 = arith.constant 0 : i32
      %scan3A_46 = arith.constant 0 : i32
      %scan3A_47 = arith.constant 16 : i32
      %scan3A_48 = arith.addi %scan3A_46, %scan3A_47 : i32
      %scan3A_49 = arith.constant 1 : i32
      scf.for %scan3A_51 = %scan3A_46 to %scan3A_48 step %scan3A_49  : i32 {
        "tpu.region"() ({
          %run_scoped3A = tpu.sem_alloc : memref<!tpu.dma_semaphore, #tpu.memory_space<semaphore_mem>>
          %dma_start3A = arith.constant 0 : i32
          %dma_start3A_52 = tpu.memref_slice %arg5[%scan3A_51, %dma_start3A] : memref<16x128xi32, #tpu.memory_space<vmem>> -> memref<1x128xi32, #tpu.memory_space<vmem>>
          %dma_start3A_53 = tpu.memref_squeeze %dma_start3A_52 : memref<1x128xi32, #tpu.memory_space<vmem>> -> memref<128xi32, #tpu.memory_space<vmem>>
          %dma_start3A_54 = arith.constant 0 : i32
          %dma_start3A_55 = arith.constant 0 : i32
          %dma_start3A_56 = tpu.memref_slice %arg7[%dma_start3A_54, %dma_start3A_55] : memref<10240x16xf32, #tpu.memory_space<vmem_shared>> -> memref<10240x16xf32, #tpu.memory_space<vmem_shared>>
          tpu.enqueue_indirect_dma source(%arg6 : memref<128x16xf32, #tpu.memory_space<vmem>>) target(%dma_start3A_56 : memref<10240x16xf32, #tpu.memory_space<vmem_shared>>) offsets(%dma_start3A_53 : memref<128xi32, #tpu.memory_space<vmem>>) semaphore(%run_scoped3A : memref<!tpu.dma_semaphore, #tpu.memory_space<semaphore_mem>>) {add = true}
          %dma_wait3A = arith.constant 0 : i32
          %dma_wait3A_57 = tpu.memref_slice %arg5[%scan3A_51, %dma_wait3A] : memref<16x128xi32, #tpu.memory_space<vmem>> -> memref<1x128xi32, #tpu.memory_space<vmem>>
          %dma_wait3A_58 = tpu.memref_squeeze %dma_wait3A_57 : memref<1x128xi32, #tpu.memory_space<vmem>> -> memref<128xi32, #tpu.memory_space<vmem>>
          %dma_wait3A_59 = arith.constant 0 : i32
          %dma_wait3A_60 = arith.constant 0 : i32
          %dma_wait3A_61 = tpu.memref_slice %arg7[%dma_wait3A_59, %dma_wait3A_60] : memref<10240x16xf32, #tpu.memory_space<vmem_shared>> -> memref<10240x16xf32, #tpu.memory_space<vmem_shared>>
          tpu.wait_indirect_dma semaphore(%run_scoped3A : memref<!tpu.dma_semaphore, #tpu.memory_space<semaphore_mem>>) src(%arg6 : memref<128x16xf32, #tpu.memory_space<vmem>>) dst(%dma_wait3A_61 : memref<10240x16xf32, #tpu.memory_space<vmem_shared>>)
          tpu.yield
        }) : () -> ()
      }
      %scan3A_50 = arith.constant 16 : i32
    }
    %scan3A_35 = arith.constant 5 : i32
    %barrier3A_36 = arith.constant 0 : index
    tpu.barrier barrier_id(%barrier3A_36)
    %mul3A_37 = arith.constant 640 : i32
    %mul3A_38 = arith.muli %arg1, %mul3A_37 : i32
    %mul3A_39 = arith.constant 640 : i32
    %mul3A_40 = arith.muli %arg1, %mul3A_39 : i32
    "tpu.region"() ({
      %run_scoped3A = tpu.sem_alloc : memref<!tpu.dma_semaphore, #tpu.memory_space<semaphore_mem>>
      %dma_start3A = arith.constant 0 : i32
      %dma_start3A_41 = tpu.memref_slice %arg4[%arg0, %mul3A_40, %dma_start3A] : memref<2x10240x16xf32, #tpu.memory_space<hbm>> -> memref<1x640x16xf32, #tpu.memory_space<hbm>>
      %dma_start3A_42 = tpu.memref_squeeze %dma_start3A_41 : memref<1x640x16xf32, #tpu.memory_space<hbm>> -> memref<640x16xf32, #tpu.memory_space<hbm>>
      %dma_start3A_43 = arith.constant 0 : i32
      %dma_start3A_44 = tpu.memref_slice %arg7[%mul3A_38, %dma_start3A_43] : memref<10240x16xf32, #tpu.memory_space<vmem_shared>> -> memref<640x16xf32, #tpu.memory_space<vmem_shared>>
      tpu.enqueue_dma source(%dma_start3A_44 : memref<640x16xf32, #tpu.memory_space<vmem_shared>>) target(%dma_start3A_42 : memref<640x16xf32, #tpu.memory_space<hbm>>) target_semaphore(%run_scoped3A : memref<!tpu.dma_semaphore, #tpu.memory_space<semaphore_mem>>)
      %dma_wait3A = arith.constant 0 : i32
      %dma_wait3A_45 = tpu.memref_slice %arg4[%arg0, %mul3A_40, %dma_wait3A] : memref<2x10240x16xf32, #tpu.memory_space<hbm>> -> memref<1x640x16xf32, #tpu.memory_space<hbm>>
      %dma_wait3A_46 = tpu.memref_squeeze %dma_wait3A_45 : memref<1x640x16xf32, #tpu.memory_space<hbm>> -> memref<640x16xf32, #tpu.memory_space<hbm>>
      %dma_wait3A_47 = arith.constant 0 : i32
      %dma_wait3A_48 = tpu.memref_slice %arg7[%mul3A_38, %dma_wait3A_47] : memref<10240x16xf32, #tpu.memory_space<vmem_shared>> -> memref<640x16xf32, #tpu.memory_space<vmem_shared>>
      tpu.wait_dma2 semaphore(%run_scoped3A : memref<!tpu.dma_semaphore, #tpu.memory_space<semaphore_mem>>) src(%dma_wait3A_48 : memref<640x16xf32, #tpu.memory_space<vmem_shared>>) dst(%dma_wait3A_46 : memref<640x16xf32, #tpu.memory_space<hbm>>)
      tpu.yield
    }) : () -> ()
    return
  }
}

#map = affine_map<(d0, d1) -> (0, 0, 0)>
#map1 = affine_map<(d0, d1) -> (0, 0)>
#map2 = affine_map<(d0, d1) -> (0, 0, 0, 0)>
module attributes {stable_mosaic.version = 14 : i64} {
  func.func @body(%arg0: i32, %arg1: i32, %arg2: memref<10240x2x128xbf16, #tpu.memory_space<hbm>>, %arg3: memref<128x2x128xbf16, #tpu.memory_space<hbm>>, %arg4: memref<2560x128xi32, #tpu.memory_space<hbm>>, %arg5: memref<2560x128xi32, #tpu.memory_space<hbm>>, %arg6: memref<2x10240x2x128xbf16, #tpu.memory_space<hbm>>, %arg7: memref<16x128xi32, #tpu.memory_space<vmem>>, %arg8: memref<16x128xi32, #tpu.memory_space<vmem>>, %arg9: memref<128x2x128xbf16, #tpu.memory_space<vmem>>, %arg10: memref<128x2x128xbf16, #tpu.memory_space<vmem>>, %arg11: memref<10240x2x128xbf16, #tpu.memory_space<vmem_shared>>, %arg12: memref<!tpu.dma_semaphore, #tpu.memory_space<semaphore_mem>>, %arg13: memref<!tpu.dma_semaphore, #tpu.memory_space<semaphore_mem>>, %arg14: memref<!tpu.dma_semaphore, #tpu.memory_space<semaphore_mem>>, %arg15: memref<!tpu.dma_semaphore, #tpu.memory_space<semaphore_mem>>) attributes {dimension_semantics = [#tpu.dimension_semantics<core_parallel>, #tpu.dimension_semantics<subcore_parallel>], iteration_bounds = array<i64: 2, 16>, scalar_prefetch = 0 : i64, scratch_operands = 9 : i64, tpu.core_type = #tpu.core_type<sc_vector_subcore>, window_params = [{transform_indices = #map}, {transform_indices = #map}, {transform_indices = #map1}, {transform_indices = #map1}, {transform_indices = #map2}]} {
    %mul3A = arith.constant 640 : i32
    %mul3A_0 = arith.muli %arg1, %mul3A : i32
    %add3A = arith.constant 0 : i32
    %add3A_1 = arith.addi %mul3A_0, %add3A : i32
    "tpu.region"() ({
      %run_scoped3A = tpu.sem_alloc : memref<!tpu.dma_semaphore, #tpu.memory_space<semaphore_mem>>
      %dma_start3A = arith.constant 0 : i32
      %dma_start3A_30 = arith.constant 0 : i32
      %dma_start3A_31 = tpu.memref_slice %arg11[%add3A_1, %dma_start3A, %dma_start3A_30] : memref<10240x2x128xbf16, #tpu.memory_space<vmem_shared>> -> memref<128x2x128xbf16, #tpu.memory_space<vmem_shared>>
      tpu.enqueue_dma source(%arg3 : memref<128x2x128xbf16, #tpu.memory_space<hbm>>) target(%dma_start3A_31 : memref<128x2x128xbf16, #tpu.memory_space<vmem_shared>>) target_semaphore(%run_scoped3A : memref<!tpu.dma_semaphore, #tpu.memory_space<semaphore_mem>>)
      %dma_wait3A = arith.constant 0 : i32
      %dma_wait3A_32 = arith.constant 0 : i32
      %dma_wait3A_33 = tpu.memref_slice %arg11[%add3A_1, %dma_wait3A, %dma_wait3A_32] : memref<10240x2x128xbf16, #tpu.memory_space<vmem_shared>> -> memref<128x2x128xbf16, #tpu.memory_space<vmem_shared>>
      tpu.wait_dma2 semaphore(%run_scoped3A : memref<!tpu.dma_semaphore, #tpu.memory_space<semaphore_mem>>) src(%arg3 : memref<128x2x128xbf16, #tpu.memory_space<hbm>>) dst(%dma_wait3A_33 : memref<128x2x128xbf16, #tpu.memory_space<vmem_shared>>)
      tpu.yield
    }) : () -> ()
    %mul3A_2 = arith.constant 640 : i32
    %mul3A_3 = arith.muli %arg1, %mul3A_2 : i32
    %add3A_4 = arith.constant 128 : i32
    %add3A_5 = arith.addi %mul3A_3, %add3A_4 : i32
    "tpu.region"() ({
      %run_scoped3A = tpu.sem_alloc : memref<!tpu.dma_semaphore, #tpu.memory_space<semaphore_mem>>
      %dma_start3A = arith.constant 0 : i32
      %dma_start3A_30 = arith.constant 0 : i32
      %dma_start3A_31 = tpu.memref_slice %arg11[%add3A_5, %dma_start3A, %dma_start3A_30] : memref<10240x2x128xbf16, #tpu.memory_space<vmem_shared>> -> memref<128x2x128xbf16, #tpu.memory_space<vmem_shared>>
      tpu.enqueue_dma source(%arg3 : memref<128x2x128xbf16, #tpu.memory_space<hbm>>) target(%dma_start3A_31 : memref<128x2x128xbf16, #tpu.memory_space<vmem_shared>>) target_semaphore(%run_scoped3A : memref<!tpu.dma_semaphore, #tpu.memory_space<semaphore_mem>>)
      %dma_wait3A = arith.constant 0 : i32
      %dma_wait3A_32 = arith.constant 0 : i32
      %dma_wait3A_33 = tpu.memref_slice %arg11[%add3A_5, %dma_wait3A, %dma_wait3A_32] : memref<10240x2x128xbf16, #tpu.memory_space<vmem_shared>> -> memref<128x2x128xbf16, #tpu.memory_space<vmem_shared>>
      tpu.wait_dma2 semaphore(%run_scoped3A : memref<!tpu.dma_semaphore, #tpu.memory_space<semaphore_mem>>) src(%arg3 : memref<128x2x128xbf16, #tpu.memory_space<hbm>>) dst(%dma_wait3A_33 : memref<128x2x128xbf16, #tpu.memory_space<vmem_shared>>)
      tpu.yield
    }) : () -> ()
    %mul3A_6 = arith.constant 640 : i32
    %mul3A_7 = arith.muli %arg1, %mul3A_6 : i32
    %add3A_8 = arith.constant 256 : i32
    %add3A_9 = arith.addi %mul3A_7, %add3A_8 : i32
    "tpu.region"() ({
      %run_scoped3A = tpu.sem_alloc : memref<!tpu.dma_semaphore, #tpu.memory_space<semaphore_mem>>
      %dma_start3A = arith.constant 0 : i32
      %dma_start3A_30 = arith.constant 0 : i32
      %dma_start3A_31 = tpu.memref_slice %arg11[%add3A_9, %dma_start3A, %dma_start3A_30] : memref<10240x2x128xbf16, #tpu.memory_space<vmem_shared>> -> memref<128x2x128xbf16, #tpu.memory_space<vmem_shared>>
      tpu.enqueue_dma source(%arg3 : memref<128x2x128xbf16, #tpu.memory_space<hbm>>) target(%dma_start3A_31 : memref<128x2x128xbf16, #tpu.memory_space<vmem_shared>>) target_semaphore(%run_scoped3A : memref<!tpu.dma_semaphore, #tpu.memory_space<semaphore_mem>>)
      %dma_wait3A = arith.constant 0 : i32
      %dma_wait3A_32 = arith.constant 0 : i32
      %dma_wait3A_33 = tpu.memref_slice %arg11[%add3A_9, %dma_wait3A, %dma_wait3A_32] : memref<10240x2x128xbf16, #tpu.memory_space<vmem_shared>> -> memref<128x2x128xbf16, #tpu.memory_space<vmem_shared>>
      tpu.wait_dma2 semaphore(%run_scoped3A : memref<!tpu.dma_semaphore, #tpu.memory_space<semaphore_mem>>) src(%arg3 : memref<128x2x128xbf16, #tpu.memory_space<hbm>>) dst(%dma_wait3A_33 : memref<128x2x128xbf16, #tpu.memory_space<vmem_shared>>)
      tpu.yield
    }) : () -> ()
    %mul3A_10 = arith.constant 640 : i32
    %mul3A_11 = arith.muli %arg1, %mul3A_10 : i32
    %add3A_12 = arith.constant 384 : i32
    %add3A_13 = arith.addi %mul3A_11, %add3A_12 : i32
    "tpu.region"() ({
      %run_scoped3A = tpu.sem_alloc : memref<!tpu.dma_semaphore, #tpu.memory_space<semaphore_mem>>
      %dma_start3A = arith.constant 0 : i32
      %dma_start3A_30 = arith.constant 0 : i32
      %dma_start3A_31 = tpu.memref_slice %arg11[%add3A_13, %dma_start3A, %dma_start3A_30] : memref<10240x2x128xbf16, #tpu.memory_space<vmem_shared>> -> memref<128x2x128xbf16, #tpu.memory_space<vmem_shared>>
      tpu.enqueue_dma source(%arg3 : memref<128x2x128xbf16, #tpu.memory_space<hbm>>) target(%dma_start3A_31 : memref<128x2x128xbf16, #tpu.memory_space<vmem_shared>>) target_semaphore(%run_scoped3A : memref<!tpu.dma_semaphore, #tpu.memory_space<semaphore_mem>>)
      %dma_wait3A = arith.constant 0 : i32
      %dma_wait3A_32 = arith.constant 0 : i32
      %dma_wait3A_33 = tpu.memref_slice %arg11[%add3A_13, %dma_wait3A, %dma_wait3A_32] : memref<10240x2x128xbf16, #tpu.memory_space<vmem_shared>> -> memref<128x2x128xbf16, #tpu.memory_space<vmem_shared>>
      tpu.wait_dma2 semaphore(%run_scoped3A : memref<!tpu.dma_semaphore, #tpu.memory_space<semaphore_mem>>) src(%arg3 : memref<128x2x128xbf16, #tpu.memory_space<hbm>>) dst(%dma_wait3A_33 : memref<128x2x128xbf16, #tpu.memory_space<vmem_shared>>)
      tpu.yield
    }) : () -> ()
    %mul3A_14 = arith.constant 640 : i32
    %mul3A_15 = arith.muli %arg1, %mul3A_14 : i32
    %add3A_16 = arith.constant 512 : i32
    %add3A_17 = arith.addi %mul3A_15, %add3A_16 : i32
    "tpu.region"() ({
      %run_scoped3A = tpu.sem_alloc : memref<!tpu.dma_semaphore, #tpu.memory_space<semaphore_mem>>
      %dma_start3A = arith.constant 0 : i32
      %dma_start3A_30 = arith.constant 0 : i32
      %dma_start3A_31 = tpu.memref_slice %arg11[%add3A_17, %dma_start3A, %dma_start3A_30] : memref<10240x2x128xbf16, #tpu.memory_space<vmem_shared>> -> memref<128x2x128xbf16, #tpu.memory_space<vmem_shared>>
      tpu.enqueue_dma source(%arg3 : memref<128x2x128xbf16, #tpu.memory_space<hbm>>) target(%dma_start3A_31 : memref<128x2x128xbf16, #tpu.memory_space<vmem_shared>>) target_semaphore(%run_scoped3A : memref<!tpu.dma_semaphore, #tpu.memory_space<semaphore_mem>>)
      %dma_wait3A = arith.constant 0 : i32
      %dma_wait3A_32 = arith.constant 0 : i32
      %dma_wait3A_33 = tpu.memref_slice %arg11[%add3A_17, %dma_wait3A, %dma_wait3A_32] : memref<10240x2x128xbf16, #tpu.memory_space<vmem_shared>> -> memref<128x2x128xbf16, #tpu.memory_space<vmem_shared>>
      tpu.wait_dma2 semaphore(%run_scoped3A : memref<!tpu.dma_semaphore, #tpu.memory_space<semaphore_mem>>) src(%arg3 : memref<128x2x128xbf16, #tpu.memory_space<hbm>>) dst(%dma_wait3A_33 : memref<128x2x128xbf16, #tpu.memory_space<vmem_shared>>)
      tpu.yield
    }) : () -> ()
    %barrier3A = arith.constant 0 : index
    tpu.barrier barrier_id(%barrier3A)
    %eq3A = arith.constant 0 : i32
    %eq3A_18 = arith.cmpi eq, %arg0, %eq3A : i32
    %convert_element_type3A = arith.extui %eq3A_18 : i1 to i32
    %cond3A = arith.constant 0 : i32
    %cond3A_19 = arith.cmpi ne, %convert_element_type3A, %cond3A : i32
    scf.if %cond3A_19 {
      %mul3A_30 = arith.constant 144 : i32
      %mul3A_31 = arith.muli %arg1, %mul3A_30 : i32
      %add3A_32 = arith.constant 0 : i32
      %add3A_33 = arith.addi %add3A_32, %mul3A_31 : i32
      %scan3A = arith.constant 0 : i32
      %scan3A_34 = arith.constant 0 : i32
      %scan3A_35 = arith.constant 9 : i32
      %scan3A_36 = arith.addi %scan3A_34, %scan3A_35 : i32
      %scan3A_37 = arith.constant 1 : i32
      scf.for %scan3A_39 = %scan3A_34 to %scan3A_36 step %scan3A_37  : i32 {
        %mul3A_40 = arith.constant 16 : i32
        %mul3A_41 = arith.muli %scan3A_39, %mul3A_40 : i32
        %add3A_42 = arith.addi %add3A_33, %mul3A_41 : i32
        "tpu.region"() ({
          %run_scoped3A = tpu.sem_alloc : memref<!tpu.dma_semaphore, #tpu.memory_space<semaphore_mem>>
          %dma_start3A_553 = arith.constant 0 : i32
          %dma_start3A_554 = tpu.memref_slice %arg5[%add3A_42, %dma_start3A_553] : memref<2560x128xi32, #tpu.memory_space<hbm>> -> memref<16x128xi32, #tpu.memory_space<hbm>>
          %dma_start3A_555 = arith.constant 0 : i32
          %dma_start3A_556 = tpu.memref_slice %arg5[%add3A_42, %dma_start3A_555] : memref<2560x128xi32, #tpu.memory_space<hbm>> -> memref<16x128xi32, #tpu.memory_space<hbm>>
          tpu.enqueue_dma source(%dma_start3A_556 : memref<16x128xi32, #tpu.memory_space<hbm>>) target(%arg8 : memref<16x128xi32, #tpu.memory_space<vmem>>) target_semaphore(%run_scoped3A : memref<!tpu.dma_semaphore, #tpu.memory_space<semaphore_mem>>)
          %dma_wait3A_557 = arith.constant 0 : i32
          %dma_wait3A_558 = tpu.memref_slice %arg5[%add3A_42, %dma_wait3A_557] : memref<2560x128xi32, #tpu.memory_space<hbm>> -> memref<16x128xi32, #tpu.memory_space<hbm>>
          %dma_wait3A_559 = arith.constant 0 : i32
          %dma_wait3A_560 = tpu.memref_slice %arg5[%add3A_42, %dma_wait3A_559] : memref<2560x128xi32, #tpu.memory_space<hbm>> -> memref<16x128xi32, #tpu.memory_space<hbm>>
          tpu.wait_dma2 semaphore(%run_scoped3A : memref<!tpu.dma_semaphore, #tpu.memory_space<semaphore_mem>>) src(%dma_wait3A_560 : memref<16x128xi32, #tpu.memory_space<hbm>>) dst(%arg8 : memref<16x128xi32, #tpu.memory_space<vmem>>)
          tpu.yield
        }) : () -> ()
        "tpu.region"() ({
          %run_scoped3A = tpu.sem_alloc : memref<!tpu.dma_semaphore, #tpu.memory_space<semaphore_mem>>
          %dma_start3A_553 = arith.constant 0 : i32
          %dma_start3A_554 = tpu.memref_slice %arg4[%add3A_42, %dma_start3A_553] : memref<2560x128xi32, #tpu.memory_space<hbm>> -> memref<16x128xi32, #tpu.memory_space<hbm>>
          %dma_start3A_555 = arith.constant 0 : i32
          %dma_start3A_556 = tpu.memref_slice %arg4[%add3A_42, %dma_start3A_555] : memref<2560x128xi32, #tpu.memory_space<hbm>> -> memref<16x128xi32, #tpu.memory_space<hbm>>
          tpu.enqueue_dma source(%dma_start3A_556 : memref<16x128xi32, #tpu.memory_space<hbm>>) target(%arg7 : memref<16x128xi32, #tpu.memory_space<vmem>>) target_semaphore(%run_scoped3A : memref<!tpu.dma_semaphore, #tpu.memory_space<semaphore_mem>>)
          %dma_wait3A_557 = arith.constant 0 : i32
          %dma_wait3A_558 = tpu.memref_slice %arg4[%add3A_42, %dma_wait3A_557] : memref<2560x128xi32, #tpu.memory_space<hbm>> -> memref<16x128xi32, #tpu.memory_space<hbm>>
          %dma_wait3A_559 = arith.constant 0 : i32
          %dma_wait3A_560 = tpu.memref_slice %arg4[%add3A_42, %dma_wait3A_559] : memref<2560x128xi32, #tpu.memory_space<hbm>> -> memref<16x128xi32, #tpu.memory_space<hbm>>
          tpu.wait_dma2 semaphore(%run_scoped3A : memref<!tpu.dma_semaphore, #tpu.memory_space<semaphore_mem>>) src(%dma_wait3A_560 : memref<16x128xi32, #tpu.memory_space<hbm>>) dst(%arg7 : memref<16x128xi32, #tpu.memory_space<vmem>>)
          tpu.yield
        }) : () -> ()
        %dma_start3A = arith.constant 0 : i32
        %dma_start3A_43 = arith.constant 0 : i32
        %dma_start3A_44 = tpu.memref_slice %arg7[%dma_start3A, %dma_start3A_43] : memref<16x128xi32, #tpu.memory_space<vmem>> -> memref<1x128xi32, #tpu.memory_space<vmem>>
        %dma_start3A_45 = tpu.memref_squeeze %dma_start3A_44 : memref<1x128xi32, #tpu.memory_space<vmem>> -> memref<128xi32, #tpu.memory_space<vmem>>
        %dma_start3A_46 = arith.constant 0 : i32
        %dma_start3A_47 = arith.constant 0 : i32
        %dma_start3A_48 = arith.constant 0 : i32
        %dma_start3A_49 = tpu.memref_slice %arg2[%dma_start3A_46, %dma_start3A_47, %dma_start3A_48] : memref<10240x2x128xbf16, #tpu.memory_space<hbm>> -> memref<10240x2x128xbf16, #tpu.memory_space<hbm>>
        tpu.enqueue_indirect_dma source(%dma_start3A_49 : memref<10240x2x128xbf16, #tpu.memory_space<hbm>>) target(%arg9 : memref<128x2x128xbf16, #tpu.memory_space<vmem>>) offsets(%dma_start3A_45 : memref<128xi32, #tpu.memory_space<vmem>>) semaphore(%arg12 : memref<!tpu.dma_semaphore, #tpu.memory_space<semaphore_mem>>)
        %dma_wait3A = arith.constant 0 : i32
        %dma_wait3A_50 = arith.constant 0 : i32
        %dma_wait3A_51 = tpu.memref_slice %arg7[%dma_wait3A, %dma_wait3A_50] : memref<16x128xi32, #tpu.memory_space<vmem>> -> memref<1x128xi32, #tpu.memory_space<vmem>>
        %dma_wait3A_52 = tpu.memref_squeeze %dma_wait3A_51 : memref<1x128xi32, #tpu.memory_space<vmem>> -> memref<128xi32, #tpu.memory_space<vmem>>
        %dma_wait3A_53 = arith.constant 0 : i32
        %dma_wait3A_54 = arith.constant 0 : i32
        %dma_wait3A_55 = arith.constant 0 : i32
        %dma_wait3A_56 = tpu.memref_slice %arg2[%dma_wait3A_53, %dma_wait3A_54, %dma_wait3A_55] : memref<10240x2x128xbf16, #tpu.memory_space<hbm>> -> memref<10240x2x128xbf16, #tpu.memory_space<hbm>>
        tpu.wait_indirect_dma semaphore(%arg12 : memref<!tpu.dma_semaphore, #tpu.memory_space<semaphore_mem>>) src(%dma_wait3A_56 : memref<10240x2x128xbf16, #tpu.memory_space<hbm>>) dst(%arg9 : memref<128x2x128xbf16, #tpu.memory_space<vmem>>)
        %dma_start3A_57 = arith.constant 1 : i32
        %dma_start3A_58 = arith.constant 0 : i32
        %dma_start3A_59 = tpu.memref_slice %arg7[%dma_start3A_57, %dma_start3A_58] : memref<16x128xi32, #tpu.memory_space<vmem>> -> memref<1x128xi32, #tpu.memory_space<vmem>>
        %dma_start3A_60 = tpu.memref_squeeze %dma_start3A_59 : memref<1x128xi32, #tpu.memory_space<vmem>> -> memref<128xi32, #tpu.memory_space<vmem>>
        %dma_start3A_61 = arith.constant 0 : i32
        %dma_start3A_62 = arith.constant 0 : i32
        %dma_start3A_63 = arith.constant 0 : i32
        %dma_start3A_64 = tpu.memref_slice %arg2[%dma_start3A_61, %dma_start3A_62, %dma_start3A_63] : memref<10240x2x128xbf16, #tpu.memory_space<hbm>> -> memref<10240x2x128xbf16, #tpu.memory_space<hbm>>
        tpu.enqueue_indirect_dma source(%dma_start3A_64 : memref<10240x2x128xbf16, #tpu.memory_space<hbm>>) target(%arg10 : memref<128x2x128xbf16, #tpu.memory_space<vmem>>) offsets(%dma_start3A_60 : memref<128xi32, #tpu.memory_space<vmem>>) semaphore(%arg13 : memref<!tpu.dma_semaphore, #tpu.memory_space<semaphore_mem>>)
        %dma_start3A_65 = arith.constant 0 : i32
        %dma_start3A_66 = arith.constant 0 : i32
        %dma_start3A_67 = tpu.memref_slice %arg8[%dma_start3A_65, %dma_start3A_66] : memref<16x128xi32, #tpu.memory_space<vmem>> -> memref<1x128xi32, #tpu.memory_space<vmem>>
        %dma_start3A_68 = tpu.memref_squeeze %dma_start3A_67 : memref<1x128xi32, #tpu.memory_space<vmem>> -> memref<128xi32, #tpu.memory_space<vmem>>
        %dma_start3A_69 = arith.constant 0 : i32
        %dma_start3A_70 = arith.constant 0 : i32
        %dma_start3A_71 = arith.constant 0 : i32
        %dma_start3A_72 = tpu.memref_slice %arg11[%dma_start3A_69, %dma_start3A_70, %dma_start3A_71] : memref<10240x2x128xbf16, #tpu.memory_space<vmem_shared>> -> memref<10240x2x128xbf16, #tpu.memory_space<vmem_shared>>
        tpu.enqueue_indirect_dma source(%arg9 : memref<128x2x128xbf16, #tpu.memory_space<vmem>>) target(%dma_start3A_72 : memref<10240x2x128xbf16, #tpu.memory_space<vmem_shared>>) offsets(%dma_start3A_68 : memref<128xi32, #tpu.memory_space<vmem>>) semaphore(%arg14 : memref<!tpu.dma_semaphore, #tpu.memory_space<semaphore_mem>>) {add = true}
        %dma_wait3A_73 = arith.constant 1 : i32
        %dma_wait3A_74 = arith.constant 0 : i32
        %dma_wait3A_75 = tpu.memref_slice %arg7[%dma_wait3A_73, %dma_wait3A_74] : memref<16x128xi32, #tpu.memory_space<vmem>> -> memref<1x128xi32, #tpu.memory_space<vmem>>
        %dma_wait3A_76 = tpu.memref_squeeze %dma_wait3A_75 : memref<1x128xi32, #tpu.memory_space<vmem>> -> memref<128xi32, #tpu.memory_space<vmem>>
        %dma_wait3A_77 = arith.constant 0 : i32
        %dma_wait3A_78 = arith.constant 0 : i32
        %dma_wait3A_79 = arith.constant 0 : i32
        %dma_wait3A_80 = tpu.memref_slice %arg2[%dma_wait3A_77, %dma_wait3A_78, %dma_wait3A_79] : memref<10240x2x128xbf16, #tpu.memory_space<hbm>> -> memref<10240x2x128xbf16, #tpu.memory_space<hbm>>
        tpu.wait_indirect_dma semaphore(%arg13 : memref<!tpu.dma_semaphore, #tpu.memory_space<semaphore_mem>>) src(%dma_wait3A_80 : memref<10240x2x128xbf16, #tpu.memory_space<hbm>>) dst(%arg10 : memref<128x2x128xbf16, #tpu.memory_space<vmem>>)
        %dma_wait3A_81 = arith.constant 0 : i32
        %dma_wait3A_82 = arith.constant 0 : i32
        %dma_wait3A_83 = tpu.memref_slice %arg8[%dma_wait3A_81, %dma_wait3A_82] : memref<16x128xi32, #tpu.memory_space<vmem>> -> memref<1x128xi32, #tpu.memory_space<vmem>>
        %dma_wait3A_84 = tpu.memref_squeeze %dma_wait3A_83 : memref<1x128xi32, #tpu.memory_space<vmem>> -> memref<128xi32, #tpu.memory_space<vmem>>
        %dma_wait3A_85 = arith.constant 0 : i32
        %dma_wait3A_86 = arith.constant 0 : i32
        %dma_wait3A_87 = arith.constant 0 : i32
        %dma_wait3A_88 = tpu.memref_slice %arg11[%dma_wait3A_85, %dma_wait3A_86, %dma_wait3A_87] : memref<10240x2x128xbf16, #tpu.memory_space<vmem_shared>> -> memref<10240x2x128xbf16, #tpu.memory_space<vmem_shared>>
        tpu.wait_indirect_dma semaphore(%arg14 : memref<!tpu.dma_semaphore, #tpu.memory_space<semaphore_mem>>) src(%arg9 : memref<128x2x128xbf16, #tpu.memory_space<vmem>>) dst(%dma_wait3A_88 : memref<10240x2x128xbf16, #tpu.memory_space<vmem_shared>>)
        %dma_start3A_89 = arith.constant 2 : i32
        %dma_start3A_90 = arith.constant 0 : i32
        %dma_start3A_91 = tpu.memref_slice %arg7[%dma_start3A_89, %dma_start3A_90] : memref<16x128xi32, #tpu.memory_space<vmem>> -> memref<1x128xi32, #tpu.memory_space<vmem>>
        %dma_start3A_92 = tpu.memref_squeeze %dma_start3A_91 : memref<1x128xi32, #tpu.memory_space<vmem>> -> memref<128xi32, #tpu.memory_space<vmem>>
        %dma_start3A_93 = arith.constant 0 : i32
        %dma_start3A_94 = arith.constant 0 : i32
        %dma_start3A_95 = arith.constant 0 : i32
        %dma_start3A_96 = tpu.memref_slice %arg2[%dma_start3A_93, %dma_start3A_94, %dma_start3A_95] : memref<10240x2x128xbf16, #tpu.memory_space<hbm>> -> memref<10240x2x128xbf16, #tpu.memory_space<hbm>>
        tpu.enqueue_indirect_dma source(%dma_start3A_96 : memref<10240x2x128xbf16, #tpu.memory_space<hbm>>) target(%arg9 : memref<128x2x128xbf16, #tpu.memory_space<vmem>>) offsets(%dma_start3A_92 : memref<128xi32, #tpu.memory_space<vmem>>) semaphore(%arg12 : memref<!tpu.dma_semaphore, #tpu.memory_space<semaphore_mem>>)
        %dma_start3A_97 = arith.constant 1 : i32
        %dma_start3A_98 = arith.constant 0 : i32
        %dma_start3A_99 = tpu.memref_slice %arg8[%dma_start3A_97, %dma_start3A_98] : memref<16x128xi32, #tpu.memory_space<vmem>> -> memref<1x128xi32, #tpu.memory_space<vmem>>
        %dma_start3A_100 = tpu.memref_squeeze %dma_start3A_99 : memref<1x128xi32, #tpu.memory_space<vmem>> -> memref<128xi32, #tpu.memory_space<vmem>>
        %dma_start3A_101 = arith.constant 0 : i32
        %dma_start3A_102 = arith.constant 0 : i32
        %dma_start3A_103 = arith.constant 0 : i32
        %dma_start3A_104 = tpu.memref_slice %arg11[%dma_start3A_101, %dma_start3A_102, %dma_start3A_103] : memref<10240x2x128xbf16, #tpu.memory_space<vmem_shared>> -> memref<10240x2x128xbf16, #tpu.memory_space<vmem_shared>>
        tpu.enqueue_indirect_dma source(%arg10 : memref<128x2x128xbf16, #tpu.memory_space<vmem>>) target(%dma_start3A_104 : memref<10240x2x128xbf16, #tpu.memory_space<vmem_shared>>) offsets(%dma_start3A_100 : memref<128xi32, #tpu.memory_space<vmem>>) semaphore(%arg15 : memref<!tpu.dma_semaphore, #tpu.memory_space<semaphore_mem>>) {add = true}
        %dma_wait3A_105 = arith.constant 2 : i32
        %dma_wait3A_106 = arith.constant 0 : i32
        %dma_wait3A_107 = tpu.memref_slice %arg7[%dma_wait3A_105, %dma_wait3A_106] : memref<16x128xi32, #tpu.memory_space<vmem>> -> memref<1x128xi32, #tpu.memory_space<vmem>>
        %dma_wait3A_108 = tpu.memref_squeeze %dma_wait3A_107 : memref<1x128xi32, #tpu.memory_space<vmem>> -> memref<128xi32, #tpu.memory_space<vmem>>
        %dma_wait3A_109 = arith.constant 0 : i32
        %dma_wait3A_110 = arith.constant 0 : i32
        %dma_wait3A_111 = arith.constant 0 : i32
        %dma_wait3A_112 = tpu.memref_slice %arg2[%dma_wait3A_109, %dma_wait3A_110, %dma_wait3A_111] : memref<10240x2x128xbf16, #tpu.memory_space<hbm>> -> memref<10240x2x128xbf16, #tpu.memory_space<hbm>>
        tpu.wait_indirect_dma semaphore(%arg12 : memref<!tpu.dma_semaphore, #tpu.memory_space<semaphore_mem>>) src(%dma_wait3A_112 : memref<10240x2x128xbf16, #tpu.memory_space<hbm>>) dst(%arg9 : memref<128x2x128xbf16, #tpu.memory_space<vmem>>)
        %dma_wait3A_113 = arith.constant 1 : i32
        %dma_wait3A_114 = arith.constant 0 : i32
        %dma_wait3A_115 = tpu.memref_slice %arg8[%dma_wait3A_113, %dma_wait3A_114] : memref<16x128xi32, #tpu.memory_space<vmem>> -> memref<1x128xi32, #tpu.memory_space<vmem>>
        %dma_wait3A_116 = tpu.memref_squeeze %dma_wait3A_115 : memref<1x128xi32, #tpu.memory_space<vmem>> -> memref<128xi32, #tpu.memory_space<vmem>>
        %dma_wait3A_117 = arith.constant 0 : i32
        %dma_wait3A_118 = arith.constant 0 : i32
        %dma_wait3A_119 = arith.constant 0 : i32
        %dma_wait3A_120 = tpu.memref_slice %arg11[%dma_wait3A_117, %dma_wait3A_118, %dma_wait3A_119] : memref<10240x2x128xbf16, #tpu.memory_space<vmem_shared>> -> memref<10240x2x128xbf16, #tpu.memory_space<vmem_shared>>
        tpu.wait_indirect_dma semaphore(%arg15 : memref<!tpu.dma_semaphore, #tpu.memory_space<semaphore_mem>>) src(%arg10 : memref<128x2x128xbf16, #tpu.memory_space<vmem>>) dst(%dma_wait3A_120 : memref<10240x2x128xbf16, #tpu.memory_space<vmem_shared>>)
        %dma_start3A_121 = arith.constant 3 : i32
        %dma_start3A_122 = arith.constant 0 : i32
        %dma_start3A_123 = tpu.memref_slice %arg7[%dma_start3A_121, %dma_start3A_122] : memref<16x128xi32, #tpu.memory_space<vmem>> -> memref<1x128xi32, #tpu.memory_space<vmem>>
        %dma_start3A_124 = tpu.memref_squeeze %dma_start3A_123 : memref<1x128xi32, #tpu.memory_space<vmem>> -> memref<128xi32, #tpu.memory_space<vmem>>
        %dma_start3A_125 = arith.constant 0 : i32
        %dma_start3A_126 = arith.constant 0 : i32
        %dma_start3A_127 = arith.constant 0 : i32
        %dma_start3A_128 = tpu.memref_slice %arg2[%dma_start3A_125, %dma_start3A_126, %dma_start3A_127] : memref<10240x2x128xbf16, #tpu.memory_space<hbm>> -> memref<10240x2x128xbf16, #tpu.memory_space<hbm>>
        tpu.enqueue_indirect_dma source(%dma_start3A_128 : memref<10240x2x128xbf16, #tpu.memory_space<hbm>>) target(%arg10 : memref<128x2x128xbf16, #tpu.memory_space<vmem>>) offsets(%dma_start3A_124 : memref<128xi32, #tpu.memory_space<vmem>>) semaphore(%arg13 : memref<!tpu.dma_semaphore, #tpu.memory_space<semaphore_mem>>)
        %dma_start3A_129 = arith.constant 2 : i32
        %dma_start3A_130 = arith.constant 0 : i32
        %dma_start3A_131 = tpu.memref_slice %arg8[%dma_start3A_129, %dma_start3A_130] : memref<16x128xi32, #tpu.memory_space<vmem>> -> memref<1x128xi32, #tpu.memory_space<vmem>>
        %dma_start3A_132 = tpu.memref_squeeze %dma_start3A_131 : memref<1x128xi32, #tpu.memory_space<vmem>> -> memref<128xi32, #tpu.memory_space<vmem>>
        %dma_start3A_133 = arith.constant 0 : i32
        %dma_start3A_134 = arith.constant 0 : i32
        %dma_start3A_135 = arith.constant 0 : i32
        %dma_start3A_136 = tpu.memref_slice %arg11[%dma_start3A_133, %dma_start3A_134, %dma_start3A_135] : memref<10240x2x128xbf16, #tpu.memory_space<vmem_shared>> -> memref<10240x2x128xbf16, #tpu.memory_space<vmem_shared>>
        tpu.enqueue_indirect_dma source(%arg9 : memref<128x2x128xbf16, #tpu.memory_space<vmem>>) target(%dma_start3A_136 : memref<10240x2x128xbf16, #tpu.memory_space<vmem_shared>>) offsets(%dma_start3A_132 : memref<128xi32, #tpu.memory_space<vmem>>) semaphore(%arg14 : memref<!tpu.dma_semaphore, #tpu.memory_space<semaphore_mem>>) {add = true}
        %dma_wait3A_137 = arith.constant 3 : i32
        %dma_wait3A_138 = arith.constant 0 : i32
        %dma_wait3A_139 = tpu.memref_slice %arg7[%dma_wait3A_137, %dma_wait3A_138] : memref<16x128xi32, #tpu.memory_space<vmem>> -> memref<1x128xi32, #tpu.memory_space<vmem>>
        %dma_wait3A_140 = tpu.memref_squeeze %dma_wait3A_139 : memref<1x128xi32, #tpu.memory_space<vmem>> -> memref<128xi32, #tpu.memory_space<vmem>>
        %dma_wait3A_141 = arith.constant 0 : i32
        %dma_wait3A_142 = arith.constant 0 : i32
        %dma_wait3A_143 = arith.constant 0 : i32
        %dma_wait3A_144 = tpu.memref_slice %arg2[%dma_wait3A_141, %dma_wait3A_142, %dma_wait3A_143] : memref<10240x2x128xbf16, #tpu.memory_space<hbm>> -> memref<10240x2x128xbf16, #tpu.memory_space<hbm>>
        tpu.wait_indirect_dma semaphore(%arg13 : memref<!tpu.dma_semaphore, #tpu.memory_space<semaphore_mem>>) src(%dma_wait3A_144 : memref<10240x2x128xbf16, #tpu.memory_space<hbm>>) dst(%arg10 : memref<128x2x128xbf16, #tpu.memory_space<vmem>>)
        %dma_wait3A_145 = arith.constant 2 : i32
        %dma_wait3A_146 = arith.constant 0 : i32
        %dma_wait3A_147 = tpu.memref_slice %arg8[%dma_wait3A_145, %dma_wait3A_146] : memref<16x128xi32, #tpu.memory_space<vmem>> -> memref<1x128xi32, #tpu.memory_space<vmem>>
        %dma_wait3A_148 = tpu.memref_squeeze %dma_wait3A_147 : memref<1x128xi32, #tpu.memory_space<vmem>> -> memref<128xi32, #tpu.memory_space<vmem>>
        %dma_wait3A_149 = arith.constant 0 : i32
        %dma_wait3A_150 = arith.constant 0 : i32
        %dma_wait3A_151 = arith.constant 0 : i32
        %dma_wait3A_152 = tpu.memref_slice %arg11[%dma_wait3A_149, %dma_wait3A_150, %dma_wait3A_151] : memref<10240x2x128xbf16, #tpu.memory_space<vmem_shared>> -> memref<10240x2x128xbf16, #tpu.memory_space<vmem_shared>>
        tpu.wait_indirect_dma semaphore(%arg14 : memref<!tpu.dma_semaphore, #tpu.memory_space<semaphore_mem>>) src(%arg9 : memref<128x2x128xbf16, #tpu.memory_space<vmem>>) dst(%dma_wait3A_152 : memref<10240x2x128xbf16, #tpu.memory_space<vmem_shared>>)
        %dma_start3A_153 = arith.constant 4 : i32
        %dma_start3A_154 = arith.constant 0 : i32
        %dma_start3A_155 = tpu.memref_slice %arg7[%dma_start3A_153, %dma_start3A_154] : memref<16x128xi32, #tpu.memory_space<vmem>> -> memref<1x128xi32, #tpu.memory_space<vmem>>
        %dma_start3A_156 = tpu.memref_squeeze %dma_start3A_155 : memref<1x128xi32, #tpu.memory_space<vmem>> -> memref<128xi32, #tpu.memory_space<vmem>>
        %dma_start3A_157 = arith.constant 0 : i32
        %dma_start3A_158 = arith.constant 0 : i32
        %dma_start3A_159 = arith.constant 0 : i32
        %dma_start3A_160 = tpu.memref_slice %arg2[%dma_start3A_157, %dma_start3A_158, %dma_start3A_159] : memref<10240x2x128xbf16, #tpu.memory_space<hbm>> -> memref<10240x2x128xbf16, #tpu.memory_space<hbm>>
        tpu.enqueue_indirect_dma source(%dma_start3A_160 : memref<10240x2x128xbf16, #tpu.memory_space<hbm>>) target(%arg9 : memref<128x2x128xbf16, #tpu.memory_space<vmem>>) offsets(%dma_start3A_156 : memref<128xi32, #tpu.memory_space<vmem>>) semaphore(%arg12 : memref<!tpu.dma_semaphore, #tpu.memory_space<semaphore_mem>>)
        %dma_start3A_161 = arith.constant 3 : i32
        %dma_start3A_162 = arith.constant 0 : i32
        %dma_start3A_163 = tpu.memref_slice %arg8[%dma_start3A_161, %dma_start3A_162] : memref<16x128xi32, #tpu.memory_space<vmem>> -> memref<1x128xi32, #tpu.memory_space<vmem>>
        %dma_start3A_164 = tpu.memref_squeeze %dma_start3A_163 : memref<1x128xi32, #tpu.memory_space<vmem>> -> memref<128xi32, #tpu.memory_space<vmem>>
        %dma_start3A_165 = arith.constant 0 : i32
        %dma_start3A_166 = arith.constant 0 : i32
        %dma_start3A_167 = arith.constant 0 : i32
        %dma_start3A_168 = tpu.memref_slice %arg11[%dma_start3A_165, %dma_start3A_166, %dma_start3A_167] : memref<10240x2x128xbf16, #tpu.memory_space<vmem_shared>> -> memref<10240x2x128xbf16, #tpu.memory_space<vmem_shared>>
        tpu.enqueue_indirect_dma source(%arg10 : memref<128x2x128xbf16, #tpu.memory_space<vmem>>) target(%dma_start3A_168 : memref<10240x2x128xbf16, #tpu.memory_space<vmem_shared>>) offsets(%dma_start3A_164 : memref<128xi32, #tpu.memory_space<vmem>>) semaphore(%arg15 : memref<!tpu.dma_semaphore, #tpu.memory_space<semaphore_mem>>) {add = true}
        %dma_wait3A_169 = arith.constant 4 : i32
        %dma_wait3A_170 = arith.constant 0 : i32
        %dma_wait3A_171 = tpu.memref_slice %arg7[%dma_wait3A_169, %dma_wait3A_170] : memref<16x128xi32, #tpu.memory_space<vmem>> -> memref<1x128xi32, #tpu.memory_space<vmem>>
        %dma_wait3A_172 = tpu.memref_squeeze %dma_wait3A_171 : memref<1x128xi32, #tpu.memory_space<vmem>> -> memref<128xi32, #tpu.memory_space<vmem>>
        %dma_wait3A_173 = arith.constant 0 : i32
        %dma_wait3A_174 = arith.constant 0 : i32
        %dma_wait3A_175 = arith.constant 0 : i32
        %dma_wait3A_176 = tpu.memref_slice %arg2[%dma_wait3A_173, %dma_wait3A_174, %dma_wait3A_175] : memref<10240x2x128xbf16, #tpu.memory_space<hbm>> -> memref<10240x2x128xbf16, #tpu.memory_space<hbm>>
        tpu.wait_indirect_dma semaphore(%arg12 : memref<!tpu.dma_semaphore, #tpu.memory_space<semaphore_mem>>) src(%dma_wait3A_176 : memref<10240x2x128xbf16, #tpu.memory_space<hbm>>) dst(%arg9 : memref<128x2x128xbf16, #tpu.memory_space<vmem>>)
        %dma_wait3A_177 = arith.constant 3 : i32
        %dma_wait3A_178 = arith.constant 0 : i32
        %dma_wait3A_179 = tpu.memref_slice %arg8[%dma_wait3A_177, %dma_wait3A_178] : memref<16x128xi32, #tpu.memory_space<vmem>> -> memref<1x128xi32, #tpu.memory_space<vmem>>
        %dma_wait3A_180 = tpu.memref_squeeze %dma_wait3A_179 : memref<1x128xi32, #tpu.memory_space<vmem>> -> memref<128xi32, #tpu.memory_space<vmem>>
        %dma_wait3A_181 = arith.constant 0 : i32
        %dma_wait3A_182 = arith.constant 0 : i32
        %dma_wait3A_183 = arith.constant 0 : i32
        %dma_wait3A_184 = tpu.memref_slice %arg11[%dma_wait3A_181, %dma_wait3A_182, %dma_wait3A_183] : memref<10240x2x128xbf16, #tpu.memory_space<vmem_shared>> -> memref<10240x2x128xbf16, #tpu.memory_space<vmem_shared>>
        tpu.wait_indirect_dma semaphore(%arg15 : memref<!tpu.dma_semaphore, #tpu.memory_space<semaphore_mem>>) src(%arg10 : memref<128x2x128xbf16, #tpu.memory_space<vmem>>) dst(%dma_wait3A_184 : memref<10240x2x128xbf16, #tpu.memory_space<vmem_shared>>)
        %dma_start3A_185 = arith.constant 5 : i32
        %dma_start3A_186 = arith.constant 0 : i32
        %dma_start3A_187 = tpu.memref_slice %arg7[%dma_start3A_185, %dma_start3A_186] : memref<16x128xi32, #tpu.memory_space<vmem>> -> memref<1x128xi32, #tpu.memory_space<vmem>>
        %dma_start3A_188 = tpu.memref_squeeze %dma_start3A_187 : memref<1x128xi32, #tpu.memory_space<vmem>> -> memref<128xi32, #tpu.memory_space<vmem>>
        %dma_start3A_189 = arith.constant 0 : i32
        %dma_start3A_190 = arith.constant 0 : i32
        %dma_start3A_191 = arith.constant 0 : i32
        %dma_start3A_192 = tpu.memref_slice %arg2[%dma_start3A_189, %dma_start3A_190, %dma_start3A_191] : memref<10240x2x128xbf16, #tpu.memory_space<hbm>> -> memref<10240x2x128xbf16, #tpu.memory_space<hbm>>
        tpu.enqueue_indirect_dma source(%dma_start3A_192 : memref<10240x2x128xbf16, #tpu.memory_space<hbm>>) target(%arg10 : memref<128x2x128xbf16, #tpu.memory_space<vmem>>) offsets(%dma_start3A_188 : memref<128xi32, #tpu.memory_space<vmem>>) semaphore(%arg13 : memref<!tpu.dma_semaphore, #tpu.memory_space<semaphore_mem>>)
        %dma_start3A_193 = arith.constant 4 : i32
        %dma_start3A_194 = arith.constant 0 : i32
        %dma_start3A_195 = tpu.memref_slice %arg8[%dma_start3A_193, %dma_start3A_194] : memref<16x128xi32, #tpu.memory_space<vmem>> -> memref<1x128xi32, #tpu.memory_space<vmem>>
        %dma_start3A_196 = tpu.memref_squeeze %dma_start3A_195 : memref<1x128xi32, #tpu.memory_space<vmem>> -> memref<128xi32, #tpu.memory_space<vmem>>
        %dma_start3A_197 = arith.constant 0 : i32
        %dma_start3A_198 = arith.constant 0 : i32
        %dma_start3A_199 = arith.constant 0 : i32
        %dma_start3A_200 = tpu.memref_slice %arg11[%dma_start3A_197, %dma_start3A_198, %dma_start3A_199] : memref<10240x2x128xbf16, #tpu.memory_space<vmem_shared>> -> memref<10240x2x128xbf16, #tpu.memory_space<vmem_shared>>
        tpu.enqueue_indirect_dma source(%arg9 : memref<128x2x128xbf16, #tpu.memory_space<vmem>>) target(%dma_start3A_200 : memref<10240x2x128xbf16, #tpu.memory_space<vmem_shared>>) offsets(%dma_start3A_196 : memref<128xi32, #tpu.memory_space<vmem>>) semaphore(%arg14 : memref<!tpu.dma_semaphore, #tpu.memory_space<semaphore_mem>>) {add = true}
        %dma_wait3A_201 = arith.constant 5 : i32
        %dma_wait3A_202 = arith.constant 0 : i32
        %dma_wait3A_203 = tpu.memref_slice %arg7[%dma_wait3A_201, %dma_wait3A_202] : memref<16x128xi32, #tpu.memory_space<vmem>> -> memref<1x128xi32, #tpu.memory_space<vmem>>
        %dma_wait3A_204 = tpu.memref_squeeze %dma_wait3A_203 : memref<1x128xi32, #tpu.memory_space<vmem>> -> memref<128xi32, #tpu.memory_space<vmem>>
        %dma_wait3A_205 = arith.constant 0 : i32
        %dma_wait3A_206 = arith.constant 0 : i32
        %dma_wait3A_207 = arith.constant 0 : i32
        %dma_wait3A_208 = tpu.memref_slice %arg2[%dma_wait3A_205, %dma_wait3A_206, %dma_wait3A_207] : memref<10240x2x128xbf16, #tpu.memory_space<hbm>> -> memref<10240x2x128xbf16, #tpu.memory_space<hbm>>
        tpu.wait_indirect_dma semaphore(%arg13 : memref<!tpu.dma_semaphore, #tpu.memory_space<semaphore_mem>>) src(%dma_wait3A_208 : memref<10240x2x128xbf16, #tpu.memory_space<hbm>>) dst(%arg10 : memref<128x2x128xbf16, #tpu.memory_space<vmem>>)
        %dma_wait3A_209 = arith.constant 4 : i32
        %dma_wait3A_210 = arith.constant 0 : i32
        %dma_wait3A_211 = tpu.memref_slice %arg8[%dma_wait3A_209, %dma_wait3A_210] : memref<16x128xi32, #tpu.memory_space<vmem>> -> memref<1x128xi32, #tpu.memory_space<vmem>>
        %dma_wait3A_212 = tpu.memref_squeeze %dma_wait3A_211 : memref<1x128xi32, #tpu.memory_space<vmem>> -> memref<128xi32, #tpu.memory_space<vmem>>
        %dma_wait3A_213 = arith.constant 0 : i32
        %dma_wait3A_214 = arith.constant 0 : i32
        %dma_wait3A_215 = arith.constant 0 : i32
        %dma_wait3A_216 = tpu.memref_slice %arg11[%dma_wait3A_213, %dma_wait3A_214, %dma_wait3A_215] : memref<10240x2x128xbf16, #tpu.memory_space<vmem_shared>> -> memref<10240x2x128xbf16, #tpu.memory_space<vmem_shared>>
        tpu.wait_indirect_dma semaphore(%arg14 : memref<!tpu.dma_semaphore, #tpu.memory_space<semaphore_mem>>) src(%arg9 : memref<128x2x128xbf16, #tpu.memory_space<vmem>>) dst(%dma_wait3A_216 : memref<10240x2x128xbf16, #tpu.memory_space<vmem_shared>>)
        %dma_start3A_217 = arith.constant 6 : i32
        %dma_start3A_218 = arith.constant 0 : i32
        %dma_start3A_219 = tpu.memref_slice %arg7[%dma_start3A_217, %dma_start3A_218] : memref<16x128xi32, #tpu.memory_space<vmem>> -> memref<1x128xi32, #tpu.memory_space<vmem>>
        %dma_start3A_220 = tpu.memref_squeeze %dma_start3A_219 : memref<1x128xi32, #tpu.memory_space<vmem>> -> memref<128xi32, #tpu.memory_space<vmem>>
        %dma_start3A_221 = arith.constant 0 : i32
        %dma_start3A_222 = arith.constant 0 : i32
        %dma_start3A_223 = arith.constant 0 : i32
        %dma_start3A_224 = tpu.memref_slice %arg2[%dma_start3A_221, %dma_start3A_222, %dma_start3A_223] : memref<10240x2x128xbf16, #tpu.memory_space<hbm>> -> memref<10240x2x128xbf16, #tpu.memory_space<hbm>>
        tpu.enqueue_indirect_dma source(%dma_start3A_224 : memref<10240x2x128xbf16, #tpu.memory_space<hbm>>) target(%arg9 : memref<128x2x128xbf16, #tpu.memory_space<vmem>>) offsets(%dma_start3A_220 : memref<128xi32, #tpu.memory_space<vmem>>) semaphore(%arg12 : memref<!tpu.dma_semaphore, #tpu.memory_space<semaphore_mem>>)
        %dma_start3A_225 = arith.constant 5 : i32
        %dma_start3A_226 = arith.constant 0 : i32
        %dma_start3A_227 = tpu.memref_slice %arg8[%dma_start3A_225, %dma_start3A_226] : memref<16x128xi32, #tpu.memory_space<vmem>> -> memref<1x128xi32, #tpu.memory_space<vmem>>
        %dma_start3A_228 = tpu.memref_squeeze %dma_start3A_227 : memref<1x128xi32, #tpu.memory_space<vmem>> -> memref<128xi32, #tpu.memory_space<vmem>>
        %dma_start3A_229 = arith.constant 0 : i32
        %dma_start3A_230 = arith.constant 0 : i32
        %dma_start3A_231 = arith.constant 0 : i32
        %dma_start3A_232 = tpu.memref_slice %arg11[%dma_start3A_229, %dma_start3A_230, %dma_start3A_231] : memref<10240x2x128xbf16, #tpu.memory_space<vmem_shared>> -> memref<10240x2x128xbf16, #tpu.memory_space<vmem_shared>>
        tpu.enqueue_indirect_dma source(%arg10 : memref<128x2x128xbf16, #tpu.memory_space<vmem>>) target(%dma_start3A_232 : memref<10240x2x128xbf16, #tpu.memory_space<vmem_shared>>) offsets(%dma_start3A_228 : memref<128xi32, #tpu.memory_space<vmem>>) semaphore(%arg15 : memref<!tpu.dma_semaphore, #tpu.memory_space<semaphore_mem>>) {add = true}
        %dma_wait3A_233 = arith.constant 6 : i32
        %dma_wait3A_234 = arith.constant 0 : i32
        %dma_wait3A_235 = tpu.memref_slice %arg7[%dma_wait3A_233, %dma_wait3A_234] : memref<16x128xi32, #tpu.memory_space<vmem>> -> memref<1x128xi32, #tpu.memory_space<vmem>>
        %dma_wait3A_236 = tpu.memref_squeeze %dma_wait3A_235 : memref<1x128xi32, #tpu.memory_space<vmem>> -> memref<128xi32, #tpu.memory_space<vmem>>
        %dma_wait3A_237 = arith.constant 0 : i32
        %dma_wait3A_238 = arith.constant 0 : i32
        %dma_wait3A_239 = arith.constant 0 : i32
        %dma_wait3A_240 = tpu.memref_slice %arg2[%dma_wait3A_237, %dma_wait3A_238, %dma_wait3A_239] : memref<10240x2x128xbf16, #tpu.memory_space<hbm>> -> memref<10240x2x128xbf16, #tpu.memory_space<hbm>>
        tpu.wait_indirect_dma semaphore(%arg12 : memref<!tpu.dma_semaphore, #tpu.memory_space<semaphore_mem>>) src(%dma_wait3A_240 : memref<10240x2x128xbf16, #tpu.memory_space<hbm>>) dst(%arg9 : memref<128x2x128xbf16, #tpu.memory_space<vmem>>)
        %dma_wait3A_241 = arith.constant 5 : i32
        %dma_wait3A_242 = arith.constant 0 : i32
        %dma_wait3A_243 = tpu.memref_slice %arg8[%dma_wait3A_241, %dma_wait3A_242] : memref<16x128xi32, #tpu.memory_space<vmem>> -> memref<1x128xi32, #tpu.memory_space<vmem>>
        %dma_wait3A_244 = tpu.memref_squeeze %dma_wait3A_243 : memref<1x128xi32, #tpu.memory_space<vmem>> -> memref<128xi32, #tpu.memory_space<vmem>>
        %dma_wait3A_245 = arith.constant 0 : i32
        %dma_wait3A_246 = arith.constant 0 : i32
        %dma_wait3A_247 = arith.constant 0 : i32
        %dma_wait3A_248 = tpu.memref_slice %arg11[%dma_wait3A_245, %dma_wait3A_246, %dma_wait3A_247] : memref<10240x2x128xbf16, #tpu.memory_space<vmem_shared>> -> memref<10240x2x128xbf16, #tpu.memory_space<vmem_shared>>
        tpu.wait_indirect_dma semaphore(%arg15 : memref<!tpu.dma_semaphore, #tpu.memory_space<semaphore_mem>>) src(%arg10 : memref<128x2x128xbf16, #tpu.memory_space<vmem>>) dst(%dma_wait3A_248 : memref<10240x2x128xbf16, #tpu.memory_space<vmem_shared>>)
        %dma_start3A_249 = arith.constant 7 : i32
        %dma_start3A_250 = arith.constant 0 : i32
        %dma_start3A_251 = tpu.memref_slice %arg7[%dma_start3A_249, %dma_start3A_250] : memref<16x128xi32, #tpu.memory_space<vmem>> -> memref<1x128xi32, #tpu.memory_space<vmem>>
        %dma_start3A_252 = tpu.memref_squeeze %dma_start3A_251 : memref<1x128xi32, #tpu.memory_space<vmem>> -> memref<128xi32, #tpu.memory_space<vmem>>
        %dma_start3A_253 = arith.constant 0 : i32
        %dma_start3A_254 = arith.constant 0 : i32
        %dma_start3A_255 = arith.constant 0 : i32
        %dma_start3A_256 = tpu.memref_slice %arg2[%dma_start3A_253, %dma_start3A_254, %dma_start3A_255] : memref<10240x2x128xbf16, #tpu.memory_space<hbm>> -> memref<10240x2x128xbf16, #tpu.memory_space<hbm>>
        tpu.enqueue_indirect_dma source(%dma_start3A_256 : memref<10240x2x128xbf16, #tpu.memory_space<hbm>>) target(%arg10 : memref<128x2x128xbf16, #tpu.memory_space<vmem>>) offsets(%dma_start3A_252 : memref<128xi32, #tpu.memory_space<vmem>>) semaphore(%arg13 : memref<!tpu.dma_semaphore, #tpu.memory_space<semaphore_mem>>)
        %dma_start3A_257 = arith.constant 6 : i32
        %dma_start3A_258 = arith.constant 0 : i32
        %dma_start3A_259 = tpu.memref_slice %arg8[%dma_start3A_257, %dma_start3A_258] : memref<16x128xi32, #tpu.memory_space<vmem>> -> memref<1x128xi32, #tpu.memory_space<vmem>>
        %dma_start3A_260 = tpu.memref_squeeze %dma_start3A_259 : memref<1x128xi32, #tpu.memory_space<vmem>> -> memref<128xi32, #tpu.memory_space<vmem>>
        %dma_start3A_261 = arith.constant 0 : i32
        %dma_start3A_262 = arith.constant 0 : i32
        %dma_start3A_263 = arith.constant 0 : i32
        %dma_start3A_264 = tpu.memref_slice %arg11[%dma_start3A_261, %dma_start3A_262, %dma_start3A_263] : memref<10240x2x128xbf16, #tpu.memory_space<vmem_shared>> -> memref<10240x2x128xbf16, #tpu.memory_space<vmem_shared>>
        tpu.enqueue_indirect_dma source(%arg9 : memref<128x2x128xbf16, #tpu.memory_space<vmem>>) target(%dma_start3A_264 : memref<10240x2x128xbf16, #tpu.memory_space<vmem_shared>>) offsets(%dma_start3A_260 : memref<128xi32, #tpu.memory_space<vmem>>) semaphore(%arg14 : memref<!tpu.dma_semaphore, #tpu.memory_space<semaphore_mem>>) {add = true}
        %dma_wait3A_265 = arith.constant 7 : i32
        %dma_wait3A_266 = arith.constant 0 : i32
        %dma_wait3A_267 = tpu.memref_slice %arg7[%dma_wait3A_265, %dma_wait3A_266] : memref<16x128xi32, #tpu.memory_space<vmem>> -> memref<1x128xi32, #tpu.memory_space<vmem>>
        %dma_wait3A_268 = tpu.memref_squeeze %dma_wait3A_267 : memref<1x128xi32, #tpu.memory_space<vmem>> -> memref<128xi32, #tpu.memory_space<vmem>>
        %dma_wait3A_269 = arith.constant 0 : i32
        %dma_wait3A_270 = arith.constant 0 : i32
        %dma_wait3A_271 = arith.constant 0 : i32
        %dma_wait3A_272 = tpu.memref_slice %arg2[%dma_wait3A_269, %dma_wait3A_270, %dma_wait3A_271] : memref<10240x2x128xbf16, #tpu.memory_space<hbm>> -> memref<10240x2x128xbf16, #tpu.memory_space<hbm>>
        tpu.wait_indirect_dma semaphore(%arg13 : memref<!tpu.dma_semaphore, #tpu.memory_space<semaphore_mem>>) src(%dma_wait3A_272 : memref<10240x2x128xbf16, #tpu.memory_space<hbm>>) dst(%arg10 : memref<128x2x128xbf16, #tpu.memory_space<vmem>>)
        %dma_wait3A_273 = arith.constant 6 : i32
        %dma_wait3A_274 = arith.constant 0 : i32
        %dma_wait3A_275 = tpu.memref_slice %arg8[%dma_wait3A_273, %dma_wait3A_274] : memref<16x128xi32, #tpu.memory_space<vmem>> -> memref<1x128xi32, #tpu.memory_space<vmem>>
        %dma_wait3A_276 = tpu.memref_squeeze %dma_wait3A_275 : memref<1x128xi32, #tpu.memory_space<vmem>> -> memref<128xi32, #tpu.memory_space<vmem>>
        %dma_wait3A_277 = arith.constant 0 : i32
        %dma_wait3A_278 = arith.constant 0 : i32
        %dma_wait3A_279 = arith.constant 0 : i32
        %dma_wait3A_280 = tpu.memref_slice %arg11[%dma_wait3A_277, %dma_wait3A_278, %dma_wait3A_279] : memref<10240x2x128xbf16, #tpu.memory_space<vmem_shared>> -> memref<10240x2x128xbf16, #tpu.memory_space<vmem_shared>>
        tpu.wait_indirect_dma semaphore(%arg14 : memref<!tpu.dma_semaphore, #tpu.memory_space<semaphore_mem>>) src(%arg9 : memref<128x2x128xbf16, #tpu.memory_space<vmem>>) dst(%dma_wait3A_280 : memref<10240x2x128xbf16, #tpu.memory_space<vmem_shared>>)
        %dma_start3A_281 = arith.constant 8 : i32
        %dma_start3A_282 = arith.constant 0 : i32
        %dma_start3A_283 = tpu.memref_slice %arg7[%dma_start3A_281, %dma_start3A_282] : memref<16x128xi32, #tpu.memory_space<vmem>> -> memref<1x128xi32, #tpu.memory_space<vmem>>
        %dma_start3A_284 = tpu.memref_squeeze %dma_start3A_283 : memref<1x128xi32, #tpu.memory_space<vmem>> -> memref<128xi32, #tpu.memory_space<vmem>>
        %dma_start3A_285 = arith.constant 0 : i32
        %dma_start3A_286 = arith.constant 0 : i32
        %dma_start3A_287 = arith.constant 0 : i32
        %dma_start3A_288 = tpu.memref_slice %arg2[%dma_start3A_285, %dma_start3A_286, %dma_start3A_287] : memref<10240x2x128xbf16, #tpu.memory_space<hbm>> -> memref<10240x2x128xbf16, #tpu.memory_space<hbm>>
        tpu.enqueue_indirect_dma source(%dma_start3A_288 : memref<10240x2x128xbf16, #tpu.memory_space<hbm>>) target(%arg9 : memref<128x2x128xbf16, #tpu.memory_space<vmem>>) offsets(%dma_start3A_284 : memref<128xi32, #tpu.memory_space<vmem>>) semaphore(%arg12 : memref<!tpu.dma_semaphore, #tpu.memory_space<semaphore_mem>>)
        %dma_start3A_289 = arith.constant 7 : i32
        %dma_start3A_290 = arith.constant 0 : i32
        %dma_start3A_291 = tpu.memref_slice %arg8[%dma_start3A_289, %dma_start3A_290] : memref<16x128xi32, #tpu.memory_space<vmem>> -> memref<1x128xi32, #tpu.memory_space<vmem>>
        %dma_start3A_292 = tpu.memref_squeeze %dma_start3A_291 : memref<1x128xi32, #tpu.memory_space<vmem>> -> memref<128xi32, #tpu.memory_space<vmem>>
        %dma_start3A_293 = arith.constant 0 : i32
        %dma_start3A_294 = arith.constant 0 : i32
        %dma_start3A_295 = arith.constant 0 : i32
        %dma_start3A_296 = tpu.memref_slice %arg11[%dma_start3A_293, %dma_start3A_294, %dma_start3A_295] : memref<10240x2x128xbf16, #tpu.memory_space<vmem_shared>> -> memref<10240x2x128xbf16, #tpu.memory_space<vmem_shared>>
        tpu.enqueue_indirect_dma source(%arg10 : memref<128x2x128xbf16, #tpu.memory_space<vmem>>) target(%dma_start3A_296 : memref<10240x2x128xbf16, #tpu.memory_space<vmem_shared>>) offsets(%dma_start3A_292 : memref<128xi32, #tpu.memory_space<vmem>>) semaphore(%arg15 : memref<!tpu.dma_semaphore, #tpu.memory_space<semaphore_mem>>) {add = true}
        %dma_wait3A_297 = arith.constant 8 : i32
        %dma_wait3A_298 = arith.constant 0 : i32
        %dma_wait3A_299 = tpu.memref_slice %arg7[%dma_wait3A_297, %dma_wait3A_298] : memref<16x128xi32, #tpu.memory_space<vmem>> -> memref<1x128xi32, #tpu.memory_space<vmem>>
        %dma_wait3A_300 = tpu.memref_squeeze %dma_wait3A_299 : memref<1x128xi32, #tpu.memory_space<vmem>> -> memref<128xi32, #tpu.memory_space<vmem>>
        %dma_wait3A_301 = arith.constant 0 : i32
        %dma_wait3A_302 = arith.constant 0 : i32
        %dma_wait3A_303 = arith.constant 0 : i32
        %dma_wait3A_304 = tpu.memref_slice %arg2[%dma_wait3A_301, %dma_wait3A_302, %dma_wait3A_303] : memref<10240x2x128xbf16, #tpu.memory_space<hbm>> -> memref<10240x2x128xbf16, #tpu.memory_space<hbm>>
        tpu.wait_indirect_dma semaphore(%arg12 : memref<!tpu.dma_semaphore, #tpu.memory_space<semaphore_mem>>) src(%dma_wait3A_304 : memref<10240x2x128xbf16, #tpu.memory_space<hbm>>) dst(%arg9 : memref<128x2x128xbf16, #tpu.memory_space<vmem>>)
        %dma_wait3A_305 = arith.constant 7 : i32
        %dma_wait3A_306 = arith.constant 0 : i32
        %dma_wait3A_307 = tpu.memref_slice %arg8[%dma_wait3A_305, %dma_wait3A_306] : memref<16x128xi32, #tpu.memory_space<vmem>> -> memref<1x128xi32, #tpu.memory_space<vmem>>
        %dma_wait3A_308 = tpu.memref_squeeze %dma_wait3A_307 : memref<1x128xi32, #tpu.memory_space<vmem>> -> memref<128xi32, #tpu.memory_space<vmem>>
        %dma_wait3A_309 = arith.constant 0 : i32
        %dma_wait3A_310 = arith.constant 0 : i32
        %dma_wait3A_311 = arith.constant 0 : i32
        %dma_wait3A_312 = tpu.memref_slice %arg11[%dma_wait3A_309, %dma_wait3A_310, %dma_wait3A_311] : memref<10240x2x128xbf16, #tpu.memory_space<vmem_shared>> -> memref<10240x2x128xbf16, #tpu.memory_space<vmem_shared>>
        tpu.wait_indirect_dma semaphore(%arg15 : memref<!tpu.dma_semaphore, #tpu.memory_space<semaphore_mem>>) src(%arg10 : memref<128x2x128xbf16, #tpu.memory_space<vmem>>) dst(%dma_wait3A_312 : memref<10240x2x128xbf16, #tpu.memory_space<vmem_shared>>)
        %dma_start3A_313 = arith.constant 9 : i32
        %dma_start3A_314 = arith.constant 0 : i32
        %dma_start3A_315 = tpu.memref_slice %arg7[%dma_start3A_313, %dma_start3A_314] : memref<16x128xi32, #tpu.memory_space<vmem>> -> memref<1x128xi32, #tpu.memory_space<vmem>>
        %dma_start3A_316 = tpu.memref_squeeze %dma_start3A_315 : memref<1x128xi32, #tpu.memory_space<vmem>> -> memref<128xi32, #tpu.memory_space<vmem>>
        %dma_start3A_317 = arith.constant 0 : i32
        %dma_start3A_318 = arith.constant 0 : i32
        %dma_start3A_319 = arith.constant 0 : i32
        %dma_start3A_320 = tpu.memref_slice %arg2[%dma_start3A_317, %dma_start3A_318, %dma_start3A_319] : memref<10240x2x128xbf16, #tpu.memory_space<hbm>> -> memref<10240x2x128xbf16, #tpu.memory_space<hbm>>
        tpu.enqueue_indirect_dma source(%dma_start3A_320 : memref<10240x2x128xbf16, #tpu.memory_space<hbm>>) target(%arg10 : memref<128x2x128xbf16, #tpu.memory_space<vmem>>) offsets(%dma_start3A_316 : memref<128xi32, #tpu.memory_space<vmem>>) semaphore(%arg13 : memref<!tpu.dma_semaphore, #tpu.memory_space<semaphore_mem>>)
        %dma_start3A_321 = arith.constant 8 : i32
        %dma_start3A_322 = arith.constant 0 : i32
        %dma_start3A_323 = tpu.memref_slice %arg8[%dma_start3A_321, %dma_start3A_322] : memref<16x128xi32, #tpu.memory_space<vmem>> -> memref<1x128xi32, #tpu.memory_space<vmem>>
        %dma_start3A_324 = tpu.memref_squeeze %dma_start3A_323 : memref<1x128xi32, #tpu.memory_space<vmem>> -> memref<128xi32, #tpu.memory_space<vmem>>
        %dma_start3A_325 = arith.constant 0 : i32
        %dma_start3A_326 = arith.constant 0 : i32
        %dma_start3A_327 = arith.constant 0 : i32
        %dma_start3A_328 = tpu.memref_slice %arg11[%dma_start3A_325, %dma_start3A_326, %dma_start3A_327] : memref<10240x2x128xbf16, #tpu.memory_space<vmem_shared>> -> memref<10240x2x128xbf16, #tpu.memory_space<vmem_shared>>
        tpu.enqueue_indirect_dma source(%arg9 : memref<128x2x128xbf16, #tpu.memory_space<vmem>>) target(%dma_start3A_328 : memref<10240x2x128xbf16, #tpu.memory_space<vmem_shared>>) offsets(%dma_start3A_324 : memref<128xi32, #tpu.memory_space<vmem>>) semaphore(%arg14 : memref<!tpu.dma_semaphore, #tpu.memory_space<semaphore_mem>>) {add = true}
        %dma_wait3A_329 = arith.constant 9 : i32
        %dma_wait3A_330 = arith.constant 0 : i32
        %dma_wait3A_331 = tpu.memref_slice %arg7[%dma_wait3A_329, %dma_wait3A_330] : memref<16x128xi32, #tpu.memory_space<vmem>> -> memref<1x128xi32, #tpu.memory_space<vmem>>
        %dma_wait3A_332 = tpu.memref_squeeze %dma_wait3A_331 : memref<1x128xi32, #tpu.memory_space<vmem>> -> memref<128xi32, #tpu.memory_space<vmem>>
        %dma_wait3A_333 = arith.constant 0 : i32
        %dma_wait3A_334 = arith.constant 0 : i32
        %dma_wait3A_335 = arith.constant 0 : i32
        %dma_wait3A_336 = tpu.memref_slice %arg2[%dma_wait3A_333, %dma_wait3A_334, %dma_wait3A_335] : memref<10240x2x128xbf16, #tpu.memory_space<hbm>> -> memref<10240x2x128xbf16, #tpu.memory_space<hbm>>
        tpu.wait_indirect_dma semaphore(%arg13 : memref<!tpu.dma_semaphore, #tpu.memory_space<semaphore_mem>>) src(%dma_wait3A_336 : memref<10240x2x128xbf16, #tpu.memory_space<hbm>>) dst(%arg10 : memref<128x2x128xbf16, #tpu.memory_space<vmem>>)
        %dma_wait3A_337 = arith.constant 8 : i32
        %dma_wait3A_338 = arith.constant 0 : i32
        %dma_wait3A_339 = tpu.memref_slice %arg8[%dma_wait3A_337, %dma_wait3A_338] : memref<16x128xi32, #tpu.memory_space<vmem>> -> memref<1x128xi32, #tpu.memory_space<vmem>>
        %dma_wait3A_340 = tpu.memref_squeeze %dma_wait3A_339 : memref<1x128xi32, #tpu.memory_space<vmem>> -> memref<128xi32, #tpu.memory_space<vmem>>
        %dma_wait3A_341 = arith.constant 0 : i32
        %dma_wait3A_342 = arith.constant 0 : i32
        %dma_wait3A_343 = arith.constant 0 : i32
        %dma_wait3A_344 = tpu.memref_slice %arg11[%dma_wait3A_341, %dma_wait3A_342, %dma_wait3A_343] : memref<10240x2x128xbf16, #tpu.memory_space<vmem_shared>> -> memref<10240x2x128xbf16, #tpu.memory_space<vmem_shared>>
        tpu.wait_indirect_dma semaphore(%arg14 : memref<!tpu.dma_semaphore, #tpu.memory_space<semaphore_mem>>) src(%arg9 : memref<128x2x128xbf16, #tpu.memory_space<vmem>>) dst(%dma_wait3A_344 : memref<10240x2x128xbf16, #tpu.memory_space<vmem_shared>>)
        %dma_start3A_345 = arith.constant 10 : i32
        %dma_start3A_346 = arith.constant 0 : i32
        %dma_start3A_347 = tpu.memref_slice %arg7[%dma_start3A_345, %dma_start3A_346] : memref<16x128xi32, #tpu.memory_space<vmem>> -> memref<1x128xi32, #tpu.memory_space<vmem>>
        %dma_start3A_348 = tpu.memref_squeeze %dma_start3A_347 : memref<1x128xi32, #tpu.memory_space<vmem>> -> memref<128xi32, #tpu.memory_space<vmem>>
        %dma_start3A_349 = arith.constant 0 : i32
        %dma_start3A_350 = arith.constant 0 : i32
        %dma_start3A_351 = arith.constant 0 : i32
        %dma_start3A_352 = tpu.memref_slice %arg2[%dma_start3A_349, %dma_start3A_350, %dma_start3A_351] : memref<10240x2x128xbf16, #tpu.memory_space<hbm>> -> memref<10240x2x128xbf16, #tpu.memory_space<hbm>>
        tpu.enqueue_indirect_dma source(%dma_start3A_352 : memref<10240x2x128xbf16, #tpu.memory_space<hbm>>) target(%arg9 : memref<128x2x128xbf16, #tpu.memory_space<vmem>>) offsets(%dma_start3A_348 : memref<128xi32, #tpu.memory_space<vmem>>) semaphore(%arg12 : memref<!tpu.dma_semaphore, #tpu.memory_space<semaphore_mem>>)
        %dma_start3A_353 = arith.constant 9 : i32
        %dma_start3A_354 = arith.constant 0 : i32
        %dma_start3A_355 = tpu.memref_slice %arg8[%dma_start3A_353, %dma_start3A_354] : memref<16x128xi32, #tpu.memory_space<vmem>> -> memref<1x128xi32, #tpu.memory_space<vmem>>
        %dma_start3A_356 = tpu.memref_squeeze %dma_start3A_355 : memref<1x128xi32, #tpu.memory_space<vmem>> -> memref<128xi32, #tpu.memory_space<vmem>>
        %dma_start3A_357 = arith.constant 0 : i32
        %dma_start3A_358 = arith.constant 0 : i32
        %dma_start3A_359 = arith.constant 0 : i32
        %dma_start3A_360 = tpu.memref_slice %arg11[%dma_start3A_357, %dma_start3A_358, %dma_start3A_359] : memref<10240x2x128xbf16, #tpu.memory_space<vmem_shared>> -> memref<10240x2x128xbf16, #tpu.memory_space<vmem_shared>>
        tpu.enqueue_indirect_dma source(%arg10 : memref<128x2x128xbf16, #tpu.memory_space<vmem>>) target(%dma_start3A_360 : memref<10240x2x128xbf16, #tpu.memory_space<vmem_shared>>) offsets(%dma_start3A_356 : memref<128xi32, #tpu.memory_space<vmem>>) semaphore(%arg15 : memref<!tpu.dma_semaphore, #tpu.memory_space<semaphore_mem>>) {add = true}
        %dma_wait3A_361 = arith.constant 10 : i32
        %dma_wait3A_362 = arith.constant 0 : i32
        %dma_wait3A_363 = tpu.memref_slice %arg7[%dma_wait3A_361, %dma_wait3A_362] : memref<16x128xi32, #tpu.memory_space<vmem>> -> memref<1x128xi32, #tpu.memory_space<vmem>>
        %dma_wait3A_364 = tpu.memref_squeeze %dma_wait3A_363 : memref<1x128xi32, #tpu.memory_space<vmem>> -> memref<128xi32, #tpu.memory_space<vmem>>
        %dma_wait3A_365 = arith.constant 0 : i32
        %dma_wait3A_366 = arith.constant 0 : i32
        %dma_wait3A_367 = arith.constant 0 : i32
        %dma_wait3A_368 = tpu.memref_slice %arg2[%dma_wait3A_365, %dma_wait3A_366, %dma_wait3A_367] : memref<10240x2x128xbf16, #tpu.memory_space<hbm>> -> memref<10240x2x128xbf16, #tpu.memory_space<hbm>>
        tpu.wait_indirect_dma semaphore(%arg12 : memref<!tpu.dma_semaphore, #tpu.memory_space<semaphore_mem>>) src(%dma_wait3A_368 : memref<10240x2x128xbf16, #tpu.memory_space<hbm>>) dst(%arg9 : memref<128x2x128xbf16, #tpu.memory_space<vmem>>)
        %dma_wait3A_369 = arith.constant 9 : i32
        %dma_wait3A_370 = arith.constant 0 : i32
        %dma_wait3A_371 = tpu.memref_slice %arg8[%dma_wait3A_369, %dma_wait3A_370] : memref<16x128xi32, #tpu.memory_space<vmem>> -> memref<1x128xi32, #tpu.memory_space<vmem>>
        %dma_wait3A_372 = tpu.memref_squeeze %dma_wait3A_371 : memref<1x128xi32, #tpu.memory_space<vmem>> -> memref<128xi32, #tpu.memory_space<vmem>>
        %dma_wait3A_373 = arith.constant 0 : i32
        %dma_wait3A_374 = arith.constant 0 : i32
        %dma_wait3A_375 = arith.constant 0 : i32
        %dma_wait3A_376 = tpu.memref_slice %arg11[%dma_wait3A_373, %dma_wait3A_374, %dma_wait3A_375] : memref<10240x2x128xbf16, #tpu.memory_space<vmem_shared>> -> memref<10240x2x128xbf16, #tpu.memory_space<vmem_shared>>
        tpu.wait_indirect_dma semaphore(%arg15 : memref<!tpu.dma_semaphore, #tpu.memory_space<semaphore_mem>>) src(%arg10 : memref<128x2x128xbf16, #tpu.memory_space<vmem>>) dst(%dma_wait3A_376 : memref<10240x2x128xbf16, #tpu.memory_space<vmem_shared>>)
        %dma_start3A_377 = arith.constant 11 : i32
        %dma_start3A_378 = arith.constant 0 : i32
        %dma_start3A_379 = tpu.memref_slice %arg7[%dma_start3A_377, %dma_start3A_378] : memref<16x128xi32, #tpu.memory_space<vmem>> -> memref<1x128xi32, #tpu.memory_space<vmem>>
        %dma_start3A_380 = tpu.memref_squeeze %dma_start3A_379 : memref<1x128xi32, #tpu.memory_space<vmem>> -> memref<128xi32, #tpu.memory_space<vmem>>
        %dma_start3A_381 = arith.constant 0 : i32
        %dma_start3A_382 = arith.constant 0 : i32
        %dma_start3A_383 = arith.constant 0 : i32
        %dma_start3A_384 = tpu.memref_slice %arg2[%dma_start3A_381, %dma_start3A_382, %dma_start3A_383] : memref<10240x2x128xbf16, #tpu.memory_space<hbm>> -> memref<10240x2x128xbf16, #tpu.memory_space<hbm>>
        tpu.enqueue_indirect_dma source(%dma_start3A_384 : memref<10240x2x128xbf16, #tpu.memory_space<hbm>>) target(%arg10 : memref<128x2x128xbf16, #tpu.memory_space<vmem>>) offsets(%dma_start3A_380 : memref<128xi32, #tpu.memory_space<vmem>>) semaphore(%arg13 : memref<!tpu.dma_semaphore, #tpu.memory_space<semaphore_mem>>)
        %dma_start3A_385 = arith.constant 10 : i32
        %dma_start3A_386 = arith.constant 0 : i32
        %dma_start3A_387 = tpu.memref_slice %arg8[%dma_start3A_385, %dma_start3A_386] : memref<16x128xi32, #tpu.memory_space<vmem>> -> memref<1x128xi32, #tpu.memory_space<vmem>>
        %dma_start3A_388 = tpu.memref_squeeze %dma_start3A_387 : memref<1x128xi32, #tpu.memory_space<vmem>> -> memref<128xi32, #tpu.memory_space<vmem>>
        %dma_start3A_389 = arith.constant 0 : i32
        %dma_start3A_390 = arith.constant 0 : i32
        %dma_start3A_391 = arith.constant 0 : i32
        %dma_start3A_392 = tpu.memref_slice %arg11[%dma_start3A_389, %dma_start3A_390, %dma_start3A_391] : memref<10240x2x128xbf16, #tpu.memory_space<vmem_shared>> -> memref<10240x2x128xbf16, #tpu.memory_space<vmem_shared>>
        tpu.enqueue_indirect_dma source(%arg9 : memref<128x2x128xbf16, #tpu.memory_space<vmem>>) target(%dma_start3A_392 : memref<10240x2x128xbf16, #tpu.memory_space<vmem_shared>>) offsets(%dma_start3A_388 : memref<128xi32, #tpu.memory_space<vmem>>) semaphore(%arg14 : memref<!tpu.dma_semaphore, #tpu.memory_space<semaphore_mem>>) {add = true}
        %dma_wait3A_393 = arith.constant 11 : i32
        %dma_wait3A_394 = arith.constant 0 : i32
        %dma_wait3A_395 = tpu.memref_slice %arg7[%dma_wait3A_393, %dma_wait3A_394] : memref<16x128xi32, #tpu.memory_space<vmem>> -> memref<1x128xi32, #tpu.memory_space<vmem>>
        %dma_wait3A_396 = tpu.memref_squeeze %dma_wait3A_395 : memref<1x128xi32, #tpu.memory_space<vmem>> -> memref<128xi32, #tpu.memory_space<vmem>>
        %dma_wait3A_397 = arith.constant 0 : i32
        %dma_wait3A_398 = arith.constant 0 : i32
        %dma_wait3A_399 = arith.constant 0 : i32
        %dma_wait3A_400 = tpu.memref_slice %arg2[%dma_wait3A_397, %dma_wait3A_398, %dma_wait3A_399] : memref<10240x2x128xbf16, #tpu.memory_space<hbm>> -> memref<10240x2x128xbf16, #tpu.memory_space<hbm>>
        tpu.wait_indirect_dma semaphore(%arg13 : memref<!tpu.dma_semaphore, #tpu.memory_space<semaphore_mem>>) src(%dma_wait3A_400 : memref<10240x2x128xbf16, #tpu.memory_space<hbm>>) dst(%arg10 : memref<128x2x128xbf16, #tpu.memory_space<vmem>>)
        %dma_wait3A_401 = arith.constant 10 : i32
        %dma_wait3A_402 = arith.constant 0 : i32
        %dma_wait3A_403 = tpu.memref_slice %arg8[%dma_wait3A_401, %dma_wait3A_402] : memref<16x128xi32, #tpu.memory_space<vmem>> -> memref<1x128xi32, #tpu.memory_space<vmem>>
        %dma_wait3A_404 = tpu.memref_squeeze %dma_wait3A_403 : memref<1x128xi32, #tpu.memory_space<vmem>> -> memref<128xi32, #tpu.memory_space<vmem>>
        %dma_wait3A_405 = arith.constant 0 : i32
        %dma_wait3A_406 = arith.constant 0 : i32
        %dma_wait3A_407 = arith.constant 0 : i32
        %dma_wait3A_408 = tpu.memref_slice %arg11[%dma_wait3A_405, %dma_wait3A_406, %dma_wait3A_407] : memref<10240x2x128xbf16, #tpu.memory_space<vmem_shared>> -> memref<10240x2x128xbf16, #tpu.memory_space<vmem_shared>>
        tpu.wait_indirect_dma semaphore(%arg14 : memref<!tpu.dma_semaphore, #tpu.memory_space<semaphore_mem>>) src(%arg9 : memref<128x2x128xbf16, #tpu.memory_space<vmem>>) dst(%dma_wait3A_408 : memref<10240x2x128xbf16, #tpu.memory_space<vmem_shared>>)
        %dma_start3A_409 = arith.constant 12 : i32
        %dma_start3A_410 = arith.constant 0 : i32
        %dma_start3A_411 = tpu.memref_slice %arg7[%dma_start3A_409, %dma_start3A_410] : memref<16x128xi32, #tpu.memory_space<vmem>> -> memref<1x128xi32, #tpu.memory_space<vmem>>
        %dma_start3A_412 = tpu.memref_squeeze %dma_start3A_411 : memref<1x128xi32, #tpu.memory_space<vmem>> -> memref<128xi32, #tpu.memory_space<vmem>>
        %dma_start3A_413 = arith.constant 0 : i32
        %dma_start3A_414 = arith.constant 0 : i32
        %dma_start3A_415 = arith.constant 0 : i32
        %dma_start3A_416 = tpu.memref_slice %arg2[%dma_start3A_413, %dma_start3A_414, %dma_start3A_415] : memref<10240x2x128xbf16, #tpu.memory_space<hbm>> -> memref<10240x2x128xbf16, #tpu.memory_space<hbm>>
        tpu.enqueue_indirect_dma source(%dma_start3A_416 : memref<10240x2x128xbf16, #tpu.memory_space<hbm>>) target(%arg9 : memref<128x2x128xbf16, #tpu.memory_space<vmem>>) offsets(%dma_start3A_412 : memref<128xi32, #tpu.memory_space<vmem>>) semaphore(%arg12 : memref<!tpu.dma_semaphore, #tpu.memory_space<semaphore_mem>>)
        %dma_start3A_417 = arith.constant 11 : i32
        %dma_start3A_418 = arith.constant 0 : i32
        %dma_start3A_419 = tpu.memref_slice %arg8[%dma_start3A_417, %dma_start3A_418] : memref<16x128xi32, #tpu.memory_space<vmem>> -> memref<1x128xi32, #tpu.memory_space<vmem>>
        %dma_start3A_420 = tpu.memref_squeeze %dma_start3A_419 : memref<1x128xi32, #tpu.memory_space<vmem>> -> memref<128xi32, #tpu.memory_space<vmem>>
        %dma_start3A_421 = arith.constant 0 : i32
        %dma_start3A_422 = arith.constant 0 : i32
        %dma_start3A_423 = arith.constant 0 : i32
        %dma_start3A_424 = tpu.memref_slice %arg11[%dma_start3A_421, %dma_start3A_422, %dma_start3A_423] : memref<10240x2x128xbf16, #tpu.memory_space<vmem_shared>> -> memref<10240x2x128xbf16, #tpu.memory_space<vmem_shared>>
        tpu.enqueue_indirect_dma source(%arg10 : memref<128x2x128xbf16, #tpu.memory_space<vmem>>) target(%dma_start3A_424 : memref<10240x2x128xbf16, #tpu.memory_space<vmem_shared>>) offsets(%dma_start3A_420 : memref<128xi32, #tpu.memory_space<vmem>>) semaphore(%arg15 : memref<!tpu.dma_semaphore, #tpu.memory_space<semaphore_mem>>) {add = true}
        %dma_wait3A_425 = arith.constant 12 : i32
        %dma_wait3A_426 = arith.constant 0 : i32
        %dma_wait3A_427 = tpu.memref_slice %arg7[%dma_wait3A_425, %dma_wait3A_426] : memref<16x128xi32, #tpu.memory_space<vmem>> -> memref<1x128xi32, #tpu.memory_space<vmem>>
        %dma_wait3A_428 = tpu.memref_squeeze %dma_wait3A_427 : memref<1x128xi32, #tpu.memory_space<vmem>> -> memref<128xi32, #tpu.memory_space<vmem>>
        %dma_wait3A_429 = arith.constant 0 : i32
        %dma_wait3A_430 = arith.constant 0 : i32
        %dma_wait3A_431 = arith.constant 0 : i32
        %dma_wait3A_432 = tpu.memref_slice %arg2[%dma_wait3A_429, %dma_wait3A_430, %dma_wait3A_431] : memref<10240x2x128xbf16, #tpu.memory_space<hbm>> -> memref<10240x2x128xbf16, #tpu.memory_space<hbm>>
        tpu.wait_indirect_dma semaphore(%arg12 : memref<!tpu.dma_semaphore, #tpu.memory_space<semaphore_mem>>) src(%dma_wait3A_432 : memref<10240x2x128xbf16, #tpu.memory_space<hbm>>) dst(%arg9 : memref<128x2x128xbf16, #tpu.memory_space<vmem>>)
        %dma_wait3A_433 = arith.constant 11 : i32
        %dma_wait3A_434 = arith.constant 0 : i32
        %dma_wait3A_435 = tpu.memref_slice %arg8[%dma_wait3A_433, %dma_wait3A_434] : memref<16x128xi32, #tpu.memory_space<vmem>> -> memref<1x128xi32, #tpu.memory_space<vmem>>
        %dma_wait3A_436 = tpu.memref_squeeze %dma_wait3A_435 : memref<1x128xi32, #tpu.memory_space<vmem>> -> memref<128xi32, #tpu.memory_space<vmem>>
        %dma_wait3A_437 = arith.constant 0 : i32
        %dma_wait3A_438 = arith.constant 0 : i32
        %dma_wait3A_439 = arith.constant 0 : i32
        %dma_wait3A_440 = tpu.memref_slice %arg11[%dma_wait3A_437, %dma_wait3A_438, %dma_wait3A_439] : memref<10240x2x128xbf16, #tpu.memory_space<vmem_shared>> -> memref<10240x2x128xbf16, #tpu.memory_space<vmem_shared>>
        tpu.wait_indirect_dma semaphore(%arg15 : memref<!tpu.dma_semaphore, #tpu.memory_space<semaphore_mem>>) src(%arg10 : memref<128x2x128xbf16, #tpu.memory_space<vmem>>) dst(%dma_wait3A_440 : memref<10240x2x128xbf16, #tpu.memory_space<vmem_shared>>)
        %dma_start3A_441 = arith.constant 13 : i32
        %dma_start3A_442 = arith.constant 0 : i32
        %dma_start3A_443 = tpu.memref_slice %arg7[%dma_start3A_441, %dma_start3A_442] : memref<16x128xi32, #tpu.memory_space<vmem>> -> memref<1x128xi32, #tpu.memory_space<vmem>>
        %dma_start3A_444 = tpu.memref_squeeze %dma_start3A_443 : memref<1x128xi32, #tpu.memory_space<vmem>> -> memref<128xi32, #tpu.memory_space<vmem>>
        %dma_start3A_445 = arith.constant 0 : i32
        %dma_start3A_446 = arith.constant 0 : i32
        %dma_start3A_447 = arith.constant 0 : i32
        %dma_start3A_448 = tpu.memref_slice %arg2[%dma_start3A_445, %dma_start3A_446, %dma_start3A_447] : memref<10240x2x128xbf16, #tpu.memory_space<hbm>> -> memref<10240x2x128xbf16, #tpu.memory_space<hbm>>
        tpu.enqueue_indirect_dma source(%dma_start3A_448 : memref<10240x2x128xbf16, #tpu.memory_space<hbm>>) target(%arg10 : memref<128x2x128xbf16, #tpu.memory_space<vmem>>) offsets(%dma_start3A_444 : memref<128xi32, #tpu.memory_space<vmem>>) semaphore(%arg13 : memref<!tpu.dma_semaphore, #tpu.memory_space<semaphore_mem>>)
        %dma_start3A_449 = arith.constant 12 : i32
        %dma_start3A_450 = arith.constant 0 : i32
        %dma_start3A_451 = tpu.memref_slice %arg8[%dma_start3A_449, %dma_start3A_450] : memref<16x128xi32, #tpu.memory_space<vmem>> -> memref<1x128xi32, #tpu.memory_space<vmem>>
        %dma_start3A_452 = tpu.memref_squeeze %dma_start3A_451 : memref<1x128xi32, #tpu.memory_space<vmem>> -> memref<128xi32, #tpu.memory_space<vmem>>
        %dma_start3A_453 = arith.constant 0 : i32
        %dma_start3A_454 = arith.constant 0 : i32
        %dma_start3A_455 = arith.constant 0 : i32
        %dma_start3A_456 = tpu.memref_slice %arg11[%dma_start3A_453, %dma_start3A_454, %dma_start3A_455] : memref<10240x2x128xbf16, #tpu.memory_space<vmem_shared>> -> memref<10240x2x128xbf16, #tpu.memory_space<vmem_shared>>
        tpu.enqueue_indirect_dma source(%arg9 : memref<128x2x128xbf16, #tpu.memory_space<vmem>>) target(%dma_start3A_456 : memref<10240x2x128xbf16, #tpu.memory_space<vmem_shared>>) offsets(%dma_start3A_452 : memref<128xi32, #tpu.memory_space<vmem>>) semaphore(%arg14 : memref<!tpu.dma_semaphore, #tpu.memory_space<semaphore_mem>>) {add = true}
        %dma_wait3A_457 = arith.constant 13 : i32
        %dma_wait3A_458 = arith.constant 0 : i32
        %dma_wait3A_459 = tpu.memref_slice %arg7[%dma_wait3A_457, %dma_wait3A_458] : memref<16x128xi32, #tpu.memory_space<vmem>> -> memref<1x128xi32, #tpu.memory_space<vmem>>
        %dma_wait3A_460 = tpu.memref_squeeze %dma_wait3A_459 : memref<1x128xi32, #tpu.memory_space<vmem>> -> memref<128xi32, #tpu.memory_space<vmem>>
        %dma_wait3A_461 = arith.constant 0 : i32
        %dma_wait3A_462 = arith.constant 0 : i32
        %dma_wait3A_463 = arith.constant 0 : i32
        %dma_wait3A_464 = tpu.memref_slice %arg2[%dma_wait3A_461, %dma_wait3A_462, %dma_wait3A_463] : memref<10240x2x128xbf16, #tpu.memory_space<hbm>> -> memref<10240x2x128xbf16, #tpu.memory_space<hbm>>
        tpu.wait_indirect_dma semaphore(%arg13 : memref<!tpu.dma_semaphore, #tpu.memory_space<semaphore_mem>>) src(%dma_wait3A_464 : memref<10240x2x128xbf16, #tpu.memory_space<hbm>>) dst(%arg10 : memref<128x2x128xbf16, #tpu.memory_space<vmem>>)
        %dma_wait3A_465 = arith.constant 12 : i32
        %dma_wait3A_466 = arith.constant 0 : i32
        %dma_wait3A_467 = tpu.memref_slice %arg8[%dma_wait3A_465, %dma_wait3A_466] : memref<16x128xi32, #tpu.memory_space<vmem>> -> memref<1x128xi32, #tpu.memory_space<vmem>>
        %dma_wait3A_468 = tpu.memref_squeeze %dma_wait3A_467 : memref<1x128xi32, #tpu.memory_space<vmem>> -> memref<128xi32, #tpu.memory_space<vmem>>
        %dma_wait3A_469 = arith.constant 0 : i32
        %dma_wait3A_470 = arith.constant 0 : i32
        %dma_wait3A_471 = arith.constant 0 : i32
        %dma_wait3A_472 = tpu.memref_slice %arg11[%dma_wait3A_469, %dma_wait3A_470, %dma_wait3A_471] : memref<10240x2x128xbf16, #tpu.memory_space<vmem_shared>> -> memref<10240x2x128xbf16, #tpu.memory_space<vmem_shared>>
        tpu.wait_indirect_dma semaphore(%arg14 : memref<!tpu.dma_semaphore, #tpu.memory_space<semaphore_mem>>) src(%arg9 : memref<128x2x128xbf16, #tpu.memory_space<vmem>>) dst(%dma_wait3A_472 : memref<10240x2x128xbf16, #tpu.memory_space<vmem_shared>>)
        %dma_start3A_473 = arith.constant 14 : i32
        %dma_start3A_474 = arith.constant 0 : i32
        %dma_start3A_475 = tpu.memref_slice %arg7[%dma_start3A_473, %dma_start3A_474] : memref<16x128xi32, #tpu.memory_space<vmem>> -> memref<1x128xi32, #tpu.memory_space<vmem>>
        %dma_start3A_476 = tpu.memref_squeeze %dma_start3A_475 : memref<1x128xi32, #tpu.memory_space<vmem>> -> memref<128xi32, #tpu.memory_space<vmem>>
        %dma_start3A_477 = arith.constant 0 : i32
        %dma_start3A_478 = arith.constant 0 : i32
        %dma_start3A_479 = arith.constant 0 : i32
        %dma_start3A_480 = tpu.memref_slice %arg2[%dma_start3A_477, %dma_start3A_478, %dma_start3A_479] : memref<10240x2x128xbf16, #tpu.memory_space<hbm>> -> memref<10240x2x128xbf16, #tpu.memory_space<hbm>>
        tpu.enqueue_indirect_dma source(%dma_start3A_480 : memref<10240x2x128xbf16, #tpu.memory_space<hbm>>) target(%arg9 : memref<128x2x128xbf16, #tpu.memory_space<vmem>>) offsets(%dma_start3A_476 : memref<128xi32, #tpu.memory_space<vmem>>) semaphore(%arg12 : memref<!tpu.dma_semaphore, #tpu.memory_space<semaphore_mem>>)
        %dma_start3A_481 = arith.constant 13 : i32
        %dma_start3A_482 = arith.constant 0 : i32
        %dma_start3A_483 = tpu.memref_slice %arg8[%dma_start3A_481, %dma_start3A_482] : memref<16x128xi32, #tpu.memory_space<vmem>> -> memref<1x128xi32, #tpu.memory_space<vmem>>
        %dma_start3A_484 = tpu.memref_squeeze %dma_start3A_483 : memref<1x128xi32, #tpu.memory_space<vmem>> -> memref<128xi32, #tpu.memory_space<vmem>>
        %dma_start3A_485 = arith.constant 0 : i32
        %dma_start3A_486 = arith.constant 0 : i32
        %dma_start3A_487 = arith.constant 0 : i32
        %dma_start3A_488 = tpu.memref_slice %arg11[%dma_start3A_485, %dma_start3A_486, %dma_start3A_487] : memref<10240x2x128xbf16, #tpu.memory_space<vmem_shared>> -> memref<10240x2x128xbf16, #tpu.memory_space<vmem_shared>>
        tpu.enqueue_indirect_dma source(%arg10 : memref<128x2x128xbf16, #tpu.memory_space<vmem>>) target(%dma_start3A_488 : memref<10240x2x128xbf16, #tpu.memory_space<vmem_shared>>) offsets(%dma_start3A_484 : memref<128xi32, #tpu.memory_space<vmem>>) semaphore(%arg15 : memref<!tpu.dma_semaphore, #tpu.memory_space<semaphore_mem>>) {add = true}
        %dma_wait3A_489 = arith.constant 14 : i32
        %dma_wait3A_490 = arith.constant 0 : i32
        %dma_wait3A_491 = tpu.memref_slice %arg7[%dma_wait3A_489, %dma_wait3A_490] : memref<16x128xi32, #tpu.memory_space<vmem>> -> memref<1x128xi32, #tpu.memory_space<vmem>>
        %dma_wait3A_492 = tpu.memref_squeeze %dma_wait3A_491 : memref<1x128xi32, #tpu.memory_space<vmem>> -> memref<128xi32, #tpu.memory_space<vmem>>
        %dma_wait3A_493 = arith.constant 0 : i32
        %dma_wait3A_494 = arith.constant 0 : i32
        %dma_wait3A_495 = arith.constant 0 : i32
        %dma_wait3A_496 = tpu.memref_slice %arg2[%dma_wait3A_493, %dma_wait3A_494, %dma_wait3A_495] : memref<10240x2x128xbf16, #tpu.memory_space<hbm>> -> memref<10240x2x128xbf16, #tpu.memory_space<hbm>>
        tpu.wait_indirect_dma semaphore(%arg12 : memref<!tpu.dma_semaphore, #tpu.memory_space<semaphore_mem>>) src(%dma_wait3A_496 : memref<10240x2x128xbf16, #tpu.memory_space<hbm>>) dst(%arg9 : memref<128x2x128xbf16, #tpu.memory_space<vmem>>)
        %dma_wait3A_497 = arith.constant 13 : i32
        %dma_wait3A_498 = arith.constant 0 : i32
        %dma_wait3A_499 = tpu.memref_slice %arg8[%dma_wait3A_497, %dma_wait3A_498] : memref<16x128xi32, #tpu.memory_space<vmem>> -> memref<1x128xi32, #tpu.memory_space<vmem>>
        %dma_wait3A_500 = tpu.memref_squeeze %dma_wait3A_499 : memref<1x128xi32, #tpu.memory_space<vmem>> -> memref<128xi32, #tpu.memory_space<vmem>>
        %dma_wait3A_501 = arith.constant 0 : i32
        %dma_wait3A_502 = arith.constant 0 : i32
        %dma_wait3A_503 = arith.constant 0 : i32
        %dma_wait3A_504 = tpu.memref_slice %arg11[%dma_wait3A_501, %dma_wait3A_502, %dma_wait3A_503] : memref<10240x2x128xbf16, #tpu.memory_space<vmem_shared>> -> memref<10240x2x128xbf16, #tpu.memory_space<vmem_shared>>
        tpu.wait_indirect_dma semaphore(%arg15 : memref<!tpu.dma_semaphore, #tpu.memory_space<semaphore_mem>>) src(%arg10 : memref<128x2x128xbf16, #tpu.memory_space<vmem>>) dst(%dma_wait3A_504 : memref<10240x2x128xbf16, #tpu.memory_space<vmem_shared>>)
        %dma_start3A_505 = arith.constant 15 : i32
        %dma_start3A_506 = arith.constant 0 : i32
        %dma_start3A_507 = tpu.memref_slice %arg7[%dma_start3A_505, %dma_start3A_506] : memref<16x128xi32, #tpu.memory_space<vmem>> -> memref<1x128xi32, #tpu.memory_space<vmem>>
        %dma_start3A_508 = tpu.memref_squeeze %dma_start3A_507 : memref<1x128xi32, #tpu.memory_space<vmem>> -> memref<128xi32, #tpu.memory_space<vmem>>
        %dma_start3A_509 = arith.constant 0 : i32
        %dma_start3A_510 = arith.constant 0 : i32
        %dma_start3A_511 = arith.constant 0 : i32
        %dma_start3A_512 = tpu.memref_slice %arg2[%dma_start3A_509, %dma_start3A_510, %dma_start3A_511] : memref<10240x2x128xbf16, #tpu.memory_space<hbm>> -> memref<10240x2x128xbf16, #tpu.memory_space<hbm>>
        tpu.enqueue_indirect_dma source(%dma_start3A_512 : memref<10240x2x128xbf16, #tpu.memory_space<hbm>>) target(%arg10 : memref<128x2x128xbf16, #tpu.memory_space<vmem>>) offsets(%dma_start3A_508 : memref<128xi32, #tpu.memory_space<vmem>>) semaphore(%arg13 : memref<!tpu.dma_semaphore, #tpu.memory_space<semaphore_mem>>)
        %dma_start3A_513 = arith.constant 14 : i32
        %dma_start3A_514 = arith.constant 0 : i32
        %dma_start3A_515 = tpu.memref_slice %arg8[%dma_start3A_513, %dma_start3A_514] : memref<16x128xi32, #tpu.memory_space<vmem>> -> memref<1x128xi32, #tpu.memory_space<vmem>>
        %dma_start3A_516 = tpu.memref_squeeze %dma_start3A_515 : memref<1x128xi32, #tpu.memory_space<vmem>> -> memref<128xi32, #tpu.memory_space<vmem>>
        %dma_start3A_517 = arith.constant 0 : i32
        %dma_start3A_518 = arith.constant 0 : i32
        %dma_start3A_519 = arith.constant 0 : i32
        %dma_start3A_520 = tpu.memref_slice %arg11[%dma_start3A_517, %dma_start3A_518, %dma_start3A_519] : memref<10240x2x128xbf16, #tpu.memory_space<vmem_shared>> -> memref<10240x2x128xbf16, #tpu.memory_space<vmem_shared>>
        tpu.enqueue_indirect_dma source(%arg9 : memref<128x2x128xbf16, #tpu.memory_space<vmem>>) target(%dma_start3A_520 : memref<10240x2x128xbf16, #tpu.memory_space<vmem_shared>>) offsets(%dma_start3A_516 : memref<128xi32, #tpu.memory_space<vmem>>) semaphore(%arg14 : memref<!tpu.dma_semaphore, #tpu.memory_space<semaphore_mem>>) {add = true}
        %dma_wait3A_521 = arith.constant 15 : i32
        %dma_wait3A_522 = arith.constant 0 : i32
        %dma_wait3A_523 = tpu.memref_slice %arg7[%dma_wait3A_521, %dma_wait3A_522] : memref<16x128xi32, #tpu.memory_space<vmem>> -> memref<1x128xi32, #tpu.memory_space<vmem>>
        %dma_wait3A_524 = tpu.memref_squeeze %dma_wait3A_523 : memref<1x128xi32, #tpu.memory_space<vmem>> -> memref<128xi32, #tpu.memory_space<vmem>>
        %dma_wait3A_525 = arith.constant 0 : i32
        %dma_wait3A_526 = arith.constant 0 : i32
        %dma_wait3A_527 = arith.constant 0 : i32
        %dma_wait3A_528 = tpu.memref_slice %arg2[%dma_wait3A_525, %dma_wait3A_526, %dma_wait3A_527] : memref<10240x2x128xbf16, #tpu.memory_space<hbm>> -> memref<10240x2x128xbf16, #tpu.memory_space<hbm>>
        tpu.wait_indirect_dma semaphore(%arg13 : memref<!tpu.dma_semaphore, #tpu.memory_space<semaphore_mem>>) src(%dma_wait3A_528 : memref<10240x2x128xbf16, #tpu.memory_space<hbm>>) dst(%arg10 : memref<128x2x128xbf16, #tpu.memory_space<vmem>>)
        %dma_start3A_529 = arith.constant 15 : i32
        %dma_start3A_530 = arith.constant 0 : i32
        %dma_start3A_531 = tpu.memref_slice %arg8[%dma_start3A_529, %dma_start3A_530] : memref<16x128xi32, #tpu.memory_space<vmem>> -> memref<1x128xi32, #tpu.memory_space<vmem>>
        %dma_start3A_532 = tpu.memref_squeeze %dma_start3A_531 : memref<1x128xi32, #tpu.memory_space<vmem>> -> memref<128xi32, #tpu.memory_space<vmem>>
        %dma_start3A_533 = arith.constant 0 : i32
        %dma_start3A_534 = arith.constant 0 : i32
        %dma_start3A_535 = arith.constant 0 : i32
        %dma_start3A_536 = tpu.memref_slice %arg11[%dma_start3A_533, %dma_start3A_534, %dma_start3A_535] : memref<10240x2x128xbf16, #tpu.memory_space<vmem_shared>> -> memref<10240x2x128xbf16, #tpu.memory_space<vmem_shared>>
        tpu.enqueue_indirect_dma source(%arg10 : memref<128x2x128xbf16, #tpu.memory_space<vmem>>) target(%dma_start3A_536 : memref<10240x2x128xbf16, #tpu.memory_space<vmem_shared>>) offsets(%dma_start3A_532 : memref<128xi32, #tpu.memory_space<vmem>>) semaphore(%arg15 : memref<!tpu.dma_semaphore, #tpu.memory_space<semaphore_mem>>) {add = true}
        %dma_wait3A_537 = arith.constant 15 : i32
        %dma_wait3A_538 = arith.constant 0 : i32
        %dma_wait3A_539 = tpu.memref_slice %arg8[%dma_wait3A_537, %dma_wait3A_538] : memref<16x128xi32, #tpu.memory_space<vmem>> -> memref<1x128xi32, #tpu.memory_space<vmem>>
        %dma_wait3A_540 = tpu.memref_squeeze %dma_wait3A_539 : memref<1x128xi32, #tpu.memory_space<vmem>> -> memref<128xi32, #tpu.memory_space<vmem>>
        %dma_wait3A_541 = arith.constant 0 : i32
        %dma_wait3A_542 = arith.constant 0 : i32
        %dma_wait3A_543 = arith.constant 0 : i32
        %dma_wait3A_544 = tpu.memref_slice %arg11[%dma_wait3A_541, %dma_wait3A_542, %dma_wait3A_543] : memref<10240x2x128xbf16, #tpu.memory_space<vmem_shared>> -> memref<10240x2x128xbf16, #tpu.memory_space<vmem_shared>>
        tpu.wait_indirect_dma semaphore(%arg15 : memref<!tpu.dma_semaphore, #tpu.memory_space<semaphore_mem>>) src(%arg10 : memref<128x2x128xbf16, #tpu.memory_space<vmem>>) dst(%dma_wait3A_544 : memref<10240x2x128xbf16, #tpu.memory_space<vmem_shared>>)
        %dma_wait3A_545 = arith.constant 14 : i32
        %dma_wait3A_546 = arith.constant 0 : i32
        %dma_wait3A_547 = tpu.memref_slice %arg8[%dma_wait3A_545, %dma_wait3A_546] : memref<16x128xi32, #tpu.memory_space<vmem>> -> memref<1x128xi32, #tpu.memory_space<vmem>>
        %dma_wait3A_548 = tpu.memref_squeeze %dma_wait3A_547 : memref<1x128xi32, #tpu.memory_space<vmem>> -> memref<128xi32, #tpu.memory_space<vmem>>
        %dma_wait3A_549 = arith.constant 0 : i32
        %dma_wait3A_550 = arith.constant 0 : i32
        %dma_wait3A_551 = arith.constant 0 : i32
        %dma_wait3A_552 = tpu.memref_slice %arg11[%dma_wait3A_549, %dma_wait3A_550, %dma_wait3A_551] : memref<10240x2x128xbf16, #tpu.memory_space<vmem_shared>> -> memref<10240x2x128xbf16, #tpu.memory_space<vmem_shared>>
        tpu.wait_indirect_dma semaphore(%arg14 : memref<!tpu.dma_semaphore, #tpu.memory_space<semaphore_mem>>) src(%arg9 : memref<128x2x128xbf16, #tpu.memory_space<vmem>>) dst(%dma_wait3A_552 : memref<10240x2x128xbf16, #tpu.memory_space<vmem_shared>>)
      }
      %scan3A_38 = arith.constant 9 : i32
    } else {
    }
    %eq3A_20 = arith.constant 1 : i32
    %eq3A_21 = arith.cmpi eq, %arg0, %eq3A_20 : i32
    %convert_element_type3A_22 = arith.extui %eq3A_21 : i1 to i32
    %cond3A_23 = arith.constant 0 : i32
    %cond3A_24 = arith.cmpi ne, %convert_element_type3A_22, %cond3A_23 : i32
    scf.if %cond3A_24 {
      %mul3A_30 = arith.constant 16 : i32
      %mul3A_31 = arith.muli %arg1, %mul3A_30 : i32
      %add3A_32 = arith.constant 2304 : i32
      %add3A_33 = arith.addi %add3A_32, %mul3A_31 : i32
      %scan3A = arith.constant 0 : i32
      %scan3A_34 = arith.constant 0 : i32
      %mul3A_35 = arith.constant 16 : i32
      %mul3A_36 = arith.muli %scan3A_34, %mul3A_35 : i32
      %add3A_37 = arith.addi %add3A_33, %mul3A_36 : i32
      "tpu.region"() ({
        %run_scoped3A = tpu.sem_alloc : memref<!tpu.dma_semaphore, #tpu.memory_space<semaphore_mem>>
        %dma_start3A_549 = arith.constant 0 : i32
        %dma_start3A_550 = tpu.memref_slice %arg5[%add3A_37, %dma_start3A_549] : memref<2560x128xi32, #tpu.memory_space<hbm>> -> memref<16x128xi32, #tpu.memory_space<hbm>>
        %dma_start3A_551 = arith.constant 0 : i32
        %dma_start3A_552 = tpu.memref_slice %arg5[%add3A_37, %dma_start3A_551] : memref<2560x128xi32, #tpu.memory_space<hbm>> -> memref<16x128xi32, #tpu.memory_space<hbm>>
        tpu.enqueue_dma source(%dma_start3A_552 : memref<16x128xi32, #tpu.memory_space<hbm>>) target(%arg8 : memref<16x128xi32, #tpu.memory_space<vmem>>) target_semaphore(%run_scoped3A : memref<!tpu.dma_semaphore, #tpu.memory_space<semaphore_mem>>)
        %dma_wait3A_553 = arith.constant 0 : i32
        %dma_wait3A_554 = tpu.memref_slice %arg5[%add3A_37, %dma_wait3A_553] : memref<2560x128xi32, #tpu.memory_space<hbm>> -> memref<16x128xi32, #tpu.memory_space<hbm>>
        %dma_wait3A_555 = arith.constant 0 : i32
        %dma_wait3A_556 = tpu.memref_slice %arg5[%add3A_37, %dma_wait3A_555] : memref<2560x128xi32, #tpu.memory_space<hbm>> -> memref<16x128xi32, #tpu.memory_space<hbm>>
        tpu.wait_dma2 semaphore(%run_scoped3A : memref<!tpu.dma_semaphore, #tpu.memory_space<semaphore_mem>>) src(%dma_wait3A_556 : memref<16x128xi32, #tpu.memory_space<hbm>>) dst(%arg8 : memref<16x128xi32, #tpu.memory_space<vmem>>)
        tpu.yield
      }) : () -> ()
      "tpu.region"() ({
        %run_scoped3A = tpu.sem_alloc : memref<!tpu.dma_semaphore, #tpu.memory_space<semaphore_mem>>
        %dma_start3A_549 = arith.constant 0 : i32
        %dma_start3A_550 = tpu.memref_slice %arg4[%add3A_37, %dma_start3A_549] : memref<2560x128xi32, #tpu.memory_space<hbm>> -> memref<16x128xi32, #tpu.memory_space<hbm>>
        %dma_start3A_551 = arith.constant 0 : i32
        %dma_start3A_552 = tpu.memref_slice %arg4[%add3A_37, %dma_start3A_551] : memref<2560x128xi32, #tpu.memory_space<hbm>> -> memref<16x128xi32, #tpu.memory_space<hbm>>
        tpu.enqueue_dma source(%dma_start3A_552 : memref<16x128xi32, #tpu.memory_space<hbm>>) target(%arg7 : memref<16x128xi32, #tpu.memory_space<vmem>>) target_semaphore(%run_scoped3A : memref<!tpu.dma_semaphore, #tpu.memory_space<semaphore_mem>>)
        %dma_wait3A_553 = arith.constant 0 : i32
        %dma_wait3A_554 = tpu.memref_slice %arg4[%add3A_37, %dma_wait3A_553] : memref<2560x128xi32, #tpu.memory_space<hbm>> -> memref<16x128xi32, #tpu.memory_space<hbm>>
        %dma_wait3A_555 = arith.constant 0 : i32
        %dma_wait3A_556 = tpu.memref_slice %arg4[%add3A_37, %dma_wait3A_555] : memref<2560x128xi32, #tpu.memory_space<hbm>> -> memref<16x128xi32, #tpu.memory_space<hbm>>
        tpu.wait_dma2 semaphore(%run_scoped3A : memref<!tpu.dma_semaphore, #tpu.memory_space<semaphore_mem>>) src(%dma_wait3A_556 : memref<16x128xi32, #tpu.memory_space<hbm>>) dst(%arg7 : memref<16x128xi32, #tpu.memory_space<vmem>>)
        tpu.yield
      }) : () -> ()
      %dma_start3A = arith.constant 0 : i32
      %dma_start3A_38 = arith.constant 0 : i32
      %dma_start3A_39 = tpu.memref_slice %arg7[%dma_start3A, %dma_start3A_38] : memref<16x128xi32, #tpu.memory_space<vmem>> -> memref<1x128xi32, #tpu.memory_space<vmem>>
      %dma_start3A_40 = tpu.memref_squeeze %dma_start3A_39 : memref<1x128xi32, #tpu.memory_space<vmem>> -> memref<128xi32, #tpu.memory_space<vmem>>
      %dma_start3A_41 = arith.constant 0 : i32
      %dma_start3A_42 = arith.constant 0 : i32
      %dma_start3A_43 = arith.constant 0 : i32
      %dma_start3A_44 = tpu.memref_slice %arg2[%dma_start3A_41, %dma_start3A_42, %dma_start3A_43] : memref<10240x2x128xbf16, #tpu.memory_space<hbm>> -> memref<10240x2x128xbf16, #tpu.memory_space<hbm>>
      tpu.enqueue_indirect_dma source(%dma_start3A_44 : memref<10240x2x128xbf16, #tpu.memory_space<hbm>>) target(%arg9 : memref<128x2x128xbf16, #tpu.memory_space<vmem>>) offsets(%dma_start3A_40 : memref<128xi32, #tpu.memory_space<vmem>>) semaphore(%arg12 : memref<!tpu.dma_semaphore, #tpu.memory_space<semaphore_mem>>)
      %dma_wait3A = arith.constant 0 : i32
      %dma_wait3A_45 = arith.constant 0 : i32
      %dma_wait3A_46 = tpu.memref_slice %arg7[%dma_wait3A, %dma_wait3A_45] : memref<16x128xi32, #tpu.memory_space<vmem>> -> memref<1x128xi32, #tpu.memory_space<vmem>>
      %dma_wait3A_47 = tpu.memref_squeeze %dma_wait3A_46 : memref<1x128xi32, #tpu.memory_space<vmem>> -> memref<128xi32, #tpu.memory_space<vmem>>
      %dma_wait3A_48 = arith.constant 0 : i32
      %dma_wait3A_49 = arith.constant 0 : i32
      %dma_wait3A_50 = arith.constant 0 : i32
      %dma_wait3A_51 = tpu.memref_slice %arg2[%dma_wait3A_48, %dma_wait3A_49, %dma_wait3A_50] : memref<10240x2x128xbf16, #tpu.memory_space<hbm>> -> memref<10240x2x128xbf16, #tpu.memory_space<hbm>>
      tpu.wait_indirect_dma semaphore(%arg12 : memref<!tpu.dma_semaphore, #tpu.memory_space<semaphore_mem>>) src(%dma_wait3A_51 : memref<10240x2x128xbf16, #tpu.memory_space<hbm>>) dst(%arg9 : memref<128x2x128xbf16, #tpu.memory_space<vmem>>)
      %dma_start3A_52 = arith.constant 1 : i32
      %dma_start3A_53 = arith.constant 0 : i32
      %dma_start3A_54 = tpu.memref_slice %arg7[%dma_start3A_52, %dma_start3A_53] : memref<16x128xi32, #tpu.memory_space<vmem>> -> memref<1x128xi32, #tpu.memory_space<vmem>>
      %dma_start3A_55 = tpu.memref_squeeze %dma_start3A_54 : memref<1x128xi32, #tpu.memory_space<vmem>> -> memref<128xi32, #tpu.memory_space<vmem>>
      %dma_start3A_56 = arith.constant 0 : i32
      %dma_start3A_57 = arith.constant 0 : i32
      %dma_start3A_58 = arith.constant 0 : i32
      %dma_start3A_59 = tpu.memref_slice %arg2[%dma_start3A_56, %dma_start3A_57, %dma_start3A_58] : memref<10240x2x128xbf16, #tpu.memory_space<hbm>> -> memref<10240x2x128xbf16, #tpu.memory_space<hbm>>
      tpu.enqueue_indirect_dma source(%dma_start3A_59 : memref<10240x2x128xbf16, #tpu.memory_space<hbm>>) target(%arg10 : memref<128x2x128xbf16, #tpu.memory_space<vmem>>) offsets(%dma_start3A_55 : memref<128xi32, #tpu.memory_space<vmem>>) semaphore(%arg13 : memref<!tpu.dma_semaphore, #tpu.memory_space<semaphore_mem>>)
      %dma_start3A_60 = arith.constant 0 : i32
      %dma_start3A_61 = arith.constant 0 : i32
      %dma_start3A_62 = tpu.memref_slice %arg8[%dma_start3A_60, %dma_start3A_61] : memref<16x128xi32, #tpu.memory_space<vmem>> -> memref<1x128xi32, #tpu.memory_space<vmem>>
      %dma_start3A_63 = tpu.memref_squeeze %dma_start3A_62 : memref<1x128xi32, #tpu.memory_space<vmem>> -> memref<128xi32, #tpu.memory_space<vmem>>
      %dma_start3A_64 = arith.constant 0 : i32
      %dma_start3A_65 = arith.constant 0 : i32
      %dma_start3A_66 = arith.constant 0 : i32
      %dma_start3A_67 = tpu.memref_slice %arg11[%dma_start3A_64, %dma_start3A_65, %dma_start3A_66] : memref<10240x2x128xbf16, #tpu.memory_space<vmem_shared>> -> memref<10240x2x128xbf16, #tpu.memory_space<vmem_shared>>
      tpu.enqueue_indirect_dma source(%arg9 : memref<128x2x128xbf16, #tpu.memory_space<vmem>>) target(%dma_start3A_67 : memref<10240x2x128xbf16, #tpu.memory_space<vmem_shared>>) offsets(%dma_start3A_63 : memref<128xi32, #tpu.memory_space<vmem>>) semaphore(%arg14 : memref<!tpu.dma_semaphore, #tpu.memory_space<semaphore_mem>>) {add = true}
      %dma_wait3A_68 = arith.constant 1 : i32
      %dma_wait3A_69 = arith.constant 0 : i32
      %dma_wait3A_70 = tpu.memref_slice %arg7[%dma_wait3A_68, %dma_wait3A_69] : memref<16x128xi32, #tpu.memory_space<vmem>> -> memref<1x128xi32, #tpu.memory_space<vmem>>
      %dma_wait3A_71 = tpu.memref_squeeze %dma_wait3A_70 : memref<1x128xi32, #tpu.memory_space<vmem>> -> memref<128xi32, #tpu.memory_space<vmem>>
      %dma_wait3A_72 = arith.constant 0 : i32
      %dma_wait3A_73 = arith.constant 0 : i32
      %dma_wait3A_74 = arith.constant 0 : i32
      %dma_wait3A_75 = tpu.memref_slice %arg2[%dma_wait3A_72, %dma_wait3A_73, %dma_wait3A_74] : memref<10240x2x128xbf16, #tpu.memory_space<hbm>> -> memref<10240x2x128xbf16, #tpu.memory_space<hbm>>
      tpu.wait_indirect_dma semaphore(%arg13 : memref<!tpu.dma_semaphore, #tpu.memory_space<semaphore_mem>>) src(%dma_wait3A_75 : memref<10240x2x128xbf16, #tpu.memory_space<hbm>>) dst(%arg10 : memref<128x2x128xbf16, #tpu.memory_space<vmem>>)
      %dma_wait3A_76 = arith.constant 0 : i32
      %dma_wait3A_77 = arith.constant 0 : i32
      %dma_wait3A_78 = tpu.memref_slice %arg8[%dma_wait3A_76, %dma_wait3A_77] : memref<16x128xi32, #tpu.memory_space<vmem>> -> memref<1x128xi32, #tpu.memory_space<vmem>>
      %dma_wait3A_79 = tpu.memref_squeeze %dma_wait3A_78 : memref<1x128xi32, #tpu.memory_space<vmem>> -> memref<128xi32, #tpu.memory_space<vmem>>
      %dma_wait3A_80 = arith.constant 0 : i32
      %dma_wait3A_81 = arith.constant 0 : i32
      %dma_wait3A_82 = arith.constant 0 : i32
      %dma_wait3A_83 = tpu.memref_slice %arg11[%dma_wait3A_80, %dma_wait3A_81, %dma_wait3A_82] : memref<10240x2x128xbf16, #tpu.memory_space<vmem_shared>> -> memref<10240x2x128xbf16, #tpu.memory_space<vmem_shared>>
      tpu.wait_indirect_dma semaphore(%arg14 : memref<!tpu.dma_semaphore, #tpu.memory_space<semaphore_mem>>) src(%arg9 : memref<128x2x128xbf16, #tpu.memory_space<vmem>>) dst(%dma_wait3A_83 : memref<10240x2x128xbf16, #tpu.memory_space<vmem_shared>>)
      %dma_start3A_84 = arith.constant 2 : i32
      %dma_start3A_85 = arith.constant 0 : i32
      %dma_start3A_86 = tpu.memref_slice %arg7[%dma_start3A_84, %dma_start3A_85] : memref<16x128xi32, #tpu.memory_space<vmem>> -> memref<1x128xi32, #tpu.memory_space<vmem>>
      %dma_start3A_87 = tpu.memref_squeeze %dma_start3A_86 : memref<1x128xi32, #tpu.memory_space<vmem>> -> memref<128xi32, #tpu.memory_space<vmem>>
      %dma_start3A_88 = arith.constant 0 : i32
      %dma_start3A_89 = arith.constant 0 : i32
      %dma_start3A_90 = arith.constant 0 : i32
      %dma_start3A_91 = tpu.memref_slice %arg2[%dma_start3A_88, %dma_start3A_89, %dma_start3A_90] : memref<10240x2x128xbf16, #tpu.memory_space<hbm>> -> memref<10240x2x128xbf16, #tpu.memory_space<hbm>>
      tpu.enqueue_indirect_dma source(%dma_start3A_91 : memref<10240x2x128xbf16, #tpu.memory_space<hbm>>) target(%arg9 : memref<128x2x128xbf16, #tpu.memory_space<vmem>>) offsets(%dma_start3A_87 : memref<128xi32, #tpu.memory_space<vmem>>) semaphore(%arg12 : memref<!tpu.dma_semaphore, #tpu.memory_space<semaphore_mem>>)
      %dma_start3A_92 = arith.constant 1 : i32
      %dma_start3A_93 = arith.constant 0 : i32
      %dma_start3A_94 = tpu.memref_slice %arg8[%dma_start3A_92, %dma_start3A_93] : memref<16x128xi32, #tpu.memory_space<vmem>> -> memref<1x128xi32, #tpu.memory_space<vmem>>
      %dma_start3A_95 = tpu.memref_squeeze %dma_start3A_94 : memref<1x128xi32, #tpu.memory_space<vmem>> -> memref<128xi32, #tpu.memory_space<vmem>>
      %dma_start3A_96 = arith.constant 0 : i32
      %dma_start3A_97 = arith.constant 0 : i32
      %dma_start3A_98 = arith.constant 0 : i32
      %dma_start3A_99 = tpu.memref_slice %arg11[%dma_start3A_96, %dma_start3A_97, %dma_start3A_98] : memref<10240x2x128xbf16, #tpu.memory_space<vmem_shared>> -> memref<10240x2x128xbf16, #tpu.memory_space<vmem_shared>>
      tpu.enqueue_indirect_dma source(%arg10 : memref<128x2x128xbf16, #tpu.memory_space<vmem>>) target(%dma_start3A_99 : memref<10240x2x128xbf16, #tpu.memory_space<vmem_shared>>) offsets(%dma_start3A_95 : memref<128xi32, #tpu.memory_space<vmem>>) semaphore(%arg15 : memref<!tpu.dma_semaphore, #tpu.memory_space<semaphore_mem>>) {add = true}
      %dma_wait3A_100 = arith.constant 2 : i32
      %dma_wait3A_101 = arith.constant 0 : i32
      %dma_wait3A_102 = tpu.memref_slice %arg7[%dma_wait3A_100, %dma_wait3A_101] : memref<16x128xi32, #tpu.memory_space<vmem>> -> memref<1x128xi32, #tpu.memory_space<vmem>>
      %dma_wait3A_103 = tpu.memref_squeeze %dma_wait3A_102 : memref<1x128xi32, #tpu.memory_space<vmem>> -> memref<128xi32, #tpu.memory_space<vmem>>
      %dma_wait3A_104 = arith.constant 0 : i32
      %dma_wait3A_105 = arith.constant 0 : i32
      %dma_wait3A_106 = arith.constant 0 : i32
      %dma_wait3A_107 = tpu.memref_slice %arg2[%dma_wait3A_104, %dma_wait3A_105, %dma_wait3A_106] : memref<10240x2x128xbf16, #tpu.memory_space<hbm>> -> memref<10240x2x128xbf16, #tpu.memory_space<hbm>>
      tpu.wait_indirect_dma semaphore(%arg12 : memref<!tpu.dma_semaphore, #tpu.memory_space<semaphore_mem>>) src(%dma_wait3A_107 : memref<10240x2x128xbf16, #tpu.memory_space<hbm>>) dst(%arg9 : memref<128x2x128xbf16, #tpu.memory_space<vmem>>)
      %dma_wait3A_108 = arith.constant 1 : i32
      %dma_wait3A_109 = arith.constant 0 : i32
      %dma_wait3A_110 = tpu.memref_slice %arg8[%dma_wait3A_108, %dma_wait3A_109] : memref<16x128xi32, #tpu.memory_space<vmem>> -> memref<1x128xi32, #tpu.memory_space<vmem>>
      %dma_wait3A_111 = tpu.memref_squeeze %dma_wait3A_110 : memref<1x128xi32, #tpu.memory_space<vmem>> -> memref<128xi32, #tpu.memory_space<vmem>>
      %dma_wait3A_112 = arith.constant 0 : i32
      %dma_wait3A_113 = arith.constant 0 : i32
      %dma_wait3A_114 = arith.constant 0 : i32
      %dma_wait3A_115 = tpu.memref_slice %arg11[%dma_wait3A_112, %dma_wait3A_113, %dma_wait3A_114] : memref<10240x2x128xbf16, #tpu.memory_space<vmem_shared>> -> memref<10240x2x128xbf16, #tpu.memory_space<vmem_shared>>
      tpu.wait_indirect_dma semaphore(%arg15 : memref<!tpu.dma_semaphore, #tpu.memory_space<semaphore_mem>>) src(%arg10 : memref<128x2x128xbf16, #tpu.memory_space<vmem>>) dst(%dma_wait3A_115 : memref<10240x2x128xbf16, #tpu.memory_space<vmem_shared>>)
      %dma_start3A_116 = arith.constant 3 : i32
      %dma_start3A_117 = arith.constant 0 : i32
      %dma_start3A_118 = tpu.memref_slice %arg7[%dma_start3A_116, %dma_start3A_117] : memref<16x128xi32, #tpu.memory_space<vmem>> -> memref<1x128xi32, #tpu.memory_space<vmem>>
      %dma_start3A_119 = tpu.memref_squeeze %dma_start3A_118 : memref<1x128xi32, #tpu.memory_space<vmem>> -> memref<128xi32, #tpu.memory_space<vmem>>
      %dma_start3A_120 = arith.constant 0 : i32
      %dma_start3A_121 = arith.constant 0 : i32
      %dma_start3A_122 = arith.constant 0 : i32
      %dma_start3A_123 = tpu.memref_slice %arg2[%dma_start3A_120, %dma_start3A_121, %dma_start3A_122] : memref<10240x2x128xbf16, #tpu.memory_space<hbm>> -> memref<10240x2x128xbf16, #tpu.memory_space<hbm>>
      tpu.enqueue_indirect_dma source(%dma_start3A_123 : memref<10240x2x128xbf16, #tpu.memory_space<hbm>>) target(%arg10 : memref<128x2x128xbf16, #tpu.memory_space<vmem>>) offsets(%dma_start3A_119 : memref<128xi32, #tpu.memory_space<vmem>>) semaphore(%arg13 : memref<!tpu.dma_semaphore, #tpu.memory_space<semaphore_mem>>)
      %dma_start3A_124 = arith.constant 2 : i32
      %dma_start3A_125 = arith.constant 0 : i32
      %dma_start3A_126 = tpu.memref_slice %arg8[%dma_start3A_124, %dma_start3A_125] : memref<16x128xi32, #tpu.memory_space<vmem>> -> memref<1x128xi32, #tpu.memory_space<vmem>>
      %dma_start3A_127 = tpu.memref_squeeze %dma_start3A_126 : memref<1x128xi32, #tpu.memory_space<vmem>> -> memref<128xi32, #tpu.memory_space<vmem>>
      %dma_start3A_128 = arith.constant 0 : i32
      %dma_start3A_129 = arith.constant 0 : i32
      %dma_start3A_130 = arith.constant 0 : i32
      %dma_start3A_131 = tpu.memref_slice %arg11[%dma_start3A_128, %dma_start3A_129, %dma_start3A_130] : memref<10240x2x128xbf16, #tpu.memory_space<vmem_shared>> -> memref<10240x2x128xbf16, #tpu.memory_space<vmem_shared>>
      tpu.enqueue_indirect_dma source(%arg9 : memref<128x2x128xbf16, #tpu.memory_space<vmem>>) target(%dma_start3A_131 : memref<10240x2x128xbf16, #tpu.memory_space<vmem_shared>>) offsets(%dma_start3A_127 : memref<128xi32, #tpu.memory_space<vmem>>) semaphore(%arg14 : memref<!tpu.dma_semaphore, #tpu.memory_space<semaphore_mem>>) {add = true}
      %dma_wait3A_132 = arith.constant 3 : i32
      %dma_wait3A_133 = arith.constant 0 : i32
      %dma_wait3A_134 = tpu.memref_slice %arg7[%dma_wait3A_132, %dma_wait3A_133] : memref<16x128xi32, #tpu.memory_space<vmem>> -> memref<1x128xi32, #tpu.memory_space<vmem>>
      %dma_wait3A_135 = tpu.memref_squeeze %dma_wait3A_134 : memref<1x128xi32, #tpu.memory_space<vmem>> -> memref<128xi32, #tpu.memory_space<vmem>>
      %dma_wait3A_136 = arith.constant 0 : i32
      %dma_wait3A_137 = arith.constant 0 : i32
      %dma_wait3A_138 = arith.constant 0 : i32
      %dma_wait3A_139 = tpu.memref_slice %arg2[%dma_wait3A_136, %dma_wait3A_137, %dma_wait3A_138] : memref<10240x2x128xbf16, #tpu.memory_space<hbm>> -> memref<10240x2x128xbf16, #tpu.memory_space<hbm>>
      tpu.wait_indirect_dma semaphore(%arg13 : memref<!tpu.dma_semaphore, #tpu.memory_space<semaphore_mem>>) src(%dma_wait3A_139 : memref<10240x2x128xbf16, #tpu.memory_space<hbm>>) dst(%arg10 : memref<128x2x128xbf16, #tpu.memory_space<vmem>>)
      %dma_wait3A_140 = arith.constant 2 : i32
      %dma_wait3A_141 = arith.constant 0 : i32
      %dma_wait3A_142 = tpu.memref_slice %arg8[%dma_wait3A_140, %dma_wait3A_141] : memref<16x128xi32, #tpu.memory_space<vmem>> -> memref<1x128xi32, #tpu.memory_space<vmem>>
      %dma_wait3A_143 = tpu.memref_squeeze %dma_wait3A_142 : memref<1x128xi32, #tpu.memory_space<vmem>> -> memref<128xi32, #tpu.memory_space<vmem>>
      %dma_wait3A_144 = arith.constant 0 : i32
      %dma_wait3A_145 = arith.constant 0 : i32
      %dma_wait3A_146 = arith.constant 0 : i32
      %dma_wait3A_147 = tpu.memref_slice %arg11[%dma_wait3A_144, %dma_wait3A_145, %dma_wait3A_146] : memref<10240x2x128xbf16, #tpu.memory_space<vmem_shared>> -> memref<10240x2x128xbf16, #tpu.memory_space<vmem_shared>>
      tpu.wait_indirect_dma semaphore(%arg14 : memref<!tpu.dma_semaphore, #tpu.memory_space<semaphore_mem>>) src(%arg9 : memref<128x2x128xbf16, #tpu.memory_space<vmem>>) dst(%dma_wait3A_147 : memref<10240x2x128xbf16, #tpu.memory_space<vmem_shared>>)
      %dma_start3A_148 = arith.constant 4 : i32
      %dma_start3A_149 = arith.constant 0 : i32
      %dma_start3A_150 = tpu.memref_slice %arg7[%dma_start3A_148, %dma_start3A_149] : memref<16x128xi32, #tpu.memory_space<vmem>> -> memref<1x128xi32, #tpu.memory_space<vmem>>
      %dma_start3A_151 = tpu.memref_squeeze %dma_start3A_150 : memref<1x128xi32, #tpu.memory_space<vmem>> -> memref<128xi32, #tpu.memory_space<vmem>>
      %dma_start3A_152 = arith.constant 0 : i32
      %dma_start3A_153 = arith.constant 0 : i32
      %dma_start3A_154 = arith.constant 0 : i32
      %dma_start3A_155 = tpu.memref_slice %arg2[%dma_start3A_152, %dma_start3A_153, %dma_start3A_154] : memref<10240x2x128xbf16, #tpu.memory_space<hbm>> -> memref<10240x2x128xbf16, #tpu.memory_space<hbm>>
      tpu.enqueue_indirect_dma source(%dma_start3A_155 : memref<10240x2x128xbf16, #tpu.memory_space<hbm>>) target(%arg9 : memref<128x2x128xbf16, #tpu.memory_space<vmem>>) offsets(%dma_start3A_151 : memref<128xi32, #tpu.memory_space<vmem>>) semaphore(%arg12 : memref<!tpu.dma_semaphore, #tpu.memory_space<semaphore_mem>>)
      %dma_start3A_156 = arith.constant 3 : i32
      %dma_start3A_157 = arith.constant 0 : i32
      %dma_start3A_158 = tpu.memref_slice %arg8[%dma_start3A_156, %dma_start3A_157] : memref<16x128xi32, #tpu.memory_space<vmem>> -> memref<1x128xi32, #tpu.memory_space<vmem>>
      %dma_start3A_159 = tpu.memref_squeeze %dma_start3A_158 : memref<1x128xi32, #tpu.memory_space<vmem>> -> memref<128xi32, #tpu.memory_space<vmem>>
      %dma_start3A_160 = arith.constant 0 : i32
      %dma_start3A_161 = arith.constant 0 : i32
      %dma_start3A_162 = arith.constant 0 : i32
      %dma_start3A_163 = tpu.memref_slice %arg11[%dma_start3A_160, %dma_start3A_161, %dma_start3A_162] : memref<10240x2x128xbf16, #tpu.memory_space<vmem_shared>> -> memref<10240x2x128xbf16, #tpu.memory_space<vmem_shared>>
      tpu.enqueue_indirect_dma source(%arg10 : memref<128x2x128xbf16, #tpu.memory_space<vmem>>) target(%dma_start3A_163 : memref<10240x2x128xbf16, #tpu.memory_space<vmem_shared>>) offsets(%dma_start3A_159 : memref<128xi32, #tpu.memory_space<vmem>>) semaphore(%arg15 : memref<!tpu.dma_semaphore, #tpu.memory_space<semaphore_mem>>) {add = true}
      %dma_wait3A_164 = arith.constant 4 : i32
      %dma_wait3A_165 = arith.constant 0 : i32
      %dma_wait3A_166 = tpu.memref_slice %arg7[%dma_wait3A_164, %dma_wait3A_165] : memref<16x128xi32, #tpu.memory_space<vmem>> -> memref<1x128xi32, #tpu.memory_space<vmem>>
      %dma_wait3A_167 = tpu.memref_squeeze %dma_wait3A_166 : memref<1x128xi32, #tpu.memory_space<vmem>> -> memref<128xi32, #tpu.memory_space<vmem>>
      %dma_wait3A_168 = arith.constant 0 : i32
      %dma_wait3A_169 = arith.constant 0 : i32
      %dma_wait3A_170 = arith.constant 0 : i32
      %dma_wait3A_171 = tpu.memref_slice %arg2[%dma_wait3A_168, %dma_wait3A_169, %dma_wait3A_170] : memref<10240x2x128xbf16, #tpu.memory_space<hbm>> -> memref<10240x2x128xbf16, #tpu.memory_space<hbm>>
      tpu.wait_indirect_dma semaphore(%arg12 : memref<!tpu.dma_semaphore, #tpu.memory_space<semaphore_mem>>) src(%dma_wait3A_171 : memref<10240x2x128xbf16, #tpu.memory_space<hbm>>) dst(%arg9 : memref<128x2x128xbf16, #tpu.memory_space<vmem>>)
      %dma_wait3A_172 = arith.constant 3 : i32
      %dma_wait3A_173 = arith.constant 0 : i32
      %dma_wait3A_174 = tpu.memref_slice %arg8[%dma_wait3A_172, %dma_wait3A_173] : memref<16x128xi32, #tpu.memory_space<vmem>> -> memref<1x128xi32, #tpu.memory_space<vmem>>
      %dma_wait3A_175 = tpu.memref_squeeze %dma_wait3A_174 : memref<1x128xi32, #tpu.memory_space<vmem>> -> memref<128xi32, #tpu.memory_space<vmem>>
      %dma_wait3A_176 = arith.constant 0 : i32
      %dma_wait3A_177 = arith.constant 0 : i32
      %dma_wait3A_178 = arith.constant 0 : i32
      %dma_wait3A_179 = tpu.memref_slice %arg11[%dma_wait3A_176, %dma_wait3A_177, %dma_wait3A_178] : memref<10240x2x128xbf16, #tpu.memory_space<vmem_shared>> -> memref<10240x2x128xbf16, #tpu.memory_space<vmem_shared>>
      tpu.wait_indirect_dma semaphore(%arg15 : memref<!tpu.dma_semaphore, #tpu.memory_space<semaphore_mem>>) src(%arg10 : memref<128x2x128xbf16, #tpu.memory_space<vmem>>) dst(%dma_wait3A_179 : memref<10240x2x128xbf16, #tpu.memory_space<vmem_shared>>)
      %dma_start3A_180 = arith.constant 5 : i32
      %dma_start3A_181 = arith.constant 0 : i32
      %dma_start3A_182 = tpu.memref_slice %arg7[%dma_start3A_180, %dma_start3A_181] : memref<16x128xi32, #tpu.memory_space<vmem>> -> memref<1x128xi32, #tpu.memory_space<vmem>>
      %dma_start3A_183 = tpu.memref_squeeze %dma_start3A_182 : memref<1x128xi32, #tpu.memory_space<vmem>> -> memref<128xi32, #tpu.memory_space<vmem>>
      %dma_start3A_184 = arith.constant 0 : i32
      %dma_start3A_185 = arith.constant 0 : i32
      %dma_start3A_186 = arith.constant 0 : i32
      %dma_start3A_187 = tpu.memref_slice %arg2[%dma_start3A_184, %dma_start3A_185, %dma_start3A_186] : memref<10240x2x128xbf16, #tpu.memory_space<hbm>> -> memref<10240x2x128xbf16, #tpu.memory_space<hbm>>
      tpu.enqueue_indirect_dma source(%dma_start3A_187 : memref<10240x2x128xbf16, #tpu.memory_space<hbm>>) target(%arg10 : memref<128x2x128xbf16, #tpu.memory_space<vmem>>) offsets(%dma_start3A_183 : memref<128xi32, #tpu.memory_space<vmem>>) semaphore(%arg13 : memref<!tpu.dma_semaphore, #tpu.memory_space<semaphore_mem>>)
      %dma_start3A_188 = arith.constant 4 : i32
      %dma_start3A_189 = arith.constant 0 : i32
      %dma_start3A_190 = tpu.memref_slice %arg8[%dma_start3A_188, %dma_start3A_189] : memref<16x128xi32, #tpu.memory_space<vmem>> -> memref<1x128xi32, #tpu.memory_space<vmem>>
      %dma_start3A_191 = tpu.memref_squeeze %dma_start3A_190 : memref<1x128xi32, #tpu.memory_space<vmem>> -> memref<128xi32, #tpu.memory_space<vmem>>
      %dma_start3A_192 = arith.constant 0 : i32
      %dma_start3A_193 = arith.constant 0 : i32
      %dma_start3A_194 = arith.constant 0 : i32
      %dma_start3A_195 = tpu.memref_slice %arg11[%dma_start3A_192, %dma_start3A_193, %dma_start3A_194] : memref<10240x2x128xbf16, #tpu.memory_space<vmem_shared>> -> memref<10240x2x128xbf16, #tpu.memory_space<vmem_shared>>
      tpu.enqueue_indirect_dma source(%arg9 : memref<128x2x128xbf16, #tpu.memory_space<vmem>>) target(%dma_start3A_195 : memref<10240x2x128xbf16, #tpu.memory_space<vmem_shared>>) offsets(%dma_start3A_191 : memref<128xi32, #tpu.memory_space<vmem>>) semaphore(%arg14 : memref<!tpu.dma_semaphore, #tpu.memory_space<semaphore_mem>>) {add = true}
      %dma_wait3A_196 = arith.constant 5 : i32
      %dma_wait3A_197 = arith.constant 0 : i32
      %dma_wait3A_198 = tpu.memref_slice %arg7[%dma_wait3A_196, %dma_wait3A_197] : memref<16x128xi32, #tpu.memory_space<vmem>> -> memref<1x128xi32, #tpu.memory_space<vmem>>
      %dma_wait3A_199 = tpu.memref_squeeze %dma_wait3A_198 : memref<1x128xi32, #tpu.memory_space<vmem>> -> memref<128xi32, #tpu.memory_space<vmem>>
      %dma_wait3A_200 = arith.constant 0 : i32
      %dma_wait3A_201 = arith.constant 0 : i32
      %dma_wait3A_202 = arith.constant 0 : i32
      %dma_wait3A_203 = tpu.memref_slice %arg2[%dma_wait3A_200, %dma_wait3A_201, %dma_wait3A_202] : memref<10240x2x128xbf16, #tpu.memory_space<hbm>> -> memref<10240x2x128xbf16, #tpu.memory_space<hbm>>
      tpu.wait_indirect_dma semaphore(%arg13 : memref<!tpu.dma_semaphore, #tpu.memory_space<semaphore_mem>>) src(%dma_wait3A_203 : memref<10240x2x128xbf16, #tpu.memory_space<hbm>>) dst(%arg10 : memref<128x2x128xbf16, #tpu.memory_space<vmem>>)
      %dma_wait3A_204 = arith.constant 4 : i32
      %dma_wait3A_205 = arith.constant 0 : i32
      %dma_wait3A_206 = tpu.memref_slice %arg8[%dma_wait3A_204, %dma_wait3A_205] : memref<16x128xi32, #tpu.memory_space<vmem>> -> memref<1x128xi32, #tpu.memory_space<vmem>>
      %dma_wait3A_207 = tpu.memref_squeeze %dma_wait3A_206 : memref<1x128xi32, #tpu.memory_space<vmem>> -> memref<128xi32, #tpu.memory_space<vmem>>
      %dma_wait3A_208 = arith.constant 0 : i32
      %dma_wait3A_209 = arith.constant 0 : i32
      %dma_wait3A_210 = arith.constant 0 : i32
      %dma_wait3A_211 = tpu.memref_slice %arg11[%dma_wait3A_208, %dma_wait3A_209, %dma_wait3A_210] : memref<10240x2x128xbf16, #tpu.memory_space<vmem_shared>> -> memref<10240x2x128xbf16, #tpu.memory_space<vmem_shared>>
      tpu.wait_indirect_dma semaphore(%arg14 : memref<!tpu.dma_semaphore, #tpu.memory_space<semaphore_mem>>) src(%arg9 : memref<128x2x128xbf16, #tpu.memory_space<vmem>>) dst(%dma_wait3A_211 : memref<10240x2x128xbf16, #tpu.memory_space<vmem_shared>>)
      %dma_start3A_212 = arith.constant 6 : i32
      %dma_start3A_213 = arith.constant 0 : i32
      %dma_start3A_214 = tpu.memref_slice %arg7[%dma_start3A_212, %dma_start3A_213] : memref<16x128xi32, #tpu.memory_space<vmem>> -> memref<1x128xi32, #tpu.memory_space<vmem>>
      %dma_start3A_215 = tpu.memref_squeeze %dma_start3A_214 : memref<1x128xi32, #tpu.memory_space<vmem>> -> memref<128xi32, #tpu.memory_space<vmem>>
      %dma_start3A_216 = arith.constant 0 : i32
      %dma_start3A_217 = arith.constant 0 : i32
      %dma_start3A_218 = arith.constant 0 : i32
      %dma_start3A_219 = tpu.memref_slice %arg2[%dma_start3A_216, %dma_start3A_217, %dma_start3A_218] : memref<10240x2x128xbf16, #tpu.memory_space<hbm>> -> memref<10240x2x128xbf16, #tpu.memory_space<hbm>>
      tpu.enqueue_indirect_dma source(%dma_start3A_219 : memref<10240x2x128xbf16, #tpu.memory_space<hbm>>) target(%arg9 : memref<128x2x128xbf16, #tpu.memory_space<vmem>>) offsets(%dma_start3A_215 : memref<128xi32, #tpu.memory_space<vmem>>) semaphore(%arg12 : memref<!tpu.dma_semaphore, #tpu.memory_space<semaphore_mem>>)
      %dma_start3A_220 = arith.constant 5 : i32
      %dma_start3A_221 = arith.constant 0 : i32
      %dma_start3A_222 = tpu.memref_slice %arg8[%dma_start3A_220, %dma_start3A_221] : memref<16x128xi32, #tpu.memory_space<vmem>> -> memref<1x128xi32, #tpu.memory_space<vmem>>
      %dma_start3A_223 = tpu.memref_squeeze %dma_start3A_222 : memref<1x128xi32, #tpu.memory_space<vmem>> -> memref<128xi32, #tpu.memory_space<vmem>>
      %dma_start3A_224 = arith.constant 0 : i32
      %dma_start3A_225 = arith.constant 0 : i32
      %dma_start3A_226 = arith.constant 0 : i32
      %dma_start3A_227 = tpu.memref_slice %arg11[%dma_start3A_224, %dma_start3A_225, %dma_start3A_226] : memref<10240x2x128xbf16, #tpu.memory_space<vmem_shared>> -> memref<10240x2x128xbf16, #tpu.memory_space<vmem_shared>>
      tpu.enqueue_indirect_dma source(%arg10 : memref<128x2x128xbf16, #tpu.memory_space<vmem>>) target(%dma_start3A_227 : memref<10240x2x128xbf16, #tpu.memory_space<vmem_shared>>) offsets(%dma_start3A_223 : memref<128xi32, #tpu.memory_space<vmem>>) semaphore(%arg15 : memref<!tpu.dma_semaphore, #tpu.memory_space<semaphore_mem>>) {add = true}
      %dma_wait3A_228 = arith.constant 6 : i32
      %dma_wait3A_229 = arith.constant 0 : i32
      %dma_wait3A_230 = tpu.memref_slice %arg7[%dma_wait3A_228, %dma_wait3A_229] : memref<16x128xi32, #tpu.memory_space<vmem>> -> memref<1x128xi32, #tpu.memory_space<vmem>>
      %dma_wait3A_231 = tpu.memref_squeeze %dma_wait3A_230 : memref<1x128xi32, #tpu.memory_space<vmem>> -> memref<128xi32, #tpu.memory_space<vmem>>
      %dma_wait3A_232 = arith.constant 0 : i32
      %dma_wait3A_233 = arith.constant 0 : i32
      %dma_wait3A_234 = arith.constant 0 : i32
      %dma_wait3A_235 = tpu.memref_slice %arg2[%dma_wait3A_232, %dma_wait3A_233, %dma_wait3A_234] : memref<10240x2x128xbf16, #tpu.memory_space<hbm>> -> memref<10240x2x128xbf16, #tpu.memory_space<hbm>>
      tpu.wait_indirect_dma semaphore(%arg12 : memref<!tpu.dma_semaphore, #tpu.memory_space<semaphore_mem>>) src(%dma_wait3A_235 : memref<10240x2x128xbf16, #tpu.memory_space<hbm>>) dst(%arg9 : memref<128x2x128xbf16, #tpu.memory_space<vmem>>)
      %dma_wait3A_236 = arith.constant 5 : i32
      %dma_wait3A_237 = arith.constant 0 : i32
      %dma_wait3A_238 = tpu.memref_slice %arg8[%dma_wait3A_236, %dma_wait3A_237] : memref<16x128xi32, #tpu.memory_space<vmem>> -> memref<1x128xi32, #tpu.memory_space<vmem>>
      %dma_wait3A_239 = tpu.memref_squeeze %dma_wait3A_238 : memref<1x128xi32, #tpu.memory_space<vmem>> -> memref<128xi32, #tpu.memory_space<vmem>>
      %dma_wait3A_240 = arith.constant 0 : i32
      %dma_wait3A_241 = arith.constant 0 : i32
      %dma_wait3A_242 = arith.constant 0 : i32
      %dma_wait3A_243 = tpu.memref_slice %arg11[%dma_wait3A_240, %dma_wait3A_241, %dma_wait3A_242] : memref<10240x2x128xbf16, #tpu.memory_space<vmem_shared>> -> memref<10240x2x128xbf16, #tpu.memory_space<vmem_shared>>
      tpu.wait_indirect_dma semaphore(%arg15 : memref<!tpu.dma_semaphore, #tpu.memory_space<semaphore_mem>>) src(%arg10 : memref<128x2x128xbf16, #tpu.memory_space<vmem>>) dst(%dma_wait3A_243 : memref<10240x2x128xbf16, #tpu.memory_space<vmem_shared>>)
      %dma_start3A_244 = arith.constant 7 : i32
      %dma_start3A_245 = arith.constant 0 : i32
      %dma_start3A_246 = tpu.memref_slice %arg7[%dma_start3A_244, %dma_start3A_245] : memref<16x128xi32, #tpu.memory_space<vmem>> -> memref<1x128xi32, #tpu.memory_space<vmem>>
      %dma_start3A_247 = tpu.memref_squeeze %dma_start3A_246 : memref<1x128xi32, #tpu.memory_space<vmem>> -> memref<128xi32, #tpu.memory_space<vmem>>
      %dma_start3A_248 = arith.constant 0 : i32
      %dma_start3A_249 = arith.constant 0 : i32
      %dma_start3A_250 = arith.constant 0 : i32
      %dma_start3A_251 = tpu.memref_slice %arg2[%dma_start3A_248, %dma_start3A_249, %dma_start3A_250] : memref<10240x2x128xbf16, #tpu.memory_space<hbm>> -> memref<10240x2x128xbf16, #tpu.memory_space<hbm>>
      tpu.enqueue_indirect_dma source(%dma_start3A_251 : memref<10240x2x128xbf16, #tpu.memory_space<hbm>>) target(%arg10 : memref<128x2x128xbf16, #tpu.memory_space<vmem>>) offsets(%dma_start3A_247 : memref<128xi32, #tpu.memory_space<vmem>>) semaphore(%arg13 : memref<!tpu.dma_semaphore, #tpu.memory_space<semaphore_mem>>)
      %dma_start3A_252 = arith.constant 6 : i32
      %dma_start3A_253 = arith.constant 0 : i32
      %dma_start3A_254 = tpu.memref_slice %arg8[%dma_start3A_252, %dma_start3A_253] : memref<16x128xi32, #tpu.memory_space<vmem>> -> memref<1x128xi32, #tpu.memory_space<vmem>>
      %dma_start3A_255 = tpu.memref_squeeze %dma_start3A_254 : memref<1x128xi32, #tpu.memory_space<vmem>> -> memref<128xi32, #tpu.memory_space<vmem>>
      %dma_start3A_256 = arith.constant 0 : i32
      %dma_start3A_257 = arith.constant 0 : i32
      %dma_start3A_258 = arith.constant 0 : i32
      %dma_start3A_259 = tpu.memref_slice %arg11[%dma_start3A_256, %dma_start3A_257, %dma_start3A_258] : memref<10240x2x128xbf16, #tpu.memory_space<vmem_shared>> -> memref<10240x2x128xbf16, #tpu.memory_space<vmem_shared>>
      tpu.enqueue_indirect_dma source(%arg9 : memref<128x2x128xbf16, #tpu.memory_space<vmem>>) target(%dma_start3A_259 : memref<10240x2x128xbf16, #tpu.memory_space<vmem_shared>>) offsets(%dma_start3A_255 : memref<128xi32, #tpu.memory_space<vmem>>) semaphore(%arg14 : memref<!tpu.dma_semaphore, #tpu.memory_space<semaphore_mem>>) {add = true}
      %dma_wait3A_260 = arith.constant 7 : i32
      %dma_wait3A_261 = arith.constant 0 : i32
      %dma_wait3A_262 = tpu.memref_slice %arg7[%dma_wait3A_260, %dma_wait3A_261] : memref<16x128xi32, #tpu.memory_space<vmem>> -> memref<1x128xi32, #tpu.memory_space<vmem>>
      %dma_wait3A_263 = tpu.memref_squeeze %dma_wait3A_262 : memref<1x128xi32, #tpu.memory_space<vmem>> -> memref<128xi32, #tpu.memory_space<vmem>>
      %dma_wait3A_264 = arith.constant 0 : i32
      %dma_wait3A_265 = arith.constant 0 : i32
      %dma_wait3A_266 = arith.constant 0 : i32
      %dma_wait3A_267 = tpu.memref_slice %arg2[%dma_wait3A_264, %dma_wait3A_265, %dma_wait3A_266] : memref<10240x2x128xbf16, #tpu.memory_space<hbm>> -> memref<10240x2x128xbf16, #tpu.memory_space<hbm>>
      tpu.wait_indirect_dma semaphore(%arg13 : memref<!tpu.dma_semaphore, #tpu.memory_space<semaphore_mem>>) src(%dma_wait3A_267 : memref<10240x2x128xbf16, #tpu.memory_space<hbm>>) dst(%arg10 : memref<128x2x128xbf16, #tpu.memory_space<vmem>>)
      %dma_wait3A_268 = arith.constant 6 : i32
      %dma_wait3A_269 = arith.constant 0 : i32
      %dma_wait3A_270 = tpu.memref_slice %arg8[%dma_wait3A_268, %dma_wait3A_269] : memref<16x128xi32, #tpu.memory_space<vmem>> -> memref<1x128xi32, #tpu.memory_space<vmem>>
      %dma_wait3A_271 = tpu.memref_squeeze %dma_wait3A_270 : memref<1x128xi32, #tpu.memory_space<vmem>> -> memref<128xi32, #tpu.memory_space<vmem>>
      %dma_wait3A_272 = arith.constant 0 : i32
      %dma_wait3A_273 = arith.constant 0 : i32
      %dma_wait3A_274 = arith.constant 0 : i32
      %dma_wait3A_275 = tpu.memref_slice %arg11[%dma_wait3A_272, %dma_wait3A_273, %dma_wait3A_274] : memref<10240x2x128xbf16, #tpu.memory_space<vmem_shared>> -> memref<10240x2x128xbf16, #tpu.memory_space<vmem_shared>>
      tpu.wait_indirect_dma semaphore(%arg14 : memref<!tpu.dma_semaphore, #tpu.memory_space<semaphore_mem>>) src(%arg9 : memref<128x2x128xbf16, #tpu.memory_space<vmem>>) dst(%dma_wait3A_275 : memref<10240x2x128xbf16, #tpu.memory_space<vmem_shared>>)
      %dma_start3A_276 = arith.constant 8 : i32
      %dma_start3A_277 = arith.constant 0 : i32
      %dma_start3A_278 = tpu.memref_slice %arg7[%dma_start3A_276, %dma_start3A_277] : memref<16x128xi32, #tpu.memory_space<vmem>> -> memref<1x128xi32, #tpu.memory_space<vmem>>
      %dma_start3A_279 = tpu.memref_squeeze %dma_start3A_278 : memref<1x128xi32, #tpu.memory_space<vmem>> -> memref<128xi32, #tpu.memory_space<vmem>>
      %dma_start3A_280 = arith.constant 0 : i32
      %dma_start3A_281 = arith.constant 0 : i32
      %dma_start3A_282 = arith.constant 0 : i32
      %dma_start3A_283 = tpu.memref_slice %arg2[%dma_start3A_280, %dma_start3A_281, %dma_start3A_282] : memref<10240x2x128xbf16, #tpu.memory_space<hbm>> -> memref<10240x2x128xbf16, #tpu.memory_space<hbm>>
      tpu.enqueue_indirect_dma source(%dma_start3A_283 : memref<10240x2x128xbf16, #tpu.memory_space<hbm>>) target(%arg9 : memref<128x2x128xbf16, #tpu.memory_space<vmem>>) offsets(%dma_start3A_279 : memref<128xi32, #tpu.memory_space<vmem>>) semaphore(%arg12 : memref<!tpu.dma_semaphore, #tpu.memory_space<semaphore_mem>>)
      %dma_start3A_284 = arith.constant 7 : i32
      %dma_start3A_285 = arith.constant 0 : i32
      %dma_start3A_286 = tpu.memref_slice %arg8[%dma_start3A_284, %dma_start3A_285] : memref<16x128xi32, #tpu.memory_space<vmem>> -> memref<1x128xi32, #tpu.memory_space<vmem>>
      %dma_start3A_287 = tpu.memref_squeeze %dma_start3A_286 : memref<1x128xi32, #tpu.memory_space<vmem>> -> memref<128xi32, #tpu.memory_space<vmem>>
      %dma_start3A_288 = arith.constant 0 : i32
      %dma_start3A_289 = arith.constant 0 : i32
      %dma_start3A_290 = arith.constant 0 : i32
      %dma_start3A_291 = tpu.memref_slice %arg11[%dma_start3A_288, %dma_start3A_289, %dma_start3A_290] : memref<10240x2x128xbf16, #tpu.memory_space<vmem_shared>> -> memref<10240x2x128xbf16, #tpu.memory_space<vmem_shared>>
      tpu.enqueue_indirect_dma source(%arg10 : memref<128x2x128xbf16, #tpu.memory_space<vmem>>) target(%dma_start3A_291 : memref<10240x2x128xbf16, #tpu.memory_space<vmem_shared>>) offsets(%dma_start3A_287 : memref<128xi32, #tpu.memory_space<vmem>>) semaphore(%arg15 : memref<!tpu.dma_semaphore, #tpu.memory_space<semaphore_mem>>) {add = true}
      %dma_wait3A_292 = arith.constant 8 : i32
      %dma_wait3A_293 = arith.constant 0 : i32
      %dma_wait3A_294 = tpu.memref_slice %arg7[%dma_wait3A_292, %dma_wait3A_293] : memref<16x128xi32, #tpu.memory_space<vmem>> -> memref<1x128xi32, #tpu.memory_space<vmem>>
      %dma_wait3A_295 = tpu.memref_squeeze %dma_wait3A_294 : memref<1x128xi32, #tpu.memory_space<vmem>> -> memref<128xi32, #tpu.memory_space<vmem>>
      %dma_wait3A_296 = arith.constant 0 : i32
      %dma_wait3A_297 = arith.constant 0 : i32
      %dma_wait3A_298 = arith.constant 0 : i32
      %dma_wait3A_299 = tpu.memref_slice %arg2[%dma_wait3A_296, %dma_wait3A_297, %dma_wait3A_298] : memref<10240x2x128xbf16, #tpu.memory_space<hbm>> -> memref<10240x2x128xbf16, #tpu.memory_space<hbm>>
      tpu.wait_indirect_dma semaphore(%arg12 : memref<!tpu.dma_semaphore, #tpu.memory_space<semaphore_mem>>) src(%dma_wait3A_299 : memref<10240x2x128xbf16, #tpu.memory_space<hbm>>) dst(%arg9 : memref<128x2x128xbf16, #tpu.memory_space<vmem>>)
      %dma_wait3A_300 = arith.constant 7 : i32
      %dma_wait3A_301 = arith.constant 0 : i32
      %dma_wait3A_302 = tpu.memref_slice %arg8[%dma_wait3A_300, %dma_wait3A_301] : memref<16x128xi32, #tpu.memory_space<vmem>> -> memref<1x128xi32, #tpu.memory_space<vmem>>
      %dma_wait3A_303 = tpu.memref_squeeze %dma_wait3A_302 : memref<1x128xi32, #tpu.memory_space<vmem>> -> memref<128xi32, #tpu.memory_space<vmem>>
      %dma_wait3A_304 = arith.constant 0 : i32
      %dma_wait3A_305 = arith.constant 0 : i32
      %dma_wait3A_306 = arith.constant 0 : i32
      %dma_wait3A_307 = tpu.memref_slice %arg11[%dma_wait3A_304, %dma_wait3A_305, %dma_wait3A_306] : memref<10240x2x128xbf16, #tpu.memory_space<vmem_shared>> -> memref<10240x2x128xbf16, #tpu.memory_space<vmem_shared>>
      tpu.wait_indirect_dma semaphore(%arg15 : memref<!tpu.dma_semaphore, #tpu.memory_space<semaphore_mem>>) src(%arg10 : memref<128x2x128xbf16, #tpu.memory_space<vmem>>) dst(%dma_wait3A_307 : memref<10240x2x128xbf16, #tpu.memory_space<vmem_shared>>)
      %dma_start3A_308 = arith.constant 9 : i32
      %dma_start3A_309 = arith.constant 0 : i32
      %dma_start3A_310 = tpu.memref_slice %arg7[%dma_start3A_308, %dma_start3A_309] : memref<16x128xi32, #tpu.memory_space<vmem>> -> memref<1x128xi32, #tpu.memory_space<vmem>>
      %dma_start3A_311 = tpu.memref_squeeze %dma_start3A_310 : memref<1x128xi32, #tpu.memory_space<vmem>> -> memref<128xi32, #tpu.memory_space<vmem>>
      %dma_start3A_312 = arith.constant 0 : i32
      %dma_start3A_313 = arith.constant 0 : i32
      %dma_start3A_314 = arith.constant 0 : i32
      %dma_start3A_315 = tpu.memref_slice %arg2[%dma_start3A_312, %dma_start3A_313, %dma_start3A_314] : memref<10240x2x128xbf16, #tpu.memory_space<hbm>> -> memref<10240x2x128xbf16, #tpu.memory_space<hbm>>
      tpu.enqueue_indirect_dma source(%dma_start3A_315 : memref<10240x2x128xbf16, #tpu.memory_space<hbm>>) target(%arg10 : memref<128x2x128xbf16, #tpu.memory_space<vmem>>) offsets(%dma_start3A_311 : memref<128xi32, #tpu.memory_space<vmem>>) semaphore(%arg13 : memref<!tpu.dma_semaphore, #tpu.memory_space<semaphore_mem>>)
      %dma_start3A_316 = arith.constant 8 : i32
      %dma_start3A_317 = arith.constant 0 : i32
      %dma_start3A_318 = tpu.memref_slice %arg8[%dma_start3A_316, %dma_start3A_317] : memref<16x128xi32, #tpu.memory_space<vmem>> -> memref<1x128xi32, #tpu.memory_space<vmem>>
      %dma_start3A_319 = tpu.memref_squeeze %dma_start3A_318 : memref<1x128xi32, #tpu.memory_space<vmem>> -> memref<128xi32, #tpu.memory_space<vmem>>
      %dma_start3A_320 = arith.constant 0 : i32
      %dma_start3A_321 = arith.constant 0 : i32
      %dma_start3A_322 = arith.constant 0 : i32
      %dma_start3A_323 = tpu.memref_slice %arg11[%dma_start3A_320, %dma_start3A_321, %dma_start3A_322] : memref<10240x2x128xbf16, #tpu.memory_space<vmem_shared>> -> memref<10240x2x128xbf16, #tpu.memory_space<vmem_shared>>
      tpu.enqueue_indirect_dma source(%arg9 : memref<128x2x128xbf16, #tpu.memory_space<vmem>>) target(%dma_start3A_323 : memref<10240x2x128xbf16, #tpu.memory_space<vmem_shared>>) offsets(%dma_start3A_319 : memref<128xi32, #tpu.memory_space<vmem>>) semaphore(%arg14 : memref<!tpu.dma_semaphore, #tpu.memory_space<semaphore_mem>>) {add = true}
      %dma_wait3A_324 = arith.constant 9 : i32
      %dma_wait3A_325 = arith.constant 0 : i32
      %dma_wait3A_326 = tpu.memref_slice %arg7[%dma_wait3A_324, %dma_wait3A_325] : memref<16x128xi32, #tpu.memory_space<vmem>> -> memref<1x128xi32, #tpu.memory_space<vmem>>
      %dma_wait3A_327 = tpu.memref_squeeze %dma_wait3A_326 : memref<1x128xi32, #tpu.memory_space<vmem>> -> memref<128xi32, #tpu.memory_space<vmem>>
      %dma_wait3A_328 = arith.constant 0 : i32
      %dma_wait3A_329 = arith.constant 0 : i32
      %dma_wait3A_330 = arith.constant 0 : i32
      %dma_wait3A_331 = tpu.memref_slice %arg2[%dma_wait3A_328, %dma_wait3A_329, %dma_wait3A_330] : memref<10240x2x128xbf16, #tpu.memory_space<hbm>> -> memref<10240x2x128xbf16, #tpu.memory_space<hbm>>
      tpu.wait_indirect_dma semaphore(%arg13 : memref<!tpu.dma_semaphore, #tpu.memory_space<semaphore_mem>>) src(%dma_wait3A_331 : memref<10240x2x128xbf16, #tpu.memory_space<hbm>>) dst(%arg10 : memref<128x2x128xbf16, #tpu.memory_space<vmem>>)
      %dma_wait3A_332 = arith.constant 8 : i32
      %dma_wait3A_333 = arith.constant 0 : i32
      %dma_wait3A_334 = tpu.memref_slice %arg8[%dma_wait3A_332, %dma_wait3A_333] : memref<16x128xi32, #tpu.memory_space<vmem>> -> memref<1x128xi32, #tpu.memory_space<vmem>>
      %dma_wait3A_335 = tpu.memref_squeeze %dma_wait3A_334 : memref<1x128xi32, #tpu.memory_space<vmem>> -> memref<128xi32, #tpu.memory_space<vmem>>
      %dma_wait3A_336 = arith.constant 0 : i32
      %dma_wait3A_337 = arith.constant 0 : i32
      %dma_wait3A_338 = arith.constant 0 : i32
      %dma_wait3A_339 = tpu.memref_slice %arg11[%dma_wait3A_336, %dma_wait3A_337, %dma_wait3A_338] : memref<10240x2x128xbf16, #tpu.memory_space<vmem_shared>> -> memref<10240x2x128xbf16, #tpu.memory_space<vmem_shared>>
      tpu.wait_indirect_dma semaphore(%arg14 : memref<!tpu.dma_semaphore, #tpu.memory_space<semaphore_mem>>) src(%arg9 : memref<128x2x128xbf16, #tpu.memory_space<vmem>>) dst(%dma_wait3A_339 : memref<10240x2x128xbf16, #tpu.memory_space<vmem_shared>>)
      %dma_start3A_340 = arith.constant 10 : i32
      %dma_start3A_341 = arith.constant 0 : i32
      %dma_start3A_342 = tpu.memref_slice %arg7[%dma_start3A_340, %dma_start3A_341] : memref<16x128xi32, #tpu.memory_space<vmem>> -> memref<1x128xi32, #tpu.memory_space<vmem>>
      %dma_start3A_343 = tpu.memref_squeeze %dma_start3A_342 : memref<1x128xi32, #tpu.memory_space<vmem>> -> memref<128xi32, #tpu.memory_space<vmem>>
      %dma_start3A_344 = arith.constant 0 : i32
      %dma_start3A_345 = arith.constant 0 : i32
      %dma_start3A_346 = arith.constant 0 : i32
      %dma_start3A_347 = tpu.memref_slice %arg2[%dma_start3A_344, %dma_start3A_345, %dma_start3A_346] : memref<10240x2x128xbf16, #tpu.memory_space<hbm>> -> memref<10240x2x128xbf16, #tpu.memory_space<hbm>>
      tpu.enqueue_indirect_dma source(%dma_start3A_347 : memref<10240x2x128xbf16, #tpu.memory_space<hbm>>) target(%arg9 : memref<128x2x128xbf16, #tpu.memory_space<vmem>>) offsets(%dma_start3A_343 : memref<128xi32, #tpu.memory_space<vmem>>) semaphore(%arg12 : memref<!tpu.dma_semaphore, #tpu.memory_space<semaphore_mem>>)
      %dma_start3A_348 = arith.constant 9 : i32
      %dma_start3A_349 = arith.constant 0 : i32
      %dma_start3A_350 = tpu.memref_slice %arg8[%dma_start3A_348, %dma_start3A_349] : memref<16x128xi32, #tpu.memory_space<vmem>> -> memref<1x128xi32, #tpu.memory_space<vmem>>
      %dma_start3A_351 = tpu.memref_squeeze %dma_start3A_350 : memref<1x128xi32, #tpu.memory_space<vmem>> -> memref<128xi32, #tpu.memory_space<vmem>>
      %dma_start3A_352 = arith.constant 0 : i32
      %dma_start3A_353 = arith.constant 0 : i32
      %dma_start3A_354 = arith.constant 0 : i32
      %dma_start3A_355 = tpu.memref_slice %arg11[%dma_start3A_352, %dma_start3A_353, %dma_start3A_354] : memref<10240x2x128xbf16, #tpu.memory_space<vmem_shared>> -> memref<10240x2x128xbf16, #tpu.memory_space<vmem_shared>>
      tpu.enqueue_indirect_dma source(%arg10 : memref<128x2x128xbf16, #tpu.memory_space<vmem>>) target(%dma_start3A_355 : memref<10240x2x128xbf16, #tpu.memory_space<vmem_shared>>) offsets(%dma_start3A_351 : memref<128xi32, #tpu.memory_space<vmem>>) semaphore(%arg15 : memref<!tpu.dma_semaphore, #tpu.memory_space<semaphore_mem>>) {add = true}
      %dma_wait3A_356 = arith.constant 10 : i32
      %dma_wait3A_357 = arith.constant 0 : i32
      %dma_wait3A_358 = tpu.memref_slice %arg7[%dma_wait3A_356, %dma_wait3A_357] : memref<16x128xi32, #tpu.memory_space<vmem>> -> memref<1x128xi32, #tpu.memory_space<vmem>>
      %dma_wait3A_359 = tpu.memref_squeeze %dma_wait3A_358 : memref<1x128xi32, #tpu.memory_space<vmem>> -> memref<128xi32, #tpu.memory_space<vmem>>
      %dma_wait3A_360 = arith.constant 0 : i32
      %dma_wait3A_361 = arith.constant 0 : i32
      %dma_wait3A_362 = arith.constant 0 : i32
      %dma_wait3A_363 = tpu.memref_slice %arg2[%dma_wait3A_360, %dma_wait3A_361, %dma_wait3A_362] : memref<10240x2x128xbf16, #tpu.memory_space<hbm>> -> memref<10240x2x128xbf16, #tpu.memory_space<hbm>>
      tpu.wait_indirect_dma semaphore(%arg12 : memref<!tpu.dma_semaphore, #tpu.memory_space<semaphore_mem>>) src(%dma_wait3A_363 : memref<10240x2x128xbf16, #tpu.memory_space<hbm>>) dst(%arg9 : memref<128x2x128xbf16, #tpu.memory_space<vmem>>)
      %dma_wait3A_364 = arith.constant 9 : i32
      %dma_wait3A_365 = arith.constant 0 : i32
      %dma_wait3A_366 = tpu.memref_slice %arg8[%dma_wait3A_364, %dma_wait3A_365] : memref<16x128xi32, #tpu.memory_space<vmem>> -> memref<1x128xi32, #tpu.memory_space<vmem>>
      %dma_wait3A_367 = tpu.memref_squeeze %dma_wait3A_366 : memref<1x128xi32, #tpu.memory_space<vmem>> -> memref<128xi32, #tpu.memory_space<vmem>>
      %dma_wait3A_368 = arith.constant 0 : i32
      %dma_wait3A_369 = arith.constant 0 : i32
      %dma_wait3A_370 = arith.constant 0 : i32
      %dma_wait3A_371 = tpu.memref_slice %arg11[%dma_wait3A_368, %dma_wait3A_369, %dma_wait3A_370] : memref<10240x2x128xbf16, #tpu.memory_space<vmem_shared>> -> memref<10240x2x128xbf16, #tpu.memory_space<vmem_shared>>
      tpu.wait_indirect_dma semaphore(%arg15 : memref<!tpu.dma_semaphore, #tpu.memory_space<semaphore_mem>>) src(%arg10 : memref<128x2x128xbf16, #tpu.memory_space<vmem>>) dst(%dma_wait3A_371 : memref<10240x2x128xbf16, #tpu.memory_space<vmem_shared>>)
      %dma_start3A_372 = arith.constant 11 : i32
      %dma_start3A_373 = arith.constant 0 : i32
      %dma_start3A_374 = tpu.memref_slice %arg7[%dma_start3A_372, %dma_start3A_373] : memref<16x128xi32, #tpu.memory_space<vmem>> -> memref<1x128xi32, #tpu.memory_space<vmem>>
      %dma_start3A_375 = tpu.memref_squeeze %dma_start3A_374 : memref<1x128xi32, #tpu.memory_space<vmem>> -> memref<128xi32, #tpu.memory_space<vmem>>
      %dma_start3A_376 = arith.constant 0 : i32
      %dma_start3A_377 = arith.constant 0 : i32
      %dma_start3A_378 = arith.constant 0 : i32
      %dma_start3A_379 = tpu.memref_slice %arg2[%dma_start3A_376, %dma_start3A_377, %dma_start3A_378] : memref<10240x2x128xbf16, #tpu.memory_space<hbm>> -> memref<10240x2x128xbf16, #tpu.memory_space<hbm>>
      tpu.enqueue_indirect_dma source(%dma_start3A_379 : memref<10240x2x128xbf16, #tpu.memory_space<hbm>>) target(%arg10 : memref<128x2x128xbf16, #tpu.memory_space<vmem>>) offsets(%dma_start3A_375 : memref<128xi32, #tpu.memory_space<vmem>>) semaphore(%arg13 : memref<!tpu.dma_semaphore, #tpu.memory_space<semaphore_mem>>)
      %dma_start3A_380 = arith.constant 10 : i32
      %dma_start3A_381 = arith.constant 0 : i32
      %dma_start3A_382 = tpu.memref_slice %arg8[%dma_start3A_380, %dma_start3A_381] : memref<16x128xi32, #tpu.memory_space<vmem>> -> memref<1x128xi32, #tpu.memory_space<vmem>>
      %dma_start3A_383 = tpu.memref_squeeze %dma_start3A_382 : memref<1x128xi32, #tpu.memory_space<vmem>> -> memref<128xi32, #tpu.memory_space<vmem>>
      %dma_start3A_384 = arith.constant 0 : i32
      %dma_start3A_385 = arith.constant 0 : i32
      %dma_start3A_386 = arith.constant 0 : i32
      %dma_start3A_387 = tpu.memref_slice %arg11[%dma_start3A_384, %dma_start3A_385, %dma_start3A_386] : memref<10240x2x128xbf16, #tpu.memory_space<vmem_shared>> -> memref<10240x2x128xbf16, #tpu.memory_space<vmem_shared>>
      tpu.enqueue_indirect_dma source(%arg9 : memref<128x2x128xbf16, #tpu.memory_space<vmem>>) target(%dma_start3A_387 : memref<10240x2x128xbf16, #tpu.memory_space<vmem_shared>>) offsets(%dma_start3A_383 : memref<128xi32, #tpu.memory_space<vmem>>) semaphore(%arg14 : memref<!tpu.dma_semaphore, #tpu.memory_space<semaphore_mem>>) {add = true}
      %dma_wait3A_388 = arith.constant 11 : i32
      %dma_wait3A_389 = arith.constant 0 : i32
      %dma_wait3A_390 = tpu.memref_slice %arg7[%dma_wait3A_388, %dma_wait3A_389] : memref<16x128xi32, #tpu.memory_space<vmem>> -> memref<1x128xi32, #tpu.memory_space<vmem>>
      %dma_wait3A_391 = tpu.memref_squeeze %dma_wait3A_390 : memref<1x128xi32, #tpu.memory_space<vmem>> -> memref<128xi32, #tpu.memory_space<vmem>>
      %dma_wait3A_392 = arith.constant 0 : i32
      %dma_wait3A_393 = arith.constant 0 : i32
      %dma_wait3A_394 = arith.constant 0 : i32
      %dma_wait3A_395 = tpu.memref_slice %arg2[%dma_wait3A_392, %dma_wait3A_393, %dma_wait3A_394] : memref<10240x2x128xbf16, #tpu.memory_space<hbm>> -> memref<10240x2x128xbf16, #tpu.memory_space<hbm>>
      tpu.wait_indirect_dma semaphore(%arg13 : memref<!tpu.dma_semaphore, #tpu.memory_space<semaphore_mem>>) src(%dma_wait3A_395 : memref<10240x2x128xbf16, #tpu.memory_space<hbm>>) dst(%arg10 : memref<128x2x128xbf16, #tpu.memory_space<vmem>>)
      %dma_wait3A_396 = arith.constant 10 : i32
      %dma_wait3A_397 = arith.constant 0 : i32
      %dma_wait3A_398 = tpu.memref_slice %arg8[%dma_wait3A_396, %dma_wait3A_397] : memref<16x128xi32, #tpu.memory_space<vmem>> -> memref<1x128xi32, #tpu.memory_space<vmem>>
      %dma_wait3A_399 = tpu.memref_squeeze %dma_wait3A_398 : memref<1x128xi32, #tpu.memory_space<vmem>> -> memref<128xi32, #tpu.memory_space<vmem>>
      %dma_wait3A_400 = arith.constant 0 : i32
      %dma_wait3A_401 = arith.constant 0 : i32
      %dma_wait3A_402 = arith.constant 0 : i32
      %dma_wait3A_403 = tpu.memref_slice %arg11[%dma_wait3A_400, %dma_wait3A_401, %dma_wait3A_402] : memref<10240x2x128xbf16, #tpu.memory_space<vmem_shared>> -> memref<10240x2x128xbf16, #tpu.memory_space<vmem_shared>>
      tpu.wait_indirect_dma semaphore(%arg14 : memref<!tpu.dma_semaphore, #tpu.memory_space<semaphore_mem>>) src(%arg9 : memref<128x2x128xbf16, #tpu.memory_space<vmem>>) dst(%dma_wait3A_403 : memref<10240x2x128xbf16, #tpu.memory_space<vmem_shared>>)
      %dma_start3A_404 = arith.constant 12 : i32
      %dma_start3A_405 = arith.constant 0 : i32
      %dma_start3A_406 = tpu.memref_slice %arg7[%dma_start3A_404, %dma_start3A_405] : memref<16x128xi32, #tpu.memory_space<vmem>> -> memref<1x128xi32, #tpu.memory_space<vmem>>
      %dma_start3A_407 = tpu.memref_squeeze %dma_start3A_406 : memref<1x128xi32, #tpu.memory_space<vmem>> -> memref<128xi32, #tpu.memory_space<vmem>>
      %dma_start3A_408 = arith.constant 0 : i32
      %dma_start3A_409 = arith.constant 0 : i32
      %dma_start3A_410 = arith.constant 0 : i32
      %dma_start3A_411 = tpu.memref_slice %arg2[%dma_start3A_408, %dma_start3A_409, %dma_start3A_410] : memref<10240x2x128xbf16, #tpu.memory_space<hbm>> -> memref<10240x2x128xbf16, #tpu.memory_space<hbm>>
      tpu.enqueue_indirect_dma source(%dma_start3A_411 : memref<10240x2x128xbf16, #tpu.memory_space<hbm>>) target(%arg9 : memref<128x2x128xbf16, #tpu.memory_space<vmem>>) offsets(%dma_start3A_407 : memref<128xi32, #tpu.memory_space<vmem>>) semaphore(%arg12 : memref<!tpu.dma_semaphore, #tpu.memory_space<semaphore_mem>>)
      %dma_start3A_412 = arith.constant 11 : i32
      %dma_start3A_413 = arith.constant 0 : i32
      %dma_start3A_414 = tpu.memref_slice %arg8[%dma_start3A_412, %dma_start3A_413] : memref<16x128xi32, #tpu.memory_space<vmem>> -> memref<1x128xi32, #tpu.memory_space<vmem>>
      %dma_start3A_415 = tpu.memref_squeeze %dma_start3A_414 : memref<1x128xi32, #tpu.memory_space<vmem>> -> memref<128xi32, #tpu.memory_space<vmem>>
      %dma_start3A_416 = arith.constant 0 : i32
      %dma_start3A_417 = arith.constant 0 : i32
      %dma_start3A_418 = arith.constant 0 : i32
      %dma_start3A_419 = tpu.memref_slice %arg11[%dma_start3A_416, %dma_start3A_417, %dma_start3A_418] : memref<10240x2x128xbf16, #tpu.memory_space<vmem_shared>> -> memref<10240x2x128xbf16, #tpu.memory_space<vmem_shared>>
      tpu.enqueue_indirect_dma source(%arg10 : memref<128x2x128xbf16, #tpu.memory_space<vmem>>) target(%dma_start3A_419 : memref<10240x2x128xbf16, #tpu.memory_space<vmem_shared>>) offsets(%dma_start3A_415 : memref<128xi32, #tpu.memory_space<vmem>>) semaphore(%arg15 : memref<!tpu.dma_semaphore, #tpu.memory_space<semaphore_mem>>) {add = true}
      %dma_wait3A_420 = arith.constant 12 : i32
      %dma_wait3A_421 = arith.constant 0 : i32
      %dma_wait3A_422 = tpu.memref_slice %arg7[%dma_wait3A_420, %dma_wait3A_421] : memref<16x128xi32, #tpu.memory_space<vmem>> -> memref<1x128xi32, #tpu.memory_space<vmem>>
      %dma_wait3A_423 = tpu.memref_squeeze %dma_wait3A_422 : memref<1x128xi32, #tpu.memory_space<vmem>> -> memref<128xi32, #tpu.memory_space<vmem>>
      %dma_wait3A_424 = arith.constant 0 : i32
      %dma_wait3A_425 = arith.constant 0 : i32
      %dma_wait3A_426 = arith.constant 0 : i32
      %dma_wait3A_427 = tpu.memref_slice %arg2[%dma_wait3A_424, %dma_wait3A_425, %dma_wait3A_426] : memref<10240x2x128xbf16, #tpu.memory_space<hbm>> -> memref<10240x2x128xbf16, #tpu.memory_space<hbm>>
      tpu.wait_indirect_dma semaphore(%arg12 : memref<!tpu.dma_semaphore, #tpu.memory_space<semaphore_mem>>) src(%dma_wait3A_427 : memref<10240x2x128xbf16, #tpu.memory_space<hbm>>) dst(%arg9 : memref<128x2x128xbf16, #tpu.memory_space<vmem>>)
      %dma_wait3A_428 = arith.constant 11 : i32
      %dma_wait3A_429 = arith.constant 0 : i32
      %dma_wait3A_430 = tpu.memref_slice %arg8[%dma_wait3A_428, %dma_wait3A_429] : memref<16x128xi32, #tpu.memory_space<vmem>> -> memref<1x128xi32, #tpu.memory_space<vmem>>
      %dma_wait3A_431 = tpu.memref_squeeze %dma_wait3A_430 : memref<1x128xi32, #tpu.memory_space<vmem>> -> memref<128xi32, #tpu.memory_space<vmem>>
      %dma_wait3A_432 = arith.constant 0 : i32
      %dma_wait3A_433 = arith.constant 0 : i32
      %dma_wait3A_434 = arith.constant 0 : i32
      %dma_wait3A_435 = tpu.memref_slice %arg11[%dma_wait3A_432, %dma_wait3A_433, %dma_wait3A_434] : memref<10240x2x128xbf16, #tpu.memory_space<vmem_shared>> -> memref<10240x2x128xbf16, #tpu.memory_space<vmem_shared>>
      tpu.wait_indirect_dma semaphore(%arg15 : memref<!tpu.dma_semaphore, #tpu.memory_space<semaphore_mem>>) src(%arg10 : memref<128x2x128xbf16, #tpu.memory_space<vmem>>) dst(%dma_wait3A_435 : memref<10240x2x128xbf16, #tpu.memory_space<vmem_shared>>)
      %dma_start3A_436 = arith.constant 13 : i32
      %dma_start3A_437 = arith.constant 0 : i32
      %dma_start3A_438 = tpu.memref_slice %arg7[%dma_start3A_436, %dma_start3A_437] : memref<16x128xi32, #tpu.memory_space<vmem>> -> memref<1x128xi32, #tpu.memory_space<vmem>>
      %dma_start3A_439 = tpu.memref_squeeze %dma_start3A_438 : memref<1x128xi32, #tpu.memory_space<vmem>> -> memref<128xi32, #tpu.memory_space<vmem>>
      %dma_start3A_440 = arith.constant 0 : i32
      %dma_start3A_441 = arith.constant 0 : i32
      %dma_start3A_442 = arith.constant 0 : i32
      %dma_start3A_443 = tpu.memref_slice %arg2[%dma_start3A_440, %dma_start3A_441, %dma_start3A_442] : memref<10240x2x128xbf16, #tpu.memory_space<hbm>> -> memref<10240x2x128xbf16, #tpu.memory_space<hbm>>
      tpu.enqueue_indirect_dma source(%dma_start3A_443 : memref<10240x2x128xbf16, #tpu.memory_space<hbm>>) target(%arg10 : memref<128x2x128xbf16, #tpu.memory_space<vmem>>) offsets(%dma_start3A_439 : memref<128xi32, #tpu.memory_space<vmem>>) semaphore(%arg13 : memref<!tpu.dma_semaphore, #tpu.memory_space<semaphore_mem>>)
      %dma_start3A_444 = arith.constant 12 : i32
      %dma_start3A_445 = arith.constant 0 : i32
      %dma_start3A_446 = tpu.memref_slice %arg8[%dma_start3A_444, %dma_start3A_445] : memref<16x128xi32, #tpu.memory_space<vmem>> -> memref<1x128xi32, #tpu.memory_space<vmem>>
      %dma_start3A_447 = tpu.memref_squeeze %dma_start3A_446 : memref<1x128xi32, #tpu.memory_space<vmem>> -> memref<128xi32, #tpu.memory_space<vmem>>
      %dma_start3A_448 = arith.constant 0 : i32
      %dma_start3A_449 = arith.constant 0 : i32
      %dma_start3A_450 = arith.constant 0 : i32
      %dma_start3A_451 = tpu.memref_slice %arg11[%dma_start3A_448, %dma_start3A_449, %dma_start3A_450] : memref<10240x2x128xbf16, #tpu.memory_space<vmem_shared>> -> memref<10240x2x128xbf16, #tpu.memory_space<vmem_shared>>
      tpu.enqueue_indirect_dma source(%arg9 : memref<128x2x128xbf16, #tpu.memory_space<vmem>>) target(%dma_start3A_451 : memref<10240x2x128xbf16, #tpu.memory_space<vmem_shared>>) offsets(%dma_start3A_447 : memref<128xi32, #tpu.memory_space<vmem>>) semaphore(%arg14 : memref<!tpu.dma_semaphore, #tpu.memory_space<semaphore_mem>>) {add = true}
      %dma_wait3A_452 = arith.constant 13 : i32
      %dma_wait3A_453 = arith.constant 0 : i32
      %dma_wait3A_454 = tpu.memref_slice %arg7[%dma_wait3A_452, %dma_wait3A_453] : memref<16x128xi32, #tpu.memory_space<vmem>> -> memref<1x128xi32, #tpu.memory_space<vmem>>
      %dma_wait3A_455 = tpu.memref_squeeze %dma_wait3A_454 : memref<1x128xi32, #tpu.memory_space<vmem>> -> memref<128xi32, #tpu.memory_space<vmem>>
      %dma_wait3A_456 = arith.constant 0 : i32
      %dma_wait3A_457 = arith.constant 0 : i32
      %dma_wait3A_458 = arith.constant 0 : i32
      %dma_wait3A_459 = tpu.memref_slice %arg2[%dma_wait3A_456, %dma_wait3A_457, %dma_wait3A_458] : memref<10240x2x128xbf16, #tpu.memory_space<hbm>> -> memref<10240x2x128xbf16, #tpu.memory_space<hbm>>
      tpu.wait_indirect_dma semaphore(%arg13 : memref<!tpu.dma_semaphore, #tpu.memory_space<semaphore_mem>>) src(%dma_wait3A_459 : memref<10240x2x128xbf16, #tpu.memory_space<hbm>>) dst(%arg10 : memref<128x2x128xbf16, #tpu.memory_space<vmem>>)
      %dma_wait3A_460 = arith.constant 12 : i32
      %dma_wait3A_461 = arith.constant 0 : i32
      %dma_wait3A_462 = tpu.memref_slice %arg8[%dma_wait3A_460, %dma_wait3A_461] : memref<16x128xi32, #tpu.memory_space<vmem>> -> memref<1x128xi32, #tpu.memory_space<vmem>>
      %dma_wait3A_463 = tpu.memref_squeeze %dma_wait3A_462 : memref<1x128xi32, #tpu.memory_space<vmem>> -> memref<128xi32, #tpu.memory_space<vmem>>
      %dma_wait3A_464 = arith.constant 0 : i32
      %dma_wait3A_465 = arith.constant 0 : i32
      %dma_wait3A_466 = arith.constant 0 : i32
      %dma_wait3A_467 = tpu.memref_slice %arg11[%dma_wait3A_464, %dma_wait3A_465, %dma_wait3A_466] : memref<10240x2x128xbf16, #tpu.memory_space<vmem_shared>> -> memref<10240x2x128xbf16, #tpu.memory_space<vmem_shared>>
      tpu.wait_indirect_dma semaphore(%arg14 : memref<!tpu.dma_semaphore, #tpu.memory_space<semaphore_mem>>) src(%arg9 : memref<128x2x128xbf16, #tpu.memory_space<vmem>>) dst(%dma_wait3A_467 : memref<10240x2x128xbf16, #tpu.memory_space<vmem_shared>>)
      %dma_start3A_468 = arith.constant 14 : i32
      %dma_start3A_469 = arith.constant 0 : i32
      %dma_start3A_470 = tpu.memref_slice %arg7[%dma_start3A_468, %dma_start3A_469] : memref<16x128xi32, #tpu.memory_space<vmem>> -> memref<1x128xi32, #tpu.memory_space<vmem>>
      %dma_start3A_471 = tpu.memref_squeeze %dma_start3A_470 : memref<1x128xi32, #tpu.memory_space<vmem>> -> memref<128xi32, #tpu.memory_space<vmem>>
      %dma_start3A_472 = arith.constant 0 : i32
      %dma_start3A_473 = arith.constant 0 : i32
      %dma_start3A_474 = arith.constant 0 : i32
      %dma_start3A_475 = tpu.memref_slice %arg2[%dma_start3A_472, %dma_start3A_473, %dma_start3A_474] : memref<10240x2x128xbf16, #tpu.memory_space<hbm>> -> memref<10240x2x128xbf16, #tpu.memory_space<hbm>>
      tpu.enqueue_indirect_dma source(%dma_start3A_475 : memref<10240x2x128xbf16, #tpu.memory_space<hbm>>) target(%arg9 : memref<128x2x128xbf16, #tpu.memory_space<vmem>>) offsets(%dma_start3A_471 : memref<128xi32, #tpu.memory_space<vmem>>) semaphore(%arg12 : memref<!tpu.dma_semaphore, #tpu.memory_space<semaphore_mem>>)
      %dma_start3A_476 = arith.constant 13 : i32
      %dma_start3A_477 = arith.constant 0 : i32
      %dma_start3A_478 = tpu.memref_slice %arg8[%dma_start3A_476, %dma_start3A_477] : memref<16x128xi32, #tpu.memory_space<vmem>> -> memref<1x128xi32, #tpu.memory_space<vmem>>
      %dma_start3A_479 = tpu.memref_squeeze %dma_start3A_478 : memref<1x128xi32, #tpu.memory_space<vmem>> -> memref<128xi32, #tpu.memory_space<vmem>>
      %dma_start3A_480 = arith.constant 0 : i32
      %dma_start3A_481 = arith.constant 0 : i32
      %dma_start3A_482 = arith.constant 0 : i32
      %dma_start3A_483 = tpu.memref_slice %arg11[%dma_start3A_480, %dma_start3A_481, %dma_start3A_482] : memref<10240x2x128xbf16, #tpu.memory_space<vmem_shared>> -> memref<10240x2x128xbf16, #tpu.memory_space<vmem_shared>>
      tpu.enqueue_indirect_dma source(%arg10 : memref<128x2x128xbf16, #tpu.memory_space<vmem>>) target(%dma_start3A_483 : memref<10240x2x128xbf16, #tpu.memory_space<vmem_shared>>) offsets(%dma_start3A_479 : memref<128xi32, #tpu.memory_space<vmem>>) semaphore(%arg15 : memref<!tpu.dma_semaphore, #tpu.memory_space<semaphore_mem>>) {add = true}
      %dma_wait3A_484 = arith.constant 14 : i32
      %dma_wait3A_485 = arith.constant 0 : i32
      %dma_wait3A_486 = tpu.memref_slice %arg7[%dma_wait3A_484, %dma_wait3A_485] : memref<16x128xi32, #tpu.memory_space<vmem>> -> memref<1x128xi32, #tpu.memory_space<vmem>>
      %dma_wait3A_487 = tpu.memref_squeeze %dma_wait3A_486 : memref<1x128xi32, #tpu.memory_space<vmem>> -> memref<128xi32, #tpu.memory_space<vmem>>
      %dma_wait3A_488 = arith.constant 0 : i32
      %dma_wait3A_489 = arith.constant 0 : i32
      %dma_wait3A_490 = arith.constant 0 : i32
      %dma_wait3A_491 = tpu.memref_slice %arg2[%dma_wait3A_488, %dma_wait3A_489, %dma_wait3A_490] : memref<10240x2x128xbf16, #tpu.memory_space<hbm>> -> memref<10240x2x128xbf16, #tpu.memory_space<hbm>>
      tpu.wait_indirect_dma semaphore(%arg12 : memref<!tpu.dma_semaphore, #tpu.memory_space<semaphore_mem>>) src(%dma_wait3A_491 : memref<10240x2x128xbf16, #tpu.memory_space<hbm>>) dst(%arg9 : memref<128x2x128xbf16, #tpu.memory_space<vmem>>)
      %dma_wait3A_492 = arith.constant 13 : i32
      %dma_wait3A_493 = arith.constant 0 : i32
      %dma_wait3A_494 = tpu.memref_slice %arg8[%dma_wait3A_492, %dma_wait3A_493] : memref<16x128xi32, #tpu.memory_space<vmem>> -> memref<1x128xi32, #tpu.memory_space<vmem>>
      %dma_wait3A_495 = tpu.memref_squeeze %dma_wait3A_494 : memref<1x128xi32, #tpu.memory_space<vmem>> -> memref<128xi32, #tpu.memory_space<vmem>>
      %dma_wait3A_496 = arith.constant 0 : i32
      %dma_wait3A_497 = arith.constant 0 : i32
      %dma_wait3A_498 = arith.constant 0 : i32
      %dma_wait3A_499 = tpu.memref_slice %arg11[%dma_wait3A_496, %dma_wait3A_497, %dma_wait3A_498] : memref<10240x2x128xbf16, #tpu.memory_space<vmem_shared>> -> memref<10240x2x128xbf16, #tpu.memory_space<vmem_shared>>
      tpu.wait_indirect_dma semaphore(%arg15 : memref<!tpu.dma_semaphore, #tpu.memory_space<semaphore_mem>>) src(%arg10 : memref<128x2x128xbf16, #tpu.memory_space<vmem>>) dst(%dma_wait3A_499 : memref<10240x2x128xbf16, #tpu.memory_space<vmem_shared>>)
      %dma_start3A_500 = arith.constant 15 : i32
      %dma_start3A_501 = arith.constant 0 : i32
      %dma_start3A_502 = tpu.memref_slice %arg7[%dma_start3A_500, %dma_start3A_501] : memref<16x128xi32, #tpu.memory_space<vmem>> -> memref<1x128xi32, #tpu.memory_space<vmem>>
      %dma_start3A_503 = tpu.memref_squeeze %dma_start3A_502 : memref<1x128xi32, #tpu.memory_space<vmem>> -> memref<128xi32, #tpu.memory_space<vmem>>
      %dma_start3A_504 = arith.constant 0 : i32
      %dma_start3A_505 = arith.constant 0 : i32
      %dma_start3A_506 = arith.constant 0 : i32
      %dma_start3A_507 = tpu.memref_slice %arg2[%dma_start3A_504, %dma_start3A_505, %dma_start3A_506] : memref<10240x2x128xbf16, #tpu.memory_space<hbm>> -> memref<10240x2x128xbf16, #tpu.memory_space<hbm>>
      tpu.enqueue_indirect_dma source(%dma_start3A_507 : memref<10240x2x128xbf16, #tpu.memory_space<hbm>>) target(%arg10 : memref<128x2x128xbf16, #tpu.memory_space<vmem>>) offsets(%dma_start3A_503 : memref<128xi32, #tpu.memory_space<vmem>>) semaphore(%arg13 : memref<!tpu.dma_semaphore, #tpu.memory_space<semaphore_mem>>)
      %dma_start3A_508 = arith.constant 14 : i32
      %dma_start3A_509 = arith.constant 0 : i32
      %dma_start3A_510 = tpu.memref_slice %arg8[%dma_start3A_508, %dma_start3A_509] : memref<16x128xi32, #tpu.memory_space<vmem>> -> memref<1x128xi32, #tpu.memory_space<vmem>>
      %dma_start3A_511 = tpu.memref_squeeze %dma_start3A_510 : memref<1x128xi32, #tpu.memory_space<vmem>> -> memref<128xi32, #tpu.memory_space<vmem>>
      %dma_start3A_512 = arith.constant 0 : i32
      %dma_start3A_513 = arith.constant 0 : i32
      %dma_start3A_514 = arith.constant 0 : i32
      %dma_start3A_515 = tpu.memref_slice %arg11[%dma_start3A_512, %dma_start3A_513, %dma_start3A_514] : memref<10240x2x128xbf16, #tpu.memory_space<vmem_shared>> -> memref<10240x2x128xbf16, #tpu.memory_space<vmem_shared>>
      tpu.enqueue_indirect_dma source(%arg9 : memref<128x2x128xbf16, #tpu.memory_space<vmem>>) target(%dma_start3A_515 : memref<10240x2x128xbf16, #tpu.memory_space<vmem_shared>>) offsets(%dma_start3A_511 : memref<128xi32, #tpu.memory_space<vmem>>) semaphore(%arg14 : memref<!tpu.dma_semaphore, #tpu.memory_space<semaphore_mem>>) {add = true}
      %dma_wait3A_516 = arith.constant 15 : i32
      %dma_wait3A_517 = arith.constant 0 : i32
      %dma_wait3A_518 = tpu.memref_slice %arg7[%dma_wait3A_516, %dma_wait3A_517] : memref<16x128xi32, #tpu.memory_space<vmem>> -> memref<1x128xi32, #tpu.memory_space<vmem>>
      %dma_wait3A_519 = tpu.memref_squeeze %dma_wait3A_518 : memref<1x128xi32, #tpu.memory_space<vmem>> -> memref<128xi32, #tpu.memory_space<vmem>>
      %dma_wait3A_520 = arith.constant 0 : i32
      %dma_wait3A_521 = arith.constant 0 : i32
      %dma_wait3A_522 = arith.constant 0 : i32
      %dma_wait3A_523 = tpu.memref_slice %arg2[%dma_wait3A_520, %dma_wait3A_521, %dma_wait3A_522] : memref<10240x2x128xbf16, #tpu.memory_space<hbm>> -> memref<10240x2x128xbf16, #tpu.memory_space<hbm>>
      tpu.wait_indirect_dma semaphore(%arg13 : memref<!tpu.dma_semaphore, #tpu.memory_space<semaphore_mem>>) src(%dma_wait3A_523 : memref<10240x2x128xbf16, #tpu.memory_space<hbm>>) dst(%arg10 : memref<128x2x128xbf16, #tpu.memory_space<vmem>>)
      %dma_start3A_524 = arith.constant 15 : i32
      %dma_start3A_525 = arith.constant 0 : i32
      %dma_start3A_526 = tpu.memref_slice %arg8[%dma_start3A_524, %dma_start3A_525] : memref<16x128xi32, #tpu.memory_space<vmem>> -> memref<1x128xi32, #tpu.memory_space<vmem>>
      %dma_start3A_527 = tpu.memref_squeeze %dma_start3A_526 : memref<1x128xi32, #tpu.memory_space<vmem>> -> memref<128xi32, #tpu.memory_space<vmem>>
      %dma_start3A_528 = arith.constant 0 : i32
      %dma_start3A_529 = arith.constant 0 : i32
      %dma_start3A_530 = arith.constant 0 : i32
      %dma_start3A_531 = tpu.memref_slice %arg11[%dma_start3A_528, %dma_start3A_529, %dma_start3A_530] : memref<10240x2x128xbf16, #tpu.memory_space<vmem_shared>> -> memref<10240x2x128xbf16, #tpu.memory_space<vmem_shared>>
      tpu.enqueue_indirect_dma source(%arg10 : memref<128x2x128xbf16, #tpu.memory_space<vmem>>) target(%dma_start3A_531 : memref<10240x2x128xbf16, #tpu.memory_space<vmem_shared>>) offsets(%dma_start3A_527 : memref<128xi32, #tpu.memory_space<vmem>>) semaphore(%arg15 : memref<!tpu.dma_semaphore, #tpu.memory_space<semaphore_mem>>) {add = true}
      %dma_wait3A_532 = arith.constant 15 : i32
      %dma_wait3A_533 = arith.constant 0 : i32
      %dma_wait3A_534 = tpu.memref_slice %arg8[%dma_wait3A_532, %dma_wait3A_533] : memref<16x128xi32, #tpu.memory_space<vmem>> -> memref<1x128xi32, #tpu.memory_space<vmem>>
      %dma_wait3A_535 = tpu.memref_squeeze %dma_wait3A_534 : memref<1x128xi32, #tpu.memory_space<vmem>> -> memref<128xi32, #tpu.memory_space<vmem>>
      %dma_wait3A_536 = arith.constant 0 : i32
      %dma_wait3A_537 = arith.constant 0 : i32
      %dma_wait3A_538 = arith.constant 0 : i32
      %dma_wait3A_539 = tpu.memref_slice %arg11[%dma_wait3A_536, %dma_wait3A_537, %dma_wait3A_538] : memref<10240x2x128xbf16, #tpu.memory_space<vmem_shared>> -> memref<10240x2x128xbf16, #tpu.memory_space<vmem_shared>>
      tpu.wait_indirect_dma semaphore(%arg15 : memref<!tpu.dma_semaphore, #tpu.memory_space<semaphore_mem>>) src(%arg10 : memref<128x2x128xbf16, #tpu.memory_space<vmem>>) dst(%dma_wait3A_539 : memref<10240x2x128xbf16, #tpu.memory_space<vmem_shared>>)
      %dma_wait3A_540 = arith.constant 14 : i32
      %dma_wait3A_541 = arith.constant 0 : i32
      %dma_wait3A_542 = tpu.memref_slice %arg8[%dma_wait3A_540, %dma_wait3A_541] : memref<16x128xi32, #tpu.memory_space<vmem>> -> memref<1x128xi32, #tpu.memory_space<vmem>>
      %dma_wait3A_543 = tpu.memref_squeeze %dma_wait3A_542 : memref<1x128xi32, #tpu.memory_space<vmem>> -> memref<128xi32, #tpu.memory_space<vmem>>
      %dma_wait3A_544 = arith.constant 0 : i32
      %dma_wait3A_545 = arith.constant 0 : i32
      %dma_wait3A_546 = arith.constant 0 : i32
      %dma_wait3A_547 = tpu.memref_slice %arg11[%dma_wait3A_544, %dma_wait3A_545, %dma_wait3A_546] : memref<10240x2x128xbf16, #tpu.memory_space<vmem_shared>> -> memref<10240x2x128xbf16, #tpu.memory_space<vmem_shared>>
      tpu.wait_indirect_dma semaphore(%arg14 : memref<!tpu.dma_semaphore, #tpu.memory_space<semaphore_mem>>) src(%arg9 : memref<128x2x128xbf16, #tpu.memory_space<vmem>>) dst(%dma_wait3A_547 : memref<10240x2x128xbf16, #tpu.memory_space<vmem_shared>>)
      %scan3A_548 = arith.constant 1 : i32
    } else {
    }
    %barrier3A_25 = arith.constant 0 : index
    tpu.barrier barrier_id(%barrier3A_25)
    %mul3A_26 = arith.constant 640 : i32
    %mul3A_27 = arith.muli %arg1, %mul3A_26 : i32
    %mul3A_28 = arith.constant 640 : i32
    %mul3A_29 = arith.muli %arg1, %mul3A_28 : i32
    "tpu.region"() ({
      %run_scoped3A = tpu.sem_alloc : memref<!tpu.dma_semaphore, #tpu.memory_space<semaphore_mem>>
      %dma_start3A = arith.constant 0 : i32
      %dma_start3A_30 = arith.constant 0 : i32
      %dma_start3A_31 = tpu.memref_slice %arg6[%arg0, %mul3A_29, %dma_start3A, %dma_start3A_30] : memref<2x10240x2x128xbf16, #tpu.memory_space<hbm>> -> memref<1x640x2x128xbf16, #tpu.memory_space<hbm>>
      %dma_start3A_32 = tpu.memref_squeeze %dma_start3A_31 : memref<1x640x2x128xbf16, #tpu.memory_space<hbm>> -> memref<640x2x128xbf16, #tpu.memory_space<hbm>>
      %dma_start3A_33 = arith.constant 0 : i32
      %dma_start3A_34 = arith.constant 0 : i32
      %dma_start3A_35 = tpu.memref_slice %arg11[%mul3A_27, %dma_start3A_33, %dma_start3A_34] : memref<10240x2x128xbf16, #tpu.memory_space<vmem_shared>> -> memref<640x2x128xbf16, #tpu.memory_space<vmem_shared>>
      tpu.enqueue_dma source(%dma_start3A_35 : memref<640x2x128xbf16, #tpu.memory_space<vmem_shared>>) target(%dma_start3A_32 : memref<640x2x128xbf16, #tpu.memory_space<hbm>>) target_semaphore(%run_scoped3A : memref<!tpu.dma_semaphore, #tpu.memory_space<semaphore_mem>>)
      %dma_wait3A = arith.constant 0 : i32
      %dma_wait3A_36 = arith.constant 0 : i32
      %dma_wait3A_37 = tpu.memref_slice %arg6[%arg0, %mul3A_29, %dma_wait3A, %dma_wait3A_36] : memref<2x10240x2x128xbf16, #tpu.memory_space<hbm>> -> memref<1x640x2x128xbf16, #tpu.memory_space<hbm>>
      %dma_wait3A_38 = tpu.memref_squeeze %dma_wait3A_37 : memref<1x640x2x128xbf16, #tpu.memory_space<hbm>> -> memref<640x2x128xbf16, #tpu.memory_space<hbm>>
      %dma_wait3A_39 = arith.constant 0 : i32
      %dma_wait3A_40 = arith.constant 0 : i32
      %dma_wait3A_41 = tpu.memref_slice %arg11[%mul3A_27, %dma_wait3A_39, %dma_wait3A_40] : memref<10240x2x128xbf16, #tpu.memory_space<vmem_shared>> -> memref<640x2x128xbf16, #tpu.memory_space<vmem_shared>>
      tpu.wait_dma2 semaphore(%run_scoped3A : memref<!tpu.dma_semaphore, #tpu.memory_space<semaphore_mem>>) src(%dma_wait3A_41 : memref<640x2x128xbf16, #tpu.memory_space<vmem_shared>>) dst(%dma_wait3A_38 : memref<640x2x128xbf16, #tpu.memory_space<hbm>>)
      tpu.yield
    }) : () -> ()
    return
  }
}

#map = affine_map<(d0, d1) -> (0, 0, 0)>
#map1 = affine_map<(d0, d1) -> (0, 0)>
#map2 = affine_map<(d0, d1) -> (0, 0, 0, 0)>
module attributes {stable_mosaic.version = 14 : i64} {
  func.func @body(%arg0: i32, %arg1: i32, %arg2: memref<10240x1x128xbf16, #tpu.memory_space<hbm>>, %arg3: memref<128x1x128xbf16, #tpu.memory_space<hbm>>, %arg4: memref<2560x128xi32, #tpu.memory_space<hbm>>, %arg5: memref<2560x128xi32, #tpu.memory_space<hbm>>, %arg6: memref<2x10240x1x128xbf16, #tpu.memory_space<hbm>>, %arg7: memref<16x128xi32, #tpu.memory_space<vmem>>, %arg8: memref<16x128xi32, #tpu.memory_space<vmem>>, %arg9: memref<128x1x128xbf16, #tpu.memory_space<vmem>>, %arg10: memref<128x1x128xbf16, #tpu.memory_space<vmem>>, %arg11: memref<10240x1x128xbf16, #tpu.memory_space<vmem_shared>>, %arg12: memref<!tpu.dma_semaphore, #tpu.memory_space<semaphore_mem>>, %arg13: memref<!tpu.dma_semaphore, #tpu.memory_space<semaphore_mem>>, %arg14: memref<!tpu.dma_semaphore, #tpu.memory_space<semaphore_mem>>, %arg15: memref<!tpu.dma_semaphore, #tpu.memory_space<semaphore_mem>>) attributes {dimension_semantics = [#tpu.dimension_semantics<core_parallel>, #tpu.dimension_semantics<subcore_parallel>], iteration_bounds = array<i64: 2, 16>, scalar_prefetch = 0 : i64, scratch_operands = 9 : i64, tpu.core_type = #tpu.core_type<sc_vector_subcore>, window_params = [{transform_indices = #map}, {transform_indices = #map}, {transform_indices = #map1}, {transform_indices = #map1}, {transform_indices = #map2}]} {
    %mul3A = arith.constant 640 : i32
    %mul3A_0 = arith.muli %arg1, %mul3A : i32
    %add3A = arith.constant 0 : i32
    %add3A_1 = arith.addi %mul3A_0, %add3A : i32
    "tpu.region"() ({
      %run_scoped3A = tpu.sem_alloc : memref<!tpu.dma_semaphore, #tpu.memory_space<semaphore_mem>>
      %dma_start3A = arith.constant 0 : i32
      %dma_start3A_30 = arith.constant 0 : i32
      %dma_start3A_31 = tpu.memref_slice %arg11[%add3A_1, %dma_start3A, %dma_start3A_30] : memref<10240x1x128xbf16, #tpu.memory_space<vmem_shared>> -> memref<128x1x128xbf16, #tpu.memory_space<vmem_shared>>
      tpu.enqueue_dma source(%arg3 : memref<128x1x128xbf16, #tpu.memory_space<hbm>>) target(%dma_start3A_31 : memref<128x1x128xbf16, #tpu.memory_space<vmem_shared>>) target_semaphore(%run_scoped3A : memref<!tpu.dma_semaphore, #tpu.memory_space<semaphore_mem>>)
      %dma_wait3A = arith.constant 0 : i32
      %dma_wait3A_32 = arith.constant 0 : i32
      %dma_wait3A_33 = tpu.memref_slice %arg11[%add3A_1, %dma_wait3A, %dma_wait3A_32] : memref<10240x1x128xbf16, #tpu.memory_space<vmem_shared>> -> memref<128x1x128xbf16, #tpu.memory_space<vmem_shared>>
      tpu.wait_dma2 semaphore(%run_scoped3A : memref<!tpu.dma_semaphore, #tpu.memory_space<semaphore_mem>>) src(%arg3 : memref<128x1x128xbf16, #tpu.memory_space<hbm>>) dst(%dma_wait3A_33 : memref<128x1x128xbf16, #tpu.memory_space<vmem_shared>>)
      tpu.yield
    }) : () -> ()
    %mul3A_2 = arith.constant 640 : i32
    %mul3A_3 = arith.muli %arg1, %mul3A_2 : i32
    %add3A_4 = arith.constant 128 : i32
    %add3A_5 = arith.addi %mul3A_3, %add3A_4 : i32
    "tpu.region"() ({
      %run_scoped3A = tpu.sem_alloc : memref<!tpu.dma_semaphore, #tpu.memory_space<semaphore_mem>>
      %dma_start3A = arith.constant 0 : i32
      %dma_start3A_30 = arith.constant 0 : i32
      %dma_start3A_31 = tpu.memref_slice %arg11[%add3A_5, %dma_start3A, %dma_start3A_30] : memref<10240x1x128xbf16, #tpu.memory_space<vmem_shared>> -> memref<128x1x128xbf16, #tpu.memory_space<vmem_shared>>
      tpu.enqueue_dma source(%arg3 : memref<128x1x128xbf16, #tpu.memory_space<hbm>>) target(%dma_start3A_31 : memref<128x1x128xbf16, #tpu.memory_space<vmem_shared>>) target_semaphore(%run_scoped3A : memref<!tpu.dma_semaphore, #tpu.memory_space<semaphore_mem>>)
      %dma_wait3A = arith.constant 0 : i32
      %dma_wait3A_32 = arith.constant 0 : i32
      %dma_wait3A_33 = tpu.memref_slice %arg11[%add3A_5, %dma_wait3A, %dma_wait3A_32] : memref<10240x1x128xbf16, #tpu.memory_space<vmem_shared>> -> memref<128x1x128xbf16, #tpu.memory_space<vmem_shared>>
      tpu.wait_dma2 semaphore(%run_scoped3A : memref<!tpu.dma_semaphore, #tpu.memory_space<semaphore_mem>>) src(%arg3 : memref<128x1x128xbf16, #tpu.memory_space<hbm>>) dst(%dma_wait3A_33 : memref<128x1x128xbf16, #tpu.memory_space<vmem_shared>>)
      tpu.yield
    }) : () -> ()
    %mul3A_6 = arith.constant 640 : i32
    %mul3A_7 = arith.muli %arg1, %mul3A_6 : i32
    %add3A_8 = arith.constant 256 : i32
    %add3A_9 = arith.addi %mul3A_7, %add3A_8 : i32
    "tpu.region"() ({
      %run_scoped3A = tpu.sem_alloc : memref<!tpu.dma_semaphore, #tpu.memory_space<semaphore_mem>>
      %dma_start3A = arith.constant 0 : i32
      %dma_start3A_30 = arith.constant 0 : i32
      %dma_start3A_31 = tpu.memref_slice %arg11[%add3A_9, %dma_start3A, %dma_start3A_30] : memref<10240x1x128xbf16, #tpu.memory_space<vmem_shared>> -> memref<128x1x128xbf16, #tpu.memory_space<vmem_shared>>
      tpu.enqueue_dma source(%arg3 : memref<128x1x128xbf16, #tpu.memory_space<hbm>>) target(%dma_start3A_31 : memref<128x1x128xbf16, #tpu.memory_space<vmem_shared>>) target_semaphore(%run_scoped3A : memref<!tpu.dma_semaphore, #tpu.memory_space<semaphore_mem>>)
      %dma_wait3A = arith.constant 0 : i32
      %dma_wait3A_32 = arith.constant 0 : i32
      %dma_wait3A_33 = tpu.memref_slice %arg11[%add3A_9, %dma_wait3A, %dma_wait3A_32] : memref<10240x1x128xbf16, #tpu.memory_space<vmem_shared>> -> memref<128x1x128xbf16, #tpu.memory_space<vmem_shared>>
      tpu.wait_dma2 semaphore(%run_scoped3A : memref<!tpu.dma_semaphore, #tpu.memory_space<semaphore_mem>>) src(%arg3 : memref<128x1x128xbf16, #tpu.memory_space<hbm>>) dst(%dma_wait3A_33 : memref<128x1x128xbf16, #tpu.memory_space<vmem_shared>>)
      tpu.yield
    }) : () -> ()
    %mul3A_10 = arith.constant 640 : i32
    %mul3A_11 = arith.muli %arg1, %mul3A_10 : i32
    %add3A_12 = arith.constant 384 : i32
    %add3A_13 = arith.addi %mul3A_11, %add3A_12 : i32
    "tpu.region"() ({
      %run_scoped3A = tpu.sem_alloc : memref<!tpu.dma_semaphore, #tpu.memory_space<semaphore_mem>>
      %dma_start3A = arith.constant 0 : i32
      %dma_start3A_30 = arith.constant 0 : i32
      %dma_start3A_31 = tpu.memref_slice %arg11[%add3A_13, %dma_start3A, %dma_start3A_30] : memref<10240x1x128xbf16, #tpu.memory_space<vmem_shared>> -> memref<128x1x128xbf16, #tpu.memory_space<vmem_shared>>
      tpu.enqueue_dma source(%arg3 : memref<128x1x128xbf16, #tpu.memory_space<hbm>>) target(%dma_start3A_31 : memref<128x1x128xbf16, #tpu.memory_space<vmem_shared>>) target_semaphore(%run_scoped3A : memref<!tpu.dma_semaphore, #tpu.memory_space<semaphore_mem>>)
      %dma_wait3A = arith.constant 0 : i32
      %dma_wait3A_32 = arith.constant 0 : i32
      %dma_wait3A_33 = tpu.memref_slice %arg11[%add3A_13, %dma_wait3A, %dma_wait3A_32] : memref<10240x1x128xbf16, #tpu.memory_space<vmem_shared>> -> memref<128x1x128xbf16, #tpu.memory_space<vmem_shared>>
      tpu.wait_dma2 semaphore(%run_scoped3A : memref<!tpu.dma_semaphore, #tpu.memory_space<semaphore_mem>>) src(%arg3 : memref<128x1x128xbf16, #tpu.memory_space<hbm>>) dst(%dma_wait3A_33 : memref<128x1x128xbf16, #tpu.memory_space<vmem_shared>>)
      tpu.yield
    }) : () -> ()
    %mul3A_14 = arith.constant 640 : i32
    %mul3A_15 = arith.muli %arg1, %mul3A_14 : i32
    %add3A_16 = arith.constant 512 : i32
    %add3A_17 = arith.addi %mul3A_15, %add3A_16 : i32
    "tpu.region"() ({
      %run_scoped3A = tpu.sem_alloc : memref<!tpu.dma_semaphore, #tpu.memory_space<semaphore_mem>>
      %dma_start3A = arith.constant 0 : i32
      %dma_start3A_30 = arith.constant 0 : i32
      %dma_start3A_31 = tpu.memref_slice %arg11[%add3A_17, %dma_start3A, %dma_start3A_30] : memref<10240x1x128xbf16, #tpu.memory_space<vmem_shared>> -> memref<128x1x128xbf16, #tpu.memory_space<vmem_shared>>
      tpu.enqueue_dma source(%arg3 : memref<128x1x128xbf16, #tpu.memory_space<hbm>>) target(%dma_start3A_31 : memref<128x1x128xbf16, #tpu.memory_space<vmem_shared>>) target_semaphore(%run_scoped3A : memref<!tpu.dma_semaphore, #tpu.memory_space<semaphore_mem>>)
      %dma_wait3A = arith.constant 0 : i32
      %dma_wait3A_32 = arith.constant 0 : i32
      %dma_wait3A_33 = tpu.memref_slice %arg11[%add3A_17, %dma_wait3A, %dma_wait3A_32] : memref<10240x1x128xbf16, #tpu.memory_space<vmem_shared>> -> memref<128x1x128xbf16, #tpu.memory_space<vmem_shared>>
      tpu.wait_dma2 semaphore(%run_scoped3A : memref<!tpu.dma_semaphore, #tpu.memory_space<semaphore_mem>>) src(%arg3 : memref<128x1x128xbf16, #tpu.memory_space<hbm>>) dst(%dma_wait3A_33 : memref<128x1x128xbf16, #tpu.memory_space<vmem_shared>>)
      tpu.yield
    }) : () -> ()
    %barrier3A = arith.constant 0 : index
    tpu.barrier barrier_id(%barrier3A)
    %eq3A = arith.constant 0 : i32
    %eq3A_18 = arith.cmpi eq, %arg0, %eq3A : i32
    %convert_element_type3A = arith.extui %eq3A_18 : i1 to i32
    %cond3A = arith.constant 0 : i32
    %cond3A_19 = arith.cmpi ne, %convert_element_type3A, %cond3A : i32
    scf.if %cond3A_19 {
      %mul3A_30 = arith.constant 144 : i32
      %mul3A_31 = arith.muli %arg1, %mul3A_30 : i32
      %add3A_32 = arith.constant 0 : i32
      %add3A_33 = arith.addi %add3A_32, %mul3A_31 : i32
      %scan3A = arith.constant 0 : i32
      %scan3A_34 = arith.constant 0 : i32
      %scan3A_35 = arith.constant 9 : i32
      %scan3A_36 = arith.addi %scan3A_34, %scan3A_35 : i32
      %scan3A_37 = arith.constant 1 : i32
      scf.for %scan3A_39 = %scan3A_34 to %scan3A_36 step %scan3A_37  : i32 {
        %mul3A_40 = arith.constant 16 : i32
        %mul3A_41 = arith.muli %scan3A_39, %mul3A_40 : i32
        %add3A_42 = arith.addi %add3A_33, %mul3A_41 : i32
        "tpu.region"() ({
          %run_scoped3A = tpu.sem_alloc : memref<!tpu.dma_semaphore, #tpu.memory_space<semaphore_mem>>
          %dma_start3A_553 = arith.constant 0 : i32
          %dma_start3A_554 = tpu.memref_slice %arg5[%add3A_42, %dma_start3A_553] : memref<2560x128xi32, #tpu.memory_space<hbm>> -> memref<16x128xi32, #tpu.memory_space<hbm>>
          %dma_start3A_555 = arith.constant 0 : i32
          %dma_start3A_556 = tpu.memref_slice %arg5[%add3A_42, %dma_start3A_555] : memref<2560x128xi32, #tpu.memory_space<hbm>> -> memref<16x128xi32, #tpu.memory_space<hbm>>
          tpu.enqueue_dma source(%dma_start3A_556 : memref<16x128xi32, #tpu.memory_space<hbm>>) target(%arg8 : memref<16x128xi32, #tpu.memory_space<vmem>>) target_semaphore(%run_scoped3A : memref<!tpu.dma_semaphore, #tpu.memory_space<semaphore_mem>>)
          %dma_wait3A_557 = arith.constant 0 : i32
          %dma_wait3A_558 = tpu.memref_slice %arg5[%add3A_42, %dma_wait3A_557] : memref<2560x128xi32, #tpu.memory_space<hbm>> -> memref<16x128xi32, #tpu.memory_space<hbm>>
          %dma_wait3A_559 = arith.constant 0 : i32
          %dma_wait3A_560 = tpu.memref_slice %arg5[%add3A_42, %dma_wait3A_559] : memref<2560x128xi32, #tpu.memory_space<hbm>> -> memref<16x128xi32, #tpu.memory_space<hbm>>
          tpu.wait_dma2 semaphore(%run_scoped3A : memref<!tpu.dma_semaphore, #tpu.memory_space<semaphore_mem>>) src(%dma_wait3A_560 : memref<16x128xi32, #tpu.memory_space<hbm>>) dst(%arg8 : memref<16x128xi32, #tpu.memory_space<vmem>>)
          tpu.yield
        }) : () -> ()
        "tpu.region"() ({
          %run_scoped3A = tpu.sem_alloc : memref<!tpu.dma_semaphore, #tpu.memory_space<semaphore_mem>>
          %dma_start3A_553 = arith.constant 0 : i32
          %dma_start3A_554 = tpu.memref_slice %arg4[%add3A_42, %dma_start3A_553] : memref<2560x128xi32, #tpu.memory_space<hbm>> -> memref<16x128xi32, #tpu.memory_space<hbm>>
          %dma_start3A_555 = arith.constant 0 : i32
          %dma_start3A_556 = tpu.memref_slice %arg4[%add3A_42, %dma_start3A_555] : memref<2560x128xi32, #tpu.memory_space<hbm>> -> memref<16x128xi32, #tpu.memory_space<hbm>>
          tpu.enqueue_dma source(%dma_start3A_556 : memref<16x128xi32, #tpu.memory_space<hbm>>) target(%arg7 : memref<16x128xi32, #tpu.memory_space<vmem>>) target_semaphore(%run_scoped3A : memref<!tpu.dma_semaphore, #tpu.memory_space<semaphore_mem>>)
          %dma_wait3A_557 = arith.constant 0 : i32
          %dma_wait3A_558 = tpu.memref_slice %arg4[%add3A_42, %dma_wait3A_557] : memref<2560x128xi32, #tpu.memory_space<hbm>> -> memref<16x128xi32, #tpu.memory_space<hbm>>
          %dma_wait3A_559 = arith.constant 0 : i32
          %dma_wait3A_560 = tpu.memref_slice %arg4[%add3A_42, %dma_wait3A_559] : memref<2560x128xi32, #tpu.memory_space<hbm>> -> memref<16x128xi32, #tpu.memory_space<hbm>>
          tpu.wait_dma2 semaphore(%run_scoped3A : memref<!tpu.dma_semaphore, #tpu.memory_space<semaphore_mem>>) src(%dma_wait3A_560 : memref<16x128xi32, #tpu.memory_space<hbm>>) dst(%arg7 : memref<16x128xi32, #tpu.memory_space<vmem>>)
          tpu.yield
        }) : () -> ()
        %dma_start3A = arith.constant 0 : i32
        %dma_start3A_43 = arith.constant 0 : i32
        %dma_start3A_44 = tpu.memref_slice %arg7[%dma_start3A, %dma_start3A_43] : memref<16x128xi32, #tpu.memory_space<vmem>> -> memref<1x128xi32, #tpu.memory_space<vmem>>
        %dma_start3A_45 = tpu.memref_squeeze %dma_start3A_44 : memref<1x128xi32, #tpu.memory_space<vmem>> -> memref<128xi32, #tpu.memory_space<vmem>>
        %dma_start3A_46 = arith.constant 0 : i32
        %dma_start3A_47 = arith.constant 0 : i32
        %dma_start3A_48 = arith.constant 0 : i32
        %dma_start3A_49 = tpu.memref_slice %arg2[%dma_start3A_46, %dma_start3A_47, %dma_start3A_48] : memref<10240x1x128xbf16, #tpu.memory_space<hbm>> -> memref<10240x1x128xbf16, #tpu.memory_space<hbm>>
        tpu.enqueue_indirect_dma source(%dma_start3A_49 : memref<10240x1x128xbf16, #tpu.memory_space<hbm>>) target(%arg9 : memref<128x1x128xbf16, #tpu.memory_space<vmem>>) offsets(%dma_start3A_45 : memref<128xi32, #tpu.memory_space<vmem>>) semaphore(%arg12 : memref<!tpu.dma_semaphore, #tpu.memory_space<semaphore_mem>>)
        %dma_wait3A = arith.constant 0 : i32
        %dma_wait3A_50 = arith.constant 0 : i32
        %dma_wait3A_51 = tpu.memref_slice %arg7[%dma_wait3A, %dma_wait3A_50] : memref<16x128xi32, #tpu.memory_space<vmem>> -> memref<1x128xi32, #tpu.memory_space<vmem>>
        %dma_wait3A_52 = tpu.memref_squeeze %dma_wait3A_51 : memref<1x128xi32, #tpu.memory_space<vmem>> -> memref<128xi32, #tpu.memory_space<vmem>>
        %dma_wait3A_53 = arith.constant 0 : i32
        %dma_wait3A_54 = arith.constant 0 : i32
        %dma_wait3A_55 = arith.constant 0 : i32
        %dma_wait3A_56 = tpu.memref_slice %arg2[%dma_wait3A_53, %dma_wait3A_54, %dma_wait3A_55] : memref<10240x1x128xbf16, #tpu.memory_space<hbm>> -> memref<10240x1x128xbf16, #tpu.memory_space<hbm>>
        tpu.wait_indirect_dma semaphore(%arg12 : memref<!tpu.dma_semaphore, #tpu.memory_space<semaphore_mem>>) src(%dma_wait3A_56 : memref<10240x1x128xbf16, #tpu.memory_space<hbm>>) dst(%arg9 : memref<128x1x128xbf16, #tpu.memory_space<vmem>>)
        %dma_start3A_57 = arith.constant 1 : i32
        %dma_start3A_58 = arith.constant 0 : i32
        %dma_start3A_59 = tpu.memref_slice %arg7[%dma_start3A_57, %dma_start3A_58] : memref<16x128xi32, #tpu.memory_space<vmem>> -> memref<1x128xi32, #tpu.memory_space<vmem>>
        %dma_start3A_60 = tpu.memref_squeeze %dma_start3A_59 : memref<1x128xi32, #tpu.memory_space<vmem>> -> memref<128xi32, #tpu.memory_space<vmem>>
        %dma_start3A_61 = arith.constant 0 : i32
        %dma_start3A_62 = arith.constant 0 : i32
        %dma_start3A_63 = arith.constant 0 : i32
        %dma_start3A_64 = tpu.memref_slice %arg2[%dma_start3A_61, %dma_start3A_62, %dma_start3A_63] : memref<10240x1x128xbf16, #tpu.memory_space<hbm>> -> memref<10240x1x128xbf16, #tpu.memory_space<hbm>>
        tpu.enqueue_indirect_dma source(%dma_start3A_64 : memref<10240x1x128xbf16, #tpu.memory_space<hbm>>) target(%arg10 : memref<128x1x128xbf16, #tpu.memory_space<vmem>>) offsets(%dma_start3A_60 : memref<128xi32, #tpu.memory_space<vmem>>) semaphore(%arg13 : memref<!tpu.dma_semaphore, #tpu.memory_space<semaphore_mem>>)
        %dma_start3A_65 = arith.constant 0 : i32
        %dma_start3A_66 = arith.constant 0 : i32
        %dma_start3A_67 = tpu.memref_slice %arg8[%dma_start3A_65, %dma_start3A_66] : memref<16x128xi32, #tpu.memory_space<vmem>> -> memref<1x128xi32, #tpu.memory_space<vmem>>
        %dma_start3A_68 = tpu.memref_squeeze %dma_start3A_67 : memref<1x128xi32, #tpu.memory_space<vmem>> -> memref<128xi32, #tpu.memory_space<vmem>>
        %dma_start3A_69 = arith.constant 0 : i32
        %dma_start3A_70 = arith.constant 0 : i32
        %dma_start3A_71 = arith.constant 0 : i32
        %dma_start3A_72 = tpu.memref_slice %arg11[%dma_start3A_69, %dma_start3A_70, %dma_start3A_71] : memref<10240x1x128xbf16, #tpu.memory_space<vmem_shared>> -> memref<10240x1x128xbf16, #tpu.memory_space<vmem_shared>>
        tpu.enqueue_indirect_dma source(%arg9 : memref<128x1x128xbf16, #tpu.memory_space<vmem>>) target(%dma_start3A_72 : memref<10240x1x128xbf16, #tpu.memory_space<vmem_shared>>) offsets(%dma_start3A_68 : memref<128xi32, #tpu.memory_space<vmem>>) semaphore(%arg14 : memref<!tpu.dma_semaphore, #tpu.memory_space<semaphore_mem>>) {add = true}
        %dma_wait3A_73 = arith.constant 1 : i32
        %dma_wait3A_74 = arith.constant 0 : i32
        %dma_wait3A_75 = tpu.memref_slice %arg7[%dma_wait3A_73, %dma_wait3A_74] : memref<16x128xi32, #tpu.memory_space<vmem>> -> memref<1x128xi32, #tpu.memory_space<vmem>>
        %dma_wait3A_76 = tpu.memref_squeeze %dma_wait3A_75 : memref<1x128xi32, #tpu.memory_space<vmem>> -> memref<128xi32, #tpu.memory_space<vmem>>
        %dma_wait3A_77 = arith.constant 0 : i32
        %dma_wait3A_78 = arith.constant 0 : i32
        %dma_wait3A_79 = arith.constant 0 : i32
        %dma_wait3A_80 = tpu.memref_slice %arg2[%dma_wait3A_77, %dma_wait3A_78, %dma_wait3A_79] : memref<10240x1x128xbf16, #tpu.memory_space<hbm>> -> memref<10240x1x128xbf16, #tpu.memory_space<hbm>>
        tpu.wait_indirect_dma semaphore(%arg13 : memref<!tpu.dma_semaphore, #tpu.memory_space<semaphore_mem>>) src(%dma_wait3A_80 : memref<10240x1x128xbf16, #tpu.memory_space<hbm>>) dst(%arg10 : memref<128x1x128xbf16, #tpu.memory_space<vmem>>)
        %dma_wait3A_81 = arith.constant 0 : i32
        %dma_wait3A_82 = arith.constant 0 : i32
        %dma_wait3A_83 = tpu.memref_slice %arg8[%dma_wait3A_81, %dma_wait3A_82] : memref<16x128xi32, #tpu.memory_space<vmem>> -> memref<1x128xi32, #tpu.memory_space<vmem>>
        %dma_wait3A_84 = tpu.memref_squeeze %dma_wait3A_83 : memref<1x128xi32, #tpu.memory_space<vmem>> -> memref<128xi32, #tpu.memory_space<vmem>>
        %dma_wait3A_85 = arith.constant 0 : i32
        %dma_wait3A_86 = arith.constant 0 : i32
        %dma_wait3A_87 = arith.constant 0 : i32
        %dma_wait3A_88 = tpu.memref_slice %arg11[%dma_wait3A_85, %dma_wait3A_86, %dma_wait3A_87] : memref<10240x1x128xbf16, #tpu.memory_space<vmem_shared>> -> memref<10240x1x128xbf16, #tpu.memory_space<vmem_shared>>
        tpu.wait_indirect_dma semaphore(%arg14 : memref<!tpu.dma_semaphore, #tpu.memory_space<semaphore_mem>>) src(%arg9 : memref<128x1x128xbf16, #tpu.memory_space<vmem>>) dst(%dma_wait3A_88 : memref<10240x1x128xbf16, #tpu.memory_space<vmem_shared>>)
        %dma_start3A_89 = arith.constant 2 : i32
        %dma_start3A_90 = arith.constant 0 : i32
        %dma_start3A_91 = tpu.memref_slice %arg7[%dma_start3A_89, %dma_start3A_90] : memref<16x128xi32, #tpu.memory_space<vmem>> -> memref<1x128xi32, #tpu.memory_space<vmem>>
        %dma_start3A_92 = tpu.memref_squeeze %dma_start3A_91 : memref<1x128xi32, #tpu.memory_space<vmem>> -> memref<128xi32, #tpu.memory_space<vmem>>
        %dma_start3A_93 = arith.constant 0 : i32
        %dma_start3A_94 = arith.constant 0 : i32
        %dma_start3A_95 = arith.constant 0 : i32
        %dma_start3A_96 = tpu.memref_slice %arg2[%dma_start3A_93, %dma_start3A_94, %dma_start3A_95] : memref<10240x1x128xbf16, #tpu.memory_space<hbm>> -> memref<10240x1x128xbf16, #tpu.memory_space<hbm>>
        tpu.enqueue_indirect_dma source(%dma_start3A_96 : memref<10240x1x128xbf16, #tpu.memory_space<hbm>>) target(%arg9 : memref<128x1x128xbf16, #tpu.memory_space<vmem>>) offsets(%dma_start3A_92 : memref<128xi32, #tpu.memory_space<vmem>>) semaphore(%arg12 : memref<!tpu.dma_semaphore, #tpu.memory_space<semaphore_mem>>)
        %dma_start3A_97 = arith.constant 1 : i32
        %dma_start3A_98 = arith.constant 0 : i32
        %dma_start3A_99 = tpu.memref_slice %arg8[%dma_start3A_97, %dma_start3A_98] : memref<16x128xi32, #tpu.memory_space<vmem>> -> memref<1x128xi32, #tpu.memory_space<vmem>>
        %dma_start3A_100 = tpu.memref_squeeze %dma_start3A_99 : memref<1x128xi32, #tpu.memory_space<vmem>> -> memref<128xi32, #tpu.memory_space<vmem>>
        %dma_start3A_101 = arith.constant 0 : i32
        %dma_start3A_102 = arith.constant 0 : i32
        %dma_start3A_103 = arith.constant 0 : i32
        %dma_start3A_104 = tpu.memref_slice %arg11[%dma_start3A_101, %dma_start3A_102, %dma_start3A_103] : memref<10240x1x128xbf16, #tpu.memory_space<vmem_shared>> -> memref<10240x1x128xbf16, #tpu.memory_space<vmem_shared>>
        tpu.enqueue_indirect_dma source(%arg10 : memref<128x1x128xbf16, #tpu.memory_space<vmem>>) target(%dma_start3A_104 : memref<10240x1x128xbf16, #tpu.memory_space<vmem_shared>>) offsets(%dma_start3A_100 : memref<128xi32, #tpu.memory_space<vmem>>) semaphore(%arg15 : memref<!tpu.dma_semaphore, #tpu.memory_space<semaphore_mem>>) {add = true}
        %dma_wait3A_105 = arith.constant 2 : i32
        %dma_wait3A_106 = arith.constant 0 : i32
        %dma_wait3A_107 = tpu.memref_slice %arg7[%dma_wait3A_105, %dma_wait3A_106] : memref<16x128xi32, #tpu.memory_space<vmem>> -> memref<1x128xi32, #tpu.memory_space<vmem>>
        %dma_wait3A_108 = tpu.memref_squeeze %dma_wait3A_107 : memref<1x128xi32, #tpu.memory_space<vmem>> -> memref<128xi32, #tpu.memory_space<vmem>>
        %dma_wait3A_109 = arith.constant 0 : i32
        %dma_wait3A_110 = arith.constant 0 : i32
        %dma_wait3A_111 = arith.constant 0 : i32
        %dma_wait3A_112 = tpu.memref_slice %arg2[%dma_wait3A_109, %dma_wait3A_110, %dma_wait3A_111] : memref<10240x1x128xbf16, #tpu.memory_space<hbm>> -> memref<10240x1x128xbf16, #tpu.memory_space<hbm>>
        tpu.wait_indirect_dma semaphore(%arg12 : memref<!tpu.dma_semaphore, #tpu.memory_space<semaphore_mem>>) src(%dma_wait3A_112 : memref<10240x1x128xbf16, #tpu.memory_space<hbm>>) dst(%arg9 : memref<128x1x128xbf16, #tpu.memory_space<vmem>>)
        %dma_wait3A_113 = arith.constant 1 : i32
        %dma_wait3A_114 = arith.constant 0 : i32
        %dma_wait3A_115 = tpu.memref_slice %arg8[%dma_wait3A_113, %dma_wait3A_114] : memref<16x128xi32, #tpu.memory_space<vmem>> -> memref<1x128xi32, #tpu.memory_space<vmem>>
        %dma_wait3A_116 = tpu.memref_squeeze %dma_wait3A_115 : memref<1x128xi32, #tpu.memory_space<vmem>> -> memref<128xi32, #tpu.memory_space<vmem>>
        %dma_wait3A_117 = arith.constant 0 : i32
        %dma_wait3A_118 = arith.constant 0 : i32
        %dma_wait3A_119 = arith.constant 0 : i32
        %dma_wait3A_120 = tpu.memref_slice %arg11[%dma_wait3A_117, %dma_wait3A_118, %dma_wait3A_119] : memref<10240x1x128xbf16, #tpu.memory_space<vmem_shared>> -> memref<10240x1x128xbf16, #tpu.memory_space<vmem_shared>>
        tpu.wait_indirect_dma semaphore(%arg15 : memref<!tpu.dma_semaphore, #tpu.memory_space<semaphore_mem>>) src(%arg10 : memref<128x1x128xbf16, #tpu.memory_space<vmem>>) dst(%dma_wait3A_120 : memref<10240x1x128xbf16, #tpu.memory_space<vmem_shared>>)
        %dma_start3A_121 = arith.constant 3 : i32
        %dma_start3A_122 = arith.constant 0 : i32
        %dma_start3A_123 = tpu.memref_slice %arg7[%dma_start3A_121, %dma_start3A_122] : memref<16x128xi32, #tpu.memory_space<vmem>> -> memref<1x128xi32, #tpu.memory_space<vmem>>
        %dma_start3A_124 = tpu.memref_squeeze %dma_start3A_123 : memref<1x128xi32, #tpu.memory_space<vmem>> -> memref<128xi32, #tpu.memory_space<vmem>>
        %dma_start3A_125 = arith.constant 0 : i32
        %dma_start3A_126 = arith.constant 0 : i32
        %dma_start3A_127 = arith.constant 0 : i32
        %dma_start3A_128 = tpu.memref_slice %arg2[%dma_start3A_125, %dma_start3A_126, %dma_start3A_127] : memref<10240x1x128xbf16, #tpu.memory_space<hbm>> -> memref<10240x1x128xbf16, #tpu.memory_space<hbm>>
        tpu.enqueue_indirect_dma source(%dma_start3A_128 : memref<10240x1x128xbf16, #tpu.memory_space<hbm>>) target(%arg10 : memref<128x1x128xbf16, #tpu.memory_space<vmem>>) offsets(%dma_start3A_124 : memref<128xi32, #tpu.memory_space<vmem>>) semaphore(%arg13 : memref<!tpu.dma_semaphore, #tpu.memory_space<semaphore_mem>>)
        %dma_start3A_129 = arith.constant 2 : i32
        %dma_start3A_130 = arith.constant 0 : i32
        %dma_start3A_131 = tpu.memref_slice %arg8[%dma_start3A_129, %dma_start3A_130] : memref<16x128xi32, #tpu.memory_space<vmem>> -> memref<1x128xi32, #tpu.memory_space<vmem>>
        %dma_start3A_132 = tpu.memref_squeeze %dma_start3A_131 : memref<1x128xi32, #tpu.memory_space<vmem>> -> memref<128xi32, #tpu.memory_space<vmem>>
        %dma_start3A_133 = arith.constant 0 : i32
        %dma_start3A_134 = arith.constant 0 : i32
        %dma_start3A_135 = arith.constant 0 : i32
        %dma_start3A_136 = tpu.memref_slice %arg11[%dma_start3A_133, %dma_start3A_134, %dma_start3A_135] : memref<10240x1x128xbf16, #tpu.memory_space<vmem_shared>> -> memref<10240x1x128xbf16, #tpu.memory_space<vmem_shared>>
        tpu.enqueue_indirect_dma source(%arg9 : memref<128x1x128xbf16, #tpu.memory_space<vmem>>) target(%dma_start3A_136 : memref<10240x1x128xbf16, #tpu.memory_space<vmem_shared>>) offsets(%dma_start3A_132 : memref<128xi32, #tpu.memory_space<vmem>>) semaphore(%arg14 : memref<!tpu.dma_semaphore, #tpu.memory_space<semaphore_mem>>) {add = true}
        %dma_wait3A_137 = arith.constant 3 : i32
        %dma_wait3A_138 = arith.constant 0 : i32
        %dma_wait3A_139 = tpu.memref_slice %arg7[%dma_wait3A_137, %dma_wait3A_138] : memref<16x128xi32, #tpu.memory_space<vmem>> -> memref<1x128xi32, #tpu.memory_space<vmem>>
        %dma_wait3A_140 = tpu.memref_squeeze %dma_wait3A_139 : memref<1x128xi32, #tpu.memory_space<vmem>> -> memref<128xi32, #tpu.memory_space<vmem>>
        %dma_wait3A_141 = arith.constant 0 : i32
        %dma_wait3A_142 = arith.constant 0 : i32
        %dma_wait3A_143 = arith.constant 0 : i32
        %dma_wait3A_144 = tpu.memref_slice %arg2[%dma_wait3A_141, %dma_wait3A_142, %dma_wait3A_143] : memref<10240x1x128xbf16, #tpu.memory_space<hbm>> -> memref<10240x1x128xbf16, #tpu.memory_space<hbm>>
        tpu.wait_indirect_dma semaphore(%arg13 : memref<!tpu.dma_semaphore, #tpu.memory_space<semaphore_mem>>) src(%dma_wait3A_144 : memref<10240x1x128xbf16, #tpu.memory_space<hbm>>) dst(%arg10 : memref<128x1x128xbf16, #tpu.memory_space<vmem>>)
        %dma_wait3A_145 = arith.constant 2 : i32
        %dma_wait3A_146 = arith.constant 0 : i32
        %dma_wait3A_147 = tpu.memref_slice %arg8[%dma_wait3A_145, %dma_wait3A_146] : memref<16x128xi32, #tpu.memory_space<vmem>> -> memref<1x128xi32, #tpu.memory_space<vmem>>
        %dma_wait3A_148 = tpu.memref_squeeze %dma_wait3A_147 : memref<1x128xi32, #tpu.memory_space<vmem>> -> memref<128xi32, #tpu.memory_space<vmem>>
        %dma_wait3A_149 = arith.constant 0 : i32
        %dma_wait3A_150 = arith.constant 0 : i32
        %dma_wait3A_151 = arith.constant 0 : i32
        %dma_wait3A_152 = tpu.memref_slice %arg11[%dma_wait3A_149, %dma_wait3A_150, %dma_wait3A_151] : memref<10240x1x128xbf16, #tpu.memory_space<vmem_shared>> -> memref<10240x1x128xbf16, #tpu.memory_space<vmem_shared>>
        tpu.wait_indirect_dma semaphore(%arg14 : memref<!tpu.dma_semaphore, #tpu.memory_space<semaphore_mem>>) src(%arg9 : memref<128x1x128xbf16, #tpu.memory_space<vmem>>) dst(%dma_wait3A_152 : memref<10240x1x128xbf16, #tpu.memory_space<vmem_shared>>)
        %dma_start3A_153 = arith.constant 4 : i32
        %dma_start3A_154 = arith.constant 0 : i32
        %dma_start3A_155 = tpu.memref_slice %arg7[%dma_start3A_153, %dma_start3A_154] : memref<16x128xi32, #tpu.memory_space<vmem>> -> memref<1x128xi32, #tpu.memory_space<vmem>>
        %dma_start3A_156 = tpu.memref_squeeze %dma_start3A_155 : memref<1x128xi32, #tpu.memory_space<vmem>> -> memref<128xi32, #tpu.memory_space<vmem>>
        %dma_start3A_157 = arith.constant 0 : i32
        %dma_start3A_158 = arith.constant 0 : i32
        %dma_start3A_159 = arith.constant 0 : i32
        %dma_start3A_160 = tpu.memref_slice %arg2[%dma_start3A_157, %dma_start3A_158, %dma_start3A_159] : memref<10240x1x128xbf16, #tpu.memory_space<hbm>> -> memref<10240x1x128xbf16, #tpu.memory_space<hbm>>
        tpu.enqueue_indirect_dma source(%dma_start3A_160 : memref<10240x1x128xbf16, #tpu.memory_space<hbm>>) target(%arg9 : memref<128x1x128xbf16, #tpu.memory_space<vmem>>) offsets(%dma_start3A_156 : memref<128xi32, #tpu.memory_space<vmem>>) semaphore(%arg12 : memref<!tpu.dma_semaphore, #tpu.memory_space<semaphore_mem>>)
        %dma_start3A_161 = arith.constant 3 : i32
        %dma_start3A_162 = arith.constant 0 : i32
        %dma_start3A_163 = tpu.memref_slice %arg8[%dma_start3A_161, %dma_start3A_162] : memref<16x128xi32, #tpu.memory_space<vmem>> -> memref<1x128xi32, #tpu.memory_space<vmem>>
        %dma_start3A_164 = tpu.memref_squeeze %dma_start3A_163 : memref<1x128xi32, #tpu.memory_space<vmem>> -> memref<128xi32, #tpu.memory_space<vmem>>
        %dma_start3A_165 = arith.constant 0 : i32
        %dma_start3A_166 = arith.constant 0 : i32
        %dma_start3A_167 = arith.constant 0 : i32
        %dma_start3A_168 = tpu.memref_slice %arg11[%dma_start3A_165, %dma_start3A_166, %dma_start3A_167] : memref<10240x1x128xbf16, #tpu.memory_space<vmem_shared>> -> memref<10240x1x128xbf16, #tpu.memory_space<vmem_shared>>
        tpu.enqueue_indirect_dma source(%arg10 : memref<128x1x128xbf16, #tpu.memory_space<vmem>>) target(%dma_start3A_168 : memref<10240x1x128xbf16, #tpu.memory_space<vmem_shared>>) offsets(%dma_start3A_164 : memref<128xi32, #tpu.memory_space<vmem>>) semaphore(%arg15 : memref<!tpu.dma_semaphore, #tpu.memory_space<semaphore_mem>>) {add = true}
        %dma_wait3A_169 = arith.constant 4 : i32
        %dma_wait3A_170 = arith.constant 0 : i32
        %dma_wait3A_171 = tpu.memref_slice %arg7[%dma_wait3A_169, %dma_wait3A_170] : memref<16x128xi32, #tpu.memory_space<vmem>> -> memref<1x128xi32, #tpu.memory_space<vmem>>
        %dma_wait3A_172 = tpu.memref_squeeze %dma_wait3A_171 : memref<1x128xi32, #tpu.memory_space<vmem>> -> memref<128xi32, #tpu.memory_space<vmem>>
        %dma_wait3A_173 = arith.constant 0 : i32
        %dma_wait3A_174 = arith.constant 0 : i32
        %dma_wait3A_175 = arith.constant 0 : i32
        %dma_wait3A_176 = tpu.memref_slice %arg2[%dma_wait3A_173, %dma_wait3A_174, %dma_wait3A_175] : memref<10240x1x128xbf16, #tpu.memory_space<hbm>> -> memref<10240x1x128xbf16, #tpu.memory_space<hbm>>
        tpu.wait_indirect_dma semaphore(%arg12 : memref<!tpu.dma_semaphore, #tpu.memory_space<semaphore_mem>>) src(%dma_wait3A_176 : memref<10240x1x128xbf16, #tpu.memory_space<hbm>>) dst(%arg9 : memref<128x1x128xbf16, #tpu.memory_space<vmem>>)
        %dma_wait3A_177 = arith.constant 3 : i32
        %dma_wait3A_178 = arith.constant 0 : i32
        %dma_wait3A_179 = tpu.memref_slice %arg8[%dma_wait3A_177, %dma_wait3A_178] : memref<16x128xi32, #tpu.memory_space<vmem>> -> memref<1x128xi32, #tpu.memory_space<vmem>>
        %dma_wait3A_180 = tpu.memref_squeeze %dma_wait3A_179 : memref<1x128xi32, #tpu.memory_space<vmem>> -> memref<128xi32, #tpu.memory_space<vmem>>
        %dma_wait3A_181 = arith.constant 0 : i32
        %dma_wait3A_182 = arith.constant 0 : i32
        %dma_wait3A_183 = arith.constant 0 : i32
        %dma_wait3A_184 = tpu.memref_slice %arg11[%dma_wait3A_181, %dma_wait3A_182, %dma_wait3A_183] : memref<10240x1x128xbf16, #tpu.memory_space<vmem_shared>> -> memref<10240x1x128xbf16, #tpu.memory_space<vmem_shared>>
        tpu.wait_indirect_dma semaphore(%arg15 : memref<!tpu.dma_semaphore, #tpu.memory_space<semaphore_mem>>) src(%arg10 : memref<128x1x128xbf16, #tpu.memory_space<vmem>>) dst(%dma_wait3A_184 : memref<10240x1x128xbf16, #tpu.memory_space<vmem_shared>>)
        %dma_start3A_185 = arith.constant 5 : i32
        %dma_start3A_186 = arith.constant 0 : i32
        %dma_start3A_187 = tpu.memref_slice %arg7[%dma_start3A_185, %dma_start3A_186] : memref<16x128xi32, #tpu.memory_space<vmem>> -> memref<1x128xi32, #tpu.memory_space<vmem>>
        %dma_start3A_188 = tpu.memref_squeeze %dma_start3A_187 : memref<1x128xi32, #tpu.memory_space<vmem>> -> memref<128xi32, #tpu.memory_space<vmem>>
        %dma_start3A_189 = arith.constant 0 : i32
        %dma_start3A_190 = arith.constant 0 : i32
        %dma_start3A_191 = arith.constant 0 : i32
        %dma_start3A_192 = tpu.memref_slice %arg2[%dma_start3A_189, %dma_start3A_190, %dma_start3A_191] : memref<10240x1x128xbf16, #tpu.memory_space<hbm>> -> memref<10240x1x128xbf16, #tpu.memory_space<hbm>>
        tpu.enqueue_indirect_dma source(%dma_start3A_192 : memref<10240x1x128xbf16, #tpu.memory_space<hbm>>) target(%arg10 : memref<128x1x128xbf16, #tpu.memory_space<vmem>>) offsets(%dma_start3A_188 : memref<128xi32, #tpu.memory_space<vmem>>) semaphore(%arg13 : memref<!tpu.dma_semaphore, #tpu.memory_space<semaphore_mem>>)
        %dma_start3A_193 = arith.constant 4 : i32
        %dma_start3A_194 = arith.constant 0 : i32
        %dma_start3A_195 = tpu.memref_slice %arg8[%dma_start3A_193, %dma_start3A_194] : memref<16x128xi32, #tpu.memory_space<vmem>> -> memref<1x128xi32, #tpu.memory_space<vmem>>
        %dma_start3A_196 = tpu.memref_squeeze %dma_start3A_195 : memref<1x128xi32, #tpu.memory_space<vmem>> -> memref<128xi32, #tpu.memory_space<vmem>>
        %dma_start3A_197 = arith.constant 0 : i32
        %dma_start3A_198 = arith.constant 0 : i32
        %dma_start3A_199 = arith.constant 0 : i32
        %dma_start3A_200 = tpu.memref_slice %arg11[%dma_start3A_197, %dma_start3A_198, %dma_start3A_199] : memref<10240x1x128xbf16, #tpu.memory_space<vmem_shared>> -> memref<10240x1x128xbf16, #tpu.memory_space<vmem_shared>>
        tpu.enqueue_indirect_dma source(%arg9 : memref<128x1x128xbf16, #tpu.memory_space<vmem>>) target(%dma_start3A_200 : memref<10240x1x128xbf16, #tpu.memory_space<vmem_shared>>) offsets(%dma_start3A_196 : memref<128xi32, #tpu.memory_space<vmem>>) semaphore(%arg14 : memref<!tpu.dma_semaphore, #tpu.memory_space<semaphore_mem>>) {add = true}
        %dma_wait3A_201 = arith.constant 5 : i32
        %dma_wait3A_202 = arith.constant 0 : i32
        %dma_wait3A_203 = tpu.memref_slice %arg7[%dma_wait3A_201, %dma_wait3A_202] : memref<16x128xi32, #tpu.memory_space<vmem>> -> memref<1x128xi32, #tpu.memory_space<vmem>>
        %dma_wait3A_204 = tpu.memref_squeeze %dma_wait3A_203 : memref<1x128xi32, #tpu.memory_space<vmem>> -> memref<128xi32, #tpu.memory_space<vmem>>
        %dma_wait3A_205 = arith.constant 0 : i32
        %dma_wait3A_206 = arith.constant 0 : i32
        %dma_wait3A_207 = arith.constant 0 : i32
        %dma_wait3A_208 = tpu.memref_slice %arg2[%dma_wait3A_205, %dma_wait3A_206, %dma_wait3A_207] : memref<10240x1x128xbf16, #tpu.memory_space<hbm>> -> memref<10240x1x128xbf16, #tpu.memory_space<hbm>>
        tpu.wait_indirect_dma semaphore(%arg13 : memref<!tpu.dma_semaphore, #tpu.memory_space<semaphore_mem>>) src(%dma_wait3A_208 : memref<10240x1x128xbf16, #tpu.memory_space<hbm>>) dst(%arg10 : memref<128x1x128xbf16, #tpu.memory_space<vmem>>)
        %dma_wait3A_209 = arith.constant 4 : i32
        %dma_wait3A_210 = arith.constant 0 : i32
        %dma_wait3A_211 = tpu.memref_slice %arg8[%dma_wait3A_209, %dma_wait3A_210] : memref<16x128xi32, #tpu.memory_space<vmem>> -> memref<1x128xi32, #tpu.memory_space<vmem>>
        %dma_wait3A_212 = tpu.memref_squeeze %dma_wait3A_211 : memref<1x128xi32, #tpu.memory_space<vmem>> -> memref<128xi32, #tpu.memory_space<vmem>>
        %dma_wait3A_213 = arith.constant 0 : i32
        %dma_wait3A_214 = arith.constant 0 : i32
        %dma_wait3A_215 = arith.constant 0 : i32
        %dma_wait3A_216 = tpu.memref_slice %arg11[%dma_wait3A_213, %dma_wait3A_214, %dma_wait3A_215] : memref<10240x1x128xbf16, #tpu.memory_space<vmem_shared>> -> memref<10240x1x128xbf16, #tpu.memory_space<vmem_shared>>
        tpu.wait_indirect_dma semaphore(%arg14 : memref<!tpu.dma_semaphore, #tpu.memory_space<semaphore_mem>>) src(%arg9 : memref<128x1x128xbf16, #tpu.memory_space<vmem>>) dst(%dma_wait3A_216 : memref<10240x1x128xbf16, #tpu.memory_space<vmem_shared>>)
        %dma_start3A_217 = arith.constant 6 : i32
        %dma_start3A_218 = arith.constant 0 : i32
        %dma_start3A_219 = tpu.memref_slice %arg7[%dma_start3A_217, %dma_start3A_218] : memref<16x128xi32, #tpu.memory_space<vmem>> -> memref<1x128xi32, #tpu.memory_space<vmem>>
        %dma_start3A_220 = tpu.memref_squeeze %dma_start3A_219 : memref<1x128xi32, #tpu.memory_space<vmem>> -> memref<128xi32, #tpu.memory_space<vmem>>
        %dma_start3A_221 = arith.constant 0 : i32
        %dma_start3A_222 = arith.constant 0 : i32
        %dma_start3A_223 = arith.constant 0 : i32
        %dma_start3A_224 = tpu.memref_slice %arg2[%dma_start3A_221, %dma_start3A_222, %dma_start3A_223] : memref<10240x1x128xbf16, #tpu.memory_space<hbm>> -> memref<10240x1x128xbf16, #tpu.memory_space<hbm>>
        tpu.enqueue_indirect_dma source(%dma_start3A_224 : memref<10240x1x128xbf16, #tpu.memory_space<hbm>>) target(%arg9 : memref<128x1x128xbf16, #tpu.memory_space<vmem>>) offsets(%dma_start3A_220 : memref<128xi32, #tpu.memory_space<vmem>>) semaphore(%arg12 : memref<!tpu.dma_semaphore, #tpu.memory_space<semaphore_mem>>)
        %dma_start3A_225 = arith.constant 5 : i32
        %dma_start3A_226 = arith.constant 0 : i32
        %dma_start3A_227 = tpu.memref_slice %arg8[%dma_start3A_225, %dma_start3A_226] : memref<16x128xi32, #tpu.memory_space<vmem>> -> memref<1x128xi32, #tpu.memory_space<vmem>>
        %dma_start3A_228 = tpu.memref_squeeze %dma_start3A_227 : memref<1x128xi32, #tpu.memory_space<vmem>> -> memref<128xi32, #tpu.memory_space<vmem>>
        %dma_start3A_229 = arith.constant 0 : i32
        %dma_start3A_230 = arith.constant 0 : i32
        %dma_start3A_231 = arith.constant 0 : i32
        %dma_start3A_232 = tpu.memref_slice %arg11[%dma_start3A_229, %dma_start3A_230, %dma_start3A_231] : memref<10240x1x128xbf16, #tpu.memory_space<vmem_shared>> -> memref<10240x1x128xbf16, #tpu.memory_space<vmem_shared>>
        tpu.enqueue_indirect_dma source(%arg10 : memref<128x1x128xbf16, #tpu.memory_space<vmem>>) target(%dma_start3A_232 : memref<10240x1x128xbf16, #tpu.memory_space<vmem_shared>>) offsets(%dma_start3A_228 : memref<128xi32, #tpu.memory_space<vmem>>) semaphore(%arg15 : memref<!tpu.dma_semaphore, #tpu.memory_space<semaphore_mem>>) {add = true}
        %dma_wait3A_233 = arith.constant 6 : i32
        %dma_wait3A_234 = arith.constant 0 : i32
        %dma_wait3A_235 = tpu.memref_slice %arg7[%dma_wait3A_233, %dma_wait3A_234] : memref<16x128xi32, #tpu.memory_space<vmem>> -> memref<1x128xi32, #tpu.memory_space<vmem>>
        %dma_wait3A_236 = tpu.memref_squeeze %dma_wait3A_235 : memref<1x128xi32, #tpu.memory_space<vmem>> -> memref<128xi32, #tpu.memory_space<vmem>>
        %dma_wait3A_237 = arith.constant 0 : i32
        %dma_wait3A_238 = arith.constant 0 : i32
        %dma_wait3A_239 = arith.constant 0 : i32
        %dma_wait3A_240 = tpu.memref_slice %arg2[%dma_wait3A_237, %dma_wait3A_238, %dma_wait3A_239] : memref<10240x1x128xbf16, #tpu.memory_space<hbm>> -> memref<10240x1x128xbf16, #tpu.memory_space<hbm>>
        tpu.wait_indirect_dma semaphore(%arg12 : memref<!tpu.dma_semaphore, #tpu.memory_space<semaphore_mem>>) src(%dma_wait3A_240 : memref<10240x1x128xbf16, #tpu.memory_space<hbm>>) dst(%arg9 : memref<128x1x128xbf16, #tpu.memory_space<vmem>>)
        %dma_wait3A_241 = arith.constant 5 : i32
        %dma_wait3A_242 = arith.constant 0 : i32
        %dma_wait3A_243 = tpu.memref_slice %arg8[%dma_wait3A_241, %dma_wait3A_242] : memref<16x128xi32, #tpu.memory_space<vmem>> -> memref<1x128xi32, #tpu.memory_space<vmem>>
        %dma_wait3A_244 = tpu.memref_squeeze %dma_wait3A_243 : memref<1x128xi32, #tpu.memory_space<vmem>> -> memref<128xi32, #tpu.memory_space<vmem>>
        %dma_wait3A_245 = arith.constant 0 : i32
        %dma_wait3A_246 = arith.constant 0 : i32
        %dma_wait3A_247 = arith.constant 0 : i32
        %dma_wait3A_248 = tpu.memref_slice %arg11[%dma_wait3A_245, %dma_wait3A_246, %dma_wait3A_247] : memref<10240x1x128xbf16, #tpu.memory_space<vmem_shared>> -> memref<10240x1x128xbf16, #tpu.memory_space<vmem_shared>>
        tpu.wait_indirect_dma semaphore(%arg15 : memref<!tpu.dma_semaphore, #tpu.memory_space<semaphore_mem>>) src(%arg10 : memref<128x1x128xbf16, #tpu.memory_space<vmem>>) dst(%dma_wait3A_248 : memref<10240x1x128xbf16, #tpu.memory_space<vmem_shared>>)
        %dma_start3A_249 = arith.constant 7 : i32
        %dma_start3A_250 = arith.constant 0 : i32
        %dma_start3A_251 = tpu.memref_slice %arg7[%dma_start3A_249, %dma_start3A_250] : memref<16x128xi32, #tpu.memory_space<vmem>> -> memref<1x128xi32, #tpu.memory_space<vmem>>
        %dma_start3A_252 = tpu.memref_squeeze %dma_start3A_251 : memref<1x128xi32, #tpu.memory_space<vmem>> -> memref<128xi32, #tpu.memory_space<vmem>>
        %dma_start3A_253 = arith.constant 0 : i32
        %dma_start3A_254 = arith.constant 0 : i32
        %dma_start3A_255 = arith.constant 0 : i32
        %dma_start3A_256 = tpu.memref_slice %arg2[%dma_start3A_253, %dma_start3A_254, %dma_start3A_255] : memref<10240x1x128xbf16, #tpu.memory_space<hbm>> -> memref<10240x1x128xbf16, #tpu.memory_space<hbm>>
        tpu.enqueue_indirect_dma source(%dma_start3A_256 : memref<10240x1x128xbf16, #tpu.memory_space<hbm>>) target(%arg10 : memref<128x1x128xbf16, #tpu.memory_space<vmem>>) offsets(%dma_start3A_252 : memref<128xi32, #tpu.memory_space<vmem>>) semaphore(%arg13 : memref<!tpu.dma_semaphore, #tpu.memory_space<semaphore_mem>>)
        %dma_start3A_257 = arith.constant 6 : i32
        %dma_start3A_258 = arith.constant 0 : i32
        %dma_start3A_259 = tpu.memref_slice %arg8[%dma_start3A_257, %dma_start3A_258] : memref<16x128xi32, #tpu.memory_space<vmem>> -> memref<1x128xi32, #tpu.memory_space<vmem>>
        %dma_start3A_260 = tpu.memref_squeeze %dma_start3A_259 : memref<1x128xi32, #tpu.memory_space<vmem>> -> memref<128xi32, #tpu.memory_space<vmem>>
        %dma_start3A_261 = arith.constant 0 : i32
        %dma_start3A_262 = arith.constant 0 : i32
        %dma_start3A_263 = arith.constant 0 : i32
        %dma_start3A_264 = tpu.memref_slice %arg11[%dma_start3A_261, %dma_start3A_262, %dma_start3A_263] : memref<10240x1x128xbf16, #tpu.memory_space<vmem_shared>> -> memref<10240x1x128xbf16, #tpu.memory_space<vmem_shared>>
        tpu.enqueue_indirect_dma source(%arg9 : memref<128x1x128xbf16, #tpu.memory_space<vmem>>) target(%dma_start3A_264 : memref<10240x1x128xbf16, #tpu.memory_space<vmem_shared>>) offsets(%dma_start3A_260 : memref<128xi32, #tpu.memory_space<vmem>>) semaphore(%arg14 : memref<!tpu.dma_semaphore, #tpu.memory_space<semaphore_mem>>) {add = true}
        %dma_wait3A_265 = arith.constant 7 : i32
        %dma_wait3A_266 = arith.constant 0 : i32
        %dma_wait3A_267 = tpu.memref_slice %arg7[%dma_wait3A_265, %dma_wait3A_266] : memref<16x128xi32, #tpu.memory_space<vmem>> -> memref<1x128xi32, #tpu.memory_space<vmem>>
        %dma_wait3A_268 = tpu.memref_squeeze %dma_wait3A_267 : memref<1x128xi32, #tpu.memory_space<vmem>> -> memref<128xi32, #tpu.memory_space<vmem>>
        %dma_wait3A_269 = arith.constant 0 : i32
        %dma_wait3A_270 = arith.constant 0 : i32
        %dma_wait3A_271 = arith.constant 0 : i32
        %dma_wait3A_272 = tpu.memref_slice %arg2[%dma_wait3A_269, %dma_wait3A_270, %dma_wait3A_271] : memref<10240x1x128xbf16, #tpu.memory_space<hbm>> -> memref<10240x1x128xbf16, #tpu.memory_space<hbm>>
        tpu.wait_indirect_dma semaphore(%arg13 : memref<!tpu.dma_semaphore, #tpu.memory_space<semaphore_mem>>) src(%dma_wait3A_272 : memref<10240x1x128xbf16, #tpu.memory_space<hbm>>) dst(%arg10 : memref<128x1x128xbf16, #tpu.memory_space<vmem>>)
        %dma_wait3A_273 = arith.constant 6 : i32
        %dma_wait3A_274 = arith.constant 0 : i32
        %dma_wait3A_275 = tpu.memref_slice %arg8[%dma_wait3A_273, %dma_wait3A_274] : memref<16x128xi32, #tpu.memory_space<vmem>> -> memref<1x128xi32, #tpu.memory_space<vmem>>
        %dma_wait3A_276 = tpu.memref_squeeze %dma_wait3A_275 : memref<1x128xi32, #tpu.memory_space<vmem>> -> memref<128xi32, #tpu.memory_space<vmem>>
        %dma_wait3A_277 = arith.constant 0 : i32
        %dma_wait3A_278 = arith.constant 0 : i32
        %dma_wait3A_279 = arith.constant 0 : i32
        %dma_wait3A_280 = tpu.memref_slice %arg11[%dma_wait3A_277, %dma_wait3A_278, %dma_wait3A_279] : memref<10240x1x128xbf16, #tpu.memory_space<vmem_shared>> -> memref<10240x1x128xbf16, #tpu.memory_space<vmem_shared>>
        tpu.wait_indirect_dma semaphore(%arg14 : memref<!tpu.dma_semaphore, #tpu.memory_space<semaphore_mem>>) src(%arg9 : memref<128x1x128xbf16, #tpu.memory_space<vmem>>) dst(%dma_wait3A_280 : memref<10240x1x128xbf16, #tpu.memory_space<vmem_shared>>)
        %dma_start3A_281 = arith.constant 8 : i32
        %dma_start3A_282 = arith.constant 0 : i32
        %dma_start3A_283 = tpu.memref_slice %arg7[%dma_start3A_281, %dma_start3A_282] : memref<16x128xi32, #tpu.memory_space<vmem>> -> memref<1x128xi32, #tpu.memory_space<vmem>>
        %dma_start3A_284 = tpu.memref_squeeze %dma_start3A_283 : memref<1x128xi32, #tpu.memory_space<vmem>> -> memref<128xi32, #tpu.memory_space<vmem>>
        %dma_start3A_285 = arith.constant 0 : i32
        %dma_start3A_286 = arith.constant 0 : i32
        %dma_start3A_287 = arith.constant 0 : i32
        %dma_start3A_288 = tpu.memref_slice %arg2[%dma_start3A_285, %dma_start3A_286, %dma_start3A_287] : memref<10240x1x128xbf16, #tpu.memory_space<hbm>> -> memref<10240x1x128xbf16, #tpu.memory_space<hbm>>
        tpu.enqueue_indirect_dma source(%dma_start3A_288 : memref<10240x1x128xbf16, #tpu.memory_space<hbm>>) target(%arg9 : memref<128x1x128xbf16, #tpu.memory_space<vmem>>) offsets(%dma_start3A_284 : memref<128xi32, #tpu.memory_space<vmem>>) semaphore(%arg12 : memref<!tpu.dma_semaphore, #tpu.memory_space<semaphore_mem>>)
        %dma_start3A_289 = arith.constant 7 : i32
        %dma_start3A_290 = arith.constant 0 : i32
        %dma_start3A_291 = tpu.memref_slice %arg8[%dma_start3A_289, %dma_start3A_290] : memref<16x128xi32, #tpu.memory_space<vmem>> -> memref<1x128xi32, #tpu.memory_space<vmem>>
        %dma_start3A_292 = tpu.memref_squeeze %dma_start3A_291 : memref<1x128xi32, #tpu.memory_space<vmem>> -> memref<128xi32, #tpu.memory_space<vmem>>
        %dma_start3A_293 = arith.constant 0 : i32
        %dma_start3A_294 = arith.constant 0 : i32
        %dma_start3A_295 = arith.constant 0 : i32
        %dma_start3A_296 = tpu.memref_slice %arg11[%dma_start3A_293, %dma_start3A_294, %dma_start3A_295] : memref<10240x1x128xbf16, #tpu.memory_space<vmem_shared>> -> memref<10240x1x128xbf16, #tpu.memory_space<vmem_shared>>
        tpu.enqueue_indirect_dma source(%arg10 : memref<128x1x128xbf16, #tpu.memory_space<vmem>>) target(%dma_start3A_296 : memref<10240x1x128xbf16, #tpu.memory_space<vmem_shared>>) offsets(%dma_start3A_292 : memref<128xi32, #tpu.memory_space<vmem>>) semaphore(%arg15 : memref<!tpu.dma_semaphore, #tpu.memory_space<semaphore_mem>>) {add = true}
        %dma_wait3A_297 = arith.constant 8 : i32
        %dma_wait3A_298 = arith.constant 0 : i32
        %dma_wait3A_299 = tpu.memref_slice %arg7[%dma_wait3A_297, %dma_wait3A_298] : memref<16x128xi32, #tpu.memory_space<vmem>> -> memref<1x128xi32, #tpu.memory_space<vmem>>
        %dma_wait3A_300 = tpu.memref_squeeze %dma_wait3A_299 : memref<1x128xi32, #tpu.memory_space<vmem>> -> memref<128xi32, #tpu.memory_space<vmem>>
        %dma_wait3A_301 = arith.constant 0 : i32
        %dma_wait3A_302 = arith.constant 0 : i32
        %dma_wait3A_303 = arith.constant 0 : i32
        %dma_wait3A_304 = tpu.memref_slice %arg2[%dma_wait3A_301, %dma_wait3A_302, %dma_wait3A_303] : memref<10240x1x128xbf16, #tpu.memory_space<hbm>> -> memref<10240x1x128xbf16, #tpu.memory_space<hbm>>
        tpu.wait_indirect_dma semaphore(%arg12 : memref<!tpu.dma_semaphore, #tpu.memory_space<semaphore_mem>>) src(%dma_wait3A_304 : memref<10240x1x128xbf16, #tpu.memory_space<hbm>>) dst(%arg9 : memref<128x1x128xbf16, #tpu.memory_space<vmem>>)
        %dma_wait3A_305 = arith.constant 7 : i32
        %dma_wait3A_306 = arith.constant 0 : i32
        %dma_wait3A_307 = tpu.memref_slice %arg8[%dma_wait3A_305, %dma_wait3A_306] : memref<16x128xi32, #tpu.memory_space<vmem>> -> memref<1x128xi32, #tpu.memory_space<vmem>>
        %dma_wait3A_308 = tpu.memref_squeeze %dma_wait3A_307 : memref<1x128xi32, #tpu.memory_space<vmem>> -> memref<128xi32, #tpu.memory_space<vmem>>
        %dma_wait3A_309 = arith.constant 0 : i32
        %dma_wait3A_310 = arith.constant 0 : i32
        %dma_wait3A_311 = arith.constant 0 : i32
        %dma_wait3A_312 = tpu.memref_slice %arg11[%dma_wait3A_309, %dma_wait3A_310, %dma_wait3A_311] : memref<10240x1x128xbf16, #tpu.memory_space<vmem_shared>> -> memref<10240x1x128xbf16, #tpu.memory_space<vmem_shared>>
        tpu.wait_indirect_dma semaphore(%arg15 : memref<!tpu.dma_semaphore, #tpu.memory_space<semaphore_mem>>) src(%arg10 : memref<128x1x128xbf16, #tpu.memory_space<vmem>>) dst(%dma_wait3A_312 : memref<10240x1x128xbf16, #tpu.memory_space<vmem_shared>>)
        %dma_start3A_313 = arith.constant 9 : i32
        %dma_start3A_314 = arith.constant 0 : i32
        %dma_start3A_315 = tpu.memref_slice %arg7[%dma_start3A_313, %dma_start3A_314] : memref<16x128xi32, #tpu.memory_space<vmem>> -> memref<1x128xi32, #tpu.memory_space<vmem>>
        %dma_start3A_316 = tpu.memref_squeeze %dma_start3A_315 : memref<1x128xi32, #tpu.memory_space<vmem>> -> memref<128xi32, #tpu.memory_space<vmem>>
        %dma_start3A_317 = arith.constant 0 : i32
        %dma_start3A_318 = arith.constant 0 : i32
        %dma_start3A_319 = arith.constant 0 : i32
        %dma_start3A_320 = tpu.memref_slice %arg2[%dma_start3A_317, %dma_start3A_318, %dma_start3A_319] : memref<10240x1x128xbf16, #tpu.memory_space<hbm>> -> memref<10240x1x128xbf16, #tpu.memory_space<hbm>>
        tpu.enqueue_indirect_dma source(%dma_start3A_320 : memref<10240x1x128xbf16, #tpu.memory_space<hbm>>) target(%arg10 : memref<128x1x128xbf16, #tpu.memory_space<vmem>>) offsets(%dma_start3A_316 : memref<128xi32, #tpu.memory_space<vmem>>) semaphore(%arg13 : memref<!tpu.dma_semaphore, #tpu.memory_space<semaphore_mem>>)
        %dma_start3A_321 = arith.constant 8 : i32
        %dma_start3A_322 = arith.constant 0 : i32
        %dma_start3A_323 = tpu.memref_slice %arg8[%dma_start3A_321, %dma_start3A_322] : memref<16x128xi32, #tpu.memory_space<vmem>> -> memref<1x128xi32, #tpu.memory_space<vmem>>
        %dma_start3A_324 = tpu.memref_squeeze %dma_start3A_323 : memref<1x128xi32, #tpu.memory_space<vmem>> -> memref<128xi32, #tpu.memory_space<vmem>>
        %dma_start3A_325 = arith.constant 0 : i32
        %dma_start3A_326 = arith.constant 0 : i32
        %dma_start3A_327 = arith.constant 0 : i32
        %dma_start3A_328 = tpu.memref_slice %arg11[%dma_start3A_325, %dma_start3A_326, %dma_start3A_327] : memref<10240x1x128xbf16, #tpu.memory_space<vmem_shared>> -> memref<10240x1x128xbf16, #tpu.memory_space<vmem_shared>>
        tpu.enqueue_indirect_dma source(%arg9 : memref<128x1x128xbf16, #tpu.memory_space<vmem>>) target(%dma_start3A_328 : memref<10240x1x128xbf16, #tpu.memory_space<vmem_shared>>) offsets(%dma_start3A_324 : memref<128xi32, #tpu.memory_space<vmem>>) semaphore(%arg14 : memref<!tpu.dma_semaphore, #tpu.memory_space<semaphore_mem>>) {add = true}
        %dma_wait3A_329 = arith.constant 9 : i32
        %dma_wait3A_330 = arith.constant 0 : i32
        %dma_wait3A_331 = tpu.memref_slice %arg7[%dma_wait3A_329, %dma_wait3A_330] : memref<16x128xi32, #tpu.memory_space<vmem>> -> memref<1x128xi32, #tpu.memory_space<vmem>>
        %dma_wait3A_332 = tpu.memref_squeeze %dma_wait3A_331 : memref<1x128xi32, #tpu.memory_space<vmem>> -> memref<128xi32, #tpu.memory_space<vmem>>
        %dma_wait3A_333 = arith.constant 0 : i32
        %dma_wait3A_334 = arith.constant 0 : i32
        %dma_wait3A_335 = arith.constant 0 : i32
        %dma_wait3A_336 = tpu.memref_slice %arg2[%dma_wait3A_333, %dma_wait3A_334, %dma_wait3A_335] : memref<10240x1x128xbf16, #tpu.memory_space<hbm>> -> memref<10240x1x128xbf16, #tpu.memory_space<hbm>>
        tpu.wait_indirect_dma semaphore(%arg13 : memref<!tpu.dma_semaphore, #tpu.memory_space<semaphore_mem>>) src(%dma_wait3A_336 : memref<10240x1x128xbf16, #tpu.memory_space<hbm>>) dst(%arg10 : memref<128x1x128xbf16, #tpu.memory_space<vmem>>)
        %dma_wait3A_337 = arith.constant 8 : i32
        %dma_wait3A_338 = arith.constant 0 : i32
        %dma_wait3A_339 = tpu.memref_slice %arg8[%dma_wait3A_337, %dma_wait3A_338] : memref<16x128xi32, #tpu.memory_space<vmem>> -> memref<1x128xi32, #tpu.memory_space<vmem>>
        %dma_wait3A_340 = tpu.memref_squeeze %dma_wait3A_339 : memref<1x128xi32, #tpu.memory_space<vmem>> -> memref<128xi32, #tpu.memory_space<vmem>>
        %dma_wait3A_341 = arith.constant 0 : i32
        %dma_wait3A_342 = arith.constant 0 : i32
        %dma_wait3A_343 = arith.constant 0 : i32
        %dma_wait3A_344 = tpu.memref_slice %arg11[%dma_wait3A_341, %dma_wait3A_342, %dma_wait3A_343] : memref<10240x1x128xbf16, #tpu.memory_space<vmem_shared>> -> memref<10240x1x128xbf16, #tpu.memory_space<vmem_shared>>
        tpu.wait_indirect_dma semaphore(%arg14 : memref<!tpu.dma_semaphore, #tpu.memory_space<semaphore_mem>>) src(%arg9 : memref<128x1x128xbf16, #tpu.memory_space<vmem>>) dst(%dma_wait3A_344 : memref<10240x1x128xbf16, #tpu.memory_space<vmem_shared>>)
        %dma_start3A_345 = arith.constant 10 : i32
        %dma_start3A_346 = arith.constant 0 : i32
        %dma_start3A_347 = tpu.memref_slice %arg7[%dma_start3A_345, %dma_start3A_346] : memref<16x128xi32, #tpu.memory_space<vmem>> -> memref<1x128xi32, #tpu.memory_space<vmem>>
        %dma_start3A_348 = tpu.memref_squeeze %dma_start3A_347 : memref<1x128xi32, #tpu.memory_space<vmem>> -> memref<128xi32, #tpu.memory_space<vmem>>
        %dma_start3A_349 = arith.constant 0 : i32
        %dma_start3A_350 = arith.constant 0 : i32
        %dma_start3A_351 = arith.constant 0 : i32
        %dma_start3A_352 = tpu.memref_slice %arg2[%dma_start3A_349, %dma_start3A_350, %dma_start3A_351] : memref<10240x1x128xbf16, #tpu.memory_space<hbm>> -> memref<10240x1x128xbf16, #tpu.memory_space<hbm>>
        tpu.enqueue_indirect_dma source(%dma_start3A_352 : memref<10240x1x128xbf16, #tpu.memory_space<hbm>>) target(%arg9 : memref<128x1x128xbf16, #tpu.memory_space<vmem>>) offsets(%dma_start3A_348 : memref<128xi32, #tpu.memory_space<vmem>>) semaphore(%arg12 : memref<!tpu.dma_semaphore, #tpu.memory_space<semaphore_mem>>)
        %dma_start3A_353 = arith.constant 9 : i32
        %dma_start3A_354 = arith.constant 0 : i32
        %dma_start3A_355 = tpu.memref_slice %arg8[%dma_start3A_353, %dma_start3A_354] : memref<16x128xi32, #tpu.memory_space<vmem>> -> memref<1x128xi32, #tpu.memory_space<vmem>>
        %dma_start3A_356 = tpu.memref_squeeze %dma_start3A_355 : memref<1x128xi32, #tpu.memory_space<vmem>> -> memref<128xi32, #tpu.memory_space<vmem>>
        %dma_start3A_357 = arith.constant 0 : i32
        %dma_start3A_358 = arith.constant 0 : i32
        %dma_start3A_359 = arith.constant 0 : i32
        %dma_start3A_360 = tpu.memref_slice %arg11[%dma_start3A_357, %dma_start3A_358, %dma_start3A_359] : memref<10240x1x128xbf16, #tpu.memory_space<vmem_shared>> -> memref<10240x1x128xbf16, #tpu.memory_space<vmem_shared>>
        tpu.enqueue_indirect_dma source(%arg10 : memref<128x1x128xbf16, #tpu.memory_space<vmem>>) target(%dma_start3A_360 : memref<10240x1x128xbf16, #tpu.memory_space<vmem_shared>>) offsets(%dma_start3A_356 : memref<128xi32, #tpu.memory_space<vmem>>) semaphore(%arg15 : memref<!tpu.dma_semaphore, #tpu.memory_space<semaphore_mem>>) {add = true}
        %dma_wait3A_361 = arith.constant 10 : i32
        %dma_wait3A_362 = arith.constant 0 : i32
        %dma_wait3A_363 = tpu.memref_slice %arg7[%dma_wait3A_361, %dma_wait3A_362] : memref<16x128xi32, #tpu.memory_space<vmem>> -> memref<1x128xi32, #tpu.memory_space<vmem>>
        %dma_wait3A_364 = tpu.memref_squeeze %dma_wait3A_363 : memref<1x128xi32, #tpu.memory_space<vmem>> -> memref<128xi32, #tpu.memory_space<vmem>>
        %dma_wait3A_365 = arith.constant 0 : i32
        %dma_wait3A_366 = arith.constant 0 : i32
        %dma_wait3A_367 = arith.constant 0 : i32
        %dma_wait3A_368 = tpu.memref_slice %arg2[%dma_wait3A_365, %dma_wait3A_366, %dma_wait3A_367] : memref<10240x1x128xbf16, #tpu.memory_space<hbm>> -> memref<10240x1x128xbf16, #tpu.memory_space<hbm>>
        tpu.wait_indirect_dma semaphore(%arg12 : memref<!tpu.dma_semaphore, #tpu.memory_space<semaphore_mem>>) src(%dma_wait3A_368 : memref<10240x1x128xbf16, #tpu.memory_space<hbm>>) dst(%arg9 : memref<128x1x128xbf16, #tpu.memory_space<vmem>>)
        %dma_wait3A_369 = arith.constant 9 : i32
        %dma_wait3A_370 = arith.constant 0 : i32
        %dma_wait3A_371 = tpu.memref_slice %arg8[%dma_wait3A_369, %dma_wait3A_370] : memref<16x128xi32, #tpu.memory_space<vmem>> -> memref<1x128xi32, #tpu.memory_space<vmem>>
        %dma_wait3A_372 = tpu.memref_squeeze %dma_wait3A_371 : memref<1x128xi32, #tpu.memory_space<vmem>> -> memref<128xi32, #tpu.memory_space<vmem>>
        %dma_wait3A_373 = arith.constant 0 : i32
        %dma_wait3A_374 = arith.constant 0 : i32
        %dma_wait3A_375 = arith.constant 0 : i32
        %dma_wait3A_376 = tpu.memref_slice %arg11[%dma_wait3A_373, %dma_wait3A_374, %dma_wait3A_375] : memref<10240x1x128xbf16, #tpu.memory_space<vmem_shared>> -> memref<10240x1x128xbf16, #tpu.memory_space<vmem_shared>>
        tpu.wait_indirect_dma semaphore(%arg15 : memref<!tpu.dma_semaphore, #tpu.memory_space<semaphore_mem>>) src(%arg10 : memref<128x1x128xbf16, #tpu.memory_space<vmem>>) dst(%dma_wait3A_376 : memref<10240x1x128xbf16, #tpu.memory_space<vmem_shared>>)
        %dma_start3A_377 = arith.constant 11 : i32
        %dma_start3A_378 = arith.constant 0 : i32
        %dma_start3A_379 = tpu.memref_slice %arg7[%dma_start3A_377, %dma_start3A_378] : memref<16x128xi32, #tpu.memory_space<vmem>> -> memref<1x128xi32, #tpu.memory_space<vmem>>
        %dma_start3A_380 = tpu.memref_squeeze %dma_start3A_379 : memref<1x128xi32, #tpu.memory_space<vmem>> -> memref<128xi32, #tpu.memory_space<vmem>>
        %dma_start3A_381 = arith.constant 0 : i32
        %dma_start3A_382 = arith.constant 0 : i32
        %dma_start3A_383 = arith.constant 0 : i32
        %dma_start3A_384 = tpu.memref_slice %arg2[%dma_start3A_381, %dma_start3A_382, %dma_start3A_383] : memref<10240x1x128xbf16, #tpu.memory_space<hbm>> -> memref<10240x1x128xbf16, #tpu.memory_space<hbm>>
        tpu.enqueue_indirect_dma source(%dma_start3A_384 : memref<10240x1x128xbf16, #tpu.memory_space<hbm>>) target(%arg10 : memref<128x1x128xbf16, #tpu.memory_space<vmem>>) offsets(%dma_start3A_380 : memref<128xi32, #tpu.memory_space<vmem>>) semaphore(%arg13 : memref<!tpu.dma_semaphore, #tpu.memory_space<semaphore_mem>>)
        %dma_start3A_385 = arith.constant 10 : i32
        %dma_start3A_386 = arith.constant 0 : i32
        %dma_start3A_387 = tpu.memref_slice %arg8[%dma_start3A_385, %dma_start3A_386] : memref<16x128xi32, #tpu.memory_space<vmem>> -> memref<1x128xi32, #tpu.memory_space<vmem>>
        %dma_start3A_388 = tpu.memref_squeeze %dma_start3A_387 : memref<1x128xi32, #tpu.memory_space<vmem>> -> memref<128xi32, #tpu.memory_space<vmem>>
        %dma_start3A_389 = arith.constant 0 : i32
        %dma_start3A_390 = arith.constant 0 : i32
        %dma_start3A_391 = arith.constant 0 : i32
        %dma_start3A_392 = tpu.memref_slice %arg11[%dma_start3A_389, %dma_start3A_390, %dma_start3A_391] : memref<10240x1x128xbf16, #tpu.memory_space<vmem_shared>> -> memref<10240x1x128xbf16, #tpu.memory_space<vmem_shared>>
        tpu.enqueue_indirect_dma source(%arg9 : memref<128x1x128xbf16, #tpu.memory_space<vmem>>) target(%dma_start3A_392 : memref<10240x1x128xbf16, #tpu.memory_space<vmem_shared>>) offsets(%dma_start3A_388 : memref<128xi32, #tpu.memory_space<vmem>>) semaphore(%arg14 : memref<!tpu.dma_semaphore, #tpu.memory_space<semaphore_mem>>) {add = true}
        %dma_wait3A_393 = arith.constant 11 : i32
        %dma_wait3A_394 = arith.constant 0 : i32
        %dma_wait3A_395 = tpu.memref_slice %arg7[%dma_wait3A_393, %dma_wait3A_394] : memref<16x128xi32, #tpu.memory_space<vmem>> -> memref<1x128xi32, #tpu.memory_space<vmem>>
        %dma_wait3A_396 = tpu.memref_squeeze %dma_wait3A_395 : memref<1x128xi32, #tpu.memory_space<vmem>> -> memref<128xi32, #tpu.memory_space<vmem>>
        %dma_wait3A_397 = arith.constant 0 : i32
        %dma_wait3A_398 = arith.constant 0 : i32
        %dma_wait3A_399 = arith.constant 0 : i32
        %dma_wait3A_400 = tpu.memref_slice %arg2[%dma_wait3A_397, %dma_wait3A_398, %dma_wait3A_399] : memref<10240x1x128xbf16, #tpu.memory_space<hbm>> -> memref<10240x1x128xbf16, #tpu.memory_space<hbm>>
        tpu.wait_indirect_dma semaphore(%arg13 : memref<!tpu.dma_semaphore, #tpu.memory_space<semaphore_mem>>) src(%dma_wait3A_400 : memref<10240x1x128xbf16, #tpu.memory_space<hbm>>) dst(%arg10 : memref<128x1x128xbf16, #tpu.memory_space<vmem>>)
        %dma_wait3A_401 = arith.constant 10 : i32
        %dma_wait3A_402 = arith.constant 0 : i32
        %dma_wait3A_403 = tpu.memref_slice %arg8[%dma_wait3A_401, %dma_wait3A_402] : memref<16x128xi32, #tpu.memory_space<vmem>> -> memref<1x128xi32, #tpu.memory_space<vmem>>
        %dma_wait3A_404 = tpu.memref_squeeze %dma_wait3A_403 : memref<1x128xi32, #tpu.memory_space<vmem>> -> memref<128xi32, #tpu.memory_space<vmem>>
        %dma_wait3A_405 = arith.constant 0 : i32
        %dma_wait3A_406 = arith.constant 0 : i32
        %dma_wait3A_407 = arith.constant 0 : i32
        %dma_wait3A_408 = tpu.memref_slice %arg11[%dma_wait3A_405, %dma_wait3A_406, %dma_wait3A_407] : memref<10240x1x128xbf16, #tpu.memory_space<vmem_shared>> -> memref<10240x1x128xbf16, #tpu.memory_space<vmem_shared>>
        tpu.wait_indirect_dma semaphore(%arg14 : memref<!tpu.dma_semaphore, #tpu.memory_space<semaphore_mem>>) src(%arg9 : memref<128x1x128xbf16, #tpu.memory_space<vmem>>) dst(%dma_wait3A_408 : memref<10240x1x128xbf16, #tpu.memory_space<vmem_shared>>)
        %dma_start3A_409 = arith.constant 12 : i32
        %dma_start3A_410 = arith.constant 0 : i32
        %dma_start3A_411 = tpu.memref_slice %arg7[%dma_start3A_409, %dma_start3A_410] : memref<16x128xi32, #tpu.memory_space<vmem>> -> memref<1x128xi32, #tpu.memory_space<vmem>>
        %dma_start3A_412 = tpu.memref_squeeze %dma_start3A_411 : memref<1x128xi32, #tpu.memory_space<vmem>> -> memref<128xi32, #tpu.memory_space<vmem>>
        %dma_start3A_413 = arith.constant 0 : i32
        %dma_start3A_414 = arith.constant 0 : i32
        %dma_start3A_415 = arith.constant 0 : i32
        %dma_start3A_416 = tpu.memref_slice %arg2[%dma_start3A_413, %dma_start3A_414, %dma_start3A_415] : memref<10240x1x128xbf16, #tpu.memory_space<hbm>> -> memref<10240x1x128xbf16, #tpu.memory_space<hbm>>
        tpu.enqueue_indirect_dma source(%dma_start3A_416 : memref<10240x1x128xbf16, #tpu.memory_space<hbm>>) target(%arg9 : memref<128x1x128xbf16, #tpu.memory_space<vmem>>) offsets(%dma_start3A_412 : memref<128xi32, #tpu.memory_space<vmem>>) semaphore(%arg12 : memref<!tpu.dma_semaphore, #tpu.memory_space<semaphore_mem>>)
        %dma_start3A_417 = arith.constant 11 : i32
        %dma_start3A_418 = arith.constant 0 : i32
        %dma_start3A_419 = tpu.memref_slice %arg8[%dma_start3A_417, %dma_start3A_418] : memref<16x128xi32, #tpu.memory_space<vmem>> -> memref<1x128xi32, #tpu.memory_space<vmem>>
        %dma_start3A_420 = tpu.memref_squeeze %dma_start3A_419 : memref<1x128xi32, #tpu.memory_space<vmem>> -> memref<128xi32, #tpu.memory_space<vmem>>
        %dma_start3A_421 = arith.constant 0 : i32
        %dma_start3A_422 = arith.constant 0 : i32
        %dma_start3A_423 = arith.constant 0 : i32
        %dma_start3A_424 = tpu.memref_slice %arg11[%dma_start3A_421, %dma_start3A_422, %dma_start3A_423] : memref<10240x1x128xbf16, #tpu.memory_space<vmem_shared>> -> memref<10240x1x128xbf16, #tpu.memory_space<vmem_shared>>
        tpu.enqueue_indirect_dma source(%arg10 : memref<128x1x128xbf16, #tpu.memory_space<vmem>>) target(%dma_start3A_424 : memref<10240x1x128xbf16, #tpu.memory_space<vmem_shared>>) offsets(%dma_start3A_420 : memref<128xi32, #tpu.memory_space<vmem>>) semaphore(%arg15 : memref<!tpu.dma_semaphore, #tpu.memory_space<semaphore_mem>>) {add = true}
        %dma_wait3A_425 = arith.constant 12 : i32
        %dma_wait3A_426 = arith.constant 0 : i32
        %dma_wait3A_427 = tpu.memref_slice %arg7[%dma_wait3A_425, %dma_wait3A_426] : memref<16x128xi32, #tpu.memory_space<vmem>> -> memref<1x128xi32, #tpu.memory_space<vmem>>
        %dma_wait3A_428 = tpu.memref_squeeze %dma_wait3A_427 : memref<1x128xi32, #tpu.memory_space<vmem>> -> memref<128xi32, #tpu.memory_space<vmem>>
        %dma_wait3A_429 = arith.constant 0 : i32
        %dma_wait3A_430 = arith.constant 0 : i32
        %dma_wait3A_431 = arith.constant 0 : i32
        %dma_wait3A_432 = tpu.memref_slice %arg2[%dma_wait3A_429, %dma_wait3A_430, %dma_wait3A_431] : memref<10240x1x128xbf16, #tpu.memory_space<hbm>> -> memref<10240x1x128xbf16, #tpu.memory_space<hbm>>
        tpu.wait_indirect_dma semaphore(%arg12 : memref<!tpu.dma_semaphore, #tpu.memory_space<semaphore_mem>>) src(%dma_wait3A_432 : memref<10240x1x128xbf16, #tpu.memory_space<hbm>>) dst(%arg9 : memref<128x1x128xbf16, #tpu.memory_space<vmem>>)
        %dma_wait3A_433 = arith.constant 11 : i32
        %dma_wait3A_434 = arith.constant 0 : i32
        %dma_wait3A_435 = tpu.memref_slice %arg8[%dma_wait3A_433, %dma_wait3A_434] : memref<16x128xi32, #tpu.memory_space<vmem>> -> memref<1x128xi32, #tpu.memory_space<vmem>>
        %dma_wait3A_436 = tpu.memref_squeeze %dma_wait3A_435 : memref<1x128xi32, #tpu.memory_space<vmem>> -> memref<128xi32, #tpu.memory_space<vmem>>
        %dma_wait3A_437 = arith.constant 0 : i32
        %dma_wait3A_438 = arith.constant 0 : i32
        %dma_wait3A_439 = arith.constant 0 : i32
        %dma_wait3A_440 = tpu.memref_slice %arg11[%dma_wait3A_437, %dma_wait3A_438, %dma_wait3A_439] : memref<10240x1x128xbf16, #tpu.memory_space<vmem_shared>> -> memref<10240x1x128xbf16, #tpu.memory_space<vmem_shared>>
        tpu.wait_indirect_dma semaphore(%arg15 : memref<!tpu.dma_semaphore, #tpu.memory_space<semaphore_mem>>) src(%arg10 : memref<128x1x128xbf16, #tpu.memory_space<vmem>>) dst(%dma_wait3A_440 : memref<10240x1x128xbf16, #tpu.memory_space<vmem_shared>>)
        %dma_start3A_441 = arith.constant 13 : i32
        %dma_start3A_442 = arith.constant 0 : i32
        %dma_start3A_443 = tpu.memref_slice %arg7[%dma_start3A_441, %dma_start3A_442] : memref<16x128xi32, #tpu.memory_space<vmem>> -> memref<1x128xi32, #tpu.memory_space<vmem>>
        %dma_start3A_444 = tpu.memref_squeeze %dma_start3A_443 : memref<1x128xi32, #tpu.memory_space<vmem>> -> memref<128xi32, #tpu.memory_space<vmem>>
        %dma_start3A_445 = arith.constant 0 : i32
        %dma_start3A_446 = arith.constant 0 : i32
        %dma_start3A_447 = arith.constant 0 : i32
        %dma_start3A_448 = tpu.memref_slice %arg2[%dma_start3A_445, %dma_start3A_446, %dma_start3A_447] : memref<10240x1x128xbf16, #tpu.memory_space<hbm>> -> memref<10240x1x128xbf16, #tpu.memory_space<hbm>>
        tpu.enqueue_indirect_dma source(%dma_start3A_448 : memref<10240x1x128xbf16, #tpu.memory_space<hbm>>) target(%arg10 : memref<128x1x128xbf16, #tpu.memory_space<vmem>>) offsets(%dma_start3A_444 : memref<128xi32, #tpu.memory_space<vmem>>) semaphore(%arg13 : memref<!tpu.dma_semaphore, #tpu.memory_space<semaphore_mem>>)
        %dma_start3A_449 = arith.constant 12 : i32
        %dma_start3A_450 = arith.constant 0 : i32
        %dma_start3A_451 = tpu.memref_slice %arg8[%dma_start3A_449, %dma_start3A_450] : memref<16x128xi32, #tpu.memory_space<vmem>> -> memref<1x128xi32, #tpu.memory_space<vmem>>
        %dma_start3A_452 = tpu.memref_squeeze %dma_start3A_451 : memref<1x128xi32, #tpu.memory_space<vmem>> -> memref<128xi32, #tpu.memory_space<vmem>>
        %dma_start3A_453 = arith.constant 0 : i32
        %dma_start3A_454 = arith.constant 0 : i32
        %dma_start3A_455 = arith.constant 0 : i32
        %dma_start3A_456 = tpu.memref_slice %arg11[%dma_start3A_453, %dma_start3A_454, %dma_start3A_455] : memref<10240x1x128xbf16, #tpu.memory_space<vmem_shared>> -> memref<10240x1x128xbf16, #tpu.memory_space<vmem_shared>>
        tpu.enqueue_indirect_dma source(%arg9 : memref<128x1x128xbf16, #tpu.memory_space<vmem>>) target(%dma_start3A_456 : memref<10240x1x128xbf16, #tpu.memory_space<vmem_shared>>) offsets(%dma_start3A_452 : memref<128xi32, #tpu.memory_space<vmem>>) semaphore(%arg14 : memref<!tpu.dma_semaphore, #tpu.memory_space<semaphore_mem>>) {add = true}
        %dma_wait3A_457 = arith.constant 13 : i32
        %dma_wait3A_458 = arith.constant 0 : i32
        %dma_wait3A_459 = tpu.memref_slice %arg7[%dma_wait3A_457, %dma_wait3A_458] : memref<16x128xi32, #tpu.memory_space<vmem>> -> memref<1x128xi32, #tpu.memory_space<vmem>>
        %dma_wait3A_460 = tpu.memref_squeeze %dma_wait3A_459 : memref<1x128xi32, #tpu.memory_space<vmem>> -> memref<128xi32, #tpu.memory_space<vmem>>
        %dma_wait3A_461 = arith.constant 0 : i32
        %dma_wait3A_462 = arith.constant 0 : i32
        %dma_wait3A_463 = arith.constant 0 : i32
        %dma_wait3A_464 = tpu.memref_slice %arg2[%dma_wait3A_461, %dma_wait3A_462, %dma_wait3A_463] : memref<10240x1x128xbf16, #tpu.memory_space<hbm>> -> memref<10240x1x128xbf16, #tpu.memory_space<hbm>>
        tpu.wait_indirect_dma semaphore(%arg13 : memref<!tpu.dma_semaphore, #tpu.memory_space<semaphore_mem>>) src(%dma_wait3A_464 : memref<10240x1x128xbf16, #tpu.memory_space<hbm>>) dst(%arg10 : memref<128x1x128xbf16, #tpu.memory_space<vmem>>)
        %dma_wait3A_465 = arith.constant 12 : i32
        %dma_wait3A_466 = arith.constant 0 : i32
        %dma_wait3A_467 = tpu.memref_slice %arg8[%dma_wait3A_465, %dma_wait3A_466] : memref<16x128xi32, #tpu.memory_space<vmem>> -> memref<1x128xi32, #tpu.memory_space<vmem>>
        %dma_wait3A_468 = tpu.memref_squeeze %dma_wait3A_467 : memref<1x128xi32, #tpu.memory_space<vmem>> -> memref<128xi32, #tpu.memory_space<vmem>>
        %dma_wait3A_469 = arith.constant 0 : i32
        %dma_wait3A_470 = arith.constant 0 : i32
        %dma_wait3A_471 = arith.constant 0 : i32
        %dma_wait3A_472 = tpu.memref_slice %arg11[%dma_wait3A_469, %dma_wait3A_470, %dma_wait3A_471] : memref<10240x1x128xbf16, #tpu.memory_space<vmem_shared>> -> memref<10240x1x128xbf16, #tpu.memory_space<vmem_shared>>
        tpu.wait_indirect_dma semaphore(%arg14 : memref<!tpu.dma_semaphore, #tpu.memory_space<semaphore_mem>>) src(%arg9 : memref<128x1x128xbf16, #tpu.memory_space<vmem>>) dst(%dma_wait3A_472 : memref<10240x1x128xbf16, #tpu.memory_space<vmem_shared>>)
        %dma_start3A_473 = arith.constant 14 : i32
        %dma_start3A_474 = arith.constant 0 : i32
        %dma_start3A_475 = tpu.memref_slice %arg7[%dma_start3A_473, %dma_start3A_474] : memref<16x128xi32, #tpu.memory_space<vmem>> -> memref<1x128xi32, #tpu.memory_space<vmem>>
        %dma_start3A_476 = tpu.memref_squeeze %dma_start3A_475 : memref<1x128xi32, #tpu.memory_space<vmem>> -> memref<128xi32, #tpu.memory_space<vmem>>
        %dma_start3A_477 = arith.constant 0 : i32
        %dma_start3A_478 = arith.constant 0 : i32
        %dma_start3A_479 = arith.constant 0 : i32
        %dma_start3A_480 = tpu.memref_slice %arg2[%dma_start3A_477, %dma_start3A_478, %dma_start3A_479] : memref<10240x1x128xbf16, #tpu.memory_space<hbm>> -> memref<10240x1x128xbf16, #tpu.memory_space<hbm>>
        tpu.enqueue_indirect_dma source(%dma_start3A_480 : memref<10240x1x128xbf16, #tpu.memory_space<hbm>>) target(%arg9 : memref<128x1x128xbf16, #tpu.memory_space<vmem>>) offsets(%dma_start3A_476 : memref<128xi32, #tpu.memory_space<vmem>>) semaphore(%arg12 : memref<!tpu.dma_semaphore, #tpu.memory_space<semaphore_mem>>)
        %dma_start3A_481 = arith.constant 13 : i32
        %dma_start3A_482 = arith.constant 0 : i32
        %dma_start3A_483 = tpu.memref_slice %arg8[%dma_start3A_481, %dma_start3A_482] : memref<16x128xi32, #tpu.memory_space<vmem>> -> memref<1x128xi32, #tpu.memory_space<vmem>>
        %dma_start3A_484 = tpu.memref_squeeze %dma_start3A_483 : memref<1x128xi32, #tpu.memory_space<vmem>> -> memref<128xi32, #tpu.memory_space<vmem>>
        %dma_start3A_485 = arith.constant 0 : i32
        %dma_start3A_486 = arith.constant 0 : i32
        %dma_start3A_487 = arith.constant 0 : i32
        %dma_start3A_488 = tpu.memref_slice %arg11[%dma_start3A_485, %dma_start3A_486, %dma_start3A_487] : memref<10240x1x128xbf16, #tpu.memory_space<vmem_shared>> -> memref<10240x1x128xbf16, #tpu.memory_space<vmem_shared>>
        tpu.enqueue_indirect_dma source(%arg10 : memref<128x1x128xbf16, #tpu.memory_space<vmem>>) target(%dma_start3A_488 : memref<10240x1x128xbf16, #tpu.memory_space<vmem_shared>>) offsets(%dma_start3A_484 : memref<128xi32, #tpu.memory_space<vmem>>) semaphore(%arg15 : memref<!tpu.dma_semaphore, #tpu.memory_space<semaphore_mem>>) {add = true}
        %dma_wait3A_489 = arith.constant 14 : i32
        %dma_wait3A_490 = arith.constant 0 : i32
        %dma_wait3A_491 = tpu.memref_slice %arg7[%dma_wait3A_489, %dma_wait3A_490] : memref<16x128xi32, #tpu.memory_space<vmem>> -> memref<1x128xi32, #tpu.memory_space<vmem>>
        %dma_wait3A_492 = tpu.memref_squeeze %dma_wait3A_491 : memref<1x128xi32, #tpu.memory_space<vmem>> -> memref<128xi32, #tpu.memory_space<vmem>>
        %dma_wait3A_493 = arith.constant 0 : i32
        %dma_wait3A_494 = arith.constant 0 : i32
        %dma_wait3A_495 = arith.constant 0 : i32
        %dma_wait3A_496 = tpu.memref_slice %arg2[%dma_wait3A_493, %dma_wait3A_494, %dma_wait3A_495] : memref<10240x1x128xbf16, #tpu.memory_space<hbm>> -> memref<10240x1x128xbf16, #tpu.memory_space<hbm>>
        tpu.wait_indirect_dma semaphore(%arg12 : memref<!tpu.dma_semaphore, #tpu.memory_space<semaphore_mem>>) src(%dma_wait3A_496 : memref<10240x1x128xbf16, #tpu.memory_space<hbm>>) dst(%arg9 : memref<128x1x128xbf16, #tpu.memory_space<vmem>>)
        %dma_wait3A_497 = arith.constant 13 : i32
        %dma_wait3A_498 = arith.constant 0 : i32
        %dma_wait3A_499 = tpu.memref_slice %arg8[%dma_wait3A_497, %dma_wait3A_498] : memref<16x128xi32, #tpu.memory_space<vmem>> -> memref<1x128xi32, #tpu.memory_space<vmem>>
        %dma_wait3A_500 = tpu.memref_squeeze %dma_wait3A_499 : memref<1x128xi32, #tpu.memory_space<vmem>> -> memref<128xi32, #tpu.memory_space<vmem>>
        %dma_wait3A_501 = arith.constant 0 : i32
        %dma_wait3A_502 = arith.constant 0 : i32
        %dma_wait3A_503 = arith.constant 0 : i32
        %dma_wait3A_504 = tpu.memref_slice %arg11[%dma_wait3A_501, %dma_wait3A_502, %dma_wait3A_503] : memref<10240x1x128xbf16, #tpu.memory_space<vmem_shared>> -> memref<10240x1x128xbf16, #tpu.memory_space<vmem_shared>>
        tpu.wait_indirect_dma semaphore(%arg15 : memref<!tpu.dma_semaphore, #tpu.memory_space<semaphore_mem>>) src(%arg10 : memref<128x1x128xbf16, #tpu.memory_space<vmem>>) dst(%dma_wait3A_504 : memref<10240x1x128xbf16, #tpu.memory_space<vmem_shared>>)
        %dma_start3A_505 = arith.constant 15 : i32
        %dma_start3A_506 = arith.constant 0 : i32
        %dma_start3A_507 = tpu.memref_slice %arg7[%dma_start3A_505, %dma_start3A_506] : memref<16x128xi32, #tpu.memory_space<vmem>> -> memref<1x128xi32, #tpu.memory_space<vmem>>
        %dma_start3A_508 = tpu.memref_squeeze %dma_start3A_507 : memref<1x128xi32, #tpu.memory_space<vmem>> -> memref<128xi32, #tpu.memory_space<vmem>>
        %dma_start3A_509 = arith.constant 0 : i32
        %dma_start3A_510 = arith.constant 0 : i32
        %dma_start3A_511 = arith.constant 0 : i32
        %dma_start3A_512 = tpu.memref_slice %arg2[%dma_start3A_509, %dma_start3A_510, %dma_start3A_511] : memref<10240x1x128xbf16, #tpu.memory_space<hbm>> -> memref<10240x1x128xbf16, #tpu.memory_space<hbm>>
        tpu.enqueue_indirect_dma source(%dma_start3A_512 : memref<10240x1x128xbf16, #tpu.memory_space<hbm>>) target(%arg10 : memref<128x1x128xbf16, #tpu.memory_space<vmem>>) offsets(%dma_start3A_508 : memref<128xi32, #tpu.memory_space<vmem>>) semaphore(%arg13 : memref<!tpu.dma_semaphore, #tpu.memory_space<semaphore_mem>>)
        %dma_start3A_513 = arith.constant 14 : i32
        %dma_start3A_514 = arith.constant 0 : i32
        %dma_start3A_515 = tpu.memref_slice %arg8[%dma_start3A_513, %dma_start3A_514] : memref<16x128xi32, #tpu.memory_space<vmem>> -> memref<1x128xi32, #tpu.memory_space<vmem>>
        %dma_start3A_516 = tpu.memref_squeeze %dma_start3A_515 : memref<1x128xi32, #tpu.memory_space<vmem>> -> memref<128xi32, #tpu.memory_space<vmem>>
        %dma_start3A_517 = arith.constant 0 : i32
        %dma_start3A_518 = arith.constant 0 : i32
        %dma_start3A_519 = arith.constant 0 : i32
        %dma_start3A_520 = tpu.memref_slice %arg11[%dma_start3A_517, %dma_start3A_518, %dma_start3A_519] : memref<10240x1x128xbf16, #tpu.memory_space<vmem_shared>> -> memref<10240x1x128xbf16, #tpu.memory_space<vmem_shared>>
        tpu.enqueue_indirect_dma source(%arg9 : memref<128x1x128xbf16, #tpu.memory_space<vmem>>) target(%dma_start3A_520 : memref<10240x1x128xbf16, #tpu.memory_space<vmem_shared>>) offsets(%dma_start3A_516 : memref<128xi32, #tpu.memory_space<vmem>>) semaphore(%arg14 : memref<!tpu.dma_semaphore, #tpu.memory_space<semaphore_mem>>) {add = true}
        %dma_wait3A_521 = arith.constant 15 : i32
        %dma_wait3A_522 = arith.constant 0 : i32
        %dma_wait3A_523 = tpu.memref_slice %arg7[%dma_wait3A_521, %dma_wait3A_522] : memref<16x128xi32, #tpu.memory_space<vmem>> -> memref<1x128xi32, #tpu.memory_space<vmem>>
        %dma_wait3A_524 = tpu.memref_squeeze %dma_wait3A_523 : memref<1x128xi32, #tpu.memory_space<vmem>> -> memref<128xi32, #tpu.memory_space<vmem>>
        %dma_wait3A_525 = arith.constant 0 : i32
        %dma_wait3A_526 = arith.constant 0 : i32
        %dma_wait3A_527 = arith.constant 0 : i32
        %dma_wait3A_528 = tpu.memref_slice %arg2[%dma_wait3A_525, %dma_wait3A_526, %dma_wait3A_527] : memref<10240x1x128xbf16, #tpu.memory_space<hbm>> -> memref<10240x1x128xbf16, #tpu.memory_space<hbm>>
        tpu.wait_indirect_dma semaphore(%arg13 : memref<!tpu.dma_semaphore, #tpu.memory_space<semaphore_mem>>) src(%dma_wait3A_528 : memref<10240x1x128xbf16, #tpu.memory_space<hbm>>) dst(%arg10 : memref<128x1x128xbf16, #tpu.memory_space<vmem>>)
        %dma_start3A_529 = arith.constant 15 : i32
        %dma_start3A_530 = arith.constant 0 : i32
        %dma_start3A_531 = tpu.memref_slice %arg8[%dma_start3A_529, %dma_start3A_530] : memref<16x128xi32, #tpu.memory_space<vmem>> -> memref<1x128xi32, #tpu.memory_space<vmem>>
        %dma_start3A_532 = tpu.memref_squeeze %dma_start3A_531 : memref<1x128xi32, #tpu.memory_space<vmem>> -> memref<128xi32, #tpu.memory_space<vmem>>
        %dma_start3A_533 = arith.constant 0 : i32
        %dma_start3A_534 = arith.constant 0 : i32
        %dma_start3A_535 = arith.constant 0 : i32
        %dma_start3A_536 = tpu.memref_slice %arg11[%dma_start3A_533, %dma_start3A_534, %dma_start3A_535] : memref<10240x1x128xbf16, #tpu.memory_space<vmem_shared>> -> memref<10240x1x128xbf16, #tpu.memory_space<vmem_shared>>
        tpu.enqueue_indirect_dma source(%arg10 : memref<128x1x128xbf16, #tpu.memory_space<vmem>>) target(%dma_start3A_536 : memref<10240x1x128xbf16, #tpu.memory_space<vmem_shared>>) offsets(%dma_start3A_532 : memref<128xi32, #tpu.memory_space<vmem>>) semaphore(%arg15 : memref<!tpu.dma_semaphore, #tpu.memory_space<semaphore_mem>>) {add = true}
        %dma_wait3A_537 = arith.constant 15 : i32
        %dma_wait3A_538 = arith.constant 0 : i32
        %dma_wait3A_539 = tpu.memref_slice %arg8[%dma_wait3A_537, %dma_wait3A_538] : memref<16x128xi32, #tpu.memory_space<vmem>> -> memref<1x128xi32, #tpu.memory_space<vmem>>
        %dma_wait3A_540 = tpu.memref_squeeze %dma_wait3A_539 : memref<1x128xi32, #tpu.memory_space<vmem>> -> memref<128xi32, #tpu.memory_space<vmem>>
        %dma_wait3A_541 = arith.constant 0 : i32
        %dma_wait3A_542 = arith.constant 0 : i32
        %dma_wait3A_543 = arith.constant 0 : i32
        %dma_wait3A_544 = tpu.memref_slice %arg11[%dma_wait3A_541, %dma_wait3A_542, %dma_wait3A_543] : memref<10240x1x128xbf16, #tpu.memory_space<vmem_shared>> -> memref<10240x1x128xbf16, #tpu.memory_space<vmem_shared>>
        tpu.wait_indirect_dma semaphore(%arg15 : memref<!tpu.dma_semaphore, #tpu.memory_space<semaphore_mem>>) src(%arg10 : memref<128x1x128xbf16, #tpu.memory_space<vmem>>) dst(%dma_wait3A_544 : memref<10240x1x128xbf16, #tpu.memory_space<vmem_shared>>)
        %dma_wait3A_545 = arith.constant 14 : i32
        %dma_wait3A_546 = arith.constant 0 : i32
        %dma_wait3A_547 = tpu.memref_slice %arg8[%dma_wait3A_545, %dma_wait3A_546] : memref<16x128xi32, #tpu.memory_space<vmem>> -> memref<1x128xi32, #tpu.memory_space<vmem>>
        %dma_wait3A_548 = tpu.memref_squeeze %dma_wait3A_547 : memref<1x128xi32, #tpu.memory_space<vmem>> -> memref<128xi32, #tpu.memory_space<vmem>>
        %dma_wait3A_549 = arith.constant 0 : i32
        %dma_wait3A_550 = arith.constant 0 : i32
        %dma_wait3A_551 = arith.constant 0 : i32
        %dma_wait3A_552 = tpu.memref_slice %arg11[%dma_wait3A_549, %dma_wait3A_550, %dma_wait3A_551] : memref<10240x1x128xbf16, #tpu.memory_space<vmem_shared>> -> memref<10240x1x128xbf16, #tpu.memory_space<vmem_shared>>
        tpu.wait_indirect_dma semaphore(%arg14 : memref<!tpu.dma_semaphore, #tpu.memory_space<semaphore_mem>>) src(%arg9 : memref<128x1x128xbf16, #tpu.memory_space<vmem>>) dst(%dma_wait3A_552 : memref<10240x1x128xbf16, #tpu.memory_space<vmem_shared>>)
      }
      %scan3A_38 = arith.constant 9 : i32
    } else {
    }
    %eq3A_20 = arith.constant 1 : i32
    %eq3A_21 = arith.cmpi eq, %arg0, %eq3A_20 : i32
    %convert_element_type3A_22 = arith.extui %eq3A_21 : i1 to i32
    %cond3A_23 = arith.constant 0 : i32
    %cond3A_24 = arith.cmpi ne, %convert_element_type3A_22, %cond3A_23 : i32
    scf.if %cond3A_24 {
      %mul3A_30 = arith.constant 16 : i32
      %mul3A_31 = arith.muli %arg1, %mul3A_30 : i32
      %add3A_32 = arith.constant 2304 : i32
      %add3A_33 = arith.addi %add3A_32, %mul3A_31 : i32
      %scan3A = arith.constant 0 : i32
      %scan3A_34 = arith.constant 0 : i32
      %mul3A_35 = arith.constant 16 : i32
      %mul3A_36 = arith.muli %scan3A_34, %mul3A_35 : i32
      %add3A_37 = arith.addi %add3A_33, %mul3A_36 : i32
      "tpu.region"() ({
        %run_scoped3A = tpu.sem_alloc : memref<!tpu.dma_semaphore, #tpu.memory_space<semaphore_mem>>
        %dma_start3A_549 = arith.constant 0 : i32
        %dma_start3A_550 = tpu.memref_slice %arg5[%add3A_37, %dma_start3A_549] : memref<2560x128xi32, #tpu.memory_space<hbm>> -> memref<16x128xi32, #tpu.memory_space<hbm>>
        %dma_start3A_551 = arith.constant 0 : i32
        %dma_start3A_552 = tpu.memref_slice %arg5[%add3A_37, %dma_start3A_551] : memref<2560x128xi32, #tpu.memory_space<hbm>> -> memref<16x128xi32, #tpu.memory_space<hbm>>
        tpu.enqueue_dma source(%dma_start3A_552 : memref<16x128xi32, #tpu.memory_space<hbm>>) target(%arg8 : memref<16x128xi32, #tpu.memory_space<vmem>>) target_semaphore(%run_scoped3A : memref<!tpu.dma_semaphore, #tpu.memory_space<semaphore_mem>>)
        %dma_wait3A_553 = arith.constant 0 : i32
        %dma_wait3A_554 = tpu.memref_slice %arg5[%add3A_37, %dma_wait3A_553] : memref<2560x128xi32, #tpu.memory_space<hbm>> -> memref<16x128xi32, #tpu.memory_space<hbm>>
        %dma_wait3A_555 = arith.constant 0 : i32
        %dma_wait3A_556 = tpu.memref_slice %arg5[%add3A_37, %dma_wait3A_555] : memref<2560x128xi32, #tpu.memory_space<hbm>> -> memref<16x128xi32, #tpu.memory_space<hbm>>
        tpu.wait_dma2 semaphore(%run_scoped3A : memref<!tpu.dma_semaphore, #tpu.memory_space<semaphore_mem>>) src(%dma_wait3A_556 : memref<16x128xi32, #tpu.memory_space<hbm>>) dst(%arg8 : memref<16x128xi32, #tpu.memory_space<vmem>>)
        tpu.yield
      }) : () -> ()
      "tpu.region"() ({
        %run_scoped3A = tpu.sem_alloc : memref<!tpu.dma_semaphore, #tpu.memory_space<semaphore_mem>>
        %dma_start3A_549 = arith.constant 0 : i32
        %dma_start3A_550 = tpu.memref_slice %arg4[%add3A_37, %dma_start3A_549] : memref<2560x128xi32, #tpu.memory_space<hbm>> -> memref<16x128xi32, #tpu.memory_space<hbm>>
        %dma_start3A_551 = arith.constant 0 : i32
        %dma_start3A_552 = tpu.memref_slice %arg4[%add3A_37, %dma_start3A_551] : memref<2560x128xi32, #tpu.memory_space<hbm>> -> memref<16x128xi32, #tpu.memory_space<hbm>>
        tpu.enqueue_dma source(%dma_start3A_552 : memref<16x128xi32, #tpu.memory_space<hbm>>) target(%arg7 : memref<16x128xi32, #tpu.memory_space<vmem>>) target_semaphore(%run_scoped3A : memref<!tpu.dma_semaphore, #tpu.memory_space<semaphore_mem>>)
        %dma_wait3A_553 = arith.constant 0 : i32
        %dma_wait3A_554 = tpu.memref_slice %arg4[%add3A_37, %dma_wait3A_553] : memref<2560x128xi32, #tpu.memory_space<hbm>> -> memref<16x128xi32, #tpu.memory_space<hbm>>
        %dma_wait3A_555 = arith.constant 0 : i32
        %dma_wait3A_556 = tpu.memref_slice %arg4[%add3A_37, %dma_wait3A_555] : memref<2560x128xi32, #tpu.memory_space<hbm>> -> memref<16x128xi32, #tpu.memory_space<hbm>>
        tpu.wait_dma2 semaphore(%run_scoped3A : memref<!tpu.dma_semaphore, #tpu.memory_space<semaphore_mem>>) src(%dma_wait3A_556 : memref<16x128xi32, #tpu.memory_space<hbm>>) dst(%arg7 : memref<16x128xi32, #tpu.memory_space<vmem>>)
        tpu.yield
      }) : () -> ()
      %dma_start3A = arith.constant 0 : i32
      %dma_start3A_38 = arith.constant 0 : i32
      %dma_start3A_39 = tpu.memref_slice %arg7[%dma_start3A, %dma_start3A_38] : memref<16x128xi32, #tpu.memory_space<vmem>> -> memref<1x128xi32, #tpu.memory_space<vmem>>
      %dma_start3A_40 = tpu.memref_squeeze %dma_start3A_39 : memref<1x128xi32, #tpu.memory_space<vmem>> -> memref<128xi32, #tpu.memory_space<vmem>>
      %dma_start3A_41 = arith.constant 0 : i32
      %dma_start3A_42 = arith.constant 0 : i32
      %dma_start3A_43 = arith.constant 0 : i32
      %dma_start3A_44 = tpu.memref_slice %arg2[%dma_start3A_41, %dma_start3A_42, %dma_start3A_43] : memref<10240x1x128xbf16, #tpu.memory_space<hbm>> -> memref<10240x1x128xbf16, #tpu.memory_space<hbm>>
      tpu.enqueue_indirect_dma source(%dma_start3A_44 : memref<10240x1x128xbf16, #tpu.memory_space<hbm>>) target(%arg9 : memref<128x1x128xbf16, #tpu.memory_space<vmem>>) offsets(%dma_start3A_40 : memref<128xi32, #tpu.memory_space<vmem>>) semaphore(%arg12 : memref<!tpu.dma_semaphore, #tpu.memory_space<semaphore_mem>>)
      %dma_wait3A = arith.constant 0 : i32
      %dma_wait3A_45 = arith.constant 0 : i32
      %dma_wait3A_46 = tpu.memref_slice %arg7[%dma_wait3A, %dma_wait3A_45] : memref<16x128xi32, #tpu.memory_space<vmem>> -> memref<1x128xi32, #tpu.memory_space<vmem>>
      %dma_wait3A_47 = tpu.memref_squeeze %dma_wait3A_46 : memref<1x128xi32, #tpu.memory_space<vmem>> -> memref<128xi32, #tpu.memory_space<vmem>>
      %dma_wait3A_48 = arith.constant 0 : i32
      %dma_wait3A_49 = arith.constant 0 : i32
      %dma_wait3A_50 = arith.constant 0 : i32
      %dma_wait3A_51 = tpu.memref_slice %arg2[%dma_wait3A_48, %dma_wait3A_49, %dma_wait3A_50] : memref<10240x1x128xbf16, #tpu.memory_space<hbm>> -> memref<10240x1x128xbf16, #tpu.memory_space<hbm>>
      tpu.wait_indirect_dma semaphore(%arg12 : memref<!tpu.dma_semaphore, #tpu.memory_space<semaphore_mem>>) src(%dma_wait3A_51 : memref<10240x1x128xbf16, #tpu.memory_space<hbm>>) dst(%arg9 : memref<128x1x128xbf16, #tpu.memory_space<vmem>>)
      %dma_start3A_52 = arith.constant 1 : i32
      %dma_start3A_53 = arith.constant 0 : i32
      %dma_start3A_54 = tpu.memref_slice %arg7[%dma_start3A_52, %dma_start3A_53] : memref<16x128xi32, #tpu.memory_space<vmem>> -> memref<1x128xi32, #tpu.memory_space<vmem>>
      %dma_start3A_55 = tpu.memref_squeeze %dma_start3A_54 : memref<1x128xi32, #tpu.memory_space<vmem>> -> memref<128xi32, #tpu.memory_space<vmem>>
      %dma_start3A_56 = arith.constant 0 : i32
      %dma_start3A_57 = arith.constant 0 : i32
      %dma_start3A_58 = arith.constant 0 : i32
      %dma_start3A_59 = tpu.memref_slice %arg2[%dma_start3A_56, %dma_start3A_57, %dma_start3A_58] : memref<10240x1x128xbf16, #tpu.memory_space<hbm>> -> memref<10240x1x128xbf16, #tpu.memory_space<hbm>>
      tpu.enqueue_indirect_dma source(%dma_start3A_59 : memref<10240x1x128xbf16, #tpu.memory_space<hbm>>) target(%arg10 : memref<128x1x128xbf16, #tpu.memory_space<vmem>>) offsets(%dma_start3A_55 : memref<128xi32, #tpu.memory_space<vmem>>) semaphore(%arg13 : memref<!tpu.dma_semaphore, #tpu.memory_space<semaphore_mem>>)
      %dma_start3A_60 = arith.constant 0 : i32
      %dma_start3A_61 = arith.constant 0 : i32
      %dma_start3A_62 = tpu.memref_slice %arg8[%dma_start3A_60, %dma_start3A_61] : memref<16x128xi32, #tpu.memory_space<vmem>> -> memref<1x128xi32, #tpu.memory_space<vmem>>
      %dma_start3A_63 = tpu.memref_squeeze %dma_start3A_62 : memref<1x128xi32, #tpu.memory_space<vmem>> -> memref<128xi32, #tpu.memory_space<vmem>>
      %dma_start3A_64 = arith.constant 0 : i32
      %dma_start3A_65 = arith.constant 0 : i32
      %dma_start3A_66 = arith.constant 0 : i32
      %dma_start3A_67 = tpu.memref_slice %arg11[%dma_start3A_64, %dma_start3A_65, %dma_start3A_66] : memref<10240x1x128xbf16, #tpu.memory_space<vmem_shared>> -> memref<10240x1x128xbf16, #tpu.memory_space<vmem_shared>>
      tpu.enqueue_indirect_dma source(%arg9 : memref<128x1x128xbf16, #tpu.memory_space<vmem>>) target(%dma_start3A_67 : memref<10240x1x128xbf16, #tpu.memory_space<vmem_shared>>) offsets(%dma_start3A_63 : memref<128xi32, #tpu.memory_space<vmem>>) semaphore(%arg14 : memref<!tpu.dma_semaphore, #tpu.memory_space<semaphore_mem>>) {add = true}
      %dma_wait3A_68 = arith.constant 1 : i32
      %dma_wait3A_69 = arith.constant 0 : i32
      %dma_wait3A_70 = tpu.memref_slice %arg7[%dma_wait3A_68, %dma_wait3A_69] : memref<16x128xi32, #tpu.memory_space<vmem>> -> memref<1x128xi32, #tpu.memory_space<vmem>>
      %dma_wait3A_71 = tpu.memref_squeeze %dma_wait3A_70 : memref<1x128xi32, #tpu.memory_space<vmem>> -> memref<128xi32, #tpu.memory_space<vmem>>
      %dma_wait3A_72 = arith.constant 0 : i32
      %dma_wait3A_73 = arith.constant 0 : i32
      %dma_wait3A_74 = arith.constant 0 : i32
      %dma_wait3A_75 = tpu.memref_slice %arg2[%dma_wait3A_72, %dma_wait3A_73, %dma_wait3A_74] : memref<10240x1x128xbf16, #tpu.memory_space<hbm>> -> memref<10240x1x128xbf16, #tpu.memory_space<hbm>>
      tpu.wait_indirect_dma semaphore(%arg13 : memref<!tpu.dma_semaphore, #tpu.memory_space<semaphore_mem>>) src(%dma_wait3A_75 : memref<10240x1x128xbf16, #tpu.memory_space<hbm>>) dst(%arg10 : memref<128x1x128xbf16, #tpu.memory_space<vmem>>)
      %dma_wait3A_76 = arith.constant 0 : i32
      %dma_wait3A_77 = arith.constant 0 : i32
      %dma_wait3A_78 = tpu.memref_slice %arg8[%dma_wait3A_76, %dma_wait3A_77] : memref<16x128xi32, #tpu.memory_space<vmem>> -> memref<1x128xi32, #tpu.memory_space<vmem>>
      %dma_wait3A_79 = tpu.memref_squeeze %dma_wait3A_78 : memref<1x128xi32, #tpu.memory_space<vmem>> -> memref<128xi32, #tpu.memory_space<vmem>>
      %dma_wait3A_80 = arith.constant 0 : i32
      %dma_wait3A_81 = arith.constant 0 : i32
      %dma_wait3A_82 = arith.constant 0 : i32
      %dma_wait3A_83 = tpu.memref_slice %arg11[%dma_wait3A_80, %dma_wait3A_81, %dma_wait3A_82] : memref<10240x1x128xbf16, #tpu.memory_space<vmem_shared>> -> memref<10240x1x128xbf16, #tpu.memory_space<vmem_shared>>
      tpu.wait_indirect_dma semaphore(%arg14 : memref<!tpu.dma_semaphore, #tpu.memory_space<semaphore_mem>>) src(%arg9 : memref<128x1x128xbf16, #tpu.memory_space<vmem>>) dst(%dma_wait3A_83 : memref<10240x1x128xbf16, #tpu.memory_space<vmem_shared>>)
      %dma_start3A_84 = arith.constant 2 : i32
      %dma_start3A_85 = arith.constant 0 : i32
      %dma_start3A_86 = tpu.memref_slice %arg7[%dma_start3A_84, %dma_start3A_85] : memref<16x128xi32, #tpu.memory_space<vmem>> -> memref<1x128xi32, #tpu.memory_space<vmem>>
      %dma_start3A_87 = tpu.memref_squeeze %dma_start3A_86 : memref<1x128xi32, #tpu.memory_space<vmem>> -> memref<128xi32, #tpu.memory_space<vmem>>
      %dma_start3A_88 = arith.constant 0 : i32
      %dma_start3A_89 = arith.constant 0 : i32
      %dma_start3A_90 = arith.constant 0 : i32
      %dma_start3A_91 = tpu.memref_slice %arg2[%dma_start3A_88, %dma_start3A_89, %dma_start3A_90] : memref<10240x1x128xbf16, #tpu.memory_space<hbm>> -> memref<10240x1x128xbf16, #tpu.memory_space<hbm>>
      tpu.enqueue_indirect_dma source(%dma_start3A_91 : memref<10240x1x128xbf16, #tpu.memory_space<hbm>>) target(%arg9 : memref<128x1x128xbf16, #tpu.memory_space<vmem>>) offsets(%dma_start3A_87 : memref<128xi32, #tpu.memory_space<vmem>>) semaphore(%arg12 : memref<!tpu.dma_semaphore, #tpu.memory_space<semaphore_mem>>)
      %dma_start3A_92 = arith.constant 1 : i32
      %dma_start3A_93 = arith.constant 0 : i32
      %dma_start3A_94 = tpu.memref_slice %arg8[%dma_start3A_92, %dma_start3A_93] : memref<16x128xi32, #tpu.memory_space<vmem>> -> memref<1x128xi32, #tpu.memory_space<vmem>>
      %dma_start3A_95 = tpu.memref_squeeze %dma_start3A_94 : memref<1x128xi32, #tpu.memory_space<vmem>> -> memref<128xi32, #tpu.memory_space<vmem>>
      %dma_start3A_96 = arith.constant 0 : i32
      %dma_start3A_97 = arith.constant 0 : i32
      %dma_start3A_98 = arith.constant 0 : i32
      %dma_start3A_99 = tpu.memref_slice %arg11[%dma_start3A_96, %dma_start3A_97, %dma_start3A_98] : memref<10240x1x128xbf16, #tpu.memory_space<vmem_shared>> -> memref<10240x1x128xbf16, #tpu.memory_space<vmem_shared>>
      tpu.enqueue_indirect_dma source(%arg10 : memref<128x1x128xbf16, #tpu.memory_space<vmem>>) target(%dma_start3A_99 : memref<10240x1x128xbf16, #tpu.memory_space<vmem_shared>>) offsets(%dma_start3A_95 : memref<128xi32, #tpu.memory_space<vmem>>) semaphore(%arg15 : memref<!tpu.dma_semaphore, #tpu.memory_space<semaphore_mem>>) {add = true}
      %dma_wait3A_100 = arith.constant 2 : i32
      %dma_wait3A_101 = arith.constant 0 : i32
      %dma_wait3A_102 = tpu.memref_slice %arg7[%dma_wait3A_100, %dma_wait3A_101] : memref<16x128xi32, #tpu.memory_space<vmem>> -> memref<1x128xi32, #tpu.memory_space<vmem>>
      %dma_wait3A_103 = tpu.memref_squeeze %dma_wait3A_102 : memref<1x128xi32, #tpu.memory_space<vmem>> -> memref<128xi32, #tpu.memory_space<vmem>>
      %dma_wait3A_104 = arith.constant 0 : i32
      %dma_wait3A_105 = arith.constant 0 : i32
      %dma_wait3A_106 = arith.constant 0 : i32
      %dma_wait3A_107 = tpu.memref_slice %arg2[%dma_wait3A_104, %dma_wait3A_105, %dma_wait3A_106] : memref<10240x1x128xbf16, #tpu.memory_space<hbm>> -> memref<10240x1x128xbf16, #tpu.memory_space<hbm>>
      tpu.wait_indirect_dma semaphore(%arg12 : memref<!tpu.dma_semaphore, #tpu.memory_space<semaphore_mem>>) src(%dma_wait3A_107 : memref<10240x1x128xbf16, #tpu.memory_space<hbm>>) dst(%arg9 : memref<128x1x128xbf16, #tpu.memory_space<vmem>>)
      %dma_wait3A_108 = arith.constant 1 : i32
      %dma_wait3A_109 = arith.constant 0 : i32
      %dma_wait3A_110 = tpu.memref_slice %arg8[%dma_wait3A_108, %dma_wait3A_109] : memref<16x128xi32, #tpu.memory_space<vmem>> -> memref<1x128xi32, #tpu.memory_space<vmem>>
      %dma_wait3A_111 = tpu.memref_squeeze %dma_wait3A_110 : memref<1x128xi32, #tpu.memory_space<vmem>> -> memref<128xi32, #tpu.memory_space<vmem>>
      %dma_wait3A_112 = arith.constant 0 : i32
      %dma_wait3A_113 = arith.constant 0 : i32
      %dma_wait3A_114 = arith.constant 0 : i32
      %dma_wait3A_115 = tpu.memref_slice %arg11[%dma_wait3A_112, %dma_wait3A_113, %dma_wait3A_114] : memref<10240x1x128xbf16, #tpu.memory_space<vmem_shared>> -> memref<10240x1x128xbf16, #tpu.memory_space<vmem_shared>>
      tpu.wait_indirect_dma semaphore(%arg15 : memref<!tpu.dma_semaphore, #tpu.memory_space<semaphore_mem>>) src(%arg10 : memref<128x1x128xbf16, #tpu.memory_space<vmem>>) dst(%dma_wait3A_115 : memref<10240x1x128xbf16, #tpu.memory_space<vmem_shared>>)
      %dma_start3A_116 = arith.constant 3 : i32
      %dma_start3A_117 = arith.constant 0 : i32
      %dma_start3A_118 = tpu.memref_slice %arg7[%dma_start3A_116, %dma_start3A_117] : memref<16x128xi32, #tpu.memory_space<vmem>> -> memref<1x128xi32, #tpu.memory_space<vmem>>
      %dma_start3A_119 = tpu.memref_squeeze %dma_start3A_118 : memref<1x128xi32, #tpu.memory_space<vmem>> -> memref<128xi32, #tpu.memory_space<vmem>>
      %dma_start3A_120 = arith.constant 0 : i32
      %dma_start3A_121 = arith.constant 0 : i32
      %dma_start3A_122 = arith.constant 0 : i32
      %dma_start3A_123 = tpu.memref_slice %arg2[%dma_start3A_120, %dma_start3A_121, %dma_start3A_122] : memref<10240x1x128xbf16, #tpu.memory_space<hbm>> -> memref<10240x1x128xbf16, #tpu.memory_space<hbm>>
      tpu.enqueue_indirect_dma source(%dma_start3A_123 : memref<10240x1x128xbf16, #tpu.memory_space<hbm>>) target(%arg10 : memref<128x1x128xbf16, #tpu.memory_space<vmem>>) offsets(%dma_start3A_119 : memref<128xi32, #tpu.memory_space<vmem>>) semaphore(%arg13 : memref<!tpu.dma_semaphore, #tpu.memory_space<semaphore_mem>>)
      %dma_start3A_124 = arith.constant 2 : i32
      %dma_start3A_125 = arith.constant 0 : i32
      %dma_start3A_126 = tpu.memref_slice %arg8[%dma_start3A_124, %dma_start3A_125] : memref<16x128xi32, #tpu.memory_space<vmem>> -> memref<1x128xi32, #tpu.memory_space<vmem>>
      %dma_start3A_127 = tpu.memref_squeeze %dma_start3A_126 : memref<1x128xi32, #tpu.memory_space<vmem>> -> memref<128xi32, #tpu.memory_space<vmem>>
      %dma_start3A_128 = arith.constant 0 : i32
      %dma_start3A_129 = arith.constant 0 : i32
      %dma_start3A_130 = arith.constant 0 : i32
      %dma_start3A_131 = tpu.memref_slice %arg11[%dma_start3A_128, %dma_start3A_129, %dma_start3A_130] : memref<10240x1x128xbf16, #tpu.memory_space<vmem_shared>> -> memref<10240x1x128xbf16, #tpu.memory_space<vmem_shared>>
      tpu.enqueue_indirect_dma source(%arg9 : memref<128x1x128xbf16, #tpu.memory_space<vmem>>) target(%dma_start3A_131 : memref<10240x1x128xbf16, #tpu.memory_space<vmem_shared>>) offsets(%dma_start3A_127 : memref<128xi32, #tpu.memory_space<vmem>>) semaphore(%arg14 : memref<!tpu.dma_semaphore, #tpu.memory_space<semaphore_mem>>) {add = true}
      %dma_wait3A_132 = arith.constant 3 : i32
      %dma_wait3A_133 = arith.constant 0 : i32
      %dma_wait3A_134 = tpu.memref_slice %arg7[%dma_wait3A_132, %dma_wait3A_133] : memref<16x128xi32, #tpu.memory_space<vmem>> -> memref<1x128xi32, #tpu.memory_space<vmem>>
      %dma_wait3A_135 = tpu.memref_squeeze %dma_wait3A_134 : memref<1x128xi32, #tpu.memory_space<vmem>> -> memref<128xi32, #tpu.memory_space<vmem>>
      %dma_wait3A_136 = arith.constant 0 : i32
      %dma_wait3A_137 = arith.constant 0 : i32
      %dma_wait3A_138 = arith.constant 0 : i32
      %dma_wait3A_139 = tpu.memref_slice %arg2[%dma_wait3A_136, %dma_wait3A_137, %dma_wait3A_138] : memref<10240x1x128xbf16, #tpu.memory_space<hbm>> -> memref<10240x1x128xbf16, #tpu.memory_space<hbm>>
      tpu.wait_indirect_dma semaphore(%arg13 : memref<!tpu.dma_semaphore, #tpu.memory_space<semaphore_mem>>) src(%dma_wait3A_139 : memref<10240x1x128xbf16, #tpu.memory_space<hbm>>) dst(%arg10 : memref<128x1x128xbf16, #tpu.memory_space<vmem>>)
      %dma_wait3A_140 = arith.constant 2 : i32
      %dma_wait3A_141 = arith.constant 0 : i32
      %dma_wait3A_142 = tpu.memref_slice %arg8[%dma_wait3A_140, %dma_wait3A_141] : memref<16x128xi32, #tpu.memory_space<vmem>> -> memref<1x128xi32, #tpu.memory_space<vmem>>
      %dma_wait3A_143 = tpu.memref_squeeze %dma_wait3A_142 : memref<1x128xi32, #tpu.memory_space<vmem>> -> memref<128xi32, #tpu.memory_space<vmem>>
      %dma_wait3A_144 = arith.constant 0 : i32
      %dma_wait3A_145 = arith.constant 0 : i32
      %dma_wait3A_146 = arith.constant 0 : i32
      %dma_wait3A_147 = tpu.memref_slice %arg11[%dma_wait3A_144, %dma_wait3A_145, %dma_wait3A_146] : memref<10240x1x128xbf16, #tpu.memory_space<vmem_shared>> -> memref<10240x1x128xbf16, #tpu.memory_space<vmem_shared>>
      tpu.wait_indirect_dma semaphore(%arg14 : memref<!tpu.dma_semaphore, #tpu.memory_space<semaphore_mem>>) src(%arg9 : memref<128x1x128xbf16, #tpu.memory_space<vmem>>) dst(%dma_wait3A_147 : memref<10240x1x128xbf16, #tpu.memory_space<vmem_shared>>)
      %dma_start3A_148 = arith.constant 4 : i32
      %dma_start3A_149 = arith.constant 0 : i32
      %dma_start3A_150 = tpu.memref_slice %arg7[%dma_start3A_148, %dma_start3A_149] : memref<16x128xi32, #tpu.memory_space<vmem>> -> memref<1x128xi32, #tpu.memory_space<vmem>>
      %dma_start3A_151 = tpu.memref_squeeze %dma_start3A_150 : memref<1x128xi32, #tpu.memory_space<vmem>> -> memref<128xi32, #tpu.memory_space<vmem>>
      %dma_start3A_152 = arith.constant 0 : i32
      %dma_start3A_153 = arith.constant 0 : i32
      %dma_start3A_154 = arith.constant 0 : i32
      %dma_start3A_155 = tpu.memref_slice %arg2[%dma_start3A_152, %dma_start3A_153, %dma_start3A_154] : memref<10240x1x128xbf16, #tpu.memory_space<hbm>> -> memref<10240x1x128xbf16, #tpu.memory_space<hbm>>
      tpu.enqueue_indirect_dma source(%dma_start3A_155 : memref<10240x1x128xbf16, #tpu.memory_space<hbm>>) target(%arg9 : memref<128x1x128xbf16, #tpu.memory_space<vmem>>) offsets(%dma_start3A_151 : memref<128xi32, #tpu.memory_space<vmem>>) semaphore(%arg12 : memref<!tpu.dma_semaphore, #tpu.memory_space<semaphore_mem>>)
      %dma_start3A_156 = arith.constant 3 : i32
      %dma_start3A_157 = arith.constant 0 : i32
      %dma_start3A_158 = tpu.memref_slice %arg8[%dma_start3A_156, %dma_start3A_157] : memref<16x128xi32, #tpu.memory_space<vmem>> -> memref<1x128xi32, #tpu.memory_space<vmem>>
      %dma_start3A_159 = tpu.memref_squeeze %dma_start3A_158 : memref<1x128xi32, #tpu.memory_space<vmem>> -> memref<128xi32, #tpu.memory_space<vmem>>
      %dma_start3A_160 = arith.constant 0 : i32
      %dma_start3A_161 = arith.constant 0 : i32
      %dma_start3A_162 = arith.constant 0 : i32
      %dma_start3A_163 = tpu.memref_slice %arg11[%dma_start3A_160, %dma_start3A_161, %dma_start3A_162] : memref<10240x1x128xbf16, #tpu.memory_space<vmem_shared>> -> memref<10240x1x128xbf16, #tpu.memory_space<vmem_shared>>
      tpu.enqueue_indirect_dma source(%arg10 : memref<128x1x128xbf16, #tpu.memory_space<vmem>>) target(%dma_start3A_163 : memref<10240x1x128xbf16, #tpu.memory_space<vmem_shared>>) offsets(%dma_start3A_159 : memref<128xi32, #tpu.memory_space<vmem>>) semaphore(%arg15 : memref<!tpu.dma_semaphore, #tpu.memory_space<semaphore_mem>>) {add = true}
      %dma_wait3A_164 = arith.constant 4 : i32
      %dma_wait3A_165 = arith.constant 0 : i32
      %dma_wait3A_166 = tpu.memref_slice %arg7[%dma_wait3A_164, %dma_wait3A_165] : memref<16x128xi32, #tpu.memory_space<vmem>> -> memref<1x128xi32, #tpu.memory_space<vmem>>
      %dma_wait3A_167 = tpu.memref_squeeze %dma_wait3A_166 : memref<1x128xi32, #tpu.memory_space<vmem>> -> memref<128xi32, #tpu.memory_space<vmem>>
      %dma_wait3A_168 = arith.constant 0 : i32
      %dma_wait3A_169 = arith.constant 0 : i32
      %dma_wait3A_170 = arith.constant 0 : i32
      %dma_wait3A_171 = tpu.memref_slice %arg2[%dma_wait3A_168, %dma_wait3A_169, %dma_wait3A_170] : memref<10240x1x128xbf16, #tpu.memory_space<hbm>> -> memref<10240x1x128xbf16, #tpu.memory_space<hbm>>
      tpu.wait_indirect_dma semaphore(%arg12 : memref<!tpu.dma_semaphore, #tpu.memory_space<semaphore_mem>>) src(%dma_wait3A_171 : memref<10240x1x128xbf16, #tpu.memory_space<hbm>>) dst(%arg9 : memref<128x1x128xbf16, #tpu.memory_space<vmem>>)
      %dma_wait3A_172 = arith.constant 3 : i32
      %dma_wait3A_173 = arith.constant 0 : i32
      %dma_wait3A_174 = tpu.memref_slice %arg8[%dma_wait3A_172, %dma_wait3A_173] : memref<16x128xi32, #tpu.memory_space<vmem>> -> memref<1x128xi32, #tpu.memory_space<vmem>>
      %dma_wait3A_175 = tpu.memref_squeeze %dma_wait3A_174 : memref<1x128xi32, #tpu.memory_space<vmem>> -> memref<128xi32, #tpu.memory_space<vmem>>
      %dma_wait3A_176 = arith.constant 0 : i32
      %dma_wait3A_177 = arith.constant 0 : i32
      %dma_wait3A_178 = arith.constant 0 : i32
      %dma_wait3A_179 = tpu.memref_slice %arg11[%dma_wait3A_176, %dma_wait3A_177, %dma_wait3A_178] : memref<10240x1x128xbf16, #tpu.memory_space<vmem_shared>> -> memref<10240x1x128xbf16, #tpu.memory_space<vmem_shared>>
      tpu.wait_indirect_dma semaphore(%arg15 : memref<!tpu.dma_semaphore, #tpu.memory_space<semaphore_mem>>) src(%arg10 : memref<128x1x128xbf16, #tpu.memory_space<vmem>>) dst(%dma_wait3A_179 : memref<10240x1x128xbf16, #tpu.memory_space<vmem_shared>>)
      %dma_start3A_180 = arith.constant 5 : i32
      %dma_start3A_181 = arith.constant 0 : i32
      %dma_start3A_182 = tpu.memref_slice %arg7[%dma_start3A_180, %dma_start3A_181] : memref<16x128xi32, #tpu.memory_space<vmem>> -> memref<1x128xi32, #tpu.memory_space<vmem>>
      %dma_start3A_183 = tpu.memref_squeeze %dma_start3A_182 : memref<1x128xi32, #tpu.memory_space<vmem>> -> memref<128xi32, #tpu.memory_space<vmem>>
      %dma_start3A_184 = arith.constant 0 : i32
      %dma_start3A_185 = arith.constant 0 : i32
      %dma_start3A_186 = arith.constant 0 : i32
      %dma_start3A_187 = tpu.memref_slice %arg2[%dma_start3A_184, %dma_start3A_185, %dma_start3A_186] : memref<10240x1x128xbf16, #tpu.memory_space<hbm>> -> memref<10240x1x128xbf16, #tpu.memory_space<hbm>>
      tpu.enqueue_indirect_dma source(%dma_start3A_187 : memref<10240x1x128xbf16, #tpu.memory_space<hbm>>) target(%arg10 : memref<128x1x128xbf16, #tpu.memory_space<vmem>>) offsets(%dma_start3A_183 : memref<128xi32, #tpu.memory_space<vmem>>) semaphore(%arg13 : memref<!tpu.dma_semaphore, #tpu.memory_space<semaphore_mem>>)
      %dma_start3A_188 = arith.constant 4 : i32
      %dma_start3A_189 = arith.constant 0 : i32
      %dma_start3A_190 = tpu.memref_slice %arg8[%dma_start3A_188, %dma_start3A_189] : memref<16x128xi32, #tpu.memory_space<vmem>> -> memref<1x128xi32, #tpu.memory_space<vmem>>
      %dma_start3A_191 = tpu.memref_squeeze %dma_start3A_190 : memref<1x128xi32, #tpu.memory_space<vmem>> -> memref<128xi32, #tpu.memory_space<vmem>>
      %dma_start3A_192 = arith.constant 0 : i32
      %dma_start3A_193 = arith.constant 0 : i32
      %dma_start3A_194 = arith.constant 0 : i32
      %dma_start3A_195 = tpu.memref_slice %arg11[%dma_start3A_192, %dma_start3A_193, %dma_start3A_194] : memref<10240x1x128xbf16, #tpu.memory_space<vmem_shared>> -> memref<10240x1x128xbf16, #tpu.memory_space<vmem_shared>>
      tpu.enqueue_indirect_dma source(%arg9 : memref<128x1x128xbf16, #tpu.memory_space<vmem>>) target(%dma_start3A_195 : memref<10240x1x128xbf16, #tpu.memory_space<vmem_shared>>) offsets(%dma_start3A_191 : memref<128xi32, #tpu.memory_space<vmem>>) semaphore(%arg14 : memref<!tpu.dma_semaphore, #tpu.memory_space<semaphore_mem>>) {add = true}
      %dma_wait3A_196 = arith.constant 5 : i32
      %dma_wait3A_197 = arith.constant 0 : i32
      %dma_wait3A_198 = tpu.memref_slice %arg7[%dma_wait3A_196, %dma_wait3A_197] : memref<16x128xi32, #tpu.memory_space<vmem>> -> memref<1x128xi32, #tpu.memory_space<vmem>>
      %dma_wait3A_199 = tpu.memref_squeeze %dma_wait3A_198 : memref<1x128xi32, #tpu.memory_space<vmem>> -> memref<128xi32, #tpu.memory_space<vmem>>
      %dma_wait3A_200 = arith.constant 0 : i32
      %dma_wait3A_201 = arith.constant 0 : i32
      %dma_wait3A_202 = arith.constant 0 : i32
      %dma_wait3A_203 = tpu.memref_slice %arg2[%dma_wait3A_200, %dma_wait3A_201, %dma_wait3A_202] : memref<10240x1x128xbf16, #tpu.memory_space<hbm>> -> memref<10240x1x128xbf16, #tpu.memory_space<hbm>>
      tpu.wait_indirect_dma semaphore(%arg13 : memref<!tpu.dma_semaphore, #tpu.memory_space<semaphore_mem>>) src(%dma_wait3A_203 : memref<10240x1x128xbf16, #tpu.memory_space<hbm>>) dst(%arg10 : memref<128x1x128xbf16, #tpu.memory_space<vmem>>)
      %dma_wait3A_204 = arith.constant 4 : i32
      %dma_wait3A_205 = arith.constant 0 : i32
      %dma_wait3A_206 = tpu.memref_slice %arg8[%dma_wait3A_204, %dma_wait3A_205] : memref<16x128xi32, #tpu.memory_space<vmem>> -> memref<1x128xi32, #tpu.memory_space<vmem>>
      %dma_wait3A_207 = tpu.memref_squeeze %dma_wait3A_206 : memref<1x128xi32, #tpu.memory_space<vmem>> -> memref<128xi32, #tpu.memory_space<vmem>>
      %dma_wait3A_208 = arith.constant 0 : i32
      %dma_wait3A_209 = arith.constant 0 : i32
      %dma_wait3A_210 = arith.constant 0 : i32
      %dma_wait3A_211 = tpu.memref_slice %arg11[%dma_wait3A_208, %dma_wait3A_209, %dma_wait3A_210] : memref<10240x1x128xbf16, #tpu.memory_space<vmem_shared>> -> memref<10240x1x128xbf16, #tpu.memory_space<vmem_shared>>
      tpu.wait_indirect_dma semaphore(%arg14 : memref<!tpu.dma_semaphore, #tpu.memory_space<semaphore_mem>>) src(%arg9 : memref<128x1x128xbf16, #tpu.memory_space<vmem>>) dst(%dma_wait3A_211 : memref<10240x1x128xbf16, #tpu.memory_space<vmem_shared>>)
      %dma_start3A_212 = arith.constant 6 : i32
      %dma_start3A_213 = arith.constant 0 : i32
      %dma_start3A_214 = tpu.memref_slice %arg7[%dma_start3A_212, %dma_start3A_213] : memref<16x128xi32, #tpu.memory_space<vmem>> -> memref<1x128xi32, #tpu.memory_space<vmem>>
      %dma_start3A_215 = tpu.memref_squeeze %dma_start3A_214 : memref<1x128xi32, #tpu.memory_space<vmem>> -> memref<128xi32, #tpu.memory_space<vmem>>
      %dma_start3A_216 = arith.constant 0 : i32
      %dma_start3A_217 = arith.constant 0 : i32
      %dma_start3A_218 = arith.constant 0 : i32
      %dma_start3A_219 = tpu.memref_slice %arg2[%dma_start3A_216, %dma_start3A_217, %dma_start3A_218] : memref<10240x1x128xbf16, #tpu.memory_space<hbm>> -> memref<10240x1x128xbf16, #tpu.memory_space<hbm>>
      tpu.enqueue_indirect_dma source(%dma_start3A_219 : memref<10240x1x128xbf16, #tpu.memory_space<hbm>>) target(%arg9 : memref<128x1x128xbf16, #tpu.memory_space<vmem>>) offsets(%dma_start3A_215 : memref<128xi32, #tpu.memory_space<vmem>>) semaphore(%arg12 : memref<!tpu.dma_semaphore, #tpu.memory_space<semaphore_mem>>)
      %dma_start3A_220 = arith.constant 5 : i32
      %dma_start3A_221 = arith.constant 0 : i32
      %dma_start3A_222 = tpu.memref_slice %arg8[%dma_start3A_220, %dma_start3A_221] : memref<16x128xi32, #tpu.memory_space<vmem>> -> memref<1x128xi32, #tpu.memory_space<vmem>>
      %dma_start3A_223 = tpu.memref_squeeze %dma_start3A_222 : memref<1x128xi32, #tpu.memory_space<vmem>> -> memref<128xi32, #tpu.memory_space<vmem>>
      %dma_start3A_224 = arith.constant 0 : i32
      %dma_start3A_225 = arith.constant 0 : i32
      %dma_start3A_226 = arith.constant 0 : i32
      %dma_start3A_227 = tpu.memref_slice %arg11[%dma_start3A_224, %dma_start3A_225, %dma_start3A_226] : memref<10240x1x128xbf16, #tpu.memory_space<vmem_shared>> -> memref<10240x1x128xbf16, #tpu.memory_space<vmem_shared>>
      tpu.enqueue_indirect_dma source(%arg10 : memref<128x1x128xbf16, #tpu.memory_space<vmem>>) target(%dma_start3A_227 : memref<10240x1x128xbf16, #tpu.memory_space<vmem_shared>>) offsets(%dma_start3A_223 : memref<128xi32, #tpu.memory_space<vmem>>) semaphore(%arg15 : memref<!tpu.dma_semaphore, #tpu.memory_space<semaphore_mem>>) {add = true}
      %dma_wait3A_228 = arith.constant 6 : i32
      %dma_wait3A_229 = arith.constant 0 : i32
      %dma_wait3A_230 = tpu.memref_slice %arg7[%dma_wait3A_228, %dma_wait3A_229] : memref<16x128xi32, #tpu.memory_space<vmem>> -> memref<1x128xi32, #tpu.memory_space<vmem>>
      %dma_wait3A_231 = tpu.memref_squeeze %dma_wait3A_230 : memref<1x128xi32, #tpu.memory_space<vmem>> -> memref<128xi32, #tpu.memory_space<vmem>>
      %dma_wait3A_232 = arith.constant 0 : i32
      %dma_wait3A_233 = arith.constant 0 : i32
      %dma_wait3A_234 = arith.constant 0 : i32
      %dma_wait3A_235 = tpu.memref_slice %arg2[%dma_wait3A_232, %dma_wait3A_233, %dma_wait3A_234] : memref<10240x1x128xbf16, #tpu.memory_space<hbm>> -> memref<10240x1x128xbf16, #tpu.memory_space<hbm>>
      tpu.wait_indirect_dma semaphore(%arg12 : memref<!tpu.dma_semaphore, #tpu.memory_space<semaphore_mem>>) src(%dma_wait3A_235 : memref<10240x1x128xbf16, #tpu.memory_space<hbm>>) dst(%arg9 : memref<128x1x128xbf16, #tpu.memory_space<vmem>>)
      %dma_wait3A_236 = arith.constant 5 : i32
      %dma_wait3A_237 = arith.constant 0 : i32
      %dma_wait3A_238 = tpu.memref_slice %arg8[%dma_wait3A_236, %dma_wait3A_237] : memref<16x128xi32, #tpu.memory_space<vmem>> -> memref<1x128xi32, #tpu.memory_space<vmem>>
      %dma_wait3A_239 = tpu.memref_squeeze %dma_wait3A_238 : memref<1x128xi32, #tpu.memory_space<vmem>> -> memref<128xi32, #tpu.memory_space<vmem>>
      %dma_wait3A_240 = arith.constant 0 : i32
      %dma_wait3A_241 = arith.constant 0 : i32
      %dma_wait3A_242 = arith.constant 0 : i32
      %dma_wait3A_243 = tpu.memref_slice %arg11[%dma_wait3A_240, %dma_wait3A_241, %dma_wait3A_242] : memref<10240x1x128xbf16, #tpu.memory_space<vmem_shared>> -> memref<10240x1x128xbf16, #tpu.memory_space<vmem_shared>>
      tpu.wait_indirect_dma semaphore(%arg15 : memref<!tpu.dma_semaphore, #tpu.memory_space<semaphore_mem>>) src(%arg10 : memref<128x1x128xbf16, #tpu.memory_space<vmem>>) dst(%dma_wait3A_243 : memref<10240x1x128xbf16, #tpu.memory_space<vmem_shared>>)
      %dma_start3A_244 = arith.constant 7 : i32
      %dma_start3A_245 = arith.constant 0 : i32
      %dma_start3A_246 = tpu.memref_slice %arg7[%dma_start3A_244, %dma_start3A_245] : memref<16x128xi32, #tpu.memory_space<vmem>> -> memref<1x128xi32, #tpu.memory_space<vmem>>
      %dma_start3A_247 = tpu.memref_squeeze %dma_start3A_246 : memref<1x128xi32, #tpu.memory_space<vmem>> -> memref<128xi32, #tpu.memory_space<vmem>>
      %dma_start3A_248 = arith.constant 0 : i32
      %dma_start3A_249 = arith.constant 0 : i32
      %dma_start3A_250 = arith.constant 0 : i32
      %dma_start3A_251 = tpu.memref_slice %arg2[%dma_start3A_248, %dma_start3A_249, %dma_start3A_250] : memref<10240x1x128xbf16, #tpu.memory_space<hbm>> -> memref<10240x1x128xbf16, #tpu.memory_space<hbm>>
      tpu.enqueue_indirect_dma source(%dma_start3A_251 : memref<10240x1x128xbf16, #tpu.memory_space<hbm>>) target(%arg10 : memref<128x1x128xbf16, #tpu.memory_space<vmem>>) offsets(%dma_start3A_247 : memref<128xi32, #tpu.memory_space<vmem>>) semaphore(%arg13 : memref<!tpu.dma_semaphore, #tpu.memory_space<semaphore_mem>>)
      %dma_start3A_252 = arith.constant 6 : i32
      %dma_start3A_253 = arith.constant 0 : i32
      %dma_start3A_254 = tpu.memref_slice %arg8[%dma_start3A_252, %dma_start3A_253] : memref<16x128xi32, #tpu.memory_space<vmem>> -> memref<1x128xi32, #tpu.memory_space<vmem>>
      %dma_start3A_255 = tpu.memref_squeeze %dma_start3A_254 : memref<1x128xi32, #tpu.memory_space<vmem>> -> memref<128xi32, #tpu.memory_space<vmem>>
      %dma_start3A_256 = arith.constant 0 : i32
      %dma_start3A_257 = arith.constant 0 : i32
      %dma_start3A_258 = arith.constant 0 : i32
      %dma_start3A_259 = tpu.memref_slice %arg11[%dma_start3A_256, %dma_start3A_257, %dma_start3A_258] : memref<10240x1x128xbf16, #tpu.memory_space<vmem_shared>> -> memref<10240x1x128xbf16, #tpu.memory_space<vmem_shared>>
      tpu.enqueue_indirect_dma source(%arg9 : memref<128x1x128xbf16, #tpu.memory_space<vmem>>) target(%dma_start3A_259 : memref<10240x1x128xbf16, #tpu.memory_space<vmem_shared>>) offsets(%dma_start3A_255 : memref<128xi32, #tpu.memory_space<vmem>>) semaphore(%arg14 : memref<!tpu.dma_semaphore, #tpu.memory_space<semaphore_mem>>) {add = true}
      %dma_wait3A_260 = arith.constant 7 : i32
      %dma_wait3A_261 = arith.constant 0 : i32
      %dma_wait3A_262 = tpu.memref_slice %arg7[%dma_wait3A_260, %dma_wait3A_261] : memref<16x128xi32, #tpu.memory_space<vmem>> -> memref<1x128xi32, #tpu.memory_space<vmem>>
      %dma_wait3A_263 = tpu.memref_squeeze %dma_wait3A_262 : memref<1x128xi32, #tpu.memory_space<vmem>> -> memref<128xi32, #tpu.memory_space<vmem>>
      %dma_wait3A_264 = arith.constant 0 : i32
      %dma_wait3A_265 = arith.constant 0 : i32
      %dma_wait3A_266 = arith.constant 0 : i32
      %dma_wait3A_267 = tpu.memref_slice %arg2[%dma_wait3A_264, %dma_wait3A_265, %dma_wait3A_266] : memref<10240x1x128xbf16, #tpu.memory_space<hbm>> -> memref<10240x1x128xbf16, #tpu.memory_space<hbm>>
      tpu.wait_indirect_dma semaphore(%arg13 : memref<!tpu.dma_semaphore, #tpu.memory_space<semaphore_mem>>) src(%dma_wait3A_267 : memref<10240x1x128xbf16, #tpu.memory_space<hbm>>) dst(%arg10 : memref<128x1x128xbf16, #tpu.memory_space<vmem>>)
      %dma_wait3A_268 = arith.constant 6 : i32
      %dma_wait3A_269 = arith.constant 0 : i32
      %dma_wait3A_270 = tpu.memref_slice %arg8[%dma_wait3A_268, %dma_wait3A_269] : memref<16x128xi32, #tpu.memory_space<vmem>> -> memref<1x128xi32, #tpu.memory_space<vmem>>
      %dma_wait3A_271 = tpu.memref_squeeze %dma_wait3A_270 : memref<1x128xi32, #tpu.memory_space<vmem>> -> memref<128xi32, #tpu.memory_space<vmem>>
      %dma_wait3A_272 = arith.constant 0 : i32
      %dma_wait3A_273 = arith.constant 0 : i32
      %dma_wait3A_274 = arith.constant 0 : i32
      %dma_wait3A_275 = tpu.memref_slice %arg11[%dma_wait3A_272, %dma_wait3A_273, %dma_wait3A_274] : memref<10240x1x128xbf16, #tpu.memory_space<vmem_shared>> -> memref<10240x1x128xbf16, #tpu.memory_space<vmem_shared>>
      tpu.wait_indirect_dma semaphore(%arg14 : memref<!tpu.dma_semaphore, #tpu.memory_space<semaphore_mem>>) src(%arg9 : memref<128x1x128xbf16, #tpu.memory_space<vmem>>) dst(%dma_wait3A_275 : memref<10240x1x128xbf16, #tpu.memory_space<vmem_shared>>)
      %dma_start3A_276 = arith.constant 8 : i32
      %dma_start3A_277 = arith.constant 0 : i32
      %dma_start3A_278 = tpu.memref_slice %arg7[%dma_start3A_276, %dma_start3A_277] : memref<16x128xi32, #tpu.memory_space<vmem>> -> memref<1x128xi32, #tpu.memory_space<vmem>>
      %dma_start3A_279 = tpu.memref_squeeze %dma_start3A_278 : memref<1x128xi32, #tpu.memory_space<vmem>> -> memref<128xi32, #tpu.memory_space<vmem>>
      %dma_start3A_280 = arith.constant 0 : i32
      %dma_start3A_281 = arith.constant 0 : i32
      %dma_start3A_282 = arith.constant 0 : i32
      %dma_start3A_283 = tpu.memref_slice %arg2[%dma_start3A_280, %dma_start3A_281, %dma_start3A_282] : memref<10240x1x128xbf16, #tpu.memory_space<hbm>> -> memref<10240x1x128xbf16, #tpu.memory_space<hbm>>
      tpu.enqueue_indirect_dma source(%dma_start3A_283 : memref<10240x1x128xbf16, #tpu.memory_space<hbm>>) target(%arg9 : memref<128x1x128xbf16, #tpu.memory_space<vmem>>) offsets(%dma_start3A_279 : memref<128xi32, #tpu.memory_space<vmem>>) semaphore(%arg12 : memref<!tpu.dma_semaphore, #tpu.memory_space<semaphore_mem>>)
      %dma_start3A_284 = arith.constant 7 : i32
      %dma_start3A_285 = arith.constant 0 : i32
      %dma_start3A_286 = tpu.memref_slice %arg8[%dma_start3A_284, %dma_start3A_285] : memref<16x128xi32, #tpu.memory_space<vmem>> -> memref<1x128xi32, #tpu.memory_space<vmem>>
      %dma_start3A_287 = tpu.memref_squeeze %dma_start3A_286 : memref<1x128xi32, #tpu.memory_space<vmem>> -> memref<128xi32, #tpu.memory_space<vmem>>
      %dma_start3A_288 = arith.constant 0 : i32
      %dma_start3A_289 = arith.constant 0 : i32
      %dma_start3A_290 = arith.constant 0 : i32
      %dma_start3A_291 = tpu.memref_slice %arg11[%dma_start3A_288, %dma_start3A_289, %dma_start3A_290] : memref<10240x1x128xbf16, #tpu.memory_space<vmem_shared>> -> memref<10240x1x128xbf16, #tpu.memory_space<vmem_shared>>
      tpu.enqueue_indirect_dma source(%arg10 : memref<128x1x128xbf16, #tpu.memory_space<vmem>>) target(%dma_start3A_291 : memref<10240x1x128xbf16, #tpu.memory_space<vmem_shared>>) offsets(%dma_start3A_287 : memref<128xi32, #tpu.memory_space<vmem>>) semaphore(%arg15 : memref<!tpu.dma_semaphore, #tpu.memory_space<semaphore_mem>>) {add = true}
      %dma_wait3A_292 = arith.constant 8 : i32
      %dma_wait3A_293 = arith.constant 0 : i32
      %dma_wait3A_294 = tpu.memref_slice %arg7[%dma_wait3A_292, %dma_wait3A_293] : memref<16x128xi32, #tpu.memory_space<vmem>> -> memref<1x128xi32, #tpu.memory_space<vmem>>
      %dma_wait3A_295 = tpu.memref_squeeze %dma_wait3A_294 : memref<1x128xi32, #tpu.memory_space<vmem>> -> memref<128xi32, #tpu.memory_space<vmem>>
      %dma_wait3A_296 = arith.constant 0 : i32
      %dma_wait3A_297 = arith.constant 0 : i32
      %dma_wait3A_298 = arith.constant 0 : i32
      %dma_wait3A_299 = tpu.memref_slice %arg2[%dma_wait3A_296, %dma_wait3A_297, %dma_wait3A_298] : memref<10240x1x128xbf16, #tpu.memory_space<hbm>> -> memref<10240x1x128xbf16, #tpu.memory_space<hbm>>
      tpu.wait_indirect_dma semaphore(%arg12 : memref<!tpu.dma_semaphore, #tpu.memory_space<semaphore_mem>>) src(%dma_wait3A_299 : memref<10240x1x128xbf16, #tpu.memory_space<hbm>>) dst(%arg9 : memref<128x1x128xbf16, #tpu.memory_space<vmem>>)
      %dma_wait3A_300 = arith.constant 7 : i32
      %dma_wait3A_301 = arith.constant 0 : i32
      %dma_wait3A_302 = tpu.memref_slice %arg8[%dma_wait3A_300, %dma_wait3A_301] : memref<16x128xi32, #tpu.memory_space<vmem>> -> memref<1x128xi32, #tpu.memory_space<vmem>>
      %dma_wait3A_303 = tpu.memref_squeeze %dma_wait3A_302 : memref<1x128xi32, #tpu.memory_space<vmem>> -> memref<128xi32, #tpu.memory_space<vmem>>
      %dma_wait3A_304 = arith.constant 0 : i32
      %dma_wait3A_305 = arith.constant 0 : i32
      %dma_wait3A_306 = arith.constant 0 : i32
      %dma_wait3A_307 = tpu.memref_slice %arg11[%dma_wait3A_304, %dma_wait3A_305, %dma_wait3A_306] : memref<10240x1x128xbf16, #tpu.memory_space<vmem_shared>> -> memref<10240x1x128xbf16, #tpu.memory_space<vmem_shared>>
      tpu.wait_indirect_dma semaphore(%arg15 : memref<!tpu.dma_semaphore, #tpu.memory_space<semaphore_mem>>) src(%arg10 : memref<128x1x128xbf16, #tpu.memory_space<vmem>>) dst(%dma_wait3A_307 : memref<10240x1x128xbf16, #tpu.memory_space<vmem_shared>>)
      %dma_start3A_308 = arith.constant 9 : i32
      %dma_start3A_309 = arith.constant 0 : i32
      %dma_start3A_310 = tpu.memref_slice %arg7[%dma_start3A_308, %dma_start3A_309] : memref<16x128xi32, #tpu.memory_space<vmem>> -> memref<1x128xi32, #tpu.memory_space<vmem>>
      %dma_start3A_311 = tpu.memref_squeeze %dma_start3A_310 : memref<1x128xi32, #tpu.memory_space<vmem>> -> memref<128xi32, #tpu.memory_space<vmem>>
      %dma_start3A_312 = arith.constant 0 : i32
      %dma_start3A_313 = arith.constant 0 : i32
      %dma_start3A_314 = arith.constant 0 : i32
      %dma_start3A_315 = tpu.memref_slice %arg2[%dma_start3A_312, %dma_start3A_313, %dma_start3A_314] : memref<10240x1x128xbf16, #tpu.memory_space<hbm>> -> memref<10240x1x128xbf16, #tpu.memory_space<hbm>>
      tpu.enqueue_indirect_dma source(%dma_start3A_315 : memref<10240x1x128xbf16, #tpu.memory_space<hbm>>) target(%arg10 : memref<128x1x128xbf16, #tpu.memory_space<vmem>>) offsets(%dma_start3A_311 : memref<128xi32, #tpu.memory_space<vmem>>) semaphore(%arg13 : memref<!tpu.dma_semaphore, #tpu.memory_space<semaphore_mem>>)
      %dma_start3A_316 = arith.constant 8 : i32
      %dma_start3A_317 = arith.constant 0 : i32
      %dma_start3A_318 = tpu.memref_slice %arg8[%dma_start3A_316, %dma_start3A_317] : memref<16x128xi32, #tpu.memory_space<vmem>> -> memref<1x128xi32, #tpu.memory_space<vmem>>
      %dma_start3A_319 = tpu.memref_squeeze %dma_start3A_318 : memref<1x128xi32, #tpu.memory_space<vmem>> -> memref<128xi32, #tpu.memory_space<vmem>>
      %dma_start3A_320 = arith.constant 0 : i32
      %dma_start3A_321 = arith.constant 0 : i32
      %dma_start3A_322 = arith.constant 0 : i32
      %dma_start3A_323 = tpu.memref_slice %arg11[%dma_start3A_320, %dma_start3A_321, %dma_start3A_322] : memref<10240x1x128xbf16, #tpu.memory_space<vmem_shared>> -> memref<10240x1x128xbf16, #tpu.memory_space<vmem_shared>>
      tpu.enqueue_indirect_dma source(%arg9 : memref<128x1x128xbf16, #tpu.memory_space<vmem>>) target(%dma_start3A_323 : memref<10240x1x128xbf16, #tpu.memory_space<vmem_shared>>) offsets(%dma_start3A_319 : memref<128xi32, #tpu.memory_space<vmem>>) semaphore(%arg14 : memref<!tpu.dma_semaphore, #tpu.memory_space<semaphore_mem>>) {add = true}
      %dma_wait3A_324 = arith.constant 9 : i32
      %dma_wait3A_325 = arith.constant 0 : i32
      %dma_wait3A_326 = tpu.memref_slice %arg7[%dma_wait3A_324, %dma_wait3A_325] : memref<16x128xi32, #tpu.memory_space<vmem>> -> memref<1x128xi32, #tpu.memory_space<vmem>>
      %dma_wait3A_327 = tpu.memref_squeeze %dma_wait3A_326 : memref<1x128xi32, #tpu.memory_space<vmem>> -> memref<128xi32, #tpu.memory_space<vmem>>
      %dma_wait3A_328 = arith.constant 0 : i32
      %dma_wait3A_329 = arith.constant 0 : i32
      %dma_wait3A_330 = arith.constant 0 : i32
      %dma_wait3A_331 = tpu.memref_slice %arg2[%dma_wait3A_328, %dma_wait3A_329, %dma_wait3A_330] : memref<10240x1x128xbf16, #tpu.memory_space<hbm>> -> memref<10240x1x128xbf16, #tpu.memory_space<hbm>>
      tpu.wait_indirect_dma semaphore(%arg13 : memref<!tpu.dma_semaphore, #tpu.memory_space<semaphore_mem>>) src(%dma_wait3A_331 : memref<10240x1x128xbf16, #tpu.memory_space<hbm>>) dst(%arg10 : memref<128x1x128xbf16, #tpu.memory_space<vmem>>)
      %dma_wait3A_332 = arith.constant 8 : i32
      %dma_wait3A_333 = arith.constant 0 : i32
      %dma_wait3A_334 = tpu.memref_slice %arg8[%dma_wait3A_332, %dma_wait3A_333] : memref<16x128xi32, #tpu.memory_space<vmem>> -> memref<1x128xi32, #tpu.memory_space<vmem>>
      %dma_wait3A_335 = tpu.memref_squeeze %dma_wait3A_334 : memref<1x128xi32, #tpu.memory_space<vmem>> -> memref<128xi32, #tpu.memory_space<vmem>>
      %dma_wait3A_336 = arith.constant 0 : i32
      %dma_wait3A_337 = arith.constant 0 : i32
      %dma_wait3A_338 = arith.constant 0 : i32
      %dma_wait3A_339 = tpu.memref_slice %arg11[%dma_wait3A_336, %dma_wait3A_337, %dma_wait3A_338] : memref<10240x1x128xbf16, #tpu.memory_space<vmem_shared>> -> memref<10240x1x128xbf16, #tpu.memory_space<vmem_shared>>
      tpu.wait_indirect_dma semaphore(%arg14 : memref<!tpu.dma_semaphore, #tpu.memory_space<semaphore_mem>>) src(%arg9 : memref<128x1x128xbf16, #tpu.memory_space<vmem>>) dst(%dma_wait3A_339 : memref<10240x1x128xbf16, #tpu.memory_space<vmem_shared>>)
      %dma_start3A_340 = arith.constant 10 : i32
      %dma_start3A_341 = arith.constant 0 : i32
      %dma_start3A_342 = tpu.memref_slice %arg7[%dma_start3A_340, %dma_start3A_341] : memref<16x128xi32, #tpu.memory_space<vmem>> -> memref<1x128xi32, #tpu.memory_space<vmem>>
      %dma_start3A_343 = tpu.memref_squeeze %dma_start3A_342 : memref<1x128xi32, #tpu.memory_space<vmem>> -> memref<128xi32, #tpu.memory_space<vmem>>
      %dma_start3A_344 = arith.constant 0 : i32
      %dma_start3A_345 = arith.constant 0 : i32
      %dma_start3A_346 = arith.constant 0 : i32
      %dma_start3A_347 = tpu.memref_slice %arg2[%dma_start3A_344, %dma_start3A_345, %dma_start3A_346] : memref<10240x1x128xbf16, #tpu.memory_space<hbm>> -> memref<10240x1x128xbf16, #tpu.memory_space<hbm>>
      tpu.enqueue_indirect_dma source(%dma_start3A_347 : memref<10240x1x128xbf16, #tpu.memory_space<hbm>>) target(%arg9 : memref<128x1x128xbf16, #tpu.memory_space<vmem>>) offsets(%dma_start3A_343 : memref<128xi32, #tpu.memory_space<vmem>>) semaphore(%arg12 : memref<!tpu.dma_semaphore, #tpu.memory_space<semaphore_mem>>)
      %dma_start3A_348 = arith.constant 9 : i32
      %dma_start3A_349 = arith.constant 0 : i32
      %dma_start3A_350 = tpu.memref_slice %arg8[%dma_start3A_348, %dma_start3A_349] : memref<16x128xi32, #tpu.memory_space<vmem>> -> memref<1x128xi32, #tpu.memory_space<vmem>>
      %dma_start3A_351 = tpu.memref_squeeze %dma_start3A_350 : memref<1x128xi32, #tpu.memory_space<vmem>> -> memref<128xi32, #tpu.memory_space<vmem>>
      %dma_start3A_352 = arith.constant 0 : i32
      %dma_start3A_353 = arith.constant 0 : i32
      %dma_start3A_354 = arith.constant 0 : i32
      %dma_start3A_355 = tpu.memref_slice %arg11[%dma_start3A_352, %dma_start3A_353, %dma_start3A_354] : memref<10240x1x128xbf16, #tpu.memory_space<vmem_shared>> -> memref<10240x1x128xbf16, #tpu.memory_space<vmem_shared>>
      tpu.enqueue_indirect_dma source(%arg10 : memref<128x1x128xbf16, #tpu.memory_space<vmem>>) target(%dma_start3A_355 : memref<10240x1x128xbf16, #tpu.memory_space<vmem_shared>>) offsets(%dma_start3A_351 : memref<128xi32, #tpu.memory_space<vmem>>) semaphore(%arg15 : memref<!tpu.dma_semaphore, #tpu.memory_space<semaphore_mem>>) {add = true}
      %dma_wait3A_356 = arith.constant 10 : i32
      %dma_wait3A_357 = arith.constant 0 : i32
      %dma_wait3A_358 = tpu.memref_slice %arg7[%dma_wait3A_356, %dma_wait3A_357] : memref<16x128xi32, #tpu.memory_space<vmem>> -> memref<1x128xi32, #tpu.memory_space<vmem>>
      %dma_wait3A_359 = tpu.memref_squeeze %dma_wait3A_358 : memref<1x128xi32, #tpu.memory_space<vmem>> -> memref<128xi32, #tpu.memory_space<vmem>>
      %dma_wait3A_360 = arith.constant 0 : i32
      %dma_wait3A_361 = arith.constant 0 : i32
      %dma_wait3A_362 = arith.constant 0 : i32
      %dma_wait3A_363 = tpu.memref_slice %arg2[%dma_wait3A_360, %dma_wait3A_361, %dma_wait3A_362] : memref<10240x1x128xbf16, #tpu.memory_space<hbm>> -> memref<10240x1x128xbf16, #tpu.memory_space<hbm>>
      tpu.wait_indirect_dma semaphore(%arg12 : memref<!tpu.dma_semaphore, #tpu.memory_space<semaphore_mem>>) src(%dma_wait3A_363 : memref<10240x1x128xbf16, #tpu.memory_space<hbm>>) dst(%arg9 : memref<128x1x128xbf16, #tpu.memory_space<vmem>>)
      %dma_wait3A_364 = arith.constant 9 : i32
      %dma_wait3A_365 = arith.constant 0 : i32
      %dma_wait3A_366 = tpu.memref_slice %arg8[%dma_wait3A_364, %dma_wait3A_365] : memref<16x128xi32, #tpu.memory_space<vmem>> -> memref<1x128xi32, #tpu.memory_space<vmem>>
      %dma_wait3A_367 = tpu.memref_squeeze %dma_wait3A_366 : memref<1x128xi32, #tpu.memory_space<vmem>> -> memref<128xi32, #tpu.memory_space<vmem>>
      %dma_wait3A_368 = arith.constant 0 : i32
      %dma_wait3A_369 = arith.constant 0 : i32
      %dma_wait3A_370 = arith.constant 0 : i32
      %dma_wait3A_371 = tpu.memref_slice %arg11[%dma_wait3A_368, %dma_wait3A_369, %dma_wait3A_370] : memref<10240x1x128xbf16, #tpu.memory_space<vmem_shared>> -> memref<10240x1x128xbf16, #tpu.memory_space<vmem_shared>>
      tpu.wait_indirect_dma semaphore(%arg15 : memref<!tpu.dma_semaphore, #tpu.memory_space<semaphore_mem>>) src(%arg10 : memref<128x1x128xbf16, #tpu.memory_space<vmem>>) dst(%dma_wait3A_371 : memref<10240x1x128xbf16, #tpu.memory_space<vmem_shared>>)
      %dma_start3A_372 = arith.constant 11 : i32
      %dma_start3A_373 = arith.constant 0 : i32
      %dma_start3A_374 = tpu.memref_slice %arg7[%dma_start3A_372, %dma_start3A_373] : memref<16x128xi32, #tpu.memory_space<vmem>> -> memref<1x128xi32, #tpu.memory_space<vmem>>
      %dma_start3A_375 = tpu.memref_squeeze %dma_start3A_374 : memref<1x128xi32, #tpu.memory_space<vmem>> -> memref<128xi32, #tpu.memory_space<vmem>>
      %dma_start3A_376 = arith.constant 0 : i32
      %dma_start3A_377 = arith.constant 0 : i32
      %dma_start3A_378 = arith.constant 0 : i32
      %dma_start3A_379 = tpu.memref_slice %arg2[%dma_start3A_376, %dma_start3A_377, %dma_start3A_378] : memref<10240x1x128xbf16, #tpu.memory_space<hbm>> -> memref<10240x1x128xbf16, #tpu.memory_space<hbm>>
      tpu.enqueue_indirect_dma source(%dma_start3A_379 : memref<10240x1x128xbf16, #tpu.memory_space<hbm>>) target(%arg10 : memref<128x1x128xbf16, #tpu.memory_space<vmem>>) offsets(%dma_start3A_375 : memref<128xi32, #tpu.memory_space<vmem>>) semaphore(%arg13 : memref<!tpu.dma_semaphore, #tpu.memory_space<semaphore_mem>>)
      %dma_start3A_380 = arith.constant 10 : i32
      %dma_start3A_381 = arith.constant 0 : i32
      %dma_start3A_382 = tpu.memref_slice %arg8[%dma_start3A_380, %dma_start3A_381] : memref<16x128xi32, #tpu.memory_space<vmem>> -> memref<1x128xi32, #tpu.memory_space<vmem>>
      %dma_start3A_383 = tpu.memref_squeeze %dma_start3A_382 : memref<1x128xi32, #tpu.memory_space<vmem>> -> memref<128xi32, #tpu.memory_space<vmem>>
      %dma_start3A_384 = arith.constant 0 : i32
      %dma_start3A_385 = arith.constant 0 : i32
      %dma_start3A_386 = arith.constant 0 : i32
      %dma_start3A_387 = tpu.memref_slice %arg11[%dma_start3A_384, %dma_start3A_385, %dma_start3A_386] : memref<10240x1x128xbf16, #tpu.memory_space<vmem_shared>> -> memref<10240x1x128xbf16, #tpu.memory_space<vmem_shared>>
      tpu.enqueue_indirect_dma source(%arg9 : memref<128x1x128xbf16, #tpu.memory_space<vmem>>) target(%dma_start3A_387 : memref<10240x1x128xbf16, #tpu.memory_space<vmem_shared>>) offsets(%dma_start3A_383 : memref<128xi32, #tpu.memory_space<vmem>>) semaphore(%arg14 : memref<!tpu.dma_semaphore, #tpu.memory_space<semaphore_mem>>) {add = true}
      %dma_wait3A_388 = arith.constant 11 : i32
      %dma_wait3A_389 = arith.constant 0 : i32
      %dma_wait3A_390 = tpu.memref_slice %arg7[%dma_wait3A_388, %dma_wait3A_389] : memref<16x128xi32, #tpu.memory_space<vmem>> -> memref<1x128xi32, #tpu.memory_space<vmem>>
      %dma_wait3A_391 = tpu.memref_squeeze %dma_wait3A_390 : memref<1x128xi32, #tpu.memory_space<vmem>> -> memref<128xi32, #tpu.memory_space<vmem>>
      %dma_wait3A_392 = arith.constant 0 : i32
      %dma_wait3A_393 = arith.constant 0 : i32
      %dma_wait3A_394 = arith.constant 0 : i32
      %dma_wait3A_395 = tpu.memref_slice %arg2[%dma_wait3A_392, %dma_wait3A_393, %dma_wait3A_394] : memref<10240x1x128xbf16, #tpu.memory_space<hbm>> -> memref<10240x1x128xbf16, #tpu.memory_space<hbm>>
      tpu.wait_indirect_dma semaphore(%arg13 : memref<!tpu.dma_semaphore, #tpu.memory_space<semaphore_mem>>) src(%dma_wait3A_395 : memref<10240x1x128xbf16, #tpu.memory_space<hbm>>) dst(%arg10 : memref<128x1x128xbf16, #tpu.memory_space<vmem>>)
      %dma_wait3A_396 = arith.constant 10 : i32
      %dma_wait3A_397 = arith.constant 0 : i32
      %dma_wait3A_398 = tpu.memref_slice %arg8[%dma_wait3A_396, %dma_wait3A_397] : memref<16x128xi32, #tpu.memory_space<vmem>> -> memref<1x128xi32, #tpu.memory_space<vmem>>
      %dma_wait3A_399 = tpu.memref_squeeze %dma_wait3A_398 : memref<1x128xi32, #tpu.memory_space<vmem>> -> memref<128xi32, #tpu.memory_space<vmem>>
      %dma_wait3A_400 = arith.constant 0 : i32
      %dma_wait3A_401 = arith.constant 0 : i32
      %dma_wait3A_402 = arith.constant 0 : i32
      %dma_wait3A_403 = tpu.memref_slice %arg11[%dma_wait3A_400, %dma_wait3A_401, %dma_wait3A_402] : memref<10240x1x128xbf16, #tpu.memory_space<vmem_shared>> -> memref<10240x1x128xbf16, #tpu.memory_space<vmem_shared>>
      tpu.wait_indirect_dma semaphore(%arg14 : memref<!tpu.dma_semaphore, #tpu.memory_space<semaphore_mem>>) src(%arg9 : memref<128x1x128xbf16, #tpu.memory_space<vmem>>) dst(%dma_wait3A_403 : memref<10240x1x128xbf16, #tpu.memory_space<vmem_shared>>)
      %dma_start3A_404 = arith.constant 12 : i32
      %dma_start3A_405 = arith.constant 0 : i32
      %dma_start3A_406 = tpu.memref_slice %arg7[%dma_start3A_404, %dma_start3A_405] : memref<16x128xi32, #tpu.memory_space<vmem>> -> memref<1x128xi32, #tpu.memory_space<vmem>>
      %dma_start3A_407 = tpu.memref_squeeze %dma_start3A_406 : memref<1x128xi32, #tpu.memory_space<vmem>> -> memref<128xi32, #tpu.memory_space<vmem>>
      %dma_start3A_408 = arith.constant 0 : i32
      %dma_start3A_409 = arith.constant 0 : i32
      %dma_start3A_410 = arith.constant 0 : i32
      %dma_start3A_411 = tpu.memref_slice %arg2[%dma_start3A_408, %dma_start3A_409, %dma_start3A_410] : memref<10240x1x128xbf16, #tpu.memory_space<hbm>> -> memref<10240x1x128xbf16, #tpu.memory_space<hbm>>
      tpu.enqueue_indirect_dma source(%dma_start3A_411 : memref<10240x1x128xbf16, #tpu.memory_space<hbm>>) target(%arg9 : memref<128x1x128xbf16, #tpu.memory_space<vmem>>) offsets(%dma_start3A_407 : memref<128xi32, #tpu.memory_space<vmem>>) semaphore(%arg12 : memref<!tpu.dma_semaphore, #tpu.memory_space<semaphore_mem>>)
      %dma_start3A_412 = arith.constant 11 : i32
      %dma_start3A_413 = arith.constant 0 : i32
      %dma_start3A_414 = tpu.memref_slice %arg8[%dma_start3A_412, %dma_start3A_413] : memref<16x128xi32, #tpu.memory_space<vmem>> -> memref<1x128xi32, #tpu.memory_space<vmem>>
      %dma_start3A_415 = tpu.memref_squeeze %dma_start3A_414 : memref<1x128xi32, #tpu.memory_space<vmem>> -> memref<128xi32, #tpu.memory_space<vmem>>
      %dma_start3A_416 = arith.constant 0 : i32
      %dma_start3A_417 = arith.constant 0 : i32
      %dma_start3A_418 = arith.constant 0 : i32
      %dma_start3A_419 = tpu.memref_slice %arg11[%dma_start3A_416, %dma_start3A_417, %dma_start3A_418] : memref<10240x1x128xbf16, #tpu.memory_space<vmem_shared>> -> memref<10240x1x128xbf16, #tpu.memory_space<vmem_shared>>
      tpu.enqueue_indirect_dma source(%arg10 : memref<128x1x128xbf16, #tpu.memory_space<vmem>>) target(%dma_start3A_419 : memref<10240x1x128xbf16, #tpu.memory_space<vmem_shared>>) offsets(%dma_start3A_415 : memref<128xi32, #tpu.memory_space<vmem>>) semaphore(%arg15 : memref<!tpu.dma_semaphore, #tpu.memory_space<semaphore_mem>>) {add = true}
      %dma_wait3A_420 = arith.constant 12 : i32
      %dma_wait3A_421 = arith.constant 0 : i32
      %dma_wait3A_422 = tpu.memref_slice %arg7[%dma_wait3A_420, %dma_wait3A_421] : memref<16x128xi32, #tpu.memory_space<vmem>> -> memref<1x128xi32, #tpu.memory_space<vmem>>
      %dma_wait3A_423 = tpu.memref_squeeze %dma_wait3A_422 : memref<1x128xi32, #tpu.memory_space<vmem>> -> memref<128xi32, #tpu.memory_space<vmem>>
      %dma_wait3A_424 = arith.constant 0 : i32
      %dma_wait3A_425 = arith.constant 0 : i32
      %dma_wait3A_426 = arith.constant 0 : i32
      %dma_wait3A_427 = tpu.memref_slice %arg2[%dma_wait3A_424, %dma_wait3A_425, %dma_wait3A_426] : memref<10240x1x128xbf16, #tpu.memory_space<hbm>> -> memref<10240x1x128xbf16, #tpu.memory_space<hbm>>
      tpu.wait_indirect_dma semaphore(%arg12 : memref<!tpu.dma_semaphore, #tpu.memory_space<semaphore_mem>>) src(%dma_wait3A_427 : memref<10240x1x128xbf16, #tpu.memory_space<hbm>>) dst(%arg9 : memref<128x1x128xbf16, #tpu.memory_space<vmem>>)
      %dma_wait3A_428 = arith.constant 11 : i32
      %dma_wait3A_429 = arith.constant 0 : i32
      %dma_wait3A_430 = tpu.memref_slice %arg8[%dma_wait3A_428, %dma_wait3A_429] : memref<16x128xi32, #tpu.memory_space<vmem>> -> memref<1x128xi32, #tpu.memory_space<vmem>>
      %dma_wait3A_431 = tpu.memref_squeeze %dma_wait3A_430 : memref<1x128xi32, #tpu.memory_space<vmem>> -> memref<128xi32, #tpu.memory_space<vmem>>
      %dma_wait3A_432 = arith.constant 0 : i32
      %dma_wait3A_433 = arith.constant 0 : i32
      %dma_wait3A_434 = arith.constant 0 : i32
      %dma_wait3A_435 = tpu.memref_slice %arg11[%dma_wait3A_432, %dma_wait3A_433, %dma_wait3A_434] : memref<10240x1x128xbf16, #tpu.memory_space<vmem_shared>> -> memref<10240x1x128xbf16, #tpu.memory_space<vmem_shared>>
      tpu.wait_indirect_dma semaphore(%arg15 : memref<!tpu.dma_semaphore, #tpu.memory_space<semaphore_mem>>) src(%arg10 : memref<128x1x128xbf16, #tpu.memory_space<vmem>>) dst(%dma_wait3A_435 : memref<10240x1x128xbf16, #tpu.memory_space<vmem_shared>>)
      %dma_start3A_436 = arith.constant 13 : i32
      %dma_start3A_437 = arith.constant 0 : i32
      %dma_start3A_438 = tpu.memref_slice %arg7[%dma_start3A_436, %dma_start3A_437] : memref<16x128xi32, #tpu.memory_space<vmem>> -> memref<1x128xi32, #tpu.memory_space<vmem>>
      %dma_start3A_439 = tpu.memref_squeeze %dma_start3A_438 : memref<1x128xi32, #tpu.memory_space<vmem>> -> memref<128xi32, #tpu.memory_space<vmem>>
      %dma_start3A_440 = arith.constant 0 : i32
      %dma_start3A_441 = arith.constant 0 : i32
      %dma_start3A_442 = arith.constant 0 : i32
      %dma_start3A_443 = tpu.memref_slice %arg2[%dma_start3A_440, %dma_start3A_441, %dma_start3A_442] : memref<10240x1x128xbf16, #tpu.memory_space<hbm>> -> memref<10240x1x128xbf16, #tpu.memory_space<hbm>>
      tpu.enqueue_indirect_dma source(%dma_start3A_443 : memref<10240x1x128xbf16, #tpu.memory_space<hbm>>) target(%arg10 : memref<128x1x128xbf16, #tpu.memory_space<vmem>>) offsets(%dma_start3A_439 : memref<128xi32, #tpu.memory_space<vmem>>) semaphore(%arg13 : memref<!tpu.dma_semaphore, #tpu.memory_space<semaphore_mem>>)
      %dma_start3A_444 = arith.constant 12 : i32
      %dma_start3A_445 = arith.constant 0 : i32
      %dma_start3A_446 = tpu.memref_slice %arg8[%dma_start3A_444, %dma_start3A_445] : memref<16x128xi32, #tpu.memory_space<vmem>> -> memref<1x128xi32, #tpu.memory_space<vmem>>
      %dma_start3A_447 = tpu.memref_squeeze %dma_start3A_446 : memref<1x128xi32, #tpu.memory_space<vmem>> -> memref<128xi32, #tpu.memory_space<vmem>>
      %dma_start3A_448 = arith.constant 0 : i32
      %dma_start3A_449 = arith.constant 0 : i32
      %dma_start3A_450 = arith.constant 0 : i32
      %dma_start3A_451 = tpu.memref_slice %arg11[%dma_start3A_448, %dma_start3A_449, %dma_start3A_450] : memref<10240x1x128xbf16, #tpu.memory_space<vmem_shared>> -> memref<10240x1x128xbf16, #tpu.memory_space<vmem_shared>>
      tpu.enqueue_indirect_dma source(%arg9 : memref<128x1x128xbf16, #tpu.memory_space<vmem>>) target(%dma_start3A_451 : memref<10240x1x128xbf16, #tpu.memory_space<vmem_shared>>) offsets(%dma_start3A_447 : memref<128xi32, #tpu.memory_space<vmem>>) semaphore(%arg14 : memref<!tpu.dma_semaphore, #tpu.memory_space<semaphore_mem>>) {add = true}
      %dma_wait3A_452 = arith.constant 13 : i32
      %dma_wait3A_453 = arith.constant 0 : i32
      %dma_wait3A_454 = tpu.memref_slice %arg7[%dma_wait3A_452, %dma_wait3A_453] : memref<16x128xi32, #tpu.memory_space<vmem>> -> memref<1x128xi32, #tpu.memory_space<vmem>>
      %dma_wait3A_455 = tpu.memref_squeeze %dma_wait3A_454 : memref<1x128xi32, #tpu.memory_space<vmem>> -> memref<128xi32, #tpu.memory_space<vmem>>
      %dma_wait3A_456 = arith.constant 0 : i32
      %dma_wait3A_457 = arith.constant 0 : i32
      %dma_wait3A_458 = arith.constant 0 : i32
      %dma_wait3A_459 = tpu.memref_slice %arg2[%dma_wait3A_456, %dma_wait3A_457, %dma_wait3A_458] : memref<10240x1x128xbf16, #tpu.memory_space<hbm>> -> memref<10240x1x128xbf16, #tpu.memory_space<hbm>>
      tpu.wait_indirect_dma semaphore(%arg13 : memref<!tpu.dma_semaphore, #tpu.memory_space<semaphore_mem>>) src(%dma_wait3A_459 : memref<10240x1x128xbf16, #tpu.memory_space<hbm>>) dst(%arg10 : memref<128x1x128xbf16, #tpu.memory_space<vmem>>)
      %dma_wait3A_460 = arith.constant 12 : i32
      %dma_wait3A_461 = arith.constant 0 : i32
      %dma_wait3A_462 = tpu.memref_slice %arg8[%dma_wait3A_460, %dma_wait3A_461] : memref<16x128xi32, #tpu.memory_space<vmem>> -> memref<1x128xi32, #tpu.memory_space<vmem>>
      %dma_wait3A_463 = tpu.memref_squeeze %dma_wait3A_462 : memref<1x128xi32, #tpu.memory_space<vmem>> -> memref<128xi32, #tpu.memory_space<vmem>>
      %dma_wait3A_464 = arith.constant 0 : i32
      %dma_wait3A_465 = arith.constant 0 : i32
      %dma_wait3A_466 = arith.constant 0 : i32
      %dma_wait3A_467 = tpu.memref_slice %arg11[%dma_wait3A_464, %dma_wait3A_465, %dma_wait3A_466] : memref<10240x1x128xbf16, #tpu.memory_space<vmem_shared>> -> memref<10240x1x128xbf16, #tpu.memory_space<vmem_shared>>
      tpu.wait_indirect_dma semaphore(%arg14 : memref<!tpu.dma_semaphore, #tpu.memory_space<semaphore_mem>>) src(%arg9 : memref<128x1x128xbf16, #tpu.memory_space<vmem>>) dst(%dma_wait3A_467 : memref<10240x1x128xbf16, #tpu.memory_space<vmem_shared>>)
      %dma_start3A_468 = arith.constant 14 : i32
      %dma_start3A_469 = arith.constant 0 : i32
      %dma_start3A_470 = tpu.memref_slice %arg7[%dma_start3A_468, %dma_start3A_469] : memref<16x128xi32, #tpu.memory_space<vmem>> -> memref<1x128xi32, #tpu.memory_space<vmem>>
      %dma_start3A_471 = tpu.memref_squeeze %dma_start3A_470 : memref<1x128xi32, #tpu.memory_space<vmem>> -> memref<128xi32, #tpu.memory_space<vmem>>
      %dma_start3A_472 = arith.constant 0 : i32
      %dma_start3A_473 = arith.constant 0 : i32
      %dma_start3A_474 = arith.constant 0 : i32
      %dma_start3A_475 = tpu.memref_slice %arg2[%dma_start3A_472, %dma_start3A_473, %dma_start3A_474] : memref<10240x1x128xbf16, #tpu.memory_space<hbm>> -> memref<10240x1x128xbf16, #tpu.memory_space<hbm>>
      tpu.enqueue_indirect_dma source(%dma_start3A_475 : memref<10240x1x128xbf16, #tpu.memory_space<hbm>>) target(%arg9 : memref<128x1x128xbf16, #tpu.memory_space<vmem>>) offsets(%dma_start3A_471 : memref<128xi32, #tpu.memory_space<vmem>>) semaphore(%arg12 : memref<!tpu.dma_semaphore, #tpu.memory_space<semaphore_mem>>)
      %dma_start3A_476 = arith.constant 13 : i32
      %dma_start3A_477 = arith.constant 0 : i32
      %dma_start3A_478 = tpu.memref_slice %arg8[%dma_start3A_476, %dma_start3A_477] : memref<16x128xi32, #tpu.memory_space<vmem>> -> memref<1x128xi32, #tpu.memory_space<vmem>>
      %dma_start3A_479 = tpu.memref_squeeze %dma_start3A_478 : memref<1x128xi32, #tpu.memory_space<vmem>> -> memref<128xi32, #tpu.memory_space<vmem>>
      %dma_start3A_480 = arith.constant 0 : i32
      %dma_start3A_481 = arith.constant 0 : i32
      %dma_start3A_482 = arith.constant 0 : i32
      %dma_start3A_483 = tpu.memref_slice %arg11[%dma_start3A_480, %dma_start3A_481, %dma_start3A_482] : memref<10240x1x128xbf16, #tpu.memory_space<vmem_shared>> -> memref<10240x1x128xbf16, #tpu.memory_space<vmem_shared>>
      tpu.enqueue_indirect_dma source(%arg10 : memref<128x1x128xbf16, #tpu.memory_space<vmem>>) target(%dma_start3A_483 : memref<10240x1x128xbf16, #tpu.memory_space<vmem_shared>>) offsets(%dma_start3A_479 : memref<128xi32, #tpu.memory_space<vmem>>) semaphore(%arg15 : memref<!tpu.dma_semaphore, #tpu.memory_space<semaphore_mem>>) {add = true}
      %dma_wait3A_484 = arith.constant 14 : i32
      %dma_wait3A_485 = arith.constant 0 : i32
      %dma_wait3A_486 = tpu.memref_slice %arg7[%dma_wait3A_484, %dma_wait3A_485] : memref<16x128xi32, #tpu.memory_space<vmem>> -> memref<1x128xi32, #tpu.memory_space<vmem>>
      %dma_wait3A_487 = tpu.memref_squeeze %dma_wait3A_486 : memref<1x128xi32, #tpu.memory_space<vmem>> -> memref<128xi32, #tpu.memory_space<vmem>>
      %dma_wait3A_488 = arith.constant 0 : i32
      %dma_wait3A_489 = arith.constant 0 : i32
      %dma_wait3A_490 = arith.constant 0 : i32
      %dma_wait3A_491 = tpu.memref_slice %arg2[%dma_wait3A_488, %dma_wait3A_489, %dma_wait3A_490] : memref<10240x1x128xbf16, #tpu.memory_space<hbm>> -> memref<10240x1x128xbf16, #tpu.memory_space<hbm>>
      tpu.wait_indirect_dma semaphore(%arg12 : memref<!tpu.dma_semaphore, #tpu.memory_space<semaphore_mem>>) src(%dma_wait3A_491 : memref<10240x1x128xbf16, #tpu.memory_space<hbm>>) dst(%arg9 : memref<128x1x128xbf16, #tpu.memory_space<vmem>>)
      %dma_wait3A_492 = arith.constant 13 : i32
      %dma_wait3A_493 = arith.constant 0 : i32
      %dma_wait3A_494 = tpu.memref_slice %arg8[%dma_wait3A_492, %dma_wait3A_493] : memref<16x128xi32, #tpu.memory_space<vmem>> -> memref<1x128xi32, #tpu.memory_space<vmem>>
      %dma_wait3A_495 = tpu.memref_squeeze %dma_wait3A_494 : memref<1x128xi32, #tpu.memory_space<vmem>> -> memref<128xi32, #tpu.memory_space<vmem>>
      %dma_wait3A_496 = arith.constant 0 : i32
      %dma_wait3A_497 = arith.constant 0 : i32
      %dma_wait3A_498 = arith.constant 0 : i32
      %dma_wait3A_499 = tpu.memref_slice %arg11[%dma_wait3A_496, %dma_wait3A_497, %dma_wait3A_498] : memref<10240x1x128xbf16, #tpu.memory_space<vmem_shared>> -> memref<10240x1x128xbf16, #tpu.memory_space<vmem_shared>>
      tpu.wait_indirect_dma semaphore(%arg15 : memref<!tpu.dma_semaphore, #tpu.memory_space<semaphore_mem>>) src(%arg10 : memref<128x1x128xbf16, #tpu.memory_space<vmem>>) dst(%dma_wait3A_499 : memref<10240x1x128xbf16, #tpu.memory_space<vmem_shared>>)
      %dma_start3A_500 = arith.constant 15 : i32
      %dma_start3A_501 = arith.constant 0 : i32
      %dma_start3A_502 = tpu.memref_slice %arg7[%dma_start3A_500, %dma_start3A_501] : memref<16x128xi32, #tpu.memory_space<vmem>> -> memref<1x128xi32, #tpu.memory_space<vmem>>
      %dma_start3A_503 = tpu.memref_squeeze %dma_start3A_502 : memref<1x128xi32, #tpu.memory_space<vmem>> -> memref<128xi32, #tpu.memory_space<vmem>>
      %dma_start3A_504 = arith.constant 0 : i32
      %dma_start3A_505 = arith.constant 0 : i32
      %dma_start3A_506 = arith.constant 0 : i32
      %dma_start3A_507 = tpu.memref_slice %arg2[%dma_start3A_504, %dma_start3A_505, %dma_start3A_506] : memref<10240x1x128xbf16, #tpu.memory_space<hbm>> -> memref<10240x1x128xbf16, #tpu.memory_space<hbm>>
      tpu.enqueue_indirect_dma source(%dma_start3A_507 : memref<10240x1x128xbf16, #tpu.memory_space<hbm>>) target(%arg10 : memref<128x1x128xbf16, #tpu.memory_space<vmem>>) offsets(%dma_start3A_503 : memref<128xi32, #tpu.memory_space<vmem>>) semaphore(%arg13 : memref<!tpu.dma_semaphore, #tpu.memory_space<semaphore_mem>>)
      %dma_start3A_508 = arith.constant 14 : i32
      %dma_start3A_509 = arith.constant 0 : i32
      %dma_start3A_510 = tpu.memref_slice %arg8[%dma_start3A_508, %dma_start3A_509] : memref<16x128xi32, #tpu.memory_space<vmem>> -> memref<1x128xi32, #tpu.memory_space<vmem>>
      %dma_start3A_511 = tpu.memref_squeeze %dma_start3A_510 : memref<1x128xi32, #tpu.memory_space<vmem>> -> memref<128xi32, #tpu.memory_space<vmem>>
      %dma_start3A_512 = arith.constant 0 : i32
      %dma_start3A_513 = arith.constant 0 : i32
      %dma_start3A_514 = arith.constant 0 : i32
      %dma_start3A_515 = tpu.memref_slice %arg11[%dma_start3A_512, %dma_start3A_513, %dma_start3A_514] : memref<10240x1x128xbf16, #tpu.memory_space<vmem_shared>> -> memref<10240x1x128xbf16, #tpu.memory_space<vmem_shared>>
      tpu.enqueue_indirect_dma source(%arg9 : memref<128x1x128xbf16, #tpu.memory_space<vmem>>) target(%dma_start3A_515 : memref<10240x1x128xbf16, #tpu.memory_space<vmem_shared>>) offsets(%dma_start3A_511 : memref<128xi32, #tpu.memory_space<vmem>>) semaphore(%arg14 : memref<!tpu.dma_semaphore, #tpu.memory_space<semaphore_mem>>) {add = true}
      %dma_wait3A_516 = arith.constant 15 : i32
      %dma_wait3A_517 = arith.constant 0 : i32
      %dma_wait3A_518 = tpu.memref_slice %arg7[%dma_wait3A_516, %dma_wait3A_517] : memref<16x128xi32, #tpu.memory_space<vmem>> -> memref<1x128xi32, #tpu.memory_space<vmem>>
      %dma_wait3A_519 = tpu.memref_squeeze %dma_wait3A_518 : memref<1x128xi32, #tpu.memory_space<vmem>> -> memref<128xi32, #tpu.memory_space<vmem>>
      %dma_wait3A_520 = arith.constant 0 : i32
      %dma_wait3A_521 = arith.constant 0 : i32
      %dma_wait3A_522 = arith.constant 0 : i32
      %dma_wait3A_523 = tpu.memref_slice %arg2[%dma_wait3A_520, %dma_wait3A_521, %dma_wait3A_522] : memref<10240x1x128xbf16, #tpu.memory_space<hbm>> -> memref<10240x1x128xbf16, #tpu.memory_space<hbm>>
      tpu.wait_indirect_dma semaphore(%arg13 : memref<!tpu.dma_semaphore, #tpu.memory_space<semaphore_mem>>) src(%dma_wait3A_523 : memref<10240x1x128xbf16, #tpu.memory_space<hbm>>) dst(%arg10 : memref<128x1x128xbf16, #tpu.memory_space<vmem>>)
      %dma_start3A_524 = arith.constant 15 : i32
      %dma_start3A_525 = arith.constant 0 : i32
      %dma_start3A_526 = tpu.memref_slice %arg8[%dma_start3A_524, %dma_start3A_525] : memref<16x128xi32, #tpu.memory_space<vmem>> -> memref<1x128xi32, #tpu.memory_space<vmem>>
      %dma_start3A_527 = tpu.memref_squeeze %dma_start3A_526 : memref<1x128xi32, #tpu.memory_space<vmem>> -> memref<128xi32, #tpu.memory_space<vmem>>
      %dma_start3A_528 = arith.constant 0 : i32
      %dma_start3A_529 = arith.constant 0 : i32
      %dma_start3A_530 = arith.constant 0 : i32
      %dma_start3A_531 = tpu.memref_slice %arg11[%dma_start3A_528, %dma_start3A_529, %dma_start3A_530] : memref<10240x1x128xbf16, #tpu.memory_space<vmem_shared>> -> memref<10240x1x128xbf16, #tpu.memory_space<vmem_shared>>
      tpu.enqueue_indirect_dma source(%arg10 : memref<128x1x128xbf16, #tpu.memory_space<vmem>>) target(%dma_start3A_531 : memref<10240x1x128xbf16, #tpu.memory_space<vmem_shared>>) offsets(%dma_start3A_527 : memref<128xi32, #tpu.memory_space<vmem>>) semaphore(%arg15 : memref<!tpu.dma_semaphore, #tpu.memory_space<semaphore_mem>>) {add = true}
      %dma_wait3A_532 = arith.constant 15 : i32
      %dma_wait3A_533 = arith.constant 0 : i32
      %dma_wait3A_534 = tpu.memref_slice %arg8[%dma_wait3A_532, %dma_wait3A_533] : memref<16x128xi32, #tpu.memory_space<vmem>> -> memref<1x128xi32, #tpu.memory_space<vmem>>
      %dma_wait3A_535 = tpu.memref_squeeze %dma_wait3A_534 : memref<1x128xi32, #tpu.memory_space<vmem>> -> memref<128xi32, #tpu.memory_space<vmem>>
      %dma_wait3A_536 = arith.constant 0 : i32
      %dma_wait3A_537 = arith.constant 0 : i32
      %dma_wait3A_538 = arith.constant 0 : i32
      %dma_wait3A_539 = tpu.memref_slice %arg11[%dma_wait3A_536, %dma_wait3A_537, %dma_wait3A_538] : memref<10240x1x128xbf16, #tpu.memory_space<vmem_shared>> -> memref<10240x1x128xbf16, #tpu.memory_space<vmem_shared>>
      tpu.wait_indirect_dma semaphore(%arg15 : memref<!tpu.dma_semaphore, #tpu.memory_space<semaphore_mem>>) src(%arg10 : memref<128x1x128xbf16, #tpu.memory_space<vmem>>) dst(%dma_wait3A_539 : memref<10240x1x128xbf16, #tpu.memory_space<vmem_shared>>)
      %dma_wait3A_540 = arith.constant 14 : i32
      %dma_wait3A_541 = arith.constant 0 : i32
      %dma_wait3A_542 = tpu.memref_slice %arg8[%dma_wait3A_540, %dma_wait3A_541] : memref<16x128xi32, #tpu.memory_space<vmem>> -> memref<1x128xi32, #tpu.memory_space<vmem>>
      %dma_wait3A_543 = tpu.memref_squeeze %dma_wait3A_542 : memref<1x128xi32, #tpu.memory_space<vmem>> -> memref<128xi32, #tpu.memory_space<vmem>>
      %dma_wait3A_544 = arith.constant 0 : i32
      %dma_wait3A_545 = arith.constant 0 : i32
      %dma_wait3A_546 = arith.constant 0 : i32
      %dma_wait3A_547 = tpu.memref_slice %arg11[%dma_wait3A_544, %dma_wait3A_545, %dma_wait3A_546] : memref<10240x1x128xbf16, #tpu.memory_space<vmem_shared>> -> memref<10240x1x128xbf16, #tpu.memory_space<vmem_shared>>
      tpu.wait_indirect_dma semaphore(%arg14 : memref<!tpu.dma_semaphore, #tpu.memory_space<semaphore_mem>>) src(%arg9 : memref<128x1x128xbf16, #tpu.memory_space<vmem>>) dst(%dma_wait3A_547 : memref<10240x1x128xbf16, #tpu.memory_space<vmem_shared>>)
      %scan3A_548 = arith.constant 1 : i32
    } else {
    }
    %barrier3A_25 = arith.constant 0 : index
    tpu.barrier barrier_id(%barrier3A_25)
    %mul3A_26 = arith.constant 640 : i32
    %mul3A_27 = arith.muli %arg1, %mul3A_26 : i32
    %mul3A_28 = arith.constant 640 : i32
    %mul3A_29 = arith.muli %arg1, %mul3A_28 : i32
    "tpu.region"() ({
      %run_scoped3A = tpu.sem_alloc : memref<!tpu.dma_semaphore, #tpu.memory_space<semaphore_mem>>
      %dma_start3A = arith.constant 0 : i32
      %dma_start3A_30 = arith.constant 0 : i32
      %dma_start3A_31 = tpu.memref_slice %arg6[%arg0, %mul3A_29, %dma_start3A, %dma_start3A_30] : memref<2x10240x1x128xbf16, #tpu.memory_space<hbm>> -> memref<1x640x1x128xbf16, #tpu.memory_space<hbm>>
      %dma_start3A_32 = tpu.memref_squeeze %dma_start3A_31 : memref<1x640x1x128xbf16, #tpu.memory_space<hbm>> -> memref<640x1x128xbf16, #tpu.memory_space<hbm>>
      %dma_start3A_33 = arith.constant 0 : i32
      %dma_start3A_34 = arith.constant 0 : i32
      %dma_start3A_35 = tpu.memref_slice %arg11[%mul3A_27, %dma_start3A_33, %dma_start3A_34] : memref<10240x1x128xbf16, #tpu.memory_space<vmem_shared>> -> memref<640x1x128xbf16, #tpu.memory_space<vmem_shared>>
      tpu.enqueue_dma source(%dma_start3A_35 : memref<640x1x128xbf16, #tpu.memory_space<vmem_shared>>) target(%dma_start3A_32 : memref<640x1x128xbf16, #tpu.memory_space<hbm>>) target_semaphore(%run_scoped3A : memref<!tpu.dma_semaphore, #tpu.memory_space<semaphore_mem>>)
      %dma_wait3A = arith.constant 0 : i32
      %dma_wait3A_36 = arith.constant 0 : i32
      %dma_wait3A_37 = tpu.memref_slice %arg6[%arg0, %mul3A_29, %dma_wait3A, %dma_wait3A_36] : memref<2x10240x1x128xbf16, #tpu.memory_space<hbm>> -> memref<1x640x1x128xbf16, #tpu.memory_space<hbm>>
      %dma_wait3A_38 = tpu.memref_squeeze %dma_wait3A_37 : memref<1x640x1x128xbf16, #tpu.memory_space<hbm>> -> memref<640x1x128xbf16, #tpu.memory_space<hbm>>
      %dma_wait3A_39 = arith.constant 0 : i32
      %dma_wait3A_40 = arith.constant 0 : i32
      %dma_wait3A_41 = tpu.memref_slice %arg11[%mul3A_27, %dma_wait3A_39, %dma_wait3A_40] : memref<10240x1x128xbf16, #tpu.memory_space<vmem_shared>> -> memref<640x1x128xbf16, #tpu.memory_space<vmem_shared>>
      tpu.wait_dma2 semaphore(%run_scoped3A : memref<!tpu.dma_semaphore, #tpu.memory_space<semaphore_mem>>) src(%dma_wait3A_41 : memref<640x1x128xbf16, #tpu.memory_space<vmem_shared>>) dst(%dma_wait3A_38 : memref<640x1x128xbf16, #tpu.memory_space<hbm>>)
      tpu.yield
    }) : () -> ()
    return
  }
}

module attributes {stable_mosaic.version = 14 : i64} {
  func.func @_tc1_body(%arg0: i32, %arg1: memref<1024x128xf32, #tpu.memory_space<vmem>>, %arg2: memref<128x256xf32, #tpu.memory_space<vmem>>, %arg3: memref<2x1024xf32, #tpu.memory_space<vmem>>, %arg4: memref<1024x256xbf16, #tpu.memory_space<vmem>>) attributes {dimension_semantics = [#tpu.dimension_semantics<arbitrary>], iteration_bounds = array<i64: 10>, scalar_prefetch = 0 : i64, scratch_operands = 0 : i64, tpu.core_type = #tpu.core_type<tc>, window_params = [{transform_indices = @transform_0, window_bounds = array<i64: 1024, 128>}, {pipeline_mode = #tpu.pipeline_mode<synchronous>, transform_indices = @transform_1, window_bounds = array<i64: 128, 256>}, {transform_indices = @transform_2, window_bounds = array<i64: 2, 1024>}, {transform_indices = @transform_3, window_bounds = array<i64: 1024, 256>}]} {
    %get3A = arith.constant 0 : index
    %get3A_0 = arith.constant 0 : index
    %get3A_1 = vector.load %arg3[%get3A, %get3A_0] : memref<2x1024xf32, #tpu.memory_space<vmem>>, vector<1x1024xf32>
    %get3A_2 = vector.shape_cast %get3A_1 : vector<1x1024xf32> to vector<1024xf32>
    %get3A_3 = arith.constant 1 : index
    %get3A_4 = arith.constant 0 : index
    %get3A_5 = vector.load %arg3[%get3A_3, %get3A_4] : memref<2x1024xf32, #tpu.memory_space<vmem>>, vector<1x1024xf32>
    %get3A_6 = vector.shape_cast %get3A_5 : vector<1x1024xf32> to vector<1024xf32>
    %add3A = arith.addf %get3A_2, %get3A_6 : vector<1024xf32>
    %add3A_7 = arith.constant 1.000000e+00 : f32
    %add3A_8 = vector.broadcast %add3A_7 : f32 to vector<1024xf32>
    %add3A_9 = arith.addf %add3A, %add3A_8 : vector<1024xf32>
    %max3A = arith.constant 1.000000e+00 : f32
    %max3A_10 = vector.broadcast %max3A : f32 to vector<1024xf32>
    %max3A_11 = arith.maximumf %add3A_9, %max3A_10 : vector<1024xf32>
    %rsqrt3A = math.rsqrt %max3A_11 : vector<1024xf32>
    %get3A_12 = arith.constant 0 : index
    %get3A_13 = arith.constant 0 : index
    %get3A_14 = vector.load %arg1[%get3A_12, %get3A_13] : memref<1024x128xf32, #tpu.memory_space<vmem>>, vector<1024x128xf32>
    %get3A_15 = arith.constant 0 : index
    %get3A_16 = arith.constant 0 : index
    %get3A_17 = vector.load %arg2[%get3A_15, %get3A_16] : memref<128x256xf32, #tpu.memory_space<vmem>>, vector<128x256xf32>
    %dot_general3A = arith.constant dense<0.000000e+00> : vector<1024x256xf32>
    %dot_general3A_18 = tpu.matmul %get3A_14, %get3A_17, %dot_general3A {dimension_numbers = #tpu.dot_dimension_numbers<[1], [0], [0], [1], [0, 0, 1, 1], [], []>, transpose_lhs_hint = false} : vector<1024x128xf32>, vector<128x256xf32>, vector<1024x256xf32> -> vector<1024x256xf32>
    %broadcast_in_dim3A = vector.shape_cast %rsqrt3A : vector<1024xf32> to vector<1024x1xf32>
    %mul3A = vector.broadcast %broadcast_in_dim3A : vector<1024x1xf32> to vector<1024x256xf32>
    %mul3A_19 = arith.mulf %dot_general3A_18, %mul3A : vector<1024x256xf32>
    %convert_element_type3A = arith.truncf %mul3A_19 : vector<1024x256xf32> to vector<1024x256xbf16>
    %swap3A = arith.constant 0 : index
    %swap3A_20 = arith.constant 0 : index
    %swap3A_21 = vector.load %arg4[%swap3A, %swap3A_20] : memref<1024x256xbf16, #tpu.memory_space<vmem>>, vector<1024x256xbf16>
    tpu.vector_store %arg4[%swap3A, %swap3A_20], %convert_element_type3A {strides = array<i32>} : memref<1024x256xbf16, #tpu.memory_space<vmem>>, vector<1024x256xbf16>,
    return
  }
  func.func @transform_0(%arg0: i32) -> (i32, i32) {
    %c0_i32 = arith.constant 0 : i32
    %c0_i32_0 = arith.constant 0 : i32
    return %arg0, %c0_i32 : i32, i32
  }
  func.func @transform_1(%arg0: i32) -> (i32, i32) {
    %c0_i32 = arith.constant 0 : i32
    %c0_i32_0 = arith.constant 0 : i32
    %c0_i32_1 = arith.constant 0 : i32
    return %c0_i32, %c0_i32_0 : i32, i32
  }
  func.func @transform_2(%arg0: i32) -> (i32, i32) {
    %c0_i32 = arith.constant 0 : i32
    %c0_i32_0 = arith.constant 0 : i32
    return %c0_i32, %arg0 : i32, i32
  }
  func.func @transform_3(%arg0: i32) -> (i32, i32) {
    %c0_i32 = arith.constant 0 : i32
    %c0_i32_0 = arith.constant 0 : i32
    return %arg0, %c0_i32 : i32, i32
  }
}

module attributes {stable_mosaic.version = 14 : i64} {
  func.func @_tc2_body(%arg0: i32, %arg1: memref<2x1024x2x128xbf16, #tpu.memory_space<vmem>>, %arg2: memref<1024x256xbf16, #tpu.memory_space<vmem>>, %arg3: memref<2x1024xf32, #tpu.memory_space<vmem>>, %arg4: memref<2x128xf32, #tpu.memory_space<vmem>>, %arg5: memref<2x128x128xf32, #tpu.memory_space<vmem>>, %arg6: memref<1024x128xbf16, #tpu.memory_space<vmem>>) attributes {dimension_semantics = [#tpu.dimension_semantics<arbitrary>], iteration_bounds = array<i64: 10>, scalar_prefetch = 0 : i64, scratch_operands = 0 : i64, tpu.core_type = #tpu.core_type<tc>, window_params = [{transform_indices = @transform_0, window_bounds = array<i64: 2, 1024, 2, 128>}, {transform_indices = @transform_1, window_bounds = array<i64: 1024, 256>}, {transform_indices = @transform_2, window_bounds = array<i64: 2, 1024>}, {pipeline_mode = #tpu.pipeline_mode<synchronous>, transform_indices = @transform_3, window_bounds = array<i64: 2, 128>}, {pipeline_mode = #tpu.pipeline_mode<synchronous>, transform_indices = @transform_4, window_bounds = array<i64: 2, 128, 128>}, {transform_indices = @transform_5, window_bounds = array<i64: 1024, 128>}]} {
    %get3A = arith.constant 0 : index
    %get3A_0 = arith.constant 0 : index
    %get3A_1 = vector.load %arg3[%get3A, %get3A_0] : memref<2x1024xf32, #tpu.memory_space<vmem>>, vector<1x1024xf32>
    %get3A_2 = vector.shape_cast %get3A_1 : vector<1x1024xf32> to vector<1024xf32>
    %get3A_3 = arith.constant 1 : index
    %get3A_4 = arith.constant 0 : index
    %get3A_5 = vector.load %arg3[%get3A_3, %get3A_4] : memref<2x1024xf32, #tpu.memory_space<vmem>>, vector<1x1024xf32>
    %get3A_6 = vector.shape_cast %get3A_5 : vector<1x1024xf32> to vector<1024xf32>
    %add3A = arith.addf %get3A_2, %get3A_6 : vector<1024xf32>
    %add3A_7 = arith.constant 1.000000e+00 : f32
    %add3A_8 = vector.broadcast %add3A_7 : f32 to vector<1024xf32>
    %add3A_9 = arith.addf %add3A, %add3A_8 : vector<1024xf32>
    %max3A = arith.constant 1.000000e+00 : f32
    %max3A_10 = vector.broadcast %max3A : f32 to vector<1024xf32>
    %max3A_11 = arith.maximumf %add3A_9, %max3A_10 : vector<1024xf32>
    %rsqrt3A = math.rsqrt %max3A_11 : vector<1024xf32>
    %get3A_12 = arith.constant 0 : index
    %get3A_13 = arith.constant 0 : index
    %get3A_14 = arith.constant 0 : index
    %get3A_15 = arith.constant 0 : index
    %get3A_16 = vector.load %arg1[%get3A_12, %get3A_13, %get3A_14, %get3A_15] : memref<2x1024x2x128xbf16, #tpu.memory_space<vmem>>, vector<1x1024x1x128xbf16>
    %get3A_17 = vector.shape_cast %get3A_16 : vector<1x1024x1x128xbf16> to vector<1024x128xbf16>
    %convert_element_type3A = arith.extf %get3A_17 : vector<1024x128xbf16> to vector<1024x128xf32>
    %get3A_18 = arith.constant 1 : index
    %get3A_19 = arith.constant 0 : index
    %get3A_20 = arith.constant 0 : index
    %get3A_21 = arith.constant 0 : index
    %get3A_22 = vector.load %arg1[%get3A_18, %get3A_19, %get3A_20, %get3A_21] : memref<2x1024x2x128xbf16, #tpu.memory_space<vmem>>, vector<1x1024x1x128xbf16>
    %get3A_23 = vector.shape_cast %get3A_22 : vector<1x1024x1x128xbf16> to vector<1024x128xbf16>
    %convert_element_type3A_24 = arith.extf %get3A_23 : vector<1024x128xbf16> to vector<1024x128xf32>
    %add3A_25 = arith.addf %convert_element_type3A, %convert_element_type3A_24 : vector<1024x128xf32>
    %get3A_26 = arith.constant 0 : index
    %get3A_27 = arith.constant 0 : index
    %get3A_28 = vector.load %arg2[%get3A_26, %get3A_27] : memref<1024x256xbf16, #tpu.memory_space<vmem>>, vector<1024x128xbf16>
    %convert_element_type3A_29 = arith.extf %get3A_28 : vector<1024x128xbf16> to vector<1024x128xf32>
    %add3A_30 = arith.addf %add3A_25, %convert_element_type3A_29 : vector<1024x128xf32>
    %broadcast_in_dim3A = vector.shape_cast %rsqrt3A : vector<1024xf32> to vector<1024x1xf32>
    %mul3A = vector.broadcast %broadcast_in_dim3A : vector<1024x1xf32> to vector<1024x128xf32>
    %mul3A_31 = arith.mulf %add3A_30, %mul3A : vector<1024x128xf32>
    %get3A_32 = arith.constant 0 : index
    %get3A_33 = arith.constant 0 : index
    %get3A_34 = vector.load %arg4[%get3A_32, %get3A_33] : memref<2x128xf32, #tpu.memory_space<vmem>>, vector<1x128xf32>
    %get3A_35 = vector.shape_cast %get3A_34 : vector<1x128xf32> to vector<128xf32>
    %broadcast_in_dim3A_36 = vector.shape_cast %get3A_35 : vector<128xf32> to vector<1x128xf32>
    %add3A_37 = vector.broadcast %broadcast_in_dim3A_36 : vector<1x128xf32> to vector<1024x128xf32>
    %add3A_38 = arith.addf %mul3A_31, %add3A_37 : vector<1024x128xf32>
    %max3A_39 = arith.constant 0.000000e+00 : f32
    %max3A_40 = vector.broadcast %max3A_39 : f32 to vector<1024x128xf32>
    %max3A_41 = arith.maximumf %add3A_38, %max3A_40 : vector<1024x128xf32>
    %get3A_42 = arith.constant 0 : index
    %get3A_43 = arith.constant 0 : index
    %get3A_44 = arith.constant 0 : index
    %get3A_45 = vector.load %arg5[%get3A_42, %get3A_43, %get3A_44] : memref<2x128x128xf32, #tpu.memory_space<vmem>>, vector<1x128x128xf32>
    %get3A_46 = vector.shape_cast %get3A_45 : vector<1x128x128xf32> to vector<128x128xf32>
    %dot_general3A = arith.constant dense<0.000000e+00> : vector<1024x128xf32>
    %dot_general3A_47 = tpu.matmul %max3A_41, %get3A_46, %dot_general3A {dimension_numbers = #tpu.dot_dimension_numbers<[1], [0], [0], [1], [0, 0, 1, 1], [], []>, transpose_lhs_hint = false} : vector<1024x128xf32>, vector<128x128xf32>, vector<1024x128xf32> -> vector<1024x128xf32>
    %get3A_48 = arith.constant 0 : index
    %get3A_49 = arith.constant 0 : index
    %get3A_50 = arith.constant 1 : index
    %get3A_51 = arith.constant 0 : index
    %get3A_52 = vector.load %arg1[%get3A_48, %get3A_49, %get3A_50, %get3A_51] : memref<2x1024x2x128xbf16, #tpu.memory_space<vmem>>, vector<1x1024x1x128xbf16>
    %get3A_53 = vector.shape_cast %get3A_52 : vector<1x1024x1x128xbf16> to vector<1024x128xbf16>
    %convert_element_type3A_54 = arith.extf %get3A_53 : vector<1024x128xbf16> to vector<1024x128xf32>
    %get3A_55 = arith.constant 1 : index
    %get3A_56 = arith.constant 0 : index
    %get3A_57 = arith.constant 1 : index
    %get3A_58 = arith.constant 0 : index
    %get3A_59 = vector.load %arg1[%get3A_55, %get3A_56, %get3A_57, %get3A_58] : memref<2x1024x2x128xbf16, #tpu.memory_space<vmem>>, vector<1x1024x1x128xbf16>
    %get3A_60 = vector.shape_cast %get3A_59 : vector<1x1024x1x128xbf16> to vector<1024x128xbf16>
    %convert_element_type3A_61 = arith.extf %get3A_60 : vector<1024x128xbf16> to vector<1024x128xf32>
    %add3A_62 = arith.addf %convert_element_type3A_54, %convert_element_type3A_61 : vector<1024x128xf32>
    %get3A_63 = arith.constant 0 : index
    %get3A_64 = arith.constant 128 : index
    %get3A_65 = vector.load %arg2[%get3A_63, %get3A_64] : memref<1024x256xbf16, #tpu.memory_space<vmem>>, vector<1024x128xbf16>
    %convert_element_type3A_66 = arith.extf %get3A_65 : vector<1024x128xbf16> to vector<1024x128xf32>
    %add3A_67 = arith.addf %add3A_62, %convert_element_type3A_66 : vector<1024x128xf32>
    %broadcast_in_dim3A_68 = vector.shape_cast %rsqrt3A : vector<1024xf32> to vector<1024x1xf32>
    %mul3A_69 = vector.broadcast %broadcast_in_dim3A_68 : vector<1024x1xf32> to vector<1024x128xf32>
    %mul3A_70 = arith.mulf %add3A_67, %mul3A_69 : vector<1024x128xf32>
    %get3A_71 = arith.constant 1 : index
    %get3A_72 = arith.constant 0 : index
    %get3A_73 = vector.load %arg4[%get3A_71, %get3A_72] : memref<2x128xf32, #tpu.memory_space<vmem>>, vector<1x128xf32>
    %get3A_74 = vector.shape_cast %get3A_73 : vector<1x128xf32> to vector<128xf32>
    %broadcast_in_dim3A_75 = vector.shape_cast %get3A_74 : vector<128xf32> to vector<1x128xf32>
    %add3A_76 = vector.broadcast %broadcast_in_dim3A_75 : vector<1x128xf32> to vector<1024x128xf32>
    %add3A_77 = arith.addf %mul3A_70, %add3A_76 : vector<1024x128xf32>
    %max3A_78 = arith.constant 0.000000e+00 : f32
    %max3A_79 = vector.broadcast %max3A_78 : f32 to vector<1024x128xf32>
    %max3A_80 = arith.maximumf %add3A_77, %max3A_79 : vector<1024x128xf32>
    %get3A_81 = arith.constant 1 : index
    %get3A_82 = arith.constant 0 : index
    %get3A_83 = arith.constant 0 : index
    %get3A_84 = vector.load %arg5[%get3A_81, %get3A_82, %get3A_83] : memref<2x128x128xf32, #tpu.memory_space<vmem>>, vector<1x128x128xf32>
    %get3A_85 = vector.shape_cast %get3A_84 : vector<1x128x128xf32> to vector<128x128xf32>
    %dot_general3A_86 = arith.constant dense<0.000000e+00> : vector<1024x128xf32>
    %dot_general3A_87 = tpu.matmul %max3A_80, %get3A_85, %dot_general3A_86 {dimension_numbers = #tpu.dot_dimension_numbers<[1], [0], [0], [1], [0, 0, 1, 1], [], []>, transpose_lhs_hint = false} : vector<1024x128xf32>, vector<128x128xf32>, vector<1024x128xf32> -> vector<1024x128xf32>
    %add3A_88 = arith.addf %dot_general3A_47, %dot_general3A_87 : vector<1024x128xf32>
    %broadcast_in_dim3A_89 = vector.shape_cast %rsqrt3A : vector<1024xf32> to vector<1024x1xf32>
    %mul3A_90 = vector.broadcast %broadcast_in_dim3A_89 : vector<1024x1xf32> to vector<1024x128xf32>
    %mul3A_91 = arith.mulf %add3A_88, %mul3A_90 : vector<1024x128xf32>
    %convert_element_type3A_92 = arith.truncf %mul3A_91 : vector<1024x128xf32> to vector<1024x128xbf16>
    %swap3A = arith.constant 0 : index
    %swap3A_93 = arith.constant 0 : index
    %swap3A_94 = vector.load %arg6[%swap3A, %swap3A_93] : memref<1024x128xbf16, #tpu.memory_space<vmem>>, vector<1024x128xbf16>
    tpu.vector_store %arg6[%swap3A, %swap3A_93], %convert_element_type3A_92 {strides = array<i32>} : memref<1024x128xbf16, #tpu.memory_space<vmem>>, vector<1024x128xbf16>,
    return
  }
  func.func @transform_0(%arg0: i32) -> (i32, i32, i32, i32) {
    %c0_i32 = arith.constant 0 : i32
    %c0_i32_0 = arith.constant 0 : i32
    %c0_i32_1 = arith.constant 0 : i32
    %c0_i32_2 = arith.constant 0 : i32
    return %c0_i32, %arg0, %c0_i32_0, %c0_i32_1 : i32, i32, i32, i32
  }
  func.func @transform_1(%arg0: i32) -> (i32, i32) {
    %c0_i32 = arith.constant 0 : i32
    %c0_i32_0 = arith.constant 0 : i32
    return %arg0, %c0_i32 : i32, i32
  }
  func.func @transform_2(%arg0: i32) -> (i32, i32) {
    %c0_i32 = arith.constant 0 : i32
    %c0_i32_0 = arith.constant 0 : i32
    return %c0_i32, %arg0 : i32, i32
  }
  func.func @transform_3(%arg0: i32) -> (i32, i32) {
    %c0_i32 = arith.constant 0 : i32
    %c0_i32_0 = arith.constant 0 : i32
    %c0_i32_1 = arith.constant 0 : i32
    return %c0_i32, %c0_i32_0 : i32, i32
  }
  func.func @transform_4(%arg0: i32) -> (i32, i32, i32) {
    %c0_i32 = arith.constant 0 : i32
    %c0_i32_0 = arith.constant 0 : i32
    %c0_i32_1 = arith.constant 0 : i32
    %c0_i32_2 = arith.constant 0 : i32
    return %c0_i32, %c0_i32_0, %c0_i32_1 : i32, i32, i32
  }
  func.func @transform_5(%arg0: i32) -> (i32, i32) {
    %c0_i32 = arith.constant 0 : i32
    %c0_i32_0 = arith.constant 0 : i32
    return %arg0, %c0_i32 : i32, i32
  }
}

module attributes {stable_mosaic.version = 14 : i64} {
  func.func @_tc3_body(%arg0: i32, %arg1: memref<2x1024x1x128xbf16, #tpu.memory_space<vmem>>, %arg2: memref<1024x128xbf16, #tpu.memory_space<vmem>>, %arg3: memref<2x1024xf32, #tpu.memory_space<vmem>>, %arg4: memref<1x128xf32, #tpu.memory_space<vmem>>, %arg5: memref<1024x128xf32, #tpu.memory_space<vmem>>) attributes {dimension_semantics = [#tpu.dimension_semantics<arbitrary>], iteration_bounds = array<i64: 10>, scalar_prefetch = 0 : i64, scratch_operands = 0 : i64, tpu.core_type = #tpu.core_type<tc>, window_params = [{transform_indices = @transform_0, window_bounds = array<i64: 2, 1024, 1, 128>}, {transform_indices = @transform_1, window_bounds = array<i64: 1024, 128>}, {transform_indices = @transform_2, window_bounds = array<i64: 2, 1024>}, {pipeline_mode = #tpu.pipeline_mode<synchronous>, transform_indices = @transform_3, window_bounds = array<i64: 1, 128>}, {transform_indices = @transform_4, window_bounds = array<i64: 1024, 128>}]} {
    %get3A = arith.constant 0 : index
    %get3A_0 = arith.constant 0 : index
    %get3A_1 = vector.load %arg3[%get3A, %get3A_0] : memref<2x1024xf32, #tpu.memory_space<vmem>>, vector<1x1024xf32>
    %get3A_2 = vector.shape_cast %get3A_1 : vector<1x1024xf32> to vector<1024xf32>
    %get3A_3 = arith.constant 1 : index
    %get3A_4 = arith.constant 0 : index
    %get3A_5 = vector.load %arg3[%get3A_3, %get3A_4] : memref<2x1024xf32, #tpu.memory_space<vmem>>, vector<1x1024xf32>
    %get3A_6 = vector.shape_cast %get3A_5 : vector<1x1024xf32> to vector<1024xf32>
    %add3A = arith.addf %get3A_2, %get3A_6 : vector<1024xf32>
    %add3A_7 = arith.constant 1.000000e+00 : f32
    %add3A_8 = vector.broadcast %add3A_7 : f32 to vector<1024xf32>
    %add3A_9 = arith.addf %add3A, %add3A_8 : vector<1024xf32>
    %max3A = arith.constant 1.000000e+00 : f32
    %max3A_10 = vector.broadcast %max3A : f32 to vector<1024xf32>
    %max3A_11 = arith.maximumf %add3A_9, %max3A_10 : vector<1024xf32>
    %rsqrt3A = math.rsqrt %max3A_11 : vector<1024xf32>
    %get3A_12 = arith.constant 0 : index
    %get3A_13 = arith.constant 0 : index
    %get3A_14 = arith.constant 0 : index
    %get3A_15 = arith.constant 0 : index
    %get3A_16 = vector.load %arg1[%get3A_12, %get3A_13, %get3A_14, %get3A_15] : memref<2x1024x1x128xbf16, #tpu.memory_space<vmem>>, vector<1x1024x1x128xbf16>
    %get3A_17 = vector.shape_cast %get3A_16 : vector<1x1024x1x128xbf16> to vector<1024x128xbf16>
    %convert_element_type3A = arith.extf %get3A_17 : vector<1024x128xbf16> to vector<1024x128xf32>
    %get3A_18 = arith.constant 1 : index
    %get3A_19 = arith.constant 0 : index
    %get3A_20 = arith.constant 0 : index
    %get3A_21 = arith.constant 0 : index
    %get3A_22 = vector.load %arg1[%get3A_18, %get3A_19, %get3A_20, %get3A_21] : memref<2x1024x1x128xbf16, #tpu.memory_space<vmem>>, vector<1x1024x1x128xbf16>
    %get3A_23 = vector.shape_cast %get3A_22 : vector<1x1024x1x128xbf16> to vector<1024x128xbf16>
    %convert_element_type3A_24 = arith.extf %get3A_23 : vector<1024x128xbf16> to vector<1024x128xf32>
    %add3A_25 = arith.addf %convert_element_type3A, %convert_element_type3A_24 : vector<1024x128xf32>
    %get3A_26 = arith.constant 0 : index
    %get3A_27 = arith.constant 0 : index
    %get3A_28 = vector.load %arg2[%get3A_26, %get3A_27] : memref<1024x128xbf16, #tpu.memory_space<vmem>>, vector<1024x128xbf16>
    %convert_element_type3A_29 = arith.extf %get3A_28 : vector<1024x128xbf16> to vector<1024x128xf32>
    %add3A_30 = arith.addf %add3A_25, %convert_element_type3A_29 : vector<1024x128xf32>
    %broadcast_in_dim3A = vector.shape_cast %rsqrt3A : vector<1024xf32> to vector<1024x1xf32>
    %mul3A = vector.broadcast %broadcast_in_dim3A : vector<1024x1xf32> to vector<1024x128xf32>
    %mul3A_31 = arith.mulf %add3A_30, %mul3A : vector<1024x128xf32>
    %get3A_32 = arith.constant 0 : index
    %get3A_33 = arith.constant 0 : index
    %get3A_34 = vector.load %arg4[%get3A_32, %get3A_33] : memref<1x128xf32, #tpu.memory_space<vmem>>, vector<1x128xf32>
    %get3A_35 = vector.shape_cast %get3A_34 : vector<1x128xf32> to vector<128xf32>
    %broadcast_in_dim3A_36 = vector.shape_cast %get3A_35 : vector<128xf32> to vector<1x128xf32>
    %add3A_37 = vector.broadcast %broadcast_in_dim3A_36 : vector<1x128xf32> to vector<1024x128xf32>
    %add3A_38 = arith.addf %mul3A_31, %add3A_37 : vector<1024x128xf32>
    %swap3A = arith.constant 0 : index
    %swap3A_39 = arith.constant 0 : index
    %swap3A_40 = vector.load %arg5[%swap3A, %swap3A_39] : memref<1024x128xf32, #tpu.memory_space<vmem>>, vector<1024x128xf32>
    tpu.vector_store %arg5[%swap3A, %swap3A_39], %add3A_38 {strides = array<i32>} : memref<1024x128xf32, #tpu.memory_space<vmem>>, vector<1024x128xf32>,
    return
  }
  func.func @transform_0(%arg0: i32) -> (i32, i32, i32, i32) {
    %c0_i32 = arith.constant 0 : i32
    %c0_i32_0 = arith.constant 0 : i32
    %c0_i32_1 = arith.constant 0 : i32
    %c0_i32_2 = arith.constant 0 : i32
    return %c0_i32, %arg0, %c0_i32_0, %c0_i32_1 : i32, i32, i32, i32
  }
  func.func @transform_1(%arg0: i32) -> (i32, i32) {
    %c0_i32 = arith.constant 0 : i32
    %c0_i32_0 = arith.constant 0 : i32
    return %arg0, %c0_i32 : i32, i32
  }
  func.func @transform_2(%arg0: i32) -> (i32, i32) {
    %c0_i32 = arith.constant 0 : i32
    %c0_i32_0 = arith.constant 0 : i32
    return %c0_i32, %arg0 : i32, i32
  }
  func.func @transform_3(%arg0: i32) -> (i32, i32) {
    %c0_i32 = arith.constant 0 : i32
    %c0_i32_0 = arith.constant 0 : i32
    %c0_i32_1 = arith.constant 0 : i32
    return %c0_i32, %c0_i32_0 : i32, i32
  }
  func.func @transform_4(%arg0: i32) -> (i32, i32) {
    %c0_i32 = arith.constant 0 : i32
    %c0_i32_0 = arith.constant 0 : i32
    return %arg0, %c0_i32 : i32, i32
  }
}

</mosaic_0001>

<sc_bundles>
// kernel: kernel.11.cloned.1.call-start
scs
__scs_entry_jumppad:
0x0: {  	(pc) =	sbr.rel $0x88, $3  }
0x1: {  	(tag) =	ssettag $0x0;
	lr =	simm.s32 $0x1  }
0x2: {  	[smem:$0x3F9B] =	sst lr;
	_ =	strace $0xD0000000  }
0x3: {  	_ = 	snop  }
0x4: {  	_ = 	snop  }
0x5: {  	_ = 	snop  }
0x6: {  	_ = 	snop  }
0x7: {  	_ = 	snop  }
__scs_overlays_trampoline_lowered:
0x8: {  	[smem:$0x3FAA] =	sst s0  }
0x9: {  	[smem:$0x3FAB] =	sst s1  }
0xa: {  	[smem:$0x3FAC] =	sst s2  }
0xb: {  	[smem:$0x3FAD] =	sst s3  }
0xc: {  	[smem:$0x3FAE] =	sst s4  }
0xd: {  	[smem:$0x3FAF] =	sst s5  }
0xe: {  	[smem:$0x3FB0] =	sst s6  }
0xf: {  	[smem:$0x3FB1] =	sst s7  }
0x10: {  	[smem:$0x3FB2] =	sst s8  }
0x11: {  	[smem:$0x3FB3] =	sst s9;
	s0 =	simm.s32 @!p0 $0x0  }
0x12: {  	s1 =	sld [smem:$0x3F99];
	s0 =	simm.s32 @p0 $0x1  }
0x13: {  	[smem:$0x3FB4] =	sst s0;
	s0 =	simm.s32 @!p1 $0x0  }
0x14: {  	s2 =	sld [smem:$0x3F98];
	s0 =	simm.s32 @p1 $0x1  }
0x15: {  	[smem:$0x3FB5] =	sst s0;
	s0 =	simm.s32 @!p2 $0x0  }
0x16: {  	s3 =	sld [smem:$0x3FDB];
	s0 =	simm.s32 @p2 $0x1  }
0x17: {  	s4 =	simm.s32 $0x1BF5;
	[smem:$0x3FB7] =	sst s0  }
0x18: {  	s0 =	sld [smem:$0x3F9A];
	_ =	swait.ge [sflag:s4], $0x0  }
0x19: {  	s7 =	sld [smem:$0x3F9B]  }
0x1a: {  	s8 =	sadd.s32 $0xFFFFE003, lr  }
0x1b: {  	s9 =	sadd.s32 $0xFFFFFEF7, lr;
	s5 =	simm.s32 $0xFFFFFFFF;
	p2 =	slt.u32 s8, $0xFFFFF086  }
0x1c: {  	p1 =	slt.u32 s9, $0xF7A;
	s5 =	simm.s32 @!p2 $0x0  }
0x1d: {  	s5 =	simm.s32 @p1 $0x1;
	p0 =	seq.s32 s7, s2  }
0x1e: {  	s7 =	smul.u32 @!p0 $0xF7A, s2;
	p2 =	seq.s32 @!p0 s5, $0x0  }
0x1f: {  	s9 =	smul.u32 $0xF7A, s1;
	s8 =	simm.s32 @!p0 $0x1BF5;
	p2 =	por !p2, p0  }
0x20: {  	[sflag:s8] =	ssyncset.s32 @!p0 $0xFFFFF086;
	s6 =	sadd.s32 @!p0 s3, s7;
	s7 =	simm.s32 @!p0 $0x108  }
0x21: {  	s3 =	sadd.s32 s3, s9;
	s6 =	sadd.s32 @!p0 $0x88, s6;
	s7 =	simm.s32 @p2 $0x1082  }
0x22: {  	[simem:s7], [sflag:s8] =	dma.local @!p0 [hbm:s6], $0xF7A  }
0x23: {  	s9 =	sor.u32 $0xD0000000, s2;
	s6 =	simm.s32 $0x108;
	_ =	swait.ge @!p0 [sflag:s8], $0x0  }
0x24: {  	s3 =	sadd.s32 $0x88, s3;
	s6 =	simm.s32 @!p1 $0x1082;
	[sflag:s4] =	ssyncset.s32 $0xFFFFF086  }
0x25: {  	[simem:s6], [sflag:s4] =	dma.local [hbm:s3], $0xF7A  }
0x26: {  	[smem:$0x3F9B] =	sst s1;
	(tag) =	ssettag s2;
	_ =	strace s9  }
0x27: {  	s1 =	sld [smem:$0x3FAB]  }
0x28: {  	s2 =	sld [smem:$0x3FAC]  }
0x29: {  	s4 =	sld [smem:$0x3FAE]  }
0x2a: {  	p0 =	seq.s32 s5, $0x0;
	s5 =	sld [smem:$0x3FAF]  }
0x2b: {  	s6 =	sld [smem:$0x3FB0]  }
0x2c: {  	s7 =	sld [smem:$0x3FB1]  }
0x2d: {  	s3 =	simm.s32 $0x108;
	s8 =	sld [smem:$0x3FB2]  }
0x2e: {  	s3 =	simm.s32 @!p0 $0x1082;
	s9 =	sld [smem:$0x3FB3]  }
0x2f: {  	lr =	sadd.s32 s0, s3;
	s0 =	sld [smem:$0x3FAA]  }
0x30: {  	s3 =	sld [smem:$0x3FAD]  }
0x31: {  	[smem:$0x3FB6] =	sst s10  }
0x32: {  	s10 =	sld [smem:$0x3FB4];
	_ =	sdelay $0x3  }
0x33: {  	p0 =	seq.s32 s10, $0x1;
	s10 =	sld [smem:$0x3FB6];
	_ =	sdelay $0x3  }
0x34: {  	[smem:$0x3FB6] =	sst s10  }
0x35: {  	s10 =	sld [smem:$0x3FB5];
	_ =	sdelay $0x3  }
0x36: {  	p1 =	seq.s32 s10, $0x1;
	s10 =	sld [smem:$0x3FB6];
	_ =	sdelay $0x3  }
0x37: {  	[smem:$0x3FB6] =	sst s10  }
0x38: {  	s10 =	sld [smem:$0x3FB7]  }
0x39: {  	_ = 	snop;
	(pc) =	sbr.ind lr, $3  }
0x3a: {  	_ = 	snop  }
0x3b: {  	_ = 	snop  }
0x3c: {  	p2 =	seq.s32 s10, $0x1;
	s10 =	sld [smem:$0x3FB6]  }
0x3d: {  	_ =	shalt  }
0x3e: {  	_ =	shalt  }
0x3f: {  	_ =	shalt  }
0x40: {  	_ =	shalt  }
0x41: {  	_ =	shalt  }
0x42: {  	_ =	shalt  }
0x43: {  	_ =	shalt  }
0x44: {  	_ =	shalt  }
0x45: {  	_ =	shalt  }
0x46: {  	_ =	shalt  }
0x47: {  	_ =	shalt  }
0x48: {  	_ =	shalt  }
0x49: {  	_ =	shalt  }
0x4a: {  	_ =	shalt  }
0x4b: {  	_ =	shalt  }
0x4c: {  	_ =	shalt  }
0x4d: {  	_ =	shalt  }
0x4e: {  	_ =	shalt  }
0x4f: {  	_ =	shalt  }
0x50: {  	_ =	shalt  }
0x51: {  	_ =	shalt  }
0x52: {  	_ =	shalt  }
0x53: {  	_ =	shalt  }
0x54: {  	_ =	shalt  }
0x55: {  	_ =	shalt  }
0x56: {  	_ =	shalt  }
0x57: {  	_ =	shalt  }
0x58: {  	_ =	shalt  }
0x59: {  	_ =	shalt  }
0x5a: {  	_ =	shalt  }
0x5b: {  	_ =	shalt  }
0x5c: {  	_ =	shalt  }
0x5d: {  	_ =	shalt  }
0x5e: {  	_ =	shalt  }
0x5f: {  	_ =	shalt  }
0x60: {  	_ =	shalt  }
0x61: {  	_ =	shalt  }
0x62: {  	_ =	shalt  }
0x63: {  	_ =	shalt  }
0x64: {  	_ =	shalt  }
0x65: {  	_ =	shalt  }
0x66: {  	_ =	shalt  }
0x67: {  	_ =	shalt  }
0x68: {  	_ =	shalt  }
0x69: {  	_ =	shalt  }
0x6a: {  	_ =	shalt  }
0x6b: {  	_ =	shalt  }
0x6c: {  	_ =	shalt  }
0x6d: {  	_ =	shalt  }
0x6e: {  	_ =	shalt  }
0x6f: {  	_ =	shalt  }
0x70: {  	_ =	shalt  }
0x71: {  	_ =	shalt  }
0x72: {  	_ =	shalt  }
0x73: {  	_ =	shalt  }
0x74: {  	_ =	shalt  }
0x75: {  	_ =	shalt  }
0x76: {  	_ =	shalt  }
0x77: {  	_ =	shalt  }
0x78: {  	_ =	shalt  }
0x79: {  	_ =	shalt  }
0x7a: {  	_ =	shalt  }
0x7b: {  	_ =	shalt  }
0x7c: {  	_ =	shalt  }
0x7d: {  	_ =	shalt  }
0x7e: {  	_ =	shalt  }
0x7f: {  	_ =	shalt  }
0x80: {  	_ =	shalt  }
0x81: {  	_ =	shalt  }
0x82: {  	_ =	shalt  }
0x83: {  	_ =	shalt  }
0x84: {  	_ =	shalt  }
0x85: {  	_ =	shalt  }
0x86: {  	_ =	shalt  }
0x87: {  	_ =	shalt  }
.Lfunc_end0:
.L_simem_size_0:
called_computation.1_lowered:
.L_overlay_start_0:
0x88: {  	s2 =	sld [smem:$0x3FD9]  }
0x89: {  	s3 =	sld [smem:$0x3FFE];
	_ =	sdelay $0x1  }
0x8a: {  	s1 =	srdreg.scid  }
0x8b: {  	s0 =	sand.u32 $0x1, s1  }
0x8c: {  	s16 =	sshll.u32 s0, $0xA;
	s2 =	sadd.s32 s3, s2  }
0x8d: {  	s2 =	sadd.s32 s2, s16  }
0x8e: {  	[smem:$0x3FC2] =	sst s2  }
0x8f: {  	_ = 	snop  }
0x90: {  	(tm) =	ssettm $0x1  }
0x91: {  	s17 =	sld [smem:$0x3FFB];
	_ =	sdelay $0x3  }
0x92: {  	_ =	strace s17  }
0x93: {  	s2 =	sld [smem:$0x3FFC];
	_ =	sdelay $0x3  }
0x94: {  	_ =	strace s2  }
0x95: {  	s2 =	sld [smem:$0x3FFD];
	_ =	sdelay $0x3  }
0x96: {  	_ =	strace s2  }
0x97: {  	_ =	strace $0x8FFFFFFF  }
0x98: {  	s18 =	sld [smem:$0x3FDB];
	_ =	sdelay $0x1  }
0x99: {  	s19 =	simm.s32 $_scs_section_size  }
0x9a: {  	s4 =	simm.s32 $_size__tile_overlayer_lowered;
	s5 =	simm.s32 $_tile_overlayer_lowered  }
0x9b: {  	s22 =	simm.s32 $0x1BFF;
	s21 =	sshll.u32 s5, $0x1;
	s2 =	sadd.s32 s19, s18  }
0x9c: {  	s6 =	simm.s32 $0x0;
	s20 =	sshll.u32 s4, $0x1;
	s4 =	sadd.s32 s21, s2  }
0x9d: {  	[timem:s6], [sflag:s22] =	dma.local [hbm:s4], s20  }
0x9e: {  	_ =	swait.ge [sflag:s22], s20  }
0x9f: {  	s3 =	ssub.s32 $0x0, s20;
	[sflag:s22] =	ssyncset.done $0x0  }
0xa0: {  	[sflag:s22] =	ssyncadd.s32 s3;
	_ =	sdelay $0x1  }
0xa1: {  	s23 =	simm.s32 $0x1B8B  }
0xa2: {  	_ =	swait.ge [sflag:s23], $0x1  }
0xa3: {  	[sflag:s23] =	ssyncset.done $0x0  }
0xa4: {  	s25 =	simm.s32 $0x1B8E;
	s24 =	sld [smem:$0x3FFE];
	[sflag:s23] =	ssyncadd.s32 $0xFFFFFFFF  }
0xa5: {  	s26 =	simm.s32 $execute0_lowered;
	[smem:$0x3FD2] =	sst s25  }
0xa6: {  	s4 =	sshll.u32 s26, $0x1;
	_ =	strace $0x80000049;
	[dreg:$0x1] =	wrdreg $0xFFFFFFFF  }
0xa7: {  	s28 =	simm.s32 $_size_execute0_lowered;
	s2 =	sadd.s32 s2, s4;
	[dreg:$0x0] =	wrdreg $0x0  }
0xa8: {  	s4 =	sshll.u32 s28, $0x1;
	[dreg:$0x2] =	wrdreg s2  }
0xa9: {  	[dreg:$0x3] =	wrdreg s4  }
0xaa: {  	[dreg:$0x4] =	wrdreg $0xC0  }
0xab: {  	_ =	task [dreg:s6], $0x5FFFF  }
0xac: {  	[dreg:$0x1] =	wrdreg $0xFFFFFFFF  }
0xad: {  	[dreg:$0x0] =	wrdreg $0x60  }
0xae: {  	[dreg:$0x2] =	wrdreg s24  }
0xaf: {  	[dreg:$0x3] =	wrdreg $0x90000  }
0xb0: {  	[dreg:$0x4] =	wrdreg $0x9  }
0xb1: {  	_ =	task.clear_ibuf [dreg:s6], $0x5FFFF;
	_ =	strace $0x90000049  }
0xb2: {  	s29 =	simm.s32 $0x9;
	_ =	strace $0x8000004B  }
0xb3: {  	_ =	swait.ge [sflag:s29], $0x1  }
0xb4: {  	[sflag:s29] =	ssyncadd.s32 $0xFFFFFFFF  }
0xb5: {  	_ =	strace $0x9000004B  }
0xb6: {  	_ =	sfence  }
0xb7: {  	s30 =	sld [smem:$0x0];
	_ =	sdelay $0x2  }
0xb8: {  	s31 =	sshll.u32 s1, $0xD;
	s1 =	sshrl.u32 s1, $0x2  }
0xb9: {  	s3 =	sand.u32 $0x4000, s31;
	s1 =	sadd.s32 s1, s30  }
0xba: {  	s0 =	sor.u32 s3, s0;
	s1 =	sshll.u32 s1, $0x11  }
0xbb: {  	s0 =	sor.u32 s1, s0  }
0xbc: {  	s0 =	sadd.s32 $0x8F2B, s0  }
0xbd: {  	[sflag:s0] =	ssyncadd.remote.s32 $0x1  }
0xbe: {  	_ =	sfence.sel $0xFFFF  }
0xbf: {  	[dreg:$0x0] =	wrdreg $0xFFFFFFFF;
	(pc) =	sbr.abs _section_cstart, $3  }
0xc0: {  	[dreg:$0x1] =	wrdreg $0xFFFFFFFF  }
0xc1: {  	_ =	task.clear_ibuf [dreg:s6], $0x2FFFF;
	_ =	strace $0x9FFFFFFF  }
0xc2: {  	(tm) =	ssettm $0x7FFFFFFF  }
0xc3: {  	_ =	shalt  }
tec
execute0_lowered:
.L_overlay_start_1:
0x0: {  	(tag) =	ssettag $0x1  }
0x1: {  	s0 =	rddreg [dreg:$0x0]  }
0x2: {  	s2 =	rddreg [dreg:$0x1]  }
0x3: {  	s1 =	srdreg.scid;
	s14 =	stileid.u32;
	s3 =	simm.s32 $0x0  }
0x4: {  	s28 =	simm.s32 $0xA80;
	s29 =	simm.s32 $0x380;
	s30 =	simm.s32 $0xB00  }
0x5: {  	s31 =	simm.s32 $0x500;
	s1 =	sand.u32 $0x1, s1;
	s5 =	smul.u32 $0x28000, s14  }
0x6: {  	[smem:$0x7FF] =	sst s3;
	s4 =	sadd.s32 $0x15E00, s0;
	s7 =	sadd.s32 $0x15600, s0  }
0x7: {  	s25 =	sadd.s32 $0xB600, s0;
	s10 =	smul.u32 $0x50000, s14;
	s11 =	sadd.s32 $0x1400, s0  }
0x8: {  	s12 =	sshll.u32 s14, $0x6;
	s6 =	smul.u32 $0x280000, s1;
	_ =	strace $0x8000004A  }
0x9: {  	[dreg:$0x5] =	wrdreg s7;
	s8 =	ssub.s32 $0x2, s1;
	s15 =	sor.u32 $0x1C05, s12  }
0xa: {  	s12 =	sshll.u32 s14, $0x8;
	s14 =	smul.u32 $0x900, s14;
	p0 =	seq.s32 s1, $0x1  }
0xb: {  	s1 =	simm.s32 $0xB80;
	s7 =	simm.s32 $0x480;
	s9 =	sshrl.u32 s8, $0x1  }
0xc: {  	s13 =	sshrl.u32 s10, $0x2;
	s12 =	sor.u32 $0x9000, s12;
	s10 =	smov.u32 s15  }
0xd: {  	s15 =	simm.s32 $0x180;
	s6 =	sadd.s32 s5, s6;
	s26 =	ssub.s32 s8, s9  }
0xe: {  	s5 =	sshrl.u32 s5, $0x1;
	s16 =	sadd.s32 s13, s2;
	s18 =	sadd.s32 s11, s12  }
0xf: {  	s19 =	sadd.s32 s25, s12;
	s20 =	sadd.s32 s14, s25;
	s22 =	sadd.s32 s14, s11  }
0x10: {  	s12 =	simm.s32 $0x5;
	s11 =	simm.s32 $0x900;
	[dreg:$0x6] =	wrdreg s10  }
0x11: {  	s6 =	sshrl.u32 s6, $0x4;
	s5 =	sadd.s32 s5, s2;
	[dreg:$0x7] =	wrdreg s18  }
0x12: {  	s9 =	sadd.s32 $0x4000, s16;
	s17 =	sadd.s32 $0x8000, s16;
	[dreg:$0x8] =	wrdreg s19  }
0x13: {  	s13 =	sadd.s32 $0xC000, s16;
	s8 =	sadd.s32 $0x10000, s16;
	[dreg:$0x3] =	wrdreg s20  }
0x14: {  	s21 =	smax.u32 s26, $0x1;
	[dreg:$0x4] =	wrdreg s22;
	s18 =	simm.s32 $0x80  }
0x15: {  	s19 =	simm.s32 $0x1000;
	s20 =	simm.s32 $0x1;
	s22 =	simm.s32 $0x2  }
0x16: {  	s16 =	simm.s32 $0x280;
	s0 =	sadd.s32 s6, s0;
	[dreg:$0xa] =	wrdreg s21  }
0x17: {  	s14 =	sshrl.u32 s5, $0x3;
	s23 =	sshrl.u32 s9, $0x3;
	s24 =	sshrl.u32 s17, $0x3  }
0x18: {  	s25 =	sshrl.u32 s13, $0x3;
	s26 =	sshrl.u32 s8, $0x3;
	s17 =	simm.s32 $0x800  }
0x19: {  	s21 =	simm.s32 $0x5000;
	s5 =	simm.s32 $0x200;
	[dreg:$0xc] =	wrdreg s23  }
.Ltmp0:
0x1a: {  	s6 =	simm.s32 $0x980;
	[dreg:$0xd] =	wrdreg s24;
	(pc) =	sbr.rel .LBB2_1-.Ltmp0, $4  }
0x1b: {  	s8 =	simm.s32 $0xC00;
	s13 =	simm.s32 $0x0;
	[dreg:$0xe] =	wrdreg s25  }
0x1c: {  	s0 =	sadd.s32 $0x3DE00, s0;
	[dreg:$0xf] =	wrdreg s26;
	s23 =	simm.s32 $0x3  }
0x1d: {  	s26 =	simm.s32 $0x4;
	s24 =	simm.s32 $0xA00;
	[dreg:$0xb] =	wrdreg s14  }
0x1e: {  	s25 =	simm.s32 $0x300;
	[dreg:$0x9] =	wrdreg s0;
	s0 =	simm.s32 $0x400  }
.LBB2_5:
0x1f: {  	s9 =	rddreg [dreg:$0x7]  }
0x20: {  	[tilespmem:s17], [sflag:$0x5] =	stream.linear.gather [hbm4b:s9+s3], $0x800, $0x38;
	[tilespmem:$0x1D000] =	vst v63  }
0x21: {  	_ =	swait.ge [sflag:s12], $0x800  }
0x22: {  	[sflag:s12] =	ssyncset.done $0x0  }
0x23: {  	s13 =	rddreg [dreg:$0x8];
	[sflag:s12] =	ssyncadd.s32 $0xFFFFF800  }
0x24: {  	[tilespmem:s3], [sflag:$0x5] =	stream.linear.gather [hbm4b:s13+s3], $0x800, $0x38;
	[tilespmem:$0x1D000] =	vst v63  }
0x25: {  	_ =	swait.ge [sflag:s12], $0x800  }
0x26: {  	[sflag:s12] =	ssyncset.done $0x0  }
0x27: {  	[sflag:s12] =	ssyncadd.s32 $0xFFFFF800  }
0x28: {  	[tilespmem:s19], [sflag:$0x1] =	stream.indirect.gather [hbm4b:s4+s18], $0x80, s3, s18, $0xb8;
	[tilespmem:$0x1D000] =	vst v63  }
0x29: {  	_ =	swait.ge [sflag:s20], $0x4000  }
0x2a: {  	[sflag:s20] =	ssyncset.done $0x0  }
0x2b: {  	[sflag:s20] =	ssyncadd.s32 $0xFFFFC000  }
0x2c: {  	[tilespmem:s21], [sflag:$0x2] =	stream.indirect.gather [hbm4b:s4+s18], $0x80, s18, s18, $0xb8;
	[tilespmem:$0x1D000] =	vst v63  }
0x2d: {  	_ = 	snop  }
0x2e: {  	[spmem:s2] =	stream.indirect.scatter.add.bf16 [tilespmem:s19], [sflag:$0x3], $0x80, s17, s18, $0xb8;
	[tilespmem:$0x1D000] =	vst v63  }
0x2f: {  	_ =	swait.ge [sflag:s22], $0x4000  }
0x30: {  	[sflag:s22] =	ssyncset.done $0x0  }
0x31: {  	[sflag:s22] =	ssyncadd.s32 $0xFFFFC000  }
0x32: {  	_ =	swait.ge [sflag:s23], $0x4000  }
0x33: {  	[sflag:s23] =	ssyncset.done $0x0  }
0x34: {  	s13 =	simm.s32 $0x100;
	[sflag:s23] =	ssyncadd.s32 $0xFFFFC000  }
0x35: {  	[tilespmem:s19], [sflag:$0x1] =	stream.indirect.gather [hbm4b:s4+s18], $0x80, s13, s18, $0xb8;
	[tilespmem:$0x1D000] =	vst v63  }
0x36: {  	s13 =	simm.s32 $0x880  }
0x37: {  	[spmem:s2] =	stream.indirect.scatter.add.bf16 [tilespmem:s21], [sflag:$0x4], $0x80, s13, s18, $0xb8;
	[tilespmem:$0x1D000] =	vst v63  }
0x38: {  	_ =	swait.ge [sflag:s20], $0x4000  }
0x39: {  	[sflag:s20] =	ssyncset.done $0x0  }
0x3a: {  	[sflag:s20] =	ssyncadd.s32 $0xFFFFC000  }
0x3b: {  	_ =	swait.ge [sflag:s26], $0x4000  }
0x3c: {  	[sflag:s26] =	ssyncset.done $0x0  }
0x3d: {  	[sflag:s26] =	ssyncadd.s32 $0xFFFFC000  }
0x3e: {  	[tilespmem:s21], [sflag:$0x2] =	stream.indirect.gather [hbm4b:s4+s18], $0x80, s15, s18, $0xb8;
	[tilespmem:$0x1D000] =	vst v63  }
0x3f: {  	_ = 	snop  }
0x40: {  	[spmem:s2] =	stream.indirect.scatter.add.bf16 [tilespmem:s19], [sflag:$0x3], $0x80, s11, s18, $0xb8;
	[tilespmem:$0x1D000] =	vst v63  }
0x41: {  	_ =	swait.ge [sflag:s22], $0x4000  }
0x42: {  	[sflag:s22] =	ssyncset.done $0x0  }
0x43: {  	[sflag:s22] =	ssyncadd.s32 $0xFFFFC000  }
0x44: {  	_ =	swait.ge [sflag:s23], $0x4000  }
0x45: {  	[sflag:s23] =	ssyncset.done $0x0  }
0x46: {  	[sflag:s23] =	ssyncadd.s32 $0xFFFFC000  }
0x47: {  	[tilespmem:s19], [sflag:$0x1] =	stream.indirect.gather [hbm4b:s4+s18], $0x80, s5, s18, $0xb8;
	[tilespmem:$0x1D000] =	vst v63  }
0x48: {  	_ = 	snop  }
0x49: {  	[spmem:s2] =	stream.indirect.scatter.add.bf16 [tilespmem:s21], [sflag:$0x4], $0x80, s6, s18, $0xb8;
	[tilespmem:$0x1D000] =	vst v63  }
0x4a: {  	_ =	swait.ge [sflag:s20], $0x4000  }
0x4b: {  	[sflag:s20] =	ssyncset.done $0x0  }
0x4c: {  	[sflag:s20] =	ssyncadd.s32 $0xFFFFC000  }
0x4d: {  	_ =	swait.ge [sflag:s26], $0x4000  }
0x4e: {  	[sflag:s26] =	ssyncset.done $0x0  }
0x4f: {  	[sflag:s26] =	ssyncadd.s32 $0xFFFFC000  }
0x50: {  	[tilespmem:s21], [sflag:$0x2] =	stream.indirect.gather [hbm4b:s4+s18], $0x80, s16, s18, $0xb8;
	[tilespmem:$0x1D000] =	vst v63  }
0x51: {  	_ = 	snop  }
0x52: {  	[spmem:s2] =	stream.indirect.scatter.add.bf16 [tilespmem:s19], [sflag:$0x3], $0x80, s24, s18, $0xb8;
	[tilespmem:$0x1D000] =	vst v63  }
0x53: {  	_ =	swait.ge [sflag:s22], $0x4000  }
0x54: {  	[sflag:s22] =	ssyncset.done $0x0  }
0x55: {  	[sflag:s22] =	ssyncadd.s32 $0xFFFFC000  }
0x56: {  	_ =	swait.ge [sflag:s23], $0x4000  }
0x57: {  	[sflag:s23] =	ssyncset.done $0x0  }
0x58: {  	[sflag:s23] =	ssyncadd.s32 $0xFFFFC000  }
0x59: {  	[tilespmem:s19], [sflag:$0x1] =	stream.indirect.gather [hbm4b:s4+s18], $0x80, s25, s18, $0xb8;
	[tilespmem:$0x1D000] =	vst v63  }
0x5a: {  	_ = 	snop  }
0x5b: {  	[spmem:s2] =	stream.indirect.scatter.add.bf16 [tilespmem:s21], [sflag:$0x4], $0x80, s28, s18, $0xb8;
	[tilespmem:$0x1D000] =	vst v63  }
0x5c: {  	_ =	swait.ge [sflag:s20], $0x4000  }
0x5d: {  	[sflag:s20] =	ssyncset.done $0x0  }
0x5e: {  	[sflag:s20] =	ssyncadd.s32 $0xFFFFC000  }
0x5f: {  	_ =	swait.ge [sflag:s26], $0x4000  }
0x60: {  	[sflag:s26] =	ssyncset.done $0x0  }
0x61: {  	[sflag:s26] =	ssyncadd.s32 $0xFFFFC000  }
0x62: {  	[tilespmem:s21], [sflag:$0x2] =	stream.indirect.gather [hbm4b:s4+s18], $0x80, s29, s18, $0xb8;
	[tilespmem:$0x1D000] =	vst v63  }
0x63: {  	_ = 	snop  }
0x64: {  	[spmem:s2] =	stream.indirect.scatter.add.bf16 [tilespmem:s19], [sflag:$0x3], $0x80, s30, s18, $0xb8;
	[tilespmem:$0x1D000] =	vst v63  }
0x65: {  	_ =	swait.ge [sflag:s22], $0x4000  }
0x66: {  	[sflag:s22] =	ssyncset.done $0x0  }
0x67: {  	[sflag:s22] =	ssyncadd.s32 $0xFFFFC000  }
0x68: {  	_ =	swait.ge [sflag:s23], $0x4000  }
0x69: {  	[sflag:s23] =	ssyncset.done $0x0  }
0x6a: {  	[sflag:s23] =	ssyncadd.s32 $0xFFFFC000  }
0x6b: {  	[tilespmem:s19], [sflag:$0x1] =	stream.indirect.gather [hbm4b:s4+s18], $0x80, s0, s18, $0xb8;
	[tilespmem:$0x1D000] =	vst v63  }
0x6c: {  	_ = 	snop  }
0x6d: {  	[spmem:s2] =	stream.indirect.scatter.add.bf16 [tilespmem:s21], [sflag:$0x4], $0x80, s1, s18, $0xb8;
	[tilespmem:$0x1D000] =	vst v63  }
0x6e: {  	_ =	swait.ge [sflag:s20], $0x4000  }
0x6f: {  	[sflag:s20] =	ssyncset.done $0x0  }
0x70: {  	[sflag:s20] =	ssyncadd.s32 $0xFFFFC000  }
0x71: {  	_ =	swait.ge [sflag:s26], $0x4000  }
0x72: {  	[sflag:s26] =	ssyncset.done $0x0  }
0x73: {  	[sflag:s26] =	ssyncadd.s32 $0xFFFFC000  }
0x74: {  	[tilespmem:s21], [sflag:$0x2] =	stream.indirect.gather [hbm4b:s4+s18], $0x80, s7, s18, $0xb8;
	[tilespmem:$0x1D000] =	vst v63  }
0x75: {  	_ = 	snop  }
0x76: {  	[spmem:s2] =	stream.indirect.scatter.add.bf16 [tilespmem:s19], [sflag:$0x3], $0x80, s8, s18, $0xb8;
	[tilespmem:$0x1D000] =	vst v63  }
0x77: {  	_ =	swait.ge [sflag:s22], $0x4000  }
0x78: {  	[sflag:s22] =	ssyncset.done $0x0  }
0x79: {  	[sflag:s22] =	ssyncadd.s32 $0xFFFFC000  }
0x7a: {  	_ =	swait.ge [sflag:s23], $0x4000  }
0x7b: {  	[sflag:s23] =	ssyncset.done $0x0  }
0x7c: {  	[sflag:s23] =	ssyncadd.s32 $0xFFFFC000  }
0x7d: {  	[tilespmem:s19], [sflag:$0x1] =	stream.indirect.gather [hbm4b:s4+s18], $0x80, s31, s18, $0xb8;
	[tilespmem:$0x1D000] =	vst v63  }
0x7e: {  	s13 =	simm.s32 $0xC80  }
0x7f: {  	[spmem:s2] =	stream.indirect.scatter.add.bf16 [tilespmem:s21], [sflag:$0x4], $0x80, s13, s18, $0xb8;
	[tilespmem:$0x1D000] =	vst v63  }
0x80: {  	_ =	swait.ge [sflag:s20], $0x4000  }
0x81: {  	[sflag:s20] =	ssyncset.done $0x0  }
0x82: {  	[sflag:s20] =	ssyncadd.s32 $0xFFFFC000  }
0x83: {  	_ =	swait.ge [sflag:s26], $0x4000  }
0x84: {  	[sflag:s26] =	ssyncset.done $0x0  }
0x85: {  	s13 =	simm.s32 $0x580;
	[sflag:s26] =	ssyncadd.s32 $0xFFFFC000  }
0x86: {  	[tilespmem:s21], [sflag:$0x2] =	stream.indirect.gather [hbm4b:s4+s18], $0x80, s13, s18, $0xb8;
	[tilespmem:$0x1D000] =	vst v63  }
0x87: {  	s13 =	simm.s32 $0xD00  }
0x88: {  	[spmem:s2] =	stream.indirect.scatter.add.bf16 [tilespmem:s19], [sflag:$0x3], $0x80, s13, s18, $0xb8;
	[tilespmem:$0x1D000] =	vst v63  }
0x89: {  	_ =	swait.ge [sflag:s22], $0x4000  }
0x8a: {  	[sflag:s22] =	ssyncset.done $0x0  }
0x8b: {  	[sflag:s22] =	ssyncadd.s32 $0xFFFFC000  }
0x8c: {  	_ =	swait.ge [sflag:s23], $0x4000  }
0x8d: {  	[sflag:s23] =	ssyncset.done $0x0  }
0x8e: {  	s13 =	simm.s32 $0x600;
	[sflag:s23] =	ssyncadd.s32 $0xFFFFC000  }
0x8f: {  	[tilespmem:s19], [sflag:$0x1] =	stream.indirect.gather [hbm4b:s4+s18], $0x80, s13, s18, $0xb8;
	[tilespmem:$0x1D000] =	vst v63  }
0x90: {  	s13 =	simm.s32 $0xD80  }
0x91: {  	[spmem:s2] =	stream.indirect.scatter.add.bf16 [tilespmem:s21], [sflag:$0x4], $0x80, s13, s18, $0xb8;
	[tilespmem:$0x1D000] =	vst v63  }
0x92: {  	_ =	swait.ge [sflag:s20], $0x4000  }
0x93: {  	[sflag:s20] =	ssyncset.done $0x0  }
0x94: {  	[sflag:s20] =	ssyncadd.s32 $0xFFFFC000  }
0x95: {  	_ =	swait.ge [sflag:s26], $0x4000  }
0x96: {  	[sflag:s26] =	ssyncset.done $0x0  }
0x97: {  	s13 =	simm.s32 $0x680;
	[sflag:s26] =	ssyncadd.s32 $0xFFFFC000  }
0x98: {  	[tilespmem:s21], [sflag:$0x2] =	stream.indirect.gather [hbm4b:s4+s18], $0x80, s13, s18, $0xb8;
	[tilespmem:$0x1D000] =	vst v63  }
0x99: {  	s13 =	simm.s32 $0xE00  }
0x9a: {  	[spmem:s2] =	stream.indirect.scatter.add.bf16 [tilespmem:s19], [sflag:$0x3], $0x80, s13, s18, $0xb8;
	[tilespmem:$0x1D000] =	vst v63  }
0x9b: {  	_ =	swait.ge [sflag:s22], $0x4000  }
0x9c: {  	[sflag:s22] =	ssyncset.done $0x0  }
0x9d: {  	[sflag:s22] =	ssyncadd.s32 $0xFFFFC000  }
0x9e: {  	_ =	swait.ge [sflag:s23], $0x4000  }
0x9f: {  	[sflag:s23] =	ssyncset.done $0x0  }
0xa0: {  	s13 =	simm.s32 $0x700;
	[sflag:s23] =	ssyncadd.s32 $0xFFFFC000  }
0xa1: {  	[tilespmem:s19], [sflag:$0x1] =	stream.indirect.gather [hbm4b:s4+s18], $0x80, s13, s18, $0xb8;
	[tilespmem:$0x1D000] =	vst v63  }
0xa2: {  	s13 =	simm.s32 $0xE80  }
0xa3: {  	[spmem:s2] =	stream.indirect.scatter.add.bf16 [tilespmem:s21], [sflag:$0x4], $0x80, s13, s18, $0xb8;
	[tilespmem:$0x1D000] =	vst v63  }
0xa4: {  	_ =	swait.ge [sflag:s20], $0x4000  }
0xa5: {  	[sflag:s20] =	ssyncset.done $0x0  }
0xa6: {  	[sflag:s20] =	ssyncadd.s32 $0xFFFFC000  }
0xa7: {  	_ =	swait.ge [sflag:s26], $0x4000  }
0xa8: {  	[sflag:s26] =	ssyncset.done $0x0  }
0xa9: {  	s13 =	simm.s32 $0x780;
	[sflag:s26] =	ssyncadd.s32 $0xFFFFC000  }
0xaa: {  	[tilespmem:s21], [sflag:$0x2] =	stream.indirect.gather [hbm4b:s4+s18], $0x80, s13, s18, $0xb8;
	[tilespmem:$0x1D000] =	vst v63  }
0xab: {  	s13 =	simm.s32 $0xF00  }
0xac: {  	[spmem:s2] =	stream.indirect.scatter.add.bf16 [tilespmem:s19], [sflag:$0x3], $0x80, s13, s18, $0xb8;
	[tilespmem:$0x1D000] =	vst v63  }
0xad: {  	_ =	swait.ge [sflag:s22], $0x4000  }
0xae: {  	[sflag:s22] =	ssyncset.done $0x0  }
0xaf: {  	s13 =	simm.s32 $0xF80;
	[sflag:s22] =	ssyncadd.s32 $0xFFFFC000  }
0xb0: {  	[spmem:s2] =	stream.indirect.scatter.add.bf16 [tilespmem:s21], [sflag:$0x4], $0x80, s13, s18, $0xb8;
	[tilespmem:$0x1D000] =	vst v63  }
0xb1: {  	_ =	swait.ge [sflag:s26], $0x4000  }
0xb2: {  	[sflag:s26] =	ssyncset.done $0x0  }
0xb3: {  	[sflag:s26] =	ssyncadd.s32 $0xFFFFC000  }
0xb4: {  	_ =	swait.ge [sflag:s23], $0x4000  }
0xb5: {  	[sflag:s23] =	ssyncset.done $0x0  }
0xb6: {  	s13 =	rddreg [dreg:$0x10];
	[sflag:s23] =	ssyncadd.s32 $0xFFFFC000  }
.LBB2_6:
0xb7: {  	[bflag:$0x0] =	sbarrier.arrive $0xFFFF  }
0xb8: {  	s9 =	rddreg [dreg:$0x9]  }
0xb9: {  	[hbm:s9], [sflag:s10] =	dma.local [spmem:s14], $0x2800  }
0xba: {  	_ =	swait.ge [sflag:s12], $0x2800  }
0xbb: {  	s13 =	sadd.s32 $0x1, s13;
	s9 =	rddreg [dreg:$0xa]  }
0xbc: {  	p1 =	sne.s32 s13, s9  }
.Ltmp1:
0xbd: {  	_ = 	snop;
	(pc) =	sbr.rel @!p1 .LBB2_7-.Ltmp1, $3  }
0xbe: {  	_ =	sdelay $0x1  }
0xbf: {  	[sflag:s12] =	ssyncset.done $0x0  }
0xc0: {  	[sflag:s12] =	ssyncadd.s32 $0xFFFFD800  }
.LBB2_1:
0xc1: {  	[dreg:$0x10] =	wrdreg s13  }
0xc2: {  	s9 =	rddreg [dreg:$0x5]  }
0xc3: {  	[spmem:s14], [sflag:s10] =	dma.local [hbm:s9], $0x800  }
0xc4: {  	_ =	swait.ge [sflag:s12], $0x800  }
0xc5: {  	[sflag:s12] =	ssyncset.done $0x0  }
0xc6: {  	s13 =	rddreg [dreg:$0xc];
	[sflag:s12] =	ssyncadd.s32 $0xFFFFF800  }
0xc7: {  	[spmem:s13], [sflag:s10] =	dma.local [hbm:s9], $0x800  }
0xc8: {  	_ =	swait.ge [sflag:s12], $0x800  }
0xc9: {  	[sflag:s12] =	ssyncset.done $0x0  }
0xca: {  	s13 =	rddreg [dreg:$0xd];
	[sflag:s12] =	ssyncadd.s32 $0xFFFFF800  }
0xcb: {  	[spmem:s13], [sflag:s10] =	dma.local [hbm:s9], $0x800  }
0xcc: {  	_ =	swait.ge [sflag:s12], $0x800  }
0xcd: {  	[sflag:s12] =	ssyncset.done $0x0  }
0xce: {  	s13 =	rddreg [dreg:$0xe];
	[sflag:s12] =	ssyncadd.s32 $0xFFFFF800  }
0xcf: {  	[spmem:s13], [sflag:s10] =	dma.local [hbm:s9], $0x800  }
0xd0: {  	_ =	swait.ge [sflag:s12], $0x800  }
0xd1: {  	[sflag:s12] =	ssyncset.done $0x0  }
0xd2: {  	s13 =	rddreg [dreg:$0xf];
	[sflag:s12] =	ssyncadd.s32 $0xFFFFF800  }
0xd3: {  	[spmem:s13], [sflag:s10] =	dma.local [hbm:s9], $0x800  }
.Ltmp2:
0xd4: {  	_ =	swait.ge [sflag:s12], $0x800;
	(pc) =	sbr.rel @p0 .LBB2_5-.Ltmp2, $3  }
0xd5: {  	[sflag:s12] =	ssyncset.done $0x0  }
0xd6: {  	[sflag:s12] =	ssyncadd.s32 $0xFFFFF800  }
0xd7: {  	[bflag:$0x0] =	sbarrier.arrive $0xFFFF;
	_ =	sdelay $0x1  }
0xd8: {  	s9 =	rddreg [dreg:$0x4]  }
0xd9: {  	s9 =	sadd.s32 $0x0, s9  }
0xda: {  	[tilespmem:s17], [sflag:$0x5] =	stream.linear.gather [hbm4b:s9+s3], $0x800, $0x38;
	[tilespmem:$0x1D000] =	vst v63  }
0xdb: {  	_ =	swait.ge [sflag:s12], $0x800  }
0xdc: {  	s24 =	rddreg [dreg:$0x3];
	[sflag:s12] =	ssyncset.done $0x0  }
0xdd: {  	[sflag:s12] =	ssyncadd.s32 $0xFFFFF800;
	s9 =	sadd.s32 $0x0, s24  }
0xde: {  	[tilespmem:s3], [sflag:$0x5] =	stream.linear.gather [hbm4b:s9+s3], $0x800, $0x38;
	[tilespmem:$0x1D000] =	vst v63  }
0xdf: {  	_ =	swait.ge [sflag:s12], $0x800  }
0xe0: {  	[sflag:s12] =	ssyncset.done $0x0  }
0xe1: {  	[sflag:s12] =	ssyncadd.s32 $0xFFFFF800  }
0xe2: {  	[tilespmem:s19], [sflag:$0x1] =	stream.indirect.gather [hbm4b:s4+s18], $0x80, s3, s18, $0xb8;
	[tilespmem:$0x1D000] =	vst v63  }
0xe3: {  	_ =	swait.ge [sflag:s20], $0x4000  }
0xe4: {  	[sflag:s20] =	ssyncset.done $0x0  }
0xe5: {  	[sflag:s20] =	ssyncadd.s32 $0xFFFFC000  }
0xe6: {  	[tilespmem:s21], [sflag:$0x2] =	stream.indirect.gather [hbm4b:s4+s18], $0x80, s18, s18, $0xb8;
	[tilespmem:$0x1D000] =	vst v63  }
0xe7: {  	_ = 	snop  }
0xe8: {  	[spmem:s2] =	stream.indirect.scatter.add.bf16 [tilespmem:s19], [sflag:$0x3], $0x80, s17, s18, $0xb8;
	[tilespmem:$0x1D000] =	vst v63  }
0xe9: {  	_ =	swait.ge [sflag:s22], $0x4000  }
0xea: {  	[sflag:s22] =	ssyncset.done $0x0  }
0xeb: {  	[sflag:s22] =	ssyncadd.s32 $0xFFFFC000  }
0xec: {  	_ =	swait.ge [sflag:s23], $0x4000  }
0xed: {  	[sflag:s23] =	ssyncset.done $0x0  }
0xee: {  	s25 =	simm.s32 $0x100;
	[sflag:s23] =	ssyncadd.s32 $0xFFFFC000  }
0xef: {  	[tilespmem:s19], [sflag:$0x1] =	stream.indirect.gather [hbm4b:s4+s18], $0x80, s25, s18, $0xb8;
	[tilespmem:$0x1D000] =	vst v63  }
0xf0: {  	s15 =	simm.s32 $0x880  }
0xf1: {  	[spmem:s2] =	stream.indirect.scatter.add.bf16 [tilespmem:s21], [sflag:$0x4], $0x80, s15, s18, $0xb8;
	[tilespmem:$0x1D000] =	vst v63  }
0xf2: {  	_ =	swait.ge [sflag:s20], $0x4000  }
0xf3: {  	[sflag:s20] =	ssyncset.done $0x0  }
0xf4: {  	[sflag:s20] =	ssyncadd.s32 $0xFFFFC000  }
0xf5: {  	_ =	swait.ge [sflag:s26], $0x4000  }
0xf6: {  	[sflag:s26] =	ssyncset.done $0x0  }
0xf7: {  	s11 =	simm.s32 $0x180;
	[sflag:s26] =	ssyncadd.s32 $0xFFFFC000  }
0xf8: {  	[tilespmem:s21], [sflag:$0x2] =	stream.indirect.gather [hbm4b:s4+s18], $0x80, s11, s18, $0xb8;
	[tilespmem:$0x1D000] =	vst v63  }
0xf9: {  	s25 =	simm.s32 $0x900  }
0xfa: {  	[spmem:s2] =	stream.indirect.scatter.add.bf16 [tilespmem:s19], [sflag:$0x3], $0x80, s25, s18, $0xb8;
	[tilespmem:$0x1D000] =	vst v63  }
0xfb: {  	_ =	swait.ge [sflag:s22], $0x4000  }
0xfc: {  	[sflag:s22] =	ssyncset.done $0x0  }
0xfd: {  	[sflag:s22] =	ssyncadd.s32 $0xFFFFC000  }
0xfe: {  	_ =	swait.ge [sflag:s23], $0x4000  }
0xff: {  	[sflag:s23] =	ssyncset.done $0x0  }
0x100: {  	s24 =	simm.s32 $0x200;
	[sflag:s23] =	ssyncadd.s32 $0xFFFFC000  }
0x101: {  	[tilespmem:s19], [sflag:$0x1] =	stream.indirect.gather [hbm4b:s4+s18], $0x80, s24, s18, $0xb8;
	[tilespmem:$0x1D000] =	vst v63  }
0x102: {  	s29 =	simm.s32 $0x980  }
0x103: {  	[spmem:s2] =	stream.indirect.scatter.add.bf16 [tilespmem:s21], [sflag:$0x4], $0x80, s29, s18, $0xb8;
	[tilespmem:$0x1D000] =	vst v63  }
0x104: {  	_ =	swait.ge [sflag:s20], $0x4000  }
0x105: {  	[sflag:s20] =	ssyncset.done $0x0  }
0x106: {  	[sflag:s20] =	ssyncadd.s32 $0xFFFFC000  }
0x107: {  	_ =	swait.ge [sflag:s26], $0x4000  }
0x108: {  	[sflag:s26] =	ssyncset.done $0x0  }
0x109: {  	s14 =	simm.s32 $0x280;
	[sflag:s26] =	ssyncadd.s32 $0xFFFFC000  }
0x10a: {  	[tilespmem:s21], [sflag:$0x2] =	stream.indirect.gather [hbm4b:s4+s18], $0x80, s14, s18, $0xb8;
	[tilespmem:$0x1D000] =	vst v63  }
0x10b: {  	s13 =	simm.s32 $0xA00  }
0x10c: {  	[spmem:s2] =	stream.indirect.scatter.add.bf16 [tilespmem:s19], [sflag:$0x3], $0x80, s13, s18, $0xb8;
	[tilespmem:$0x1D000] =	vst v63  }
0x10d: {  	_ =	swait.ge [sflag:s22], $0x4000  }
0x10e: {  	[sflag:s22] =	ssyncset.done $0x0  }
0x10f: {  	[sflag:s22] =	ssyncadd.s32 $0xFFFFC000  }
0x110: {  	_ =	swait.ge [sflag:s23], $0x4000  }
0x111: {  	[sflag:s23] =	ssyncset.done $0x0  }
0x112: {  	s28 =	simm.s32 $0x300;
	[sflag:s23] =	ssyncadd.s32 $0xFFFFC000  }
0x113: {  	[tilespmem:s19], [sflag:$0x1] =	stream.indirect.gather [hbm4b:s4+s18], $0x80, s28, s18, $0xb8;
	[tilespmem:$0x1D000] =	vst v63  }
0x114: {  	s10 =	simm.s32 $0xA80  }
0x115: {  	[spmem:s2] =	stream.indirect.scatter.add.bf16 [tilespmem:s21], [sflag:$0x4], $0x80, s10, s18, $0xb8;
	[tilespmem:$0x1D000] =	vst v63  }
0x116: {  	_ =	swait.ge [sflag:s20], $0x4000  }
0x117: {  	[sflag:s20] =	ssyncset.done $0x0  }
0x118: {  	[sflag:s20] =	ssyncadd.s32 $0xFFFFC000  }
0x119: {  	_ =	swait.ge [sflag:s26], $0x4000  }
0x11a: {  	[sflag:s26] =	ssyncset.done $0x0  }
0x11b: {  	s9 =	simm.s32 $0x380;
	[sflag:s26] =	ssyncadd.s32 $0xFFFFC000  }
0x11c: {  	[tilespmem:s21], [sflag:$0x2] =	stream.indirect.gather [hbm4b:s4+s18], $0x80, s9, s18, $0xb8;
	[tilespmem:$0x1D000] =	vst v63  }
0x11d: {  	s8 =	simm.s32 $0xB00  }
0x11e: {  	[spmem:s2] =	stream.indirect.scatter.add.bf16 [tilespmem:s19], [sflag:$0x3], $0x80, s8, s18, $0xb8;
	[tilespmem:$0x1D000] =	vst v63  }
0x11f: {  	_ =	swait.ge [sflag:s22], $0x4000  }
0x120: {  	[sflag:s22] =	ssyncset.done $0x0  }
0x121: {  	[sflag:s22] =	ssyncadd.s32 $0xFFFFC000  }
0x122: {  	_ =	swait.ge [sflag:s23], $0x4000  }
0x123: {  	[sflag:s23] =	ssyncset.done $0x0  }
0x124: {  	s7 =	simm.s32 $0x400;
	[sflag:s23] =	ssyncadd.s32 $0xFFFFC000  }
0x125: {  	[tilespmem:s19], [sflag:$0x1] =	stream.indirect.gather [hbm4b:s4+s18], $0x80, s7, s18, $0xb8;
	[tilespmem:$0x1D000] =	vst v63  }
0x126: {  	s6 =	simm.s32 $0xB80  }
0x127: {  	[spmem:s2] =	stream.indirect.scatter.add.bf16 [tilespmem:s21], [sflag:$0x4], $0x80, s6, s18, $0xb8;
	[tilespmem:$0x1D000] =	vst v63  }
0x128: {  	_ =	swait.ge [sflag:s20], $0x4000  }
0x129: {  	[sflag:s20] =	ssyncset.done $0x0  }
0x12a: {  	[sflag:s20] =	ssyncadd.s32 $0xFFFFC000  }
0x12b: {  	_ =	swait.ge [sflag:s26], $0x4000  }
0x12c: {  	[sflag:s26] =	ssyncset.done $0x0  }
0x12d: {  	s5 =	simm.s32 $0x480;
	[sflag:s26] =	ssyncadd.s32 $0xFFFFC000  }
0x12e: {  	[tilespmem:s21], [sflag:$0x2] =	stream.indirect.gather [hbm4b:s4+s18], $0x80, s5, s18, $0xb8;
	[tilespmem:$0x1D000] =	vst v63  }
0x12f: {  	s1 =	simm.s32 $0xC00  }
0x130: {  	[spmem:s2] =	stream.indirect.scatter.add.bf16 [tilespmem:s19], [sflag:$0x3], $0x80, s1, s18, $0xb8;
	[tilespmem:$0x1D000] =	vst v63  }
0x131: {  	_ =	swait.ge [sflag:s22], $0x4000  }
0x132: {  	[sflag:s22] =	ssyncset.done $0x0  }
0x133: {  	[sflag:s22] =	ssyncadd.s32 $0xFFFFC000  }
0x134: {  	_ =	swait.ge [sflag:s23], $0x4000  }
0x135: {  	[sflag:s23] =	ssyncset.done $0x0  }
0x136: {  	s0 =	simm.s32 $0x500;
	[sflag:s23] =	ssyncadd.s32 $0xFFFFC000  }
0x137: {  	[tilespmem:s19], [sflag:$0x1] =	stream.indirect.gather [hbm4b:s4+s18], $0x80, s0, s18, $0xb8;
	[tilespmem:$0x1D000] =	vst v63  }
0x138: {  	s8 =	simm.s32 $0xC80  }
0x139: {  	[spmem:s2] =	stream.indirect.scatter.add.bf16 [tilespmem:s21], [sflag:$0x4], $0x80, s8, s18, $0xb8;
	[tilespmem:$0x1D000] =	vst v63  }
0x13a: {  	_ =	swait.ge [sflag:s20], $0x4000  }
0x13b: {  	[sflag:s20] =	ssyncset.done $0x0  }
0x13c: {  	[sflag:s20] =	ssyncadd.s32 $0xFFFFC000  }
0x13d: {  	_ =	swait.ge [sflag:s26], $0x4000  }
0x13e: {  	[sflag:s26] =	ssyncset.done $0x0  }
0x13f: {  	s7 =	simm.s32 $0x580;
	[sflag:s26] =	ssyncadd.s32 $0xFFFFC000  }
0x140: {  	[tilespmem:s21], [sflag:$0x2] =	stream.indirect.gather [hbm4b:s4+s18], $0x80, s7, s18, $0xb8;
	[tilespmem:$0x1D000] =	vst v63  }
0x141: {  	s1 =	simm.s32 $0xD00  }
0x142: {  	[spmem:s2] =	stream.indirect.scatter.add.bf16 [tilespmem:s19], [sflag:$0x3], $0x80, s1, s18, $0xb8;
	[tilespmem:$0x1D000] =	vst v63  }
0x143: {  	_ =	swait.ge [sflag:s22], $0x4000  }
0x144: {  	[sflag:s22] =	ssyncset.done $0x0  }
0x145: {  	[sflag:s22] =	ssyncadd.s32 $0xFFFFC000  }
0x146: {  	_ =	swait.ge [sflag:s23], $0x4000  }
0x147: {  	[sflag:s23] =	ssyncset.done $0x0  }
0x148: {  	s0 =	simm.s32 $0x600;
	[sflag:s23] =	ssyncadd.s32 $0xFFFFC000  }
0x149: {  	[tilespmem:s19], [sflag:$0x1] =	stream.indirect.gather [hbm4b:s4+s18], $0x80, s0, s18, $0xb8;
	[tilespmem:$0x1D000] =	vst v63  }
0x14a: {  	s31 =	simm.s32 $0xD80  }
0x14b: {  	[spmem:s2] =	stream.indirect.scatter.add.bf16 [tilespmem:s21], [sflag:$0x4], $0x80, s31, s18, $0xb8;
	[tilespmem:$0x1D000] =	vst v63  }
0x14c: {  	_ =	swait.ge [sflag:s20], $0x4000  }
0x14d: {  	[sflag:s20] =	ssyncset.done $0x0  }
0x14e: {  	[sflag:s20] =	ssyncadd.s32 $0xFFFFC000  }
0x14f: {  	_ =	swait.ge [sflag:s26], $0x4000  }
0x150: {  	[sflag:s26] =	ssyncset.done $0x0  }
0x151: {  	s30 =	simm.s32 $0x680;
	[sflag:s26] =	ssyncadd.s32 $0xFFFFC000  }
0x152: {  	[tilespmem:s21], [sflag:$0x2] =	stream.indirect.gather [hbm4b:s4+s18], $0x80, s30, s18, $0xb8;
	[tilespmem:$0x1D000] =	vst v63  }
0x153: {  	s29 =	simm.s32 $0xE00  }
0x154: {  	[spmem:s2] =	stream.indirect.scatter.add.bf16 [tilespmem:s19], [sflag:$0x3], $0x80, s29, s18, $0xb8;
	[tilespmem:$0x1D000] =	vst v63  }
0x155: {  	_ =	swait.ge [sflag:s22], $0x4000  }
0x156: {  	[sflag:s22] =	ssyncset.done $0x0  }
0x157: {  	[sflag:s22] =	ssyncadd.s32 $0xFFFFC000  }
0x158: {  	_ =	swait.ge [sflag:s23], $0x4000  }
0x159: {  	[sflag:s23] =	ssyncset.done $0x0  }
0x15a: {  	s28 =	simm.s32 $0x700;
	[sflag:s23] =	ssyncadd.s32 $0xFFFFC000  }
0x15b: {  	[tilespmem:s19], [sflag:$0x1] =	stream.indirect.gather [hbm4b:s4+s18], $0x80, s28, s18, $0xb8;
	[tilespmem:$0x1D000] =	vst v63  }
0x15c: {  	s25 =	simm.s32 $0xE80  }
0x15d: {  	[spmem:s2] =	stream.indirect.scatter.add.bf16 [tilespmem:s21], [sflag:$0x4], $0x80, s25, s18, $0xb8;
	[tilespmem:$0x1D000] =	vst v63  }
0x15e: {  	_ =	swait.ge [sflag:s20], $0x4000  }
0x15f: {  	[sflag:s20] =	ssyncset.done $0x0  }
0x160: {  	[sflag:s20] =	ssyncadd.s32 $0xFFFFC000  }
0x161: {  	_ =	swait.ge [sflag:s26], $0x4000  }
0x162: {  	[sflag:s26] =	ssyncset.done $0x0  }
0x163: {  	s24 =	simm.s32 $0x780;
	[sflag:s26] =	ssyncadd.s32 $0xFFFFC000  }
0x164: {  	[tilespmem:s21], [sflag:$0x2] =	stream.indirect.gather [hbm4b:s4+s18], $0x80, s24, s18, $0xb8;
	[tilespmem:$0x1D000] =	vst v63  }
0x165: {  	s6 =	simm.s32 $0xF00  }
0x166: {  	[spmem:s2] =	stream.indirect.scatter.add.bf16 [tilespmem:s19], [sflag:$0x3], $0x80, s6, s18, $0xb8;
	[tilespmem:$0x1D000] =	vst v63  }
0x167: {  	_ =	swait.ge [sflag:s22], $0x4000  }
0x168: {  	[sflag:s22] =	ssyncset.done $0x0  }
0x169: {  	s5 =	simm.s32 $0xF80;
	[sflag:s22] =	ssyncadd.s32 $0xFFFFC000  }
0x16a: {  	[spmem:s2] =	stream.indirect.scatter.add.bf16 [tilespmem:s21], [sflag:$0x4], $0x80, s5, s18, $0xb8;
	[tilespmem:$0x1D000] =	vst v63  }
0x16b: {  	_ =	swait.ge [sflag:s26], $0x4000  }
0x16c: {  	[sflag:s26] =	ssyncset.done $0x0  }
0x16d: {  	s16 =	simm.s32 $0x180;
	[sflag:s26] =	ssyncadd.s32 $0xFFFFC000  }
0x16e: {  	s11 =	simm.s32 $0x900;
	s10 =	simm.s32 $0x200;
	_ =	swait.ge [sflag:s23], $0x4000  }
0x16f: {  	s9 =	simm.s32 $0x100;
	s13 =	rddreg [dreg:$0x4];
	[sflag:s23] =	ssyncset.done $0x0  }
.LBB2_3:
0x170: {  	[sflag:s23] =	ssyncadd.s32 $0xFFFFC000;
	s13 =	sadd.s32 s9, s13  }
0x171: {  	[tilespmem:s17], [sflag:$0x5] =	stream.linear.gather [hbm4b:s13+s3], $0x800, $0x38;
	[tilespmem:$0x1D000] =	vst v63  }
0x172: {  	_ =	swait.ge [sflag:s12], $0x800  }
0x173: {  	s13 =	rddreg [dreg:$0x3];
	[sflag:s12] =	ssyncset.done $0x0  }
0x174: {  	[sflag:s12] =	ssyncadd.s32 $0xFFFFF800;
	s13 =	sadd.s32 s9, s13  }
0x175: {  	[tilespmem:s3], [sflag:$0x5] =	stream.linear.gather [hbm4b:s13+s3], $0x800, $0x38;
	[tilespmem:$0x1D000] =	vst v63  }
0x176: {  	_ =	swait.ge [sflag:s12], $0x800  }
0x177: {  	[sflag:s12] =	ssyncset.done $0x0  }
0x178: {  	[sflag:s12] =	ssyncadd.s32 $0xFFFFF800  }
0x179: {  	[tilespmem:s19], [sflag:$0x1] =	stream.indirect.gather [hbm4b:s4+s18], $0x80, s3, s18, $0xb8;
	[tilespmem:$0x1D000] =	vst v63  }
0x17a: {  	_ =	swait.ge [sflag:s20], $0x4000  }
0x17b: {  	[sflag:s20] =	ssyncset.done $0x0  }
0x17c: {  	[sflag:s20] =	ssyncadd.s32 $0xFFFFC000  }
0x17d: {  	[tilespmem:s21], [sflag:$0x2] =	stream.indirect.gather [hbm4b:s4+s18], $0x80, s18, s18, $0xb8;
	[tilespmem:$0x1D000] =	vst v63  }
0x17e: {  	_ = 	snop  }
0x17f: {  	[spmem:s2] =	stream.indirect.scatter.add.bf16 [tilespmem:s19], [sflag:$0x3], $0x80, s17, s18, $0xb8;
	[tilespmem:$0x1D000] =	vst v63  }
0x180: {  	_ =	swait.ge [sflag:s22], $0x4000  }
0x181: {  	[sflag:s22] =	ssyncset.done $0x0  }
0x182: {  	[sflag:s22] =	ssyncadd.s32 $0xFFFFC000  }
0x183: {  	_ =	swait.ge [sflag:s23], $0x4000  }
0x184: {  	s14 =	smov.u32 s10;
	[sflag:s23] =	ssyncset.done $0x0  }
0x185: {  	s9 =	smov.u32 s14;
	s14 =	simm.s32 $0x100;
	[sflag:s23] =	ssyncadd.s32 $0xFFFFC000  }
0x186: {  	[tilespmem:s19], [sflag:$0x1] =	stream.indirect.gather [hbm4b:s4+s18], $0x80, s14, s18, $0xb8;
	[tilespmem:$0x1D000] =	vst v63  }
0x187: {  	_ = 	snop  }
0x188: {  	[spmem:s2] =	stream.indirect.scatter.add.bf16 [tilespmem:s21], [sflag:$0x4], $0x80, s15, s18, $0xb8;
	[tilespmem:$0x1D000] =	vst v63  }
0x189: {  	_ =	swait.ge [sflag:s20], $0x4000  }
0x18a: {  	[sflag:s20] =	ssyncset.done $0x0  }
0x18b: {  	[sflag:s20] =	ssyncadd.s32 $0xFFFFC000  }
0x18c: {  	_ =	swait.ge [sflag:s26], $0x4000  }
0x18d: {  	[sflag:s26] =	ssyncset.done $0x0  }
0x18e: {  	[sflag:s26] =	ssyncadd.s32 $0xFFFFC000  }
0x18f: {  	[tilespmem:s21], [sflag:$0x2] =	stream.indirect.gather [hbm4b:s4+s18], $0x80, s16, s18, $0xb8;
	[tilespmem:$0x1D000] =	vst v63  }
0x190: {  	_ = 	snop  }
0x191: {  	[spmem:s2] =	stream.indirect.scatter.add.bf16 [tilespmem:s19], [sflag:$0x3], $0x80, s11, s18, $0xb8;
	[tilespmem:$0x1D000] =	vst v63  }
0x192: {  	_ =	swait.ge [sflag:s22], $0x4000  }
0x193: {  	[sflag:s22] =	ssyncset.done $0x0  }
0x194: {  	[sflag:s22] =	ssyncadd.s32 $0xFFFFC000  }
0x195: {  	_ =	swait.ge [sflag:s23], $0x4000  }
0x196: {  	[sflag:s23] =	ssyncset.done $0x0  }
0x197: {  	s13 =	simm.s32 $0x200;
	[sflag:s23] =	ssyncadd.s32 $0xFFFFC000  }
0x198: {  	[tilespmem:s19], [sflag:$0x1] =	stream.indirect.gather [hbm4b:s4+s18], $0x80, s13, s18, $0xb8;
	[tilespmem:$0x1D000] =	vst v63  }
0x199: {  	s13 =	simm.s32 $0x980  }
0x19a: {  	[spmem:s2] =	stream.indirect.scatter.add.bf16 [tilespmem:s21], [sflag:$0x4], $0x80, s13, s18, $0xb8;
	[tilespmem:$0x1D000] =	vst v63  }
0x19b: {  	_ =	swait.ge [sflag:s20], $0x4000  }
0x19c: {  	[sflag:s20] =	ssyncset.done $0x0  }
0x19d: {  	[sflag:s20] =	ssyncadd.s32 $0xFFFFC000  }
0x19e: {  	_ =	swait.ge [sflag:s26], $0x4000  }
0x19f: {  	[sflag:s26] =	ssyncset.done $0x0  }
0x1a0: {  	s13 =	simm.s32 $0x280;
	[sflag:s26] =	ssyncadd.s32 $0xFFFFC000  }
0x1a1: {  	[tilespmem:s21], [sflag:$0x2] =	stream.indirect.gather [hbm4b:s4+s18], $0x80, s13, s18, $0xb8;
	[tilespmem:$0x1D000] =	vst v63  }
0x1a2: {  	s13 =	simm.s32 $0xA00  }
0x1a3: {  	[spmem:s2] =	stream.indirect.scatter.add.bf16 [tilespmem:s19], [sflag:$0x3], $0x80, s13, s18, $0xb8;
	[tilespmem:$0x1D000] =	vst v63  }
0x1a4: {  	_ =	swait.ge [sflag:s22], $0x4000  }
0x1a5: {  	[sflag:s22] =	ssyncset.done $0x0  }
0x1a6: {  	[sflag:s22] =	ssyncadd.s32 $0xFFFFC000  }
0x1a7: {  	_ =	swait.ge [sflag:s23], $0x4000  }
0x1a8: {  	[sflag:s23] =	ssyncset.done $0x0  }
0x1a9: {  	s13 =	simm.s32 $0x300;
	[sflag:s23] =	ssyncadd.s32 $0xFFFFC000  }
0x1aa: {  	[tilespmem:s19], [sflag:$0x1] =	stream.indirect.gather [hbm4b:s4+s18], $0x80, s13, s18, $0xb8;
	[tilespmem:$0x1D000] =	vst v63  }
0x1ab: {  	s13 =	simm.s32 $0xA80  }
0x1ac: {  	[spmem:s2] =	stream.indirect.scatter.add.bf16 [tilespmem:s21], [sflag:$0x4], $0x80, s13, s18, $0xb8;
	[tilespmem:$0x1D000] =	vst v63  }
0x1ad: {  	_ =	swait.ge [sflag:s20], $0x4000  }
0x1ae: {  	[sflag:s20] =	ssyncset.done $0x0  }
0x1af: {  	[sflag:s20] =	ssyncadd.s32 $0xFFFFC000  }
0x1b0: {  	_ =	swait.ge [sflag:s26], $0x4000  }
0x1b1: {  	[sflag:s26] =	ssyncset.done $0x0  }
0x1b2: {  	s13 =	simm.s32 $0x380;
	[sflag:s26] =	ssyncadd.s32 $0xFFFFC000  }
0x1b3: {  	[tilespmem:s21], [sflag:$0x2] =	stream.indirect.gather [hbm4b:s4+s18], $0x80, s13, s18, $0xb8;
	[tilespmem:$0x1D000] =	vst v63  }
0x1b4: {  	s13 =	simm.s32 $0xB00  }
0x1b5: {  	[spmem:s2] =	stream.indirect.scatter.add.bf16 [tilespmem:s19], [sflag:$0x3], $0x80, s13, s18, $0xb8;
	[tilespmem:$0x1D000] =	vst v63  }
0x1b6: {  	_ =	swait.ge [sflag:s22], $0x4000  }
0x1b7: {  	[sflag:s22] =	ssyncset.done $0x0  }
0x1b8: {  	[sflag:s22] =	ssyncadd.s32 $0xFFFFC000  }
0x1b9: {  	_ =	swait.ge [sflag:s23], $0x4000  }
0x1ba: {  	[sflag:s23] =	ssyncset.done $0x0  }
0x1bb: {  	s13 =	simm.s32 $0x400;
	[sflag:s23] =	ssyncadd.s32 $0xFFFFC000  }
0x1bc: {  	[tilespmem:s19], [sflag:$0x1] =	stream.indirect.gather [hbm4b:s4+s18], $0x80, s13, s18, $0xb8;
	[tilespmem:$0x1D000] =	vst v63  }
0x1bd: {  	s13 =	simm.s32 $0xB80  }
0x1be: {  	[spmem:s2] =	stream.indirect.scatter.add.bf16 [tilespmem:s21], [sflag:$0x4], $0x80, s13, s18, $0xb8;
	[tilespmem:$0x1D000] =	vst v63  }
0x1bf: {  	_ =	swait.ge [sflag:s20], $0x4000  }
0x1c0: {  	[sflag:s20] =	ssyncset.done $0x0  }
0x1c1: {  	[sflag:s20] =	ssyncadd.s32 $0xFFFFC000  }
0x1c2: {  	_ =	swait.ge [sflag:s26], $0x4000  }
0x1c3: {  	[sflag:s26] =	ssyncset.done $0x0  }
0x1c4: {  	s13 =	simm.s32 $0x480;
	[sflag:s26] =	ssyncadd.s32 $0xFFFFC000  }
0x1c5: {  	[tilespmem:s21], [sflag:$0x2] =	stream.indirect.gather [hbm4b:s4+s18], $0x80, s13, s18, $0xb8;
	[tilespmem:$0x1D000] =	vst v63  }
0x1c6: {  	s13 =	simm.s32 $0xC00  }
0x1c7: {  	[spmem:s2] =	stream.indirect.scatter.add.bf16 [tilespmem:s19], [sflag:$0x3], $0x80, s13, s18, $0xb8;
	[tilespmem:$0x1D000] =	vst v63  }
0x1c8: {  	_ =	swait.ge [sflag:s22], $0x4000  }
0x1c9: {  	[sflag:s22] =	ssyncset.done $0x0  }
0x1ca: {  	[sflag:s22] =	ssyncadd.s32 $0xFFFFC000  }
0x1cb: {  	_ =	swait.ge [sflag:s23], $0x4000  }
0x1cc: {  	[sflag:s23] =	ssyncset.done $0x0  }
0x1cd: {  	s13 =	simm.s32 $0x500;
	[sflag:s23] =	ssyncadd.s32 $0xFFFFC000  }
0x1ce: {  	[tilespmem:s19], [sflag:$0x1] =	stream.indirect.gather [hbm4b:s4+s18], $0x80, s13, s18, $0xb8;
	[tilespmem:$0x1D000] =	vst v63  }
0x1cf: {  	_ = 	snop  }
0x1d0: {  	[spmem:s2] =	stream.indirect.scatter.add.bf16 [tilespmem:s21], [sflag:$0x4], $0x80, s8, s18, $0xb8;
	[tilespmem:$0x1D000] =	vst v63  }
0x1d1: {  	_ =	swait.ge [sflag:s20], $0x4000  }
0x1d2: {  	[sflag:s20] =	ssyncset.done $0x0  }
0x1d3: {  	[sflag:s20] =	ssyncadd.s32 $0xFFFFC000  }
0x1d4: {  	_ =	swait.ge [sflag:s26], $0x4000  }
0x1d5: {  	[sflag:s26] =	ssyncset.done $0x0  }
0x1d6: {  	[sflag:s26] =	ssyncadd.s32 $0xFFFFC000  }
0x1d7: {  	[tilespmem:s21], [sflag:$0x2] =	stream.indirect.gather [hbm4b:s4+s18], $0x80, s7, s18, $0xb8;
	[tilespmem:$0x1D000] =	vst v63  }
0x1d8: {  	_ = 	snop  }
0x1d9: {  	[spmem:s2] =	stream.indirect.scatter.add.bf16 [tilespmem:s19], [sflag:$0x3], $0x80, s1, s18, $0xb8;
	[tilespmem:$0x1D000] =	vst v63  }
0x1da: {  	_ =	swait.ge [sflag:s22], $0x4000  }
0x1db: {  	[sflag:s22] =	ssyncset.done $0x0  }
0x1dc: {  	[sflag:s22] =	ssyncadd.s32 $0xFFFFC000  }
0x1dd: {  	_ =	swait.ge [sflag:s23], $0x4000  }
0x1de: {  	[sflag:s23] =	ssyncset.done $0x0  }
0x1df: {  	[sflag:s23] =	ssyncadd.s32 $0xFFFFC000  }
0x1e0: {  	[tilespmem:s19], [sflag:$0x1] =	stream.indirect.gather [hbm4b:s4+s18], $0x80, s0, s18, $0xb8;
	[tilespmem:$0x1D000] =	vst v63  }
0x1e1: {  	_ = 	snop  }
0x1e2: {  	[spmem:s2] =	stream.indirect.scatter.add.bf16 [tilespmem:s21], [sflag:$0x4], $0x80, s31, s18, $0xb8;
	[tilespmem:$0x1D000] =	vst v63  }
0x1e3: {  	_ =	swait.ge [sflag:s20], $0x4000  }
0x1e4: {  	[sflag:s20] =	ssyncset.done $0x0  }
0x1e5: {  	[sflag:s20] =	ssyncadd.s32 $0xFFFFC000  }
0x1e6: {  	_ =	swait.ge [sflag:s26], $0x4000  }
0x1e7: {  	[sflag:s26] =	ssyncset.done $0x0  }
0x1e8: {  	[sflag:s26] =	ssyncadd.s32 $0xFFFFC000  }
0x1e9: {  	[tilespmem:s21], [sflag:$0x2] =	stream.indirect.gather [hbm4b:s4+s18], $0x80, s30, s18, $0xb8;
	[tilespmem:$0x1D000] =	vst v63  }
0x1ea: {  	_ = 	snop  }
0x1eb: {  	[spmem:s2] =	stream.indirect.scatter.add.bf16 [tilespmem:s19], [sflag:$0x3], $0x80, s29, s18, $0xb8;
	[tilespmem:$0x1D000] =	vst v63  }
0x1ec: {  	_ =	swait.ge [sflag:s22], $0x4000  }
0x1ed: {  	[sflag:s22] =	ssyncset.done $0x0  }
0x1ee: {  	[sflag:s22] =	ssyncadd.s32 $0xFFFFC000  }
0x1ef: {  	_ =	swait.ge [sflag:s23], $0x4000  }
0x1f0: {  	[sflag:s23] =	ssyncset.done $0x0  }
0x1f1: {  	[sflag:s23] =	ssyncadd.s32 $0xFFFFC000  }
0x1f2: {  	[tilespmem:s19], [sflag:$0x1] =	stream.indirect.gather [hbm4b:s4+s18], $0x80, s28, s18, $0xb8;
	[tilespmem:$0x1D000] =	vst v63  }
0x1f3: {  	_ = 	snop  }
0x1f4: {  	[spmem:s2] =	stream.indirect.scatter.add.bf16 [tilespmem:s21], [sflag:$0x4], $0x80, s25, s18, $0xb8;
	[tilespmem:$0x1D000] =	vst v63  }
0x1f5: {  	_ =	swait.ge [sflag:s20], $0x4000  }
0x1f6: {  	[sflag:s20] =	ssyncset.done $0x0  }
0x1f7: {  	[sflag:s20] =	ssyncadd.s32 $0xFFFFC000  }
0x1f8: {  	_ =	swait.ge [sflag:s26], $0x4000  }
0x1f9: {  	[sflag:s26] =	ssyncset.done $0x0  }
0x1fa: {  	[sflag:s26] =	ssyncadd.s32 $0xFFFFC000  }
0x1fb: {  	[tilespmem:s21], [sflag:$0x2] =	stream.indirect.gather [hbm4b:s4+s18], $0x80, s24, s18, $0xb8;
	[tilespmem:$0x1D000] =	vst v63  }
0x1fc: {  	_ = 	snop  }
0x1fd: {  	[spmem:s2] =	stream.indirect.scatter.add.bf16 [tilespmem:s19], [sflag:$0x3], $0x80, s6, s18, $0xb8;
	[tilespmem:$0x1D000] =	vst v63  }
0x1fe: {  	_ =	swait.ge [sflag:s22], $0x4000  }
0x1ff: {  	[sflag:s22] =	ssyncset.done $0x0  }
0x200: {  	p1 =	seq.s32 s10, $0x800;
	[sflag:s22] =	ssyncadd.s32 $0xFFFFC000  }
0x201: {  	[spmem:s2] =	stream.indirect.scatter.add.bf16 [tilespmem:s21], [sflag:$0x4], $0x80, s5, s18, $0xb8;
	[tilespmem:$0x1D000] =	vst v63  }
.Ltmp3:
0x202: {  	_ =	swait.ge [sflag:s26], $0x4000;
	(pc) =	sbr.rel @!p1 .LBB2_3-.Ltmp3, $4  }
0x203: {  	[sflag:s26] =	ssyncset.done $0x0  }
0x204: {  	[sflag:s26] =	ssyncadd.s32 $0xFFFFC000  }
0x205: {  	_ =	swait.ge [sflag:s23], $0x4000  }
0x206: {  	s10 =	sadd.s32 $0x100, s10;
	s13 =	rddreg [dreg:$0x4];
	[sflag:s23] =	ssyncset.done $0x0  }
0x207: {  	[sflag:s23] =	ssyncadd.s32 $0xFFFFC000;
	s10 =	sadd.s32 s9, s13  }
0x208: {  	[tilespmem:s17], [sflag:$0x5] =	stream.linear.gather [hbm4b:s10+s3], $0x800, $0x38;
	[tilespmem:$0x1D000] =	vst v63  }
0x209: {  	_ =	swait.ge [sflag:s12], $0x800  }
0x20a: {  	s13 =	rddreg [dreg:$0x3];
	[sflag:s12] =	ssyncset.done $0x0  }
0x20b: {  	s13 =	sadd.s32 s9, s13;
	[sflag:s12] =	ssyncadd.s32 $0xFFFFF800  }
0x20c: {  	[tilespmem:s3], [sflag:$0x5] =	stream.linear.gather [hbm4b:s13+s3], $0x800, $0x38;
	[tilespmem:$0x1D000] =	vst v63  }
0x20d: {  	_ =	swait.ge [sflag:s12], $0x800  }
0x20e: {  	[sflag:s12] =	ssyncset.done $0x0  }
0x20f: {  	[sflag:s12] =	ssyncadd.s32 $0xFFFFF800  }
0x210: {  	[tilespmem:s19], [sflag:$0x1] =	stream.indirect.gather [hbm4b:s4+s18], $0x80, s3, s18, $0xb8;
	[tilespmem:$0x1D000] =	vst v63  }
0x211: {  	_ =	swait.ge [sflag:s20], $0x4000  }
0x212: {  	[sflag:s20] =	ssyncset.done $0x0  }
0x213: {  	[sflag:s20] =	ssyncadd.s32 $0xFFFFC000  }
0x214: {  	[tilespmem:s21], [sflag:$0x2] =	stream.indirect.gather [hbm4b:s4+s18], $0x80, s18, s18, $0xb8;
	[tilespmem:$0x1D000] =	vst v63  }
0x215: {  	_ = 	snop  }
0x216: {  	[spmem:s2] =	stream.indirect.scatter.add.bf16 [tilespmem:s19], [sflag:$0x3], $0x80, s17, s18, $0xb8;
	[tilespmem:$0x1D000] =	vst v63  }
0x217: {  	_ =	swait.ge [sflag:s22], $0x4000  }
0x218: {  	[sflag:s22] =	ssyncset.done $0x0  }
0x219: {  	[sflag:s22] =	ssyncadd.s32 $0xFFFFC000  }
0x21a: {  	_ =	swait.ge [sflag:s23], $0x4000  }
0x21b: {  	[sflag:s23] =	ssyncset.done $0x0  }
0x21c: {  	[sflag:s23] =	ssyncadd.s32 $0xFFFFC000  }
0x21d: {  	[tilespmem:s19], [sflag:$0x1] =	stream.indirect.gather [hbm4b:s4+s18], $0x80, s14, s18, $0xb8;
	[tilespmem:$0x1D000] =	vst v63  }
0x21e: {  	_ = 	snop  }
0x21f: {  	[spmem:s2] =	stream.indirect.scatter.add.bf16 [tilespmem:s21], [sflag:$0x4], $0x80, s15, s18, $0xb8;
	[tilespmem:$0x1D000] =	vst v63  }
0x220: {  	_ =	swait.ge [sflag:s20], $0x4000  }
0x221: {  	[sflag:s20] =	ssyncset.done $0x0  }
0x222: {  	[sflag:s20] =	ssyncadd.s32 $0xFFFFC000  }
0x223: {  	_ =	swait.ge [sflag:s26], $0x4000  }
0x224: {  	[sflag:s26] =	ssyncset.done $0x0  }
0x225: {  	[sflag:s26] =	ssyncadd.s32 $0xFFFFC000  }
0x226: {  	[tilespmem:s21], [sflag:$0x2] =	stream.indirect.gather [hbm4b:s4+s18], $0x80, s16, s18, $0xb8;
	[tilespmem:$0x1D000] =	vst v63  }
0x227: {  	_ = 	snop  }
0x228: {  	[spmem:s2] =	stream.indirect.scatter.add.bf16 [tilespmem:s19], [sflag:$0x3], $0x80, s11, s18, $0xb8;
	[tilespmem:$0x1D000] =	vst v63  }
0x229: {  	_ =	swait.ge [sflag:s22], $0x4000  }
0x22a: {  	[sflag:s22] =	ssyncset.done $0x0  }
0x22b: {  	[sflag:s22] =	ssyncadd.s32 $0xFFFFC000  }
0x22c: {  	_ =	swait.ge [sflag:s23], $0x4000  }
0x22d: {  	[sflag:s23] =	ssyncset.done $0x0  }
0x22e: {  	s16 =	simm.s32 $0x200;
	[sflag:s23] =	ssyncadd.s32 $0xFFFFC000  }
0x22f: {  	[tilespmem:s19], [sflag:$0x1] =	stream.indirect.gather [hbm4b:s4+s18], $0x80, s16, s18, $0xb8;
	[tilespmem:$0x1D000] =	vst v63  }
0x230: {  	s10 =	simm.s32 $0x980  }
0x231: {  	[spmem:s2] =	stream.indirect.scatter.add.bf16 [tilespmem:s21], [sflag:$0x4], $0x80, s10, s18, $0xb8;
	[tilespmem:$0x1D000] =	vst v63  }
0x232: {  	_ =	swait.ge [sflag:s20], $0x4000  }
0x233: {  	[sflag:s20] =	ssyncset.done $0x0  }
0x234: {  	[sflag:s20] =	ssyncadd.s32 $0xFFFFC000  }
0x235: {  	_ =	swait.ge [sflag:s26], $0x4000  }
0x236: {  	[sflag:s26] =	ssyncset.done $0x0  }
0x237: {  	s11 =	simm.s32 $0x280;
	[sflag:s26] =	ssyncadd.s32 $0xFFFFC000  }
0x238: {  	[tilespmem:s21], [sflag:$0x2] =	stream.indirect.gather [hbm4b:s4+s18], $0x80, s11, s18, $0xb8;
	[tilespmem:$0x1D000] =	vst v63  }
0x239: {  	s13 =	simm.s32 $0xA00  }
0x23a: {  	[spmem:s2] =	stream.indirect.scatter.add.bf16 [tilespmem:s19], [sflag:$0x3], $0x80, s13, s18, $0xb8;
	[tilespmem:$0x1D000] =	vst v63  }
0x23b: {  	_ =	swait.ge [sflag:s22], $0x4000  }
0x23c: {  	[sflag:s22] =	ssyncset.done $0x0  }
0x23d: {  	[sflag:s22] =	ssyncadd.s32 $0xFFFFC000  }
0x23e: {  	_ =	swait.ge [sflag:s23], $0x4000  }
0x23f: {  	[sflag:s23] =	ssyncset.done $0x0  }
0x240: {  	s14 =	simm.s32 $0x300;
	[sflag:s23] =	ssyncadd.s32 $0xFFFFC000  }
0x241: {  	[tilespmem:s19], [sflag:$0x1] =	stream.indirect.gather [hbm4b:s4+s18], $0x80, s14, s18, $0xb8;
	[tilespmem:$0x1D000] =	vst v63  }
0x242: {  	s15 =	simm.s32 $0xA80  }
0x243: {  	[spmem:s2] =	stream.indirect.scatter.add.bf16 [tilespmem:s21], [sflag:$0x4], $0x80, s15, s18, $0xb8;
	[tilespmem:$0x1D000] =	vst v63  }
0x244: {  	_ =	swait.ge [sflag:s20], $0x4000  }
0x245: {  	[sflag:s20] =	ssyncset.done $0x0  }
0x246: {  	[sflag:s20] =	ssyncadd.s32 $0xFFFFC000  }
0x247: {  	_ =	swait.ge [sflag:s26], $0x4000  }
0x248: {  	[sflag:s26] =	ssyncset.done $0x0  }
0x249: {  	s16 =	simm.s32 $0x380;
	[sflag:s26] =	ssyncadd.s32 $0xFFFFC000  }
0x24a: {  	[tilespmem:s21], [sflag:$0x2] =	stream.indirect.gather [hbm4b:s4+s18], $0x80, s16, s18, $0xb8;
	[tilespmem:$0x1D000] =	vst v63  }
0x24b: {  	s10 =	simm.s32 $0xB00  }
0x24c: {  	[spmem:s2] =	stream.indirect.scatter.add.bf16 [tilespmem:s19], [sflag:$0x3], $0x80, s10, s18, $0xb8;
	[tilespmem:$0x1D000] =	vst v63  }
0x24d: {  	_ =	swait.ge [sflag:s22], $0x4000  }
0x24e: {  	[sflag:s22] =	ssyncset.done $0x0  }
0x24f: {  	[sflag:s22] =	ssyncadd.s32 $0xFFFFC000  }
0x250: {  	_ =	swait.ge [sflag:s23], $0x4000  }
0x251: {  	[sflag:s23] =	ssyncset.done $0x0  }
0x252: {  	s11 =	simm.s32 $0x400;
	[sflag:s23] =	ssyncadd.s32 $0xFFFFC000  }
0x253: {  	[tilespmem:s19], [sflag:$0x1] =	stream.indirect.gather [hbm4b:s4+s18], $0x80, s11, s18, $0xb8;
	[tilespmem:$0x1D000] =	vst v63  }
0x254: {  	s13 =	simm.s32 $0xB80  }
0x255: {  	[spmem:s2] =	stream.indirect.scatter.add.bf16 [tilespmem:s21], [sflag:$0x4], $0x80, s13, s18, $0xb8;
	[tilespmem:$0x1D000] =	vst v63  }
0x256: {  	_ =	swait.ge [sflag:s20], $0x4000  }
0x257: {  	[sflag:s20] =	ssyncset.done $0x0  }
0x258: {  	[sflag:s20] =	ssyncadd.s32 $0xFFFFC000  }
0x259: {  	_ =	swait.ge [sflag:s26], $0x4000  }
0x25a: {  	[sflag:s26] =	ssyncset.done $0x0  }
0x25b: {  	s14 =	simm.s32 $0x480;
	[sflag:s26] =	ssyncadd.s32 $0xFFFFC000  }
0x25c: {  	[tilespmem:s21], [sflag:$0x2] =	stream.indirect.gather [hbm4b:s4+s18], $0x80, s14, s18, $0xb8;
	[tilespmem:$0x1D000] =	vst v63  }
0x25d: {  	s15 =	simm.s32 $0xC00  }
0x25e: {  	[spmem:s2] =	stream.indirect.scatter.add.bf16 [tilespmem:s19], [sflag:$0x3], $0x80, s15, s18, $0xb8;
	[tilespmem:$0x1D000] =	vst v63  }
0x25f: {  	_ =	swait.ge [sflag:s22], $0x4000  }
0x260: {  	[sflag:s22] =	ssyncset.done $0x0  }
0x261: {  	[sflag:s22] =	ssyncadd.s32 $0xFFFFC000  }
0x262: {  	_ =	swait.ge [sflag:s23], $0x4000  }
0x263: {  	[sflag:s23] =	ssyncset.done $0x0  }
0x264: {  	s16 =	simm.s32 $0x500;
	[sflag:s23] =	ssyncadd.s32 $0xFFFFC000  }
0x265: {  	[tilespmem:s19], [sflag:$0x1] =	stream.indirect.gather [hbm4b:s4+s18], $0x80, s16, s18, $0xb8;
	[tilespmem:$0x1D000] =	vst v63  }
0x266: {  	_ = 	snop  }
0x267: {  	[spmem:s2] =	stream.indirect.scatter.add.bf16 [tilespmem:s21], [sflag:$0x4], $0x80, s8, s18, $0xb8;
	[tilespmem:$0x1D000] =	vst v63  }
0x268: {  	_ =	swait.ge [sflag:s20], $0x4000  }
0x269: {  	[sflag:s20] =	ssyncset.done $0x0  }
0x26a: {  	[sflag:s20] =	ssyncadd.s32 $0xFFFFC000  }
0x26b: {  	_ =	swait.ge [sflag:s26], $0x4000  }
0x26c: {  	[sflag:s26] =	ssyncset.done $0x0  }
0x26d: {  	[sflag:s26] =	ssyncadd.s32 $0xFFFFC000  }
0x26e: {  	[tilespmem:s21], [sflag:$0x2] =	stream.indirect.gather [hbm4b:s4+s18], $0x80, s7, s18, $0xb8;
	[tilespmem:$0x1D000] =	vst v63  }
0x26f: {  	_ = 	snop  }
0x270: {  	[spmem:s2] =	stream.indirect.scatter.add.bf16 [tilespmem:s19], [sflag:$0x3], $0x80, s1, s18, $0xb8;
	[tilespmem:$0x1D000] =	vst v63  }
0x271: {  	_ =	swait.ge [sflag:s22], $0x4000  }
0x272: {  	[sflag:s22] =	ssyncset.done $0x0  }
0x273: {  	[sflag:s22] =	ssyncadd.s32 $0xFFFFC000  }
0x274: {  	_ =	swait.ge [sflag:s23], $0x4000  }
0x275: {  	[sflag:s23] =	ssyncset.done $0x0  }
0x276: {  	[sflag:s23] =	ssyncadd.s32 $0xFFFFC000  }
0x277: {  	[tilespmem:s19], [sflag:$0x1] =	stream.indirect.gather [hbm4b:s4+s18], $0x80, s0, s18, $0xb8;
	[tilespmem:$0x1D000] =	vst v63  }
0x278: {  	_ = 	snop  }
0x279: {  	[spmem:s2] =	stream.indirect.scatter.add.bf16 [tilespmem:s21], [sflag:$0x4], $0x80, s31, s18, $0xb8;
	[tilespmem:$0x1D000] =	vst v63  }
0x27a: {  	_ =	swait.ge [sflag:s20], $0x4000  }
0x27b: {  	[sflag:s20] =	ssyncset.done $0x0  }
0x27c: {  	[sflag:s20] =	ssyncadd.s32 $0xFFFFC000  }
0x27d: {  	_ =	swait.ge [sflag:s26], $0x4000  }
0x27e: {  	[sflag:s26] =	ssyncset.done $0x0  }
0x27f: {  	[sflag:s26] =	ssyncadd.s32 $0xFFFFC000  }
0x280: {  	[tilespmem:s21], [sflag:$0x2] =	stream.indirect.gather [hbm4b:s4+s18], $0x80, s30, s18, $0xb8;
	[tilespmem:$0x1D000] =	vst v63  }
0x281: {  	_ = 	snop  }
0x282: {  	[spmem:s2] =	stream.indirect.scatter.add.bf16 [tilespmem:s19], [sflag:$0x3], $0x80, s29, s18, $0xb8;
	[tilespmem:$0x1D000] =	vst v63  }
0x283: {  	_ =	swait.ge [sflag:s22], $0x4000  }
0x284: {  	[sflag:s22] =	ssyncset.done $0x0  }
0x285: {  	[sflag:s22] =	ssyncadd.s32 $0xFFFFC000  }
0x286: {  	_ =	swait.ge [sflag:s23], $0x4000  }
0x287: {  	[sflag:s23] =	ssyncset.done $0x0  }
0x288: {  	[sflag:s23] =	ssyncadd.s32 $0xFFFFC000  }
0x289: {  	[tilespmem:s19], [sflag:$0x1] =	stream.indirect.gather [hbm4b:s4+s18], $0x80, s28, s18, $0xb8;
	[tilespmem:$0x1D000] =	vst v63  }
0x28a: {  	_ = 	snop  }
0x28b: {  	[spmem:s2] =	stream.indirect.scatter.add.bf16 [tilespmem:s21], [sflag:$0x4], $0x80, s25, s18, $0xb8;
	[tilespmem:$0x1D000] =	vst v63  }
0x28c: {  	_ =	swait.ge [sflag:s20], $0x4000  }
0x28d: {  	[sflag:s20] =	ssyncset.done $0x0  }
0x28e: {  	[sflag:s20] =	ssyncadd.s32 $0xFFFFC000  }
0x28f: {  	_ =	swait.ge [sflag:s26], $0x4000  }
0x290: {  	[sflag:s26] =	ssyncset.done $0x0  }
0x291: {  	[sflag:s26] =	ssyncadd.s32 $0xFFFFC000  }
0x292: {  	[tilespmem:s21], [sflag:$0x2] =	stream.indirect.gather [hbm4b:s4+s18], $0x80, s24, s18, $0xb8;
	[tilespmem:$0x1D000] =	vst v63  }
0x293: {  	_ = 	snop  }
0x294: {  	[spmem:s2] =	stream.indirect.scatter.add.bf16 [tilespmem:s19], [sflag:$0x3], $0x80, s6, s18, $0xb8;
	[tilespmem:$0x1D000] =	vst v63  }
0x295: {  	_ =	swait.ge [sflag:s22], $0x4000  }
0x296: {  	s11 =	simm.s32 $0x900;
	s15 =	simm.s32 $0x180;
	[sflag:s22] =	ssyncset.done $0x0  }
0x297: {  	s16 =	simm.s32 $0x280;
	s8 =	simm.s32 $0xC00;
	[sflag:s22] =	ssyncadd.s32 $0xFFFFC000  }
0x298: {  	[spmem:s2] =	stream.indirect.scatter.add.bf16 [tilespmem:s21], [sflag:$0x4], $0x80, s5, s18, $0xb8;
	[tilespmem:$0x1D000] =	vst v63  }
0x299: {  	s7 =	simm.s32 $0x480;
	s1 =	simm.s32 $0xB80;
	_ =	swait.ge [sflag:s26], $0x4000  }
0x29a: {  	s0 =	simm.s32 $0x400;
	s31 =	simm.s32 $0x500;
	[sflag:s26] =	ssyncset.done $0x0  }
.Ltmp4:
0x29b: {  	s30 =	simm.s32 $0xB00;
	[sflag:s26] =	ssyncadd.s32 $0xFFFFC000;
	(pc) =	sbr.rel .LBB2_6-.Ltmp4, $4  }
0x29c: {  	s29 =	simm.s32 $0x380;
	s28 =	simm.s32 $0xA80;
	_ =	swait.ge [sflag:s23], $0x4000  }
0x29d: {  	s25 =	simm.s32 $0x300;
	s24 =	simm.s32 $0xA00;
	s10 =	rddreg [dreg:$0x6]  }
0x29e: {  	s6 =	simm.s32 $0x980;
	[sflag:s23] =	ssyncset.done $0x0;
	s14 =	rddreg [dreg:$0xb]  }
0x29f: {  	s5 =	simm.s32 $0x200;
	s13 =	rddreg [dreg:$0x10];
	[sflag:s23] =	ssyncadd.s32 $0xFFFFC000  }
.LBB2_7:
0x2a0: {  	_ =	sfence.sel $0x180000  }
0x2a1: {  	[bflag:$0x0] =	sbarrier.arrive $0xFFFF  }
0x2a2: {  	_ =	strace $0x9000004A  }
0x2a3: {  	s0 =	stileid.u32;
	[bflag:$0x2] =	sbarrier.arrive $0xFFFF  }
0x2a4: {  	p0 =	sne.s32 s0, $0x0;
	s0 =	rddreg [dreg:$0x2]  }
0x2a5: {  	s0 =	sadd.s32 @!p0 $0x100000, s0  }
0x2a6: {  	[sflag:s0] =	ssyncadd.tile.s32 @!p0 $0x1;
	_ =	shalt  }
.Lfunc_end2:
_tile_overlayer_lowered:
.L_overlay_start_2:
0x2a7: {  	(tag) =	ssettag $0x2  }
0x2a8: {  	s0 =	rddreg [dreg:$0x0];
	s2 =	stileid.u32  }
0x2a9: {  	s1 =	rddreg [dreg:$0x1];
	p0 =	sne.s32 s2, $0x0  }
0x2aa: {  	s3 =	rddreg [dreg:$0x2];
	[bflag:$0x3] =	sbarrier.arrive $0xFFFF;
	s2 =	simm.s32 @!p0 $0x1C05  }
0x2ab: {  	[timem:s3], [sflag:s2] =	dma.local @!p0 [hbm:s0], s1  }
0x2ac: {  	s0 =	simm.s32 @!p0 $0x5  }
0x2ad: {  	_ =	swait.ge @!p0 [sflag:s0], s1  }
0x2ae: {  	s1 =	ssub.s32 @!p0 $0x0, s1;
	[sflag:s0] =	ssyncset.done @!p0 $0x0  }
0x2af: {  	[sflag:s0] =	ssyncadd.s32 @!p0 s1  }
0x2b0: {  	[bflag:$0x3] =	sbarrier.arrive $0xFFFF  }
0x2b1: {  	_ =	shalt  }

// kernel: kernel.14.cloned.1.call-start
scs
__scs_entry_jumppad:
0x0: {  	(pc) =	sbr.rel $0x88, $3  }
0x1: {  	(tag) =	ssettag $0x0;
	lr =	simm.s32 $0x1  }
0x2: {  	[smem:$0x3F9B] =	sst lr;
	_ =	strace $0xD0000000  }
0x3: {  	_ = 	snop  }
0x4: {  	_ = 	snop  }
0x5: {  	_ = 	snop  }
0x6: {  	_ = 	snop  }
0x7: {  	_ = 	snop  }
__scs_overlays_trampoline_lowered:
0x8: {  	[smem:$0x3FAA] =	sst s0  }
0x9: {  	[smem:$0x3FAB] =	sst s1  }
0xa: {  	[smem:$0x3FAC] =	sst s2  }
0xb: {  	[smem:$0x3FAD] =	sst s3  }
0xc: {  	[smem:$0x3FAE] =	sst s4  }
0xd: {  	[smem:$0x3FAF] =	sst s5  }
0xe: {  	[smem:$0x3FB0] =	sst s6  }
0xf: {  	[smem:$0x3FB1] =	sst s7  }
0x10: {  	[smem:$0x3FB2] =	sst s8  }
0x11: {  	[smem:$0x3FB3] =	sst s9;
	s0 =	simm.s32 @!p0 $0x0  }
0x12: {  	s1 =	sld [smem:$0x3F99];
	s0 =	simm.s32 @p0 $0x1  }
0x13: {  	[smem:$0x3FB4] =	sst s0;
	s0 =	simm.s32 @!p1 $0x0  }
0x14: {  	s2 =	sld [smem:$0x3F98];
	s0 =	simm.s32 @p1 $0x1  }
0x15: {  	[smem:$0x3FB5] =	sst s0;
	s0 =	simm.s32 @!p2 $0x0  }
0x16: {  	s3 =	sld [smem:$0x3FDB];
	s0 =	simm.s32 @p2 $0x1  }
0x17: {  	s4 =	simm.s32 $0x1BF5;
	[smem:$0x3FB7] =	sst s0  }
0x18: {  	s0 =	sld [smem:$0x3F9A];
	_ =	swait.ge [sflag:s4], $0x0  }
0x19: {  	s7 =	sld [smem:$0x3F9B]  }
0x1a: {  	s8 =	sadd.s32 $0xFFFFE003, lr  }
0x1b: {  	s9 =	sadd.s32 $0xFFFFFEF7, lr;
	s5 =	simm.s32 $0xFFFFFFFF;
	p2 =	slt.u32 s8, $0xFFFFF086  }
0x1c: {  	p1 =	slt.u32 s9, $0xF7A;
	s5 =	simm.s32 @!p2 $0x0  }
0x1d: {  	s5 =	simm.s32 @p1 $0x1;
	p0 =	seq.s32 s7, s2  }
0x1e: {  	s7 =	smul.u32 @!p0 $0xF7A, s2;
	p2 =	seq.s32 @!p0 s5, $0x0  }
0x1f: {  	s9 =	smul.u32 $0xF7A, s1;
	s8 =	simm.s32 @!p0 $0x1BF5;
	p2 =	por !p2, p0  }
0x20: {  	[sflag:s8] =	ssyncset.s32 @!p0 $0xFFFFF086;
	s6 =	sadd.s32 @!p0 s3, s7;
	s7 =	simm.s32 @!p0 $0x108  }
0x21: {  	s3 =	sadd.s32 s3, s9;
	s6 =	sadd.s32 @!p0 $0x88, s6;
	s7 =	simm.s32 @p2 $0x1082  }
0x22: {  	[simem:s7], [sflag:s8] =	dma.local @!p0 [hbm:s6], $0xF7A  }
0x23: {  	s9 =	sor.u32 $0xD0000000, s2;
	s6 =	simm.s32 $0x108;
	_ =	swait.ge @!p0 [sflag:s8], $0x0  }
0x24: {  	s3 =	sadd.s32 $0x88, s3;
	s6 =	simm.s32 @!p1 $0x1082;
	[sflag:s4] =	ssyncset.s32 $0xFFFFF086  }
0x25: {  	[simem:s6], [sflag:s4] =	dma.local [hbm:s3], $0xF7A  }
0x26: {  	[smem:$0x3F9B] =	sst s1;
	(tag) =	ssettag s2;
	_ =	strace s9  }
0x27: {  	s1 =	sld [smem:$0x3FAB]  }
0x28: {  	s2 =	sld [smem:$0x3FAC]  }
0x29: {  	s4 =	sld [smem:$0x3FAE]  }
0x2a: {  	p0 =	seq.s32 s5, $0x0;
	s5 =	sld [smem:$0x3FAF]  }
0x2b: {  	s6 =	sld [smem:$0x3FB0]  }
0x2c: {  	s7 =	sld [smem:$0x3FB1]  }
0x2d: {  	s3 =	simm.s32 $0x108;
	s8 =	sld [smem:$0x3FB2]  }
0x2e: {  	s3 =	simm.s32 @!p0 $0x1082;
	s9 =	sld [smem:$0x3FB3]  }
0x2f: {  	lr =	sadd.s32 s0, s3;
	s0 =	sld [smem:$0x3FAA]  }
0x30: {  	s3 =	sld [smem:$0x3FAD]  }
0x31: {  	[smem:$0x3FB6] =	sst s10  }
0x32: {  	s10 =	sld [smem:$0x3FB4];
	_ =	sdelay $0x3  }
0x33: {  	p0 =	seq.s32 s10, $0x1;
	s10 =	sld [smem:$0x3FB6];
	_ =	sdelay $0x3  }
0x34: {  	[smem:$0x3FB6] =	sst s10  }
0x35: {  	s10 =	sld [smem:$0x3FB5];
	_ =	sdelay $0x3  }
0x36: {  	p1 =	seq.s32 s10, $0x1;
	s10 =	sld [smem:$0x3FB6];
	_ =	sdelay $0x3  }
0x37: {  	[smem:$0x3FB6] =	sst s10  }
0x38: {  	s10 =	sld [smem:$0x3FB7]  }
0x39: {  	_ = 	snop;
	(pc) =	sbr.ind lr, $3  }
0x3a: {  	_ = 	snop  }
0x3b: {  	_ = 	snop  }
0x3c: {  	p2 =	seq.s32 s10, $0x1;
	s10 =	sld [smem:$0x3FB6]  }
0x3d: {  	_ =	shalt  }
0x3e: {  	_ =	shalt  }
0x3f: {  	_ =	shalt  }
0x40: {  	_ =	shalt  }
0x41: {  	_ =	shalt  }
0x42: {  	_ =	shalt  }
0x43: {  	_ =	shalt  }
0x44: {  	_ =	shalt  }
0x45: {  	_ =	shalt  }
0x46: {  	_ =	shalt  }
0x47: {  	_ =	shalt  }
0x48: {  	_ =	shalt  }
0x49: {  	_ =	shalt  }
0x4a: {  	_ =	shalt  }
0x4b: {  	_ =	shalt  }
0x4c: {  	_ =	shalt  }
0x4d: {  	_ =	shalt  }
0x4e: {  	_ =	shalt  }
0x4f: {  	_ =	shalt  }
0x50: {  	_ =	shalt  }
0x51: {  	_ =	shalt  }
0x52: {  	_ =	shalt  }
0x53: {  	_ =	shalt  }
0x54: {  	_ =	shalt  }
0x55: {  	_ =	shalt  }
0x56: {  	_ =	shalt  }
0x57: {  	_ =	shalt  }
0x58: {  	_ =	shalt  }
0x59: {  	_ =	shalt  }
0x5a: {  	_ =	shalt  }
0x5b: {  	_ =	shalt  }
0x5c: {  	_ =	shalt  }
0x5d: {  	_ =	shalt  }
0x5e: {  	_ =	shalt  }
0x5f: {  	_ =	shalt  }
0x60: {  	_ =	shalt  }
0x61: {  	_ =	shalt  }
0x62: {  	_ =	shalt  }
0x63: {  	_ =	shalt  }
0x64: {  	_ =	shalt  }
0x65: {  	_ =	shalt  }
0x66: {  	_ =	shalt  }
0x67: {  	_ =	shalt  }
0x68: {  	_ =	shalt  }
0x69: {  	_ =	shalt  }
0x6a: {  	_ =	shalt  }
0x6b: {  	_ =	shalt  }
0x6c: {  	_ =	shalt  }
0x6d: {  	_ =	shalt  }
0x6e: {  	_ =	shalt  }
0x6f: {  	_ =	shalt  }
0x70: {  	_ =	shalt  }
0x71: {  	_ =	shalt  }
0x72: {  	_ =	shalt  }
0x73: {  	_ =	shalt  }
0x74: {  	_ =	shalt  }
0x75: {  	_ =	shalt  }
0x76: {  	_ =	shalt  }
0x77: {  	_ =	shalt  }
0x78: {  	_ =	shalt  }
0x79: {  	_ =	shalt  }
0x7a: {  	_ =	shalt  }
0x7b: {  	_ =	shalt  }
0x7c: {  	_ =	shalt  }
0x7d: {  	_ =	shalt  }
0x7e: {  	_ =	shalt  }
0x7f: {  	_ =	shalt  }
0x80: {  	_ =	shalt  }
0x81: {  	_ =	shalt  }
0x82: {  	_ =	shalt  }
0x83: {  	_ =	shalt  }
0x84: {  	_ =	shalt  }
0x85: {  	_ =	shalt  }
0x86: {  	_ =	shalt  }
0x87: {  	_ =	shalt  }
.Lfunc_end0:
.L_simem_size_0:
called_computation.2_lowered:
.L_overlay_start_0:
0x88: {  	s2 =	sld [smem:$0x3FD9]  }
0x89: {  	s3 =	sld [smem:$0x3FFE];
	_ =	sdelay $0x1  }
0x8a: {  	s1 =	srdreg.scid  }
0x8b: {  	s0 =	sand.u32 $0x1, s1  }
0x8c: {  	s17 =	sshll.u32 s0, $0xA;
	s2 =	sadd.s32 s3, s2  }
0x8d: {  	s2 =	sadd.s32 s2, s17  }
0x8e: {  	[smem:$0x3FC2] =	sst s2  }
0x8f: {  	_ = 	snop  }
0x90: {  	s2 =	sld [smem:$0x3FD0];
	(tm) =	ssettm $0x1  }
0x91: {  	s18 =	sld [smem:$0x3FFB];
	_ =	sdelay $0x3  }
0x92: {  	_ =	strace s18  }
0x93: {  	s3 =	sld [smem:$0x3FFC];
	_ =	sdelay $0x3  }
0x94: {  	_ =	strace s3  }
0x95: {  	s3 =	sld [smem:$0x3FFD];
	_ =	sdelay $0x3  }
0x96: {  	_ =	strace s3  }
0x97: {  	_ =	strace $0x8FFFFFFF  }
0x98: {  	s19 =	sld [smem:$0x3FDB];
	_ =	sdelay $0x1  }
0x99: {  	s4 =	simm.s32 $_scs_section_size  }
0x9a: {  	s5 =	simm.s32 $_size__tile_overlayer_lowered;
	s6 =	simm.s32 $_tile_overlayer_lowered  }
0x9b: {  	s22 =	simm.s32 $0x1BFF;
	s21 =	sshll.u32 s6, $0x1;
	s3 =	sadd.s32 s4, s19  }
0x9c: {  	s7 =	simm.s32 $0x0;
	s20 =	sshll.u32 s5, $0x1;
	s5 =	sadd.s32 s21, s3  }
0x9d: {  	[timem:s7], [sflag:s22] =	dma.local [hbm:s5], s20  }
0x9e: {  	_ =	swait.ge [sflag:s22], s20  }
0x9f: {  	s4 =	ssub.s32 $0x0, s20;
	[sflag:s22] =	ssyncset.done $0x0  }
0xa0: {  	[sflag:s22] =	ssyncadd.s32 s4;
	_ =	sdelay $0x1  }
0xa1: {  	s23 =	simm.s32 $0x1B8B  }
0xa2: {  	_ =	swait.ge [sflag:s23], $0x1  }
0xa3: {  	[sflag:s23] =	ssyncset.done $0x0  }
0xa4: {  	s25 =	simm.s32 $0x1B8E;
	s24 =	sld [smem:$0x3FFE];
	[sflag:s23] =	ssyncadd.s32 $0xFFFFFFFF  }
0xa5: {  	s26 =	simm.s32 $execute0_lowered;
	[smem:$0x3FD2] =	sst s25  }
0xa6: {  	s5 =	sshll.u32 s26, $0x1;
	_ =	strace $0x8000004C;
	[dreg:$0x1] =	wrdreg $0xFFFFFFFF  }
0xa7: {  	s28 =	simm.s32 $_size_execute0_lowered;
	s3 =	sadd.s32 s3, s5;
	[dreg:$0x0] =	wrdreg $0x0  }
0xa8: {  	s5 =	sshll.u32 s28, $0x1;
	[dreg:$0x2] =	wrdreg s3  }
0xa9: {  	[dreg:$0x3] =	wrdreg s5  }
0xaa: {  	[dreg:$0x4] =	wrdreg $0xC0  }
0xab: {  	_ =	task [dreg:s7], $0x5FFFF  }
0xac: {  	[dreg:$0x1] =	wrdreg $0xFFFFFFFF  }
0xad: {  	[dreg:$0x0] =	wrdreg $0x60  }
0xae: {  	[dreg:$0x2] =	wrdreg s2  }
0xaf: {  	[dreg:$0x3] =	wrdreg s24  }
0xb0: {  	[dreg:$0x4] =	wrdreg $0x50000  }
0xb1: {  	[dreg:$0x5] =	wrdreg $0x9  }
0xb2: {  	_ =	task.clear_ibuf [dreg:s7], $0x6FFFF;
	_ =	strace $0x9000004C  }
0xb3: {  	s29 =	simm.s32 $0x9;
	_ =	strace $0x8000004E  }
0xb4: {  	_ =	swait.ge [sflag:s29], $0x1  }
0xb5: {  	[sflag:s29] =	ssyncadd.s32 $0xFFFFFFFF  }
0xb6: {  	_ =	strace $0x9000004E  }
0xb7: {  	_ =	sfence  }
0xb8: {  	s30 =	sld [smem:$0x0];
	_ =	sdelay $0x2  }
0xb9: {  	s31 =	sshll.u32 s1, $0xD;
	s1 =	sshrl.u32 s1, $0x2  }
0xba: {  	s3 =	sand.u32 $0x4000, s31;
	s1 =	sadd.s32 s1, s30  }
0xbb: {  	s0 =	sor.u32 s3, s0;
	s1 =	sshll.u32 s1, $0x11  }
0xbc: {  	s0 =	sor.u32 s1, s0  }
0xbd: {  	s0 =	sadd.s32 $0x8F2B, s0  }
0xbe: {  	[sflag:s0] =	ssyncadd.remote.s32 $0x1  }
0xbf: {  	_ =	sfence.sel $0xFFFF  }
0xc0: {  	[dreg:$0x0] =	wrdreg $0xFFFFFFFF;
	(pc) =	sbr.abs _section_cstart, $3  }
0xc1: {  	[dreg:$0x1] =	wrdreg $0xFFFFFFFF  }
0xc2: {  	_ =	task.clear_ibuf [dreg:s7], $0x2FFFF;
	_ =	strace $0x9FFFFFFF  }
0xc3: {  	(tm) =	ssettm $0x7FFFFFFF  }
tec
execute0_lowered:
.L_overlay_start_1:
0x0: {  	(tag) =	ssettag $0x1  }
0x1: {  	s1 =	rddreg [dreg:$0x0]  }
0x2: {  	s0 =	rddreg [dreg:$0x1]  }
0x3: {  	s3 =	rddreg [dreg:$0x2]  }
0x4: {  	s2 =	srdreg.scid;
	s14 =	stileid.u32  }
0x5: {  	s4 =	simm.s32 $0x0;
	s28 =	simm.s32 $0xA80;
	s29 =	simm.s32 $0x380  }
0x6: {  	s30 =	simm.s32 $0xB00;
	s31 =	simm.s32 $0x500;
	s2 =	sand.u32 $0x1, s2  }
0x7: {  	s5 =	smul.u32 $0x14000, s14;
	[smem:$0x7FF] =	sst s4;
	s7 =	sadd.s32 $0x8DE00, s0  }
0x8: {  	s25 =	sadd.s32 $0xB600, s0;
	s10 =	smul.u32 $0x28000, s14;
	s11 =	sadd.s32 $0x1400, s0  }
0x9: {  	s12 =	sshll.u32 s14, $0x6;
	s6 =	smul.u32 $0x140000, s2;
	_ =	strace $0x8000004D  }
0xa: {  	[dreg:$0x6] =	wrdreg s7;
	s8 =	ssub.s32 $0x2, s2;
	s15 =	sor.u32 $0x1C05, s12  }
0xb: {  	s12 =	sshll.u32 s14, $0x8;
	s14 =	smul.u32 $0x900, s14;
	p0 =	seq.s32 s2, $0x1  }
0xc: {  	s2 =	simm.s32 $0xB80;
	s7 =	simm.s32 $0x480;
	s9 =	sshrl.u32 s8, $0x1  }
0xd: {  	s13 =	sshrl.u32 s10, $0x2;
	s12 =	sor.u32 $0x9000, s12;
	s10 =	smov.u32 s15  }
0xe: {  	s15 =	simm.s32 $0x180;
	s6 =	sadd.s32 s5, s6;
	s26 =	ssub.s32 s8, s9  }
0xf: {  	s5 =	sshrl.u32 s5, $0x1;
	s16 =	sadd.s32 s13, s3;
	s18 =	sadd.s32 s11, s12  }
0x10: {  	s19 =	sadd.s32 s25, s12;
	s20 =	sadd.s32 s14, s25;
	s22 =	sadd.s32 s14, s11  }
0x11: {  	s12 =	simm.s32 $0x5;
	s11 =	simm.s32 $0x900;
	[dreg:$0x7] =	wrdreg s10  }
0x12: {  	s6 =	sshrl.u32 s6, $0x4;
	s5 =	sadd.s32 s5, s3;
	[dreg:$0x8] =	wrdreg s18  }
0x13: {  	s9 =	sadd.s32 $0x2000, s16;
	s17 =	sadd.s32 $0x4000, s16;
	[dreg:$0x9] =	wrdreg s19  }
0x14: {  	s13 =	sadd.s32 $0x6000, s16;
	s8 =	sadd.s32 $0x8000, s16;
	[dreg:$0x4] =	wrdreg s20  }
0x15: {  	s21 =	smax.u32 s26, $0x1;
	[dreg:$0x5] =	wrdreg s22;
	s18 =	simm.s32 $0x80  }
0x16: {  	s19 =	simm.s32 $0x1000;
	s20 =	simm.s32 $0x1;
	s22 =	simm.s32 $0x2  }
0x17: {  	s16 =	simm.s32 $0x280;
	s0 =	sadd.s32 s6, s0;
	[dreg:$0xb] =	wrdreg s21  }
0x18: {  	s14 =	sshrl.u32 s5, $0x3;
	s23 =	sshrl.u32 s9, $0x3;
	s24 =	sshrl.u32 s17, $0x3  }
0x19: {  	s25 =	sshrl.u32 s13, $0x3;
	s26 =	sshrl.u32 s8, $0x3;
	s17 =	simm.s32 $0x800  }
0x1a: {  	s21 =	simm.s32 $0x3000;
	s5 =	simm.s32 $0x200;
	[dreg:$0xd] =	wrdreg s23  }
.Ltmp0:
0x1b: {  	s6 =	simm.s32 $0x980;
	[dreg:$0xe] =	wrdreg s24;
	(pc) =	sbr.rel .LBB2_1-.Ltmp0, $4  }
0x1c: {  	s8 =	simm.s32 $0xC00;
	s13 =	simm.s32 $0x0;
	[dreg:$0xf] =	wrdreg s25  }
0x1d: {  	s0 =	sadd.s32 $0x15600, s0;
	[dreg:$0x10] =	wrdreg s26;
	s23 =	simm.s32 $0x3  }
0x1e: {  	s26 =	simm.s32 $0x4;
	s24 =	simm.s32 $0xA00;
	[dreg:$0xc] =	wrdreg s14  }
0x1f: {  	s25 =	simm.s32 $0x300;
	[dreg:$0xa] =	wrdreg s0;
	s0 =	simm.s32 $0x400  }
.LBB2_5:
0x20: {  	s9 =	rddreg [dreg:$0x8]  }
0x21: {  	[tilespmem:s17], [sflag:$0x5] =	stream.linear.gather [hbm4b:s9+s4], $0x800, $0x38;
	[tilespmem:$0xF000] =	vst v63  }
0x22: {  	_ =	swait.ge [sflag:s12], $0x800  }
0x23: {  	[sflag:s12] =	ssyncset.done $0x0  }
0x24: {  	s13 =	rddreg [dreg:$0x9];
	[sflag:s12] =	ssyncadd.s32 $0xFFFFF800  }
0x25: {  	[tilespmem:s4], [sflag:$0x5] =	stream.linear.gather [hbm4b:s13+s4], $0x800, $0x38;
	[tilespmem:$0xF000] =	vst v63  }
0x26: {  	_ =	swait.ge [sflag:s12], $0x800  }
0x27: {  	[sflag:s12] =	ssyncset.done $0x0  }
0x28: {  	[sflag:s12] =	ssyncadd.s32 $0xFFFFF800  }
0x29: {  	[tilespmem:s19], [sflag:$0x1] =	stream.indirect.gather [hbm4b:s1+s18], $0x40, s4, s18, $0xb8;
	[tilespmem:$0xF000] =	vst v63  }
0x2a: {  	_ =	swait.ge [sflag:s20], $0x2000  }
0x2b: {  	[sflag:s20] =	ssyncset.done $0x0  }
0x2c: {  	[sflag:s20] =	ssyncadd.s32 $0xFFFFE000  }
0x2d: {  	[tilespmem:s21], [sflag:$0x2] =	stream.indirect.gather [hbm4b:s1+s18], $0x40, s18, s18, $0xb8;
	[tilespmem:$0xF000] =	vst v63  }
0x2e: {  	_ = 	snop  }
0x2f: {  	[spmem:s3] =	stream.indirect.scatter.add.bf16 [tilespmem:s19], [sflag:$0x3], $0x40, s17, s18, $0xb8;
	[tilespmem:$0xF000] =	vst v63  }
0x30: {  	_ =	swait.ge [sflag:s22], $0x2000  }
0x31: {  	[sflag:s22] =	ssyncset.done $0x0  }
0x32: {  	[sflag:s22] =	ssyncadd.s32 $0xFFFFE000  }
0x33: {  	_ =	swait.ge [sflag:s23], $0x2000  }
0x34: {  	[sflag:s23] =	ssyncset.done $0x0  }
0x35: {  	s13 =	simm.s32 $0x100;
	[sflag:s23] =	ssyncadd.s32 $0xFFFFE000  }
0x36: {  	[tilespmem:s19], [sflag:$0x1] =	stream.indirect.gather [hbm4b:s1+s18], $0x40, s13, s18, $0xb8;
	[tilespmem:$0xF000] =	vst v63  }
0x37: {  	s13 =	simm.s32 $0x880  }
0x38: {  	[spmem:s3] =	stream.indirect.scatter.add.bf16 [tilespmem:s21], [sflag:$0x4], $0x40, s13, s18, $0xb8;
	[tilespmem:$0xF000] =	vst v63  }
0x39: {  	_ =	swait.ge [sflag:s20], $0x2000  }
0x3a: {  	[sflag:s20] =	ssyncset.done $0x0  }
0x3b: {  	[sflag:s20] =	ssyncadd.s32 $0xFFFFE000  }
0x3c: {  	_ =	swait.ge [sflag:s26], $0x2000  }
0x3d: {  	[sflag:s26] =	ssyncset.done $0x0  }
0x3e: {  	[sflag:s26] =	ssyncadd.s32 $0xFFFFE000  }
0x3f: {  	[tilespmem:s21], [sflag:$0x2] =	stream.indirect.gather [hbm4b:s1+s18], $0x40, s15, s18, $0xb8;
	[tilespmem:$0xF000] =	vst v63  }
0x40: {  	_ = 	snop  }
0x41: {  	[spmem:s3] =	stream.indirect.scatter.add.bf16 [tilespmem:s19], [sflag:$0x3], $0x40, s11, s18, $0xb8;
	[tilespmem:$0xF000] =	vst v63  }
0x42: {  	_ =	swait.ge [sflag:s22], $0x2000  }
0x43: {  	[sflag:s22] =	ssyncset.done $0x0  }
0x44: {  	[sflag:s22] =	ssyncadd.s32 $0xFFFFE000  }
0x45: {  	_ =	swait.ge [sflag:s23], $0x2000  }
0x46: {  	[sflag:s23] =	ssyncset.done $0x0  }
0x47: {  	[sflag:s23] =	ssyncadd.s32 $0xFFFFE000  }
0x48: {  	[tilespmem:s19], [sflag:$0x1] =	stream.indirect.gather [hbm4b:s1+s18], $0x40, s5, s18, $0xb8;
	[tilespmem:$0xF000] =	vst v63  }
0x49: {  	_ = 	snop  }
0x4a: {  	[spmem:s3] =	stream.indirect.scatter.add.bf16 [tilespmem:s21], [sflag:$0x4], $0x40, s6, s18, $0xb8;
	[tilespmem:$0xF000] =	vst v63  }
0x4b: {  	_ =	swait.ge [sflag:s20], $0x2000  }
0x4c: {  	[sflag:s20] =	ssyncset.done $0x0  }
0x4d: {  	[sflag:s20] =	ssyncadd.s32 $0xFFFFE000  }
0x4e: {  	_ =	swait.ge [sflag:s26], $0x2000  }
0x4f: {  	[sflag:s26] =	ssyncset.done $0x0  }
0x50: {  	[sflag:s26] =	ssyncadd.s32 $0xFFFFE000  }
0x51: {  	[tilespmem:s21], [sflag:$0x2] =	stream.indirect.gather [hbm4b:s1+s18], $0x40, s16, s18, $0xb8;
	[tilespmem:$0xF000] =	vst v63  }
0x52: {  	_ = 	snop  }
0x53: {  	[spmem:s3] =	stream.indirect.scatter.add.bf16 [tilespmem:s19], [sflag:$0x3], $0x40, s24, s18, $0xb8;
	[tilespmem:$0xF000] =	vst v63  }
0x54: {  	_ =	swait.ge [sflag:s22], $0x2000  }
0x55: {  	[sflag:s22] =	ssyncset.done $0x0  }
0x56: {  	[sflag:s22] =	ssyncadd.s32 $0xFFFFE000  }
0x57: {  	_ =	swait.ge [sflag:s23], $0x2000  }
0x58: {  	[sflag:s23] =	ssyncset.done $0x0  }
0x59: {  	[sflag:s23] =	ssyncadd.s32 $0xFFFFE000  }
0x5a: {  	[tilespmem:s19], [sflag:$0x1] =	stream.indirect.gather [hbm4b:s1+s18], $0x40, s25, s18, $0xb8;
	[tilespmem:$0xF000] =	vst v63  }
0x5b: {  	_ = 	snop  }
0x5c: {  	[spmem:s3] =	stream.indirect.scatter.add.bf16 [tilespmem:s21], [sflag:$0x4], $0x40, s28, s18, $0xb8;
	[tilespmem:$0xF000] =	vst v63  }
0x5d: {  	_ =	swait.ge [sflag:s20], $0x2000  }
0x5e: {  	[sflag:s20] =	ssyncset.done $0x0  }
0x5f: {  	[sflag:s20] =	ssyncadd.s32 $0xFFFFE000  }
0x60: {  	_ =	swait.ge [sflag:s26], $0x2000  }
0x61: {  	[sflag:s26] =	ssyncset.done $0x0  }
0x62: {  	[sflag:s26] =	ssyncadd.s32 $0xFFFFE000  }
0x63: {  	[tilespmem:s21], [sflag:$0x2] =	stream.indirect.gather [hbm4b:s1+s18], $0x40, s29, s18, $0xb8;
	[tilespmem:$0xF000] =	vst v63  }
0x64: {  	_ = 	snop  }
0x65: {  	[spmem:s3] =	stream.indirect.scatter.add.bf16 [tilespmem:s19], [sflag:$0x3], $0x40, s30, s18, $0xb8;
	[tilespmem:$0xF000] =	vst v63  }
0x66: {  	_ =	swait.ge [sflag:s22], $0x2000  }
0x67: {  	[sflag:s22] =	ssyncset.done $0x0  }
0x68: {  	[sflag:s22] =	ssyncadd.s32 $0xFFFFE000  }
0x69: {  	_ =	swait.ge [sflag:s23], $0x2000  }
0x6a: {  	[sflag:s23] =	ssyncset.done $0x0  }
0x6b: {  	[sflag:s23] =	ssyncadd.s32 $0xFFFFE000  }
0x6c: {  	[tilespmem:s19], [sflag:$0x1] =	stream.indirect.gather [hbm4b:s1+s18], $0x40, s0, s18, $0xb8;
	[tilespmem:$0xF000] =	vst v63  }
0x6d: {  	_ = 	snop  }
0x6e: {  	[spmem:s3] =	stream.indirect.scatter.add.bf16 [tilespmem:s21], [sflag:$0x4], $0x40, s2, s18, $0xb8;
	[tilespmem:$0xF000] =	vst v63  }
0x6f: {  	_ =	swait.ge [sflag:s20], $0x2000  }
0x70: {  	[sflag:s20] =	ssyncset.done $0x0  }
0x71: {  	[sflag:s20] =	ssyncadd.s32 $0xFFFFE000  }
0x72: {  	_ =	swait.ge [sflag:s26], $0x2000  }
0x73: {  	[sflag:s26] =	ssyncset.done $0x0  }
0x74: {  	[sflag:s26] =	ssyncadd.s32 $0xFFFFE000  }
0x75: {  	[tilespmem:s21], [sflag:$0x2] =	stream.indirect.gather [hbm4b:s1+s18], $0x40, s7, s18, $0xb8;
	[tilespmem:$0xF000] =	vst v63  }
0x76: {  	_ = 	snop  }
0x77: {  	[spmem:s3] =	stream.indirect.scatter.add.bf16 [tilespmem:s19], [sflag:$0x3], $0x40, s8, s18, $0xb8;
	[tilespmem:$0xF000] =	vst v63  }
0x78: {  	_ =	swait.ge [sflag:s22], $0x2000  }
0x79: {  	[sflag:s22] =	ssyncset.done $0x0  }
0x7a: {  	[sflag:s22] =	ssyncadd.s32 $0xFFFFE000  }
0x7b: {  	_ =	swait.ge [sflag:s23], $0x2000  }
0x7c: {  	[sflag:s23] =	ssyncset.done $0x0  }
0x7d: {  	[sflag:s23] =	ssyncadd.s32 $0xFFFFE000  }
0x7e: {  	[tilespmem:s19], [sflag:$0x1] =	stream.indirect.gather [hbm4b:s1+s18], $0x40, s31, s18, $0xb8;
	[tilespmem:$0xF000] =	vst v63  }
0x7f: {  	s13 =	simm.s32 $0xC80  }
0x80: {  	[spmem:s3] =	stream.indirect.scatter.add.bf16 [tilespmem:s21], [sflag:$0x4], $0x40, s13, s18, $0xb8;
	[tilespmem:$0xF000] =	vst v63  }
0x81: {  	_ =	swait.ge [sflag:s20], $0x2000  }
0x82: {  	[sflag:s20] =	ssyncset.done $0x0  }
0x83: {  	[sflag:s20] =	ssyncadd.s32 $0xFFFFE000  }
0x84: {  	_ =	swait.ge [sflag:s26], $0x2000  }
0x85: {  	[sflag:s26] =	ssyncset.done $0x0  }
0x86: {  	s13 =	simm.s32 $0x580;
	[sflag:s26] =	ssyncadd.s32 $0xFFFFE000  }
0x87: {  	[tilespmem:s21], [sflag:$0x2] =	stream.indirect.gather [hbm4b:s1+s18], $0x40, s13, s18, $0xb8;
	[tilespmem:$0xF000] =	vst v63  }
0x88: {  	s13 =	simm.s32 $0xD00  }
0x89: {  	[spmem:s3] =	stream.indirect.scatter.add.bf16 [tilespmem:s19], [sflag:$0x3], $0x40, s13, s18, $0xb8;
	[tilespmem:$0xF000] =	vst v63  }
0x8a: {  	_ =	swait.ge [sflag:s22], $0x2000  }
0x8b: {  	[sflag:s22] =	ssyncset.done $0x0  }
0x8c: {  	[sflag:s22] =	ssyncadd.s32 $0xFFFFE000  }
0x8d: {  	_ =	swait.ge [sflag:s23], $0x2000  }
0x8e: {  	[sflag:s23] =	ssyncset.done $0x0  }
0x8f: {  	s13 =	simm.s32 $0x600;
	[sflag:s23] =	ssyncadd.s32 $0xFFFFE000  }
0x90: {  	[tilespmem:s19], [sflag:$0x1] =	stream.indirect.gather [hbm4b:s1+s18], $0x40, s13, s18, $0xb8;
	[tilespmem:$0xF000] =	vst v63  }
0x91: {  	s13 =	simm.s32 $0xD80  }
0x92: {  	[spmem:s3] =	stream.indirect.scatter.add.bf16 [tilespmem:s21], [sflag:$0x4], $0x40, s13, s18, $0xb8;
	[tilespmem:$0xF000] =	vst v63  }
0x93: {  	_ =	swait.ge [sflag:s20], $0x2000  }
0x94: {  	[sflag:s20] =	ssyncset.done $0x0  }
0x95: {  	[sflag:s20] =	ssyncadd.s32 $0xFFFFE000  }
0x96: {  	_ =	swait.ge [sflag:s26], $0x2000  }
0x97: {  	[sflag:s26] =	ssyncset.done $0x0  }
0x98: {  	s13 =	simm.s32 $0x680;
	[sflag:s26] =	ssyncadd.s32 $0xFFFFE000  }
0x99: {  	[tilespmem:s21], [sflag:$0x2] =	stream.indirect.gather [hbm4b:s1+s18], $0x40, s13, s18, $0xb8;
	[tilespmem:$0xF000] =	vst v63  }
0x9a: {  	s13 =	simm.s32 $0xE00  }
0x9b: {  	[spmem:s3] =	stream.indirect.scatter.add.bf16 [tilespmem:s19], [sflag:$0x3], $0x40, s13, s18, $0xb8;
	[tilespmem:$0xF000] =	vst v63  }
0x9c: {  	_ =	swait.ge [sflag:s22], $0x2000  }
0x9d: {  	[sflag:s22] =	ssyncset.done $0x0  }
0x9e: {  	[sflag:s22] =	ssyncadd.s32 $0xFFFFE000  }
0x9f: {  	_ =	swait.ge [sflag:s23], $0x2000  }
0xa0: {  	[sflag:s23] =	ssyncset.done $0x0  }
0xa1: {  	s13 =	simm.s32 $0x700;
	[sflag:s23] =	ssyncadd.s32 $0xFFFFE000  }
0xa2: {  	[tilespmem:s19], [sflag:$0x1] =	stream.indirect.gather [hbm4b:s1+s18], $0x40, s13, s18, $0xb8;
	[tilespmem:$0xF000] =	vst v63  }
0xa3: {  	s13 =	simm.s32 $0xE80  }
0xa4: {  	[spmem:s3] =	stream.indirect.scatter.add.bf16 [tilespmem:s21], [sflag:$0x4], $0x40, s13, s18, $0xb8;
	[tilespmem:$0xF000] =	vst v63  }
0xa5: {  	_ =	swait.ge [sflag:s20], $0x2000  }
0xa6: {  	[sflag:s20] =	ssyncset.done $0x0  }
0xa7: {  	[sflag:s20] =	ssyncadd.s32 $0xFFFFE000  }
0xa8: {  	_ =	swait.ge [sflag:s26], $0x2000  }
0xa9: {  	[sflag:s26] =	ssyncset.done $0x0  }
0xaa: {  	s13 =	simm.s32 $0x780;
	[sflag:s26] =	ssyncadd.s32 $0xFFFFE000  }
0xab: {  	[tilespmem:s21], [sflag:$0x2] =	stream.indirect.gather [hbm4b:s1+s18], $0x40, s13, s18, $0xb8;
	[tilespmem:$0xF000] =	vst v63  }
0xac: {  	s13 =	simm.s32 $0xF00  }
0xad: {  	[spmem:s3] =	stream.indirect.scatter.add.bf16 [tilespmem:s19], [sflag:$0x3], $0x40, s13, s18, $0xb8;
	[tilespmem:$0xF000] =	vst v63  }
0xae: {  	_ =	swait.ge [sflag:s22], $0x2000  }
0xaf: {  	[sflag:s22] =	ssyncset.done $0x0  }
0xb0: {  	s13 =	simm.s32 $0xF80;
	[sflag:s22] =	ssyncadd.s32 $0xFFFFE000  }
0xb1: {  	[spmem:s3] =	stream.indirect.scatter.add.bf16 [tilespmem:s21], [sflag:$0x4], $0x40, s13, s18, $0xb8;
	[tilespmem:$0xF000] =	vst v63  }
0xb2: {  	_ =	swait.ge [sflag:s26], $0x2000  }
0xb3: {  	[sflag:s26] =	ssyncset.done $0x0  }
0xb4: {  	[sflag:s26] =	ssyncadd.s32 $0xFFFFE000  }
0xb5: {  	_ =	swait.ge [sflag:s23], $0x2000  }
0xb6: {  	[sflag:s23] =	ssyncset.done $0x0  }
0xb7: {  	s13 =	rddreg [dreg:$0x11];
	[sflag:s23] =	ssyncadd.s32 $0xFFFFE000  }
.LBB2_6:
0xb8: {  	[bflag:$0x0] =	sbarrier.arrive $0xFFFF  }
0xb9: {  	s9 =	rddreg [dreg:$0xa]  }
0xba: {  	[hbm:s9], [sflag:s10] =	dma.local [spmem:s14], $0x1400  }
0xbb: {  	_ =	swait.ge [sflag:s12], $0x1400  }
0xbc: {  	s13 =	sadd.s32 $0x1, s13;
	s9 =	rddreg [dreg:$0xb]  }
0xbd: {  	p1 =	sne.s32 s13, s9  }
.Ltmp1:
0xbe: {  	_ = 	snop;
	(pc) =	sbr.rel @!p1 .LBB2_7-.Ltmp1, $3  }
0xbf: {  	_ =	sdelay $0x1  }
0xc0: {  	[sflag:s12] =	ssyncset.done $0x0  }
0xc1: {  	[sflag:s12] =	ssyncadd.s32 $0xFFFFEC00  }
.LBB2_1:
0xc2: {  	[dreg:$0x11] =	wrdreg s13  }
0xc3: {  	s9 =	rddreg [dreg:$0x6]  }
0xc4: {  	[spmem:s14], [sflag:s10] =	dma.local [hbm:s9], $0x400  }
0xc5: {  	_ =	swait.ge [sflag:s12], $0x400  }
0xc6: {  	[sflag:s12] =	ssyncset.done $0x0  }
0xc7: {  	s13 =	rddreg [dreg:$0xd];
	[sflag:s12] =	ssyncadd.s32 $0xFFFFFC00  }
0xc8: {  	[spmem:s13], [sflag:s10] =	dma.local [hbm:s9], $0x400  }
0xc9: {  	_ =	swait.ge [sflag:s12], $0x400  }
0xca: {  	[sflag:s12] =	ssyncset.done $0x0  }
0xcb: {  	s13 =	rddreg [dreg:$0xe];
	[sflag:s12] =	ssyncadd.s32 $0xFFFFFC00  }
0xcc: {  	[spmem:s13], [sflag:s10] =	dma.local [hbm:s9], $0x400  }
0xcd: {  	_ =	swait.ge [sflag:s12], $0x400  }
0xce: {  	[sflag:s12] =	ssyncset.done $0x0  }
0xcf: {  	s13 =	rddreg [dreg:$0xf];
	[sflag:s12] =	ssyncadd.s32 $0xFFFFFC00  }
0xd0: {  	[spmem:s13], [sflag:s10] =	dma.local [hbm:s9], $0x400  }
0xd1: {  	_ =	swait.ge [sflag:s12], $0x400  }
0xd2: {  	[sflag:s12] =	ssyncset.done $0x0  }
0xd3: {  	s13 =	rddreg [dreg:$0x10];
	[sflag:s12] =	ssyncadd.s32 $0xFFFFFC00  }
0xd4: {  	[spmem:s13], [sflag:s10] =	dma.local [hbm:s9], $0x400  }
.Ltmp2:
0xd5: {  	_ =	swait.ge [sflag:s12], $0x400;
	(pc) =	sbr.rel @p0 .LBB2_5-.Ltmp2, $3  }
0xd6: {  	[sflag:s12] =	ssyncset.done $0x0  }
0xd7: {  	[sflag:s12] =	ssyncadd.s32 $0xFFFFFC00  }
0xd8: {  	[bflag:$0x0] =	sbarrier.arrive $0xFFFF;
	_ =	sdelay $0x1  }
0xd9: {  	s9 =	rddreg [dreg:$0x5]  }
0xda: {  	s9 =	sadd.s32 $0x0, s9  }
0xdb: {  	[tilespmem:s17], [sflag:$0x5] =	stream.linear.gather [hbm4b:s9+s4], $0x800, $0x38;
	[tilespmem:$0xF000] =	vst v63  }
0xdc: {  	_ =	swait.ge [sflag:s12], $0x800  }
0xdd: {  	s24 =	rddreg [dreg:$0x4];
	[sflag:s12] =	ssyncset.done $0x0  }
0xde: {  	[sflag:s12] =	ssyncadd.s32 $0xFFFFF800;
	s9 =	sadd.s32 $0x0, s24  }
0xdf: {  	[tilespmem:s4], [sflag:$0x5] =	stream.linear.gather [hbm4b:s9+s4], $0x800, $0x38;
	[tilespmem:$0xF000] =	vst v63  }
0xe0: {  	_ =	swait.ge [sflag:s12], $0x800  }
0xe1: {  	[sflag:s12] =	ssyncset.done $0x0  }
0xe2: {  	[sflag:s12] =	ssyncadd.s32 $0xFFFFF800  }
0xe3: {  	[tilespmem:s19], [sflag:$0x1] =	stream.indirect.gather [hbm4b:s1+s18], $0x40, s4, s18, $0xb8;
	[tilespmem:$0xF000] =	vst v63  }
0xe4: {  	_ =	swait.ge [sflag:s20], $0x2000  }
0xe5: {  	[sflag:s20] =	ssyncset.done $0x0  }
0xe6: {  	[sflag:s20] =	ssyncadd.s32 $0xFFFFE000  }
0xe7: {  	[tilespmem:s21], [sflag:$0x2] =	stream.indirect.gather [hbm4b:s1+s18], $0x40, s18, s18, $0xb8;
	[tilespmem:$0xF000] =	vst v63  }
0xe8: {  	_ = 	snop  }
0xe9: {  	[spmem:s3] =	stream.indirect.scatter.add.bf16 [tilespmem:s19], [sflag:$0x3], $0x40, s17, s18, $0xb8;
	[tilespmem:$0xF000] =	vst v63  }
0xea: {  	_ =	swait.ge [sflag:s22], $0x2000  }
0xeb: {  	[sflag:s22] =	ssyncset.done $0x0  }
0xec: {  	[sflag:s22] =	ssyncadd.s32 $0xFFFFE000  }
0xed: {  	_ =	swait.ge [sflag:s23], $0x2000  }
0xee: {  	[sflag:s23] =	ssyncset.done $0x0  }
0xef: {  	s25 =	simm.s32 $0x100;
	[sflag:s23] =	ssyncadd.s32 $0xFFFFE000  }
0xf0: {  	[tilespmem:s19], [sflag:$0x1] =	stream.indirect.gather [hbm4b:s1+s18], $0x40, s25, s18, $0xb8;
	[tilespmem:$0xF000] =	vst v63  }
0xf1: {  	s15 =	simm.s32 $0x880  }
0xf2: {  	[spmem:s3] =	stream.indirect.scatter.add.bf16 [tilespmem:s21], [sflag:$0x4], $0x40, s15, s18, $0xb8;
	[tilespmem:$0xF000] =	vst v63  }
0xf3: {  	_ =	swait.ge [sflag:s20], $0x2000  }
0xf4: {  	[sflag:s20] =	ssyncset.done $0x0  }
0xf5: {  	[sflag:s20] =	ssyncadd.s32 $0xFFFFE000  }
0xf6: {  	_ =	swait.ge [sflag:s26], $0x2000  }
0xf7: {  	[sflag:s26] =	ssyncset.done $0x0  }
0xf8: {  	s11 =	simm.s32 $0x180;
	[sflag:s26] =	ssyncadd.s32 $0xFFFFE000  }
0xf9: {  	[tilespmem:s21], [sflag:$0x2] =	stream.indirect.gather [hbm4b:s1+s18], $0x40, s11, s18, $0xb8;
	[tilespmem:$0xF000] =	vst v63  }
0xfa: {  	s25 =	simm.s32 $0x900  }
0xfb: {  	[spmem:s3] =	stream.indirect.scatter.add.bf16 [tilespmem:s19], [sflag:$0x3], $0x40, s25, s18, $0xb8;
	[tilespmem:$0xF000] =	vst v63  }
0xfc: {  	_ =	swait.ge [sflag:s22], $0x2000  }
0xfd: {  	[sflag:s22] =	ssyncset.done $0x0  }
0xfe: {  	[sflag:s22] =	ssyncadd.s32 $0xFFFFE000  }
0xff: {  	_ =	swait.ge [sflag:s23], $0x2000  }
0x100: {  	[sflag:s23] =	ssyncset.done $0x0  }
0x101: {  	s24 =	simm.s32 $0x200;
	[sflag:s23] =	ssyncadd.s32 $0xFFFFE000  }
0x102: {  	[tilespmem:s19], [sflag:$0x1] =	stream.indirect.gather [hbm4b:s1+s18], $0x40, s24, s18, $0xb8;
	[tilespmem:$0xF000] =	vst v63  }
0x103: {  	s29 =	simm.s32 $0x980  }
0x104: {  	[spmem:s3] =	stream.indirect.scatter.add.bf16 [tilespmem:s21], [sflag:$0x4], $0x40, s29, s18, $0xb8;
	[tilespmem:$0xF000] =	vst v63  }
0x105: {  	_ =	swait.ge [sflag:s20], $0x2000  }
0x106: {  	[sflag:s20] =	ssyncset.done $0x0  }
0x107: {  	[sflag:s20] =	ssyncadd.s32 $0xFFFFE000  }
0x108: {  	_ =	swait.ge [sflag:s26], $0x2000  }
0x109: {  	[sflag:s26] =	ssyncset.done $0x0  }
0x10a: {  	s14 =	simm.s32 $0x280;
	[sflag:s26] =	ssyncadd.s32 $0xFFFFE000  }
0x10b: {  	[tilespmem:s21], [sflag:$0x2] =	stream.indirect.gather [hbm4b:s1+s18], $0x40, s14, s18, $0xb8;
	[tilespmem:$0xF000] =	vst v63  }
0x10c: {  	s13 =	simm.s32 $0xA00  }
0x10d: {  	[spmem:s3] =	stream.indirect.scatter.add.bf16 [tilespmem:s19], [sflag:$0x3], $0x40, s13, s18, $0xb8;
	[tilespmem:$0xF000] =	vst v63  }
0x10e: {  	_ =	swait.ge [sflag:s22], $0x2000  }
0x10f: {  	[sflag:s22] =	ssyncset.done $0x0  }
0x110: {  	[sflag:s22] =	ssyncadd.s32 $0xFFFFE000  }
0x111: {  	_ =	swait.ge [sflag:s23], $0x2000  }
0x112: {  	[sflag:s23] =	ssyncset.done $0x0  }
0x113: {  	s28 =	simm.s32 $0x300;
	[sflag:s23] =	ssyncadd.s32 $0xFFFFE000  }
0x114: {  	[tilespmem:s19], [sflag:$0x1] =	stream.indirect.gather [hbm4b:s1+s18], $0x40, s28, s18, $0xb8;
	[tilespmem:$0xF000] =	vst v63  }
0x115: {  	s10 =	simm.s32 $0xA80  }
0x116: {  	[spmem:s3] =	stream.indirect.scatter.add.bf16 [tilespmem:s21], [sflag:$0x4], $0x40, s10, s18, $0xb8;
	[tilespmem:$0xF000] =	vst v63  }
0x117: {  	_ =	swait.ge [sflag:s20], $0x2000  }
0x118: {  	[sflag:s20] =	ssyncset.done $0x0  }
0x119: {  	[sflag:s20] =	ssyncadd.s32 $0xFFFFE000  }
0x11a: {  	_ =	swait.ge [sflag:s26], $0x2000  }
0x11b: {  	[sflag:s26] =	ssyncset.done $0x0  }
0x11c: {  	s9 =	simm.s32 $0x380;
	[sflag:s26] =	ssyncadd.s32 $0xFFFFE000  }
0x11d: {  	[tilespmem:s21], [sflag:$0x2] =	stream.indirect.gather [hbm4b:s1+s18], $0x40, s9, s18, $0xb8;
	[tilespmem:$0xF000] =	vst v63  }
0x11e: {  	s8 =	simm.s32 $0xB00  }
0x11f: {  	[spmem:s3] =	stream.indirect.scatter.add.bf16 [tilespmem:s19], [sflag:$0x3], $0x40, s8, s18, $0xb8;
	[tilespmem:$0xF000] =	vst v63  }
0x120: {  	_ =	swait.ge [sflag:s22], $0x2000  }
0x121: {  	[sflag:s22] =	ssyncset.done $0x0  }
0x122: {  	[sflag:s22] =	ssyncadd.s32 $0xFFFFE000  }
0x123: {  	_ =	swait.ge [sflag:s23], $0x2000  }
0x124: {  	[sflag:s23] =	ssyncset.done $0x0  }
0x125: {  	s7 =	simm.s32 $0x400;
	[sflag:s23] =	ssyncadd.s32 $0xFFFFE000  }
0x126: {  	[tilespmem:s19], [sflag:$0x1] =	stream.indirect.gather [hbm4b:s1+s18], $0x40, s7, s18, $0xb8;
	[tilespmem:$0xF000] =	vst v63  }
0x127: {  	s6 =	simm.s32 $0xB80  }
0x128: {  	[spmem:s3] =	stream.indirect.scatter.add.bf16 [tilespmem:s21], [sflag:$0x4], $0x40, s6, s18, $0xb8;
	[tilespmem:$0xF000] =	vst v63  }
0x129: {  	_ =	swait.ge [sflag:s20], $0x2000  }
0x12a: {  	[sflag:s20] =	ssyncset.done $0x0  }
0x12b: {  	[sflag:s20] =	ssyncadd.s32 $0xFFFFE000  }
0x12c: {  	_ =	swait.ge [sflag:s26], $0x2000  }
0x12d: {  	[sflag:s26] =	ssyncset.done $0x0  }
0x12e: {  	s5 =	simm.s32 $0x480;
	[sflag:s26] =	ssyncadd.s32 $0xFFFFE000  }
0x12f: {  	[tilespmem:s21], [sflag:$0x2] =	stream.indirect.gather [hbm4b:s1+s18], $0x40, s5, s18, $0xb8;
	[tilespmem:$0xF000] =	vst v63  }
0x130: {  	s2 =	simm.s32 $0xC00  }
0x131: {  	[spmem:s3] =	stream.indirect.scatter.add.bf16 [tilespmem:s19], [sflag:$0x3], $0x40, s2, s18, $0xb8;
	[tilespmem:$0xF000] =	vst v63  }
0x132: {  	_ =	swait.ge [sflag:s22], $0x2000  }
0x133: {  	[sflag:s22] =	ssyncset.done $0x0  }
0x134: {  	[sflag:s22] =	ssyncadd.s32 $0xFFFFE000  }
0x135: {  	_ =	swait.ge [sflag:s23], $0x2000  }
0x136: {  	[sflag:s23] =	ssyncset.done $0x0  }
0x137: {  	s0 =	simm.s32 $0x500;
	[sflag:s23] =	ssyncadd.s32 $0xFFFFE000  }
0x138: {  	[tilespmem:s19], [sflag:$0x1] =	stream.indirect.gather [hbm4b:s1+s18], $0x40, s0, s18, $0xb8;
	[tilespmem:$0xF000] =	vst v63  }
0x139: {  	s8 =	simm.s32 $0xC80  }
0x13a: {  	[spmem:s3] =	stream.indirect.scatter.add.bf16 [tilespmem:s21], [sflag:$0x4], $0x40, s8, s18, $0xb8;
	[tilespmem:$0xF000] =	vst v63  }
0x13b: {  	_ =	swait.ge [sflag:s20], $0x2000  }
0x13c: {  	[sflag:s20] =	ssyncset.done $0x0  }
0x13d: {  	[sflag:s20] =	ssyncadd.s32 $0xFFFFE000  }
0x13e: {  	_ =	swait.ge [sflag:s26], $0x2000  }
0x13f: {  	[sflag:s26] =	ssyncset.done $0x0  }
0x140: {  	s7 =	simm.s32 $0x580;
	[sflag:s26] =	ssyncadd.s32 $0xFFFFE000  }
0x141: {  	[tilespmem:s21], [sflag:$0x2] =	stream.indirect.gather [hbm4b:s1+s18], $0x40, s7, s18, $0xb8;
	[tilespmem:$0xF000] =	vst v63  }
0x142: {  	s2 =	simm.s32 $0xD00  }
0x143: {  	[spmem:s3] =	stream.indirect.scatter.add.bf16 [tilespmem:s19], [sflag:$0x3], $0x40, s2, s18, $0xb8;
	[tilespmem:$0xF000] =	vst v63  }
0x144: {  	_ =	swait.ge [sflag:s22], $0x2000  }
0x145: {  	[sflag:s22] =	ssyncset.done $0x0  }
0x146: {  	[sflag:s22] =	ssyncadd.s32 $0xFFFFE000  }
0x147: {  	_ =	swait.ge [sflag:s23], $0x2000  }
0x148: {  	[sflag:s23] =	ssyncset.done $0x0  }
0x149: {  	s0 =	simm.s32 $0x600;
	[sflag:s23] =	ssyncadd.s32 $0xFFFFE000  }
0x14a: {  	[tilespmem:s19], [sflag:$0x1] =	stream.indirect.gather [hbm4b:s1+s18], $0x40, s0, s18, $0xb8;
	[tilespmem:$0xF000] =	vst v63  }
0x14b: {  	s31 =	simm.s32 $0xD80  }
0x14c: {  	[spmem:s3] =	stream.indirect.scatter.add.bf16 [tilespmem:s21], [sflag:$0x4], $0x40, s31, s18, $0xb8;
	[tilespmem:$0xF000] =	vst v63  }
0x14d: {  	_ =	swait.ge [sflag:s20], $0x2000  }
0x14e: {  	[sflag:s20] =	ssyncset.done $0x0  }
0x14f: {  	[sflag:s20] =	ssyncadd.s32 $0xFFFFE000  }
0x150: {  	_ =	swait.ge [sflag:s26], $0x2000  }
0x151: {  	[sflag:s26] =	ssyncset.done $0x0  }
0x152: {  	s30 =	simm.s32 $0x680;
	[sflag:s26] =	ssyncadd.s32 $0xFFFFE000  }
0x153: {  	[tilespmem:s21], [sflag:$0x2] =	stream.indirect.gather [hbm4b:s1+s18], $0x40, s30, s18, $0xb8;
	[tilespmem:$0xF000] =	vst v63  }
0x154: {  	s29 =	simm.s32 $0xE00  }
0x155: {  	[spmem:s3] =	stream.indirect.scatter.add.bf16 [tilespmem:s19], [sflag:$0x3], $0x40, s29, s18, $0xb8;
	[tilespmem:$0xF000] =	vst v63  }
0x156: {  	_ =	swait.ge [sflag:s22], $0x2000  }
0x157: {  	[sflag:s22] =	ssyncset.done $0x0  }
0x158: {  	[sflag:s22] =	ssyncadd.s32 $0xFFFFE000  }
0x159: {  	_ =	swait.ge [sflag:s23], $0x2000  }
0x15a: {  	[sflag:s23] =	ssyncset.done $0x0  }
0x15b: {  	s28 =	simm.s32 $0x700;
	[sflag:s23] =	ssyncadd.s32 $0xFFFFE000  }
0x15c: {  	[tilespmem:s19], [sflag:$0x1] =	stream.indirect.gather [hbm4b:s1+s18], $0x40, s28, s18, $0xb8;
	[tilespmem:$0xF000] =	vst v63  }
0x15d: {  	s25 =	simm.s32 $0xE80  }
0x15e: {  	[spmem:s3] =	stream.indirect.scatter.add.bf16 [tilespmem:s21], [sflag:$0x4], $0x40, s25, s18, $0xb8;
	[tilespmem:$0xF000] =	vst v63  }
0x15f: {  	_ =	swait.ge [sflag:s20], $0x2000  }
0x160: {  	[sflag:s20] =	ssyncset.done $0x0  }
0x161: {  	[sflag:s20] =	ssyncadd.s32 $0xFFFFE000  }
0x162: {  	_ =	swait.ge [sflag:s26], $0x2000  }
0x163: {  	[sflag:s26] =	ssyncset.done $0x0  }
0x164: {  	s24 =	simm.s32 $0x780;
	[sflag:s26] =	ssyncadd.s32 $0xFFFFE000  }
0x165: {  	[tilespmem:s21], [sflag:$0x2] =	stream.indirect.gather [hbm4b:s1+s18], $0x40, s24, s18, $0xb8;
	[tilespmem:$0xF000] =	vst v63  }
0x166: {  	s6 =	simm.s32 $0xF00  }
0x167: {  	[spmem:s3] =	stream.indirect.scatter.add.bf16 [tilespmem:s19], [sflag:$0x3], $0x40, s6, s18, $0xb8;
	[tilespmem:$0xF000] =	vst v63  }
0x168: {  	_ =	swait.ge [sflag:s22], $0x2000  }
0x169: {  	[sflag:s22] =	ssyncset.done $0x0  }
0x16a: {  	s5 =	simm.s32 $0xF80;
	[sflag:s22] =	ssyncadd.s32 $0xFFFFE000  }
0x16b: {  	[spmem:s3] =	stream.indirect.scatter.add.bf16 [tilespmem:s21], [sflag:$0x4], $0x40, s5, s18, $0xb8;
	[tilespmem:$0xF000] =	vst v63  }
0x16c: {  	_ =	swait.ge [sflag:s26], $0x2000  }
0x16d: {  	[sflag:s26] =	ssyncset.done $0x0  }
0x16e: {  	s16 =	simm.s32 $0x180;
	[sflag:s26] =	ssyncadd.s32 $0xFFFFE000  }
0x16f: {  	s11 =	simm.s32 $0x900;
	s10 =	simm.s32 $0x200;
	_ =	swait.ge [sflag:s23], $0x2000  }
0x170: {  	s9 =	simm.s32 $0x100;
	s13 =	rddreg [dreg:$0x5];
	[sflag:s23] =	ssyncset.done $0x0  }
.LBB2_3:
0x171: {  	[sflag:s23] =	ssyncadd.s32 $0xFFFFE000;
	s13 =	sadd.s32 s9, s13  }
0x172: {  	[tilespmem:s17], [sflag:$0x5] =	stream.linear.gather [hbm4b:s13+s4], $0x800, $0x38;
	[tilespmem:$0xF000] =	vst v63  }
0x173: {  	_ =	swait.ge [sflag:s12], $0x800  }
0x174: {  	s13 =	rddreg [dreg:$0x4];
	[sflag:s12] =	ssyncset.done $0x0  }
0x175: {  	[sflag:s12] =	ssyncadd.s32 $0xFFFFF800;
	s13 =	sadd.s32 s9, s13  }
0x176: {  	[tilespmem:s4], [sflag:$0x5] =	stream.linear.gather [hbm4b:s13+s4], $0x800, $0x38;
	[tilespmem:$0xF000] =	vst v63  }
0x177: {  	_ =	swait.ge [sflag:s12], $0x800  }
0x178: {  	[sflag:s12] =	ssyncset.done $0x0  }
0x179: {  	[sflag:s12] =	ssyncadd.s32 $0xFFFFF800  }
0x17a: {  	[tilespmem:s19], [sflag:$0x1] =	stream.indirect.gather [hbm4b:s1+s18], $0x40, s4, s18, $0xb8;
	[tilespmem:$0xF000] =	vst v63  }
0x17b: {  	_ =	swait.ge [sflag:s20], $0x2000  }
0x17c: {  	[sflag:s20] =	ssyncset.done $0x0  }
0x17d: {  	[sflag:s20] =	ssyncadd.s32 $0xFFFFE000  }
0x17e: {  	[tilespmem:s21], [sflag:$0x2] =	stream.indirect.gather [hbm4b:s1+s18], $0x40, s18, s18, $0xb8;
	[tilespmem:$0xF000] =	vst v63  }
0x17f: {  	_ = 	snop  }
0x180: {  	[spmem:s3] =	stream.indirect.scatter.add.bf16 [tilespmem:s19], [sflag:$0x3], $0x40, s17, s18, $0xb8;
	[tilespmem:$0xF000] =	vst v63  }
0x181: {  	_ =	swait.ge [sflag:s22], $0x2000  }
0x182: {  	[sflag:s22] =	ssyncset.done $0x0  }
0x183: {  	[sflag:s22] =	ssyncadd.s32 $0xFFFFE000  }
0x184: {  	_ =	swait.ge [sflag:s23], $0x2000  }
0x185: {  	s14 =	smov.u32 s10;
	[sflag:s23] =	ssyncset.done $0x0  }
0x186: {  	s9 =	smov.u32 s14;
	s14 =	simm.s32 $0x100;
	[sflag:s23] =	ssyncadd.s32 $0xFFFFE000  }
0x187: {  	[tilespmem:s19], [sflag:$0x1] =	stream.indirect.gather [hbm4b:s1+s18], $0x40, s14, s18, $0xb8;
	[tilespmem:$0xF000] =	vst v63  }
0x188: {  	_ = 	snop  }
0x189: {  	[spmem:s3] =	stream.indirect.scatter.add.bf16 [tilespmem:s21], [sflag:$0x4], $0x40, s15, s18, $0xb8;
	[tilespmem:$0xF000] =	vst v63  }
0x18a: {  	_ =	swait.ge [sflag:s20], $0x2000  }
0x18b: {  	[sflag:s20] =	ssyncset.done $0x0  }
0x18c: {  	[sflag:s20] =	ssyncadd.s32 $0xFFFFE000  }
0x18d: {  	_ =	swait.ge [sflag:s26], $0x2000  }
0x18e: {  	[sflag:s26] =	ssyncset.done $0x0  }
0x18f: {  	[sflag:s26] =	ssyncadd.s32 $0xFFFFE000  }
0x190: {  	[tilespmem:s21], [sflag:$0x2] =	stream.indirect.gather [hbm4b:s1+s18], $0x40, s16, s18, $0xb8;
	[tilespmem:$0xF000] =	vst v63  }
0x191: {  	_ = 	snop  }
0x192: {  	[spmem:s3] =	stream.indirect.scatter.add.bf16 [tilespmem:s19], [sflag:$0x3], $0x40, s11, s18, $0xb8;
	[tilespmem:$0xF000] =	vst v63  }
0x193: {  	_ =	swait.ge [sflag:s22], $0x2000  }
0x194: {  	[sflag:s22] =	ssyncset.done $0x0  }
0x195: {  	[sflag:s22] =	ssyncadd.s32 $0xFFFFE000  }
0x196: {  	_ =	swait.ge [sflag:s23], $0x2000  }
0x197: {  	[sflag:s23] =	ssyncset.done $0x0  }
0x198: {  	s13 =	simm.s32 $0x200;
	[sflag:s23] =	ssyncadd.s32 $0xFFFFE000  }
0x199: {  	[tilespmem:s19], [sflag:$0x1] =	stream.indirect.gather [hbm4b:s1+s18], $0x40, s13, s18, $0xb8;
	[tilespmem:$0xF000] =	vst v63  }
0x19a: {  	s13 =	simm.s32 $0x980  }
0x19b: {  	[spmem:s3] =	stream.indirect.scatter.add.bf16 [tilespmem:s21], [sflag:$0x4], $0x40, s13, s18, $0xb8;
	[tilespmem:$0xF000] =	vst v63  }
0x19c: {  	_ =	swait.ge [sflag:s20], $0x2000  }
0x19d: {  	[sflag:s20] =	ssyncset.done $0x0  }
0x19e: {  	[sflag:s20] =	ssyncadd.s32 $0xFFFFE000  }
0x19f: {  	_ =	swait.ge [sflag:s26], $0x2000  }
0x1a0: {  	[sflag:s26] =	ssyncset.done $0x0  }
0x1a1: {  	s13 =	simm.s32 $0x280;
	[sflag:s26] =	ssyncadd.s32 $0xFFFFE000  }
0x1a2: {  	[tilespmem:s21], [sflag:$0x2] =	stream.indirect.gather [hbm4b:s1+s18], $0x40, s13, s18, $0xb8;
	[tilespmem:$0xF000] =	vst v63  }
0x1a3: {  	s13 =	simm.s32 $0xA00  }
0x1a4: {  	[spmem:s3] =	stream.indirect.scatter.add.bf16 [tilespmem:s19], [sflag:$0x3], $0x40, s13, s18, $0xb8;
	[tilespmem:$0xF000] =	vst v63  }
0x1a5: {  	_ =	swait.ge [sflag:s22], $0x2000  }
0x1a6: {  	[sflag:s22] =	ssyncset.done $0x0  }
0x1a7: {  	[sflag:s22] =	ssyncadd.s32 $0xFFFFE000  }
0x1a8: {  	_ =	swait.ge [sflag:s23], $0x2000  }
0x1a9: {  	[sflag:s23] =	ssyncset.done $0x0  }
0x1aa: {  	s13 =	simm.s32 $0x300;
	[sflag:s23] =	ssyncadd.s32 $0xFFFFE000  }
0x1ab: {  	[tilespmem:s19], [sflag:$0x1] =	stream.indirect.gather [hbm4b:s1+s18], $0x40, s13, s18, $0xb8;
	[tilespmem:$0xF000] =	vst v63  }
0x1ac: {  	s13 =	simm.s32 $0xA80  }
0x1ad: {  	[spmem:s3] =	stream.indirect.scatter.add.bf16 [tilespmem:s21], [sflag:$0x4], $0x40, s13, s18, $0xb8;
	[tilespmem:$0xF000] =	vst v63  }
0x1ae: {  	_ =	swait.ge [sflag:s20], $0x2000  }
0x1af: {  	[sflag:s20] =	ssyncset.done $0x0  }
0x1b0: {  	[sflag:s20] =	ssyncadd.s32 $0xFFFFE000  }
0x1b1: {  	_ =	swait.ge [sflag:s26], $0x2000  }
0x1b2: {  	[sflag:s26] =	ssyncset.done $0x0  }
0x1b3: {  	s13 =	simm.s32 $0x380;
	[sflag:s26] =	ssyncadd.s32 $0xFFFFE000  }
0x1b4: {  	[tilespmem:s21], [sflag:$0x2] =	stream.indirect.gather [hbm4b:s1+s18], $0x40, s13, s18, $0xb8;
	[tilespmem:$0xF000] =	vst v63  }
0x1b5: {  	s13 =	simm.s32 $0xB00  }
0x1b6: {  	[spmem:s3] =	stream.indirect.scatter.add.bf16 [tilespmem:s19], [sflag:$0x3], $0x40, s13, s18, $0xb8;
	[tilespmem:$0xF000] =	vst v63  }
0x1b7: {  	_ =	swait.ge [sflag:s22], $0x2000  }
0x1b8: {  	[sflag:s22] =	ssyncset.done $0x0  }
0x1b9: {  	[sflag:s22] =	ssyncadd.s32 $0xFFFFE000  }
0x1ba: {  	_ =	swait.ge [sflag:s23], $0x2000  }
0x1bb: {  	[sflag:s23] =	ssyncset.done $0x0  }
0x1bc: {  	s13 =	simm.s32 $0x400;
	[sflag:s23] =	ssyncadd.s32 $0xFFFFE000  }
0x1bd: {  	[tilespmem:s19], [sflag:$0x1] =	stream.indirect.gather [hbm4b:s1+s18], $0x40, s13, s18, $0xb8;
	[tilespmem:$0xF000] =	vst v63  }
0x1be: {  	s13 =	simm.s32 $0xB80  }
0x1bf: {  	[spmem:s3] =	stream.indirect.scatter.add.bf16 [tilespmem:s21], [sflag:$0x4], $0x40, s13, s18, $0xb8;
	[tilespmem:$0xF000] =	vst v63  }
0x1c0: {  	_ =	swait.ge [sflag:s20], $0x2000  }
0x1c1: {  	[sflag:s20] =	ssyncset.done $0x0  }
0x1c2: {  	[sflag:s20] =	ssyncadd.s32 $0xFFFFE000  }
0x1c3: {  	_ =	swait.ge [sflag:s26], $0x2000  }
0x1c4: {  	[sflag:s26] =	ssyncset.done $0x0  }
0x1c5: {  	s13 =	simm.s32 $0x480;
	[sflag:s26] =	ssyncadd.s32 $0xFFFFE000  }
0x1c6: {  	[tilespmem:s21], [sflag:$0x2] =	stream.indirect.gather [hbm4b:s1+s18], $0x40, s13, s18, $0xb8;
	[tilespmem:$0xF000] =	vst v63  }
0x1c7: {  	s13 =	simm.s32 $0xC00  }
0x1c8: {  	[spmem:s3] =	stream.indirect.scatter.add.bf16 [tilespmem:s19], [sflag:$0x3], $0x40, s13, s18, $0xb8;
	[tilespmem:$0xF000] =	vst v63  }
0x1c9: {  	_ =	swait.ge [sflag:s22], $0x2000  }
0x1ca: {  	[sflag:s22] =	ssyncset.done $0x0  }
0x1cb: {  	[sflag:s22] =	ssyncadd.s32 $0xFFFFE000  }
0x1cc: {  	_ =	swait.ge [sflag:s23], $0x2000  }
0x1cd: {  	[sflag:s23] =	ssyncset.done $0x0  }
0x1ce: {  	s13 =	simm.s32 $0x500;
	[sflag:s23] =	ssyncadd.s32 $0xFFFFE000  }
0x1cf: {  	[tilespmem:s19], [sflag:$0x1] =	stream.indirect.gather [hbm4b:s1+s18], $0x40, s13, s18, $0xb8;
	[tilespmem:$0xF000] =	vst v63  }
0x1d0: {  	_ = 	snop  }
0x1d1: {  	[spmem:s3] =	stream.indirect.scatter.add.bf16 [tilespmem:s21], [sflag:$0x4], $0x40, s8, s18, $0xb8;
	[tilespmem:$0xF000] =	vst v63  }
0x1d2: {  	_ =	swait.ge [sflag:s20], $0x2000  }
0x1d3: {  	[sflag:s20] =	ssyncset.done $0x0  }
0x1d4: {  	[sflag:s20] =	ssyncadd.s32 $0xFFFFE000  }
0x1d5: {  	_ =	swait.ge [sflag:s26], $0x2000  }
0x1d6: {  	[sflag:s26] =	ssyncset.done $0x0  }
0x1d7: {  	[sflag:s26] =	ssyncadd.s32 $0xFFFFE000  }
0x1d8: {  	[tilespmem:s21], [sflag:$0x2] =	stream.indirect.gather [hbm4b:s1+s18], $0x40, s7, s18, $0xb8;
	[tilespmem:$0xF000] =	vst v63  }
0x1d9: {  	_ = 	snop  }
0x1da: {  	[spmem:s3] =	stream.indirect.scatter.add.bf16 [tilespmem:s19], [sflag:$0x3], $0x40, s2, s18, $0xb8;
	[tilespmem:$0xF000] =	vst v63  }
0x1db: {  	_ =	swait.ge [sflag:s22], $0x2000  }
0x1dc: {  	[sflag:s22] =	ssyncset.done $0x0  }
0x1dd: {  	[sflag:s22] =	ssyncadd.s32 $0xFFFFE000  }
0x1de: {  	_ =	swait.ge [sflag:s23], $0x2000  }
0x1df: {  	[sflag:s23] =	ssyncset.done $0x0  }
0x1e0: {  	[sflag:s23] =	ssyncadd.s32 $0xFFFFE000  }
0x1e1: {  	[tilespmem:s19], [sflag:$0x1] =	stream.indirect.gather [hbm4b:s1+s18], $0x40, s0, s18, $0xb8;
	[tilespmem:$0xF000] =	vst v63  }
0x1e2: {  	_ = 	snop  }
0x1e3: {  	[spmem:s3] =	stream.indirect.scatter.add.bf16 [tilespmem:s21], [sflag:$0x4], $0x40, s31, s18, $0xb8;
	[tilespmem:$0xF000] =	vst v63  }
0x1e4: {  	_ =	swait.ge [sflag:s20], $0x2000  }
0x1e5: {  	[sflag:s20] =	ssyncset.done $0x0  }
0x1e6: {  	[sflag:s20] =	ssyncadd.s32 $0xFFFFE000  }
0x1e7: {  	_ =	swait.ge [sflag:s26], $0x2000  }
0x1e8: {  	[sflag:s26] =	ssyncset.done $0x0  }
0x1e9: {  	[sflag:s26] =	ssyncadd.s32 $0xFFFFE000  }
0x1ea: {  	[tilespmem:s21], [sflag:$0x2] =	stream.indirect.gather [hbm4b:s1+s18], $0x40, s30, s18, $0xb8;
	[tilespmem:$0xF000] =	vst v63  }
0x1eb: {  	_ = 	snop  }
0x1ec: {  	[spmem:s3] =	stream.indirect.scatter.add.bf16 [tilespmem:s19], [sflag:$0x3], $0x40, s29, s18, $0xb8;
	[tilespmem:$0xF000] =	vst v63  }
0x1ed: {  	_ =	swait.ge [sflag:s22], $0x2000  }
0x1ee: {  	[sflag:s22] =	ssyncset.done $0x0  }
0x1ef: {  	[sflag:s22] =	ssyncadd.s32 $0xFFFFE000  }
0x1f0: {  	_ =	swait.ge [sflag:s23], $0x2000  }
0x1f1: {  	[sflag:s23] =	ssyncset.done $0x0  }
0x1f2: {  	[sflag:s23] =	ssyncadd.s32 $0xFFFFE000  }
0x1f3: {  	[tilespmem:s19], [sflag:$0x1] =	stream.indirect.gather [hbm4b:s1+s18], $0x40, s28, s18, $0xb8;
	[tilespmem:$0xF000] =	vst v63  }
0x1f4: {  	_ = 	snop  }
0x1f5: {  	[spmem:s3] =	stream.indirect.scatter.add.bf16 [tilespmem:s21], [sflag:$0x4], $0x40, s25, s18, $0xb8;
	[tilespmem:$0xF000] =	vst v63  }
0x1f6: {  	_ =	swait.ge [sflag:s20], $0x2000  }
0x1f7: {  	[sflag:s20] =	ssyncset.done $0x0  }
0x1f8: {  	[sflag:s20] =	ssyncadd.s32 $0xFFFFE000  }
0x1f9: {  	_ =	swait.ge [sflag:s26], $0x2000  }
0x1fa: {  	[sflag:s26] =	ssyncset.done $0x0  }
0x1fb: {  	[sflag:s26] =	ssyncadd.s32 $0xFFFFE000  }
0x1fc: {  	[tilespmem:s21], [sflag:$0x2] =	stream.indirect.gather [hbm4b:s1+s18], $0x40, s24, s18, $0xb8;
	[tilespmem:$0xF000] =	vst v63  }
0x1fd: {  	_ = 	snop  }
0x1fe: {  	[spmem:s3] =	stream.indirect.scatter.add.bf16 [tilespmem:s19], [sflag:$0x3], $0x40, s6, s18, $0xb8;
	[tilespmem:$0xF000] =	vst v63  }
0x1ff: {  	_ =	swait.ge [sflag:s22], $0x2000  }
0x200: {  	[sflag:s22] =	ssyncset.done $0x0  }
0x201: {  	p1 =	seq.s32 s10, $0x800;
	[sflag:s22] =	ssyncadd.s32 $0xFFFFE000  }
0x202: {  	[spmem:s3] =	stream.indirect.scatter.add.bf16 [tilespmem:s21], [sflag:$0x4], $0x40, s5, s18, $0xb8;
	[tilespmem:$0xF000] =	vst v63  }
.Ltmp3:
0x203: {  	_ =	swait.ge [sflag:s26], $0x2000;
	(pc) =	sbr.rel @!p1 .LBB2_3-.Ltmp3, $4  }
0x204: {  	[sflag:s26] =	ssyncset.done $0x0  }
0x205: {  	[sflag:s26] =	ssyncadd.s32 $0xFFFFE000  }
0x206: {  	_ =	swait.ge [sflag:s23], $0x2000  }
0x207: {  	s10 =	sadd.s32 $0x100, s10;
	s13 =	rddreg [dreg:$0x5];
	[sflag:s23] =	ssyncset.done $0x0  }
0x208: {  	[sflag:s23] =	ssyncadd.s32 $0xFFFFE000;
	s10 =	sadd.s32 s9, s13  }
0x209: {  	[tilespmem:s17], [sflag:$0x5] =	stream.linear.gather [hbm4b:s10+s4], $0x800, $0x38;
	[tilespmem:$0xF000] =	vst v63  }
0x20a: {  	_ =	swait.ge [sflag:s12], $0x800  }
0x20b: {  	s13 =	rddreg [dreg:$0x4];
	[sflag:s12] =	ssyncset.done $0x0  }
0x20c: {  	s13 =	sadd.s32 s9, s13;
	[sflag:s12] =	ssyncadd.s32 $0xFFFFF800  }
0x20d: {  	[tilespmem:s4], [sflag:$0x5] =	stream.linear.gather [hbm4b:s13+s4], $0x800, $0x38;
	[tilespmem:$0xF000] =	vst v63  }
0x20e: {  	_ =	swait.ge [sflag:s12], $0x800  }
0x20f: {  	[sflag:s12] =	ssyncset.done $0x0  }
0x210: {  	[sflag:s12] =	ssyncadd.s32 $0xFFFFF800  }
0x211: {  	[tilespmem:s19], [sflag:$0x1] =	stream.indirect.gather [hbm4b:s1+s18], $0x40, s4, s18, $0xb8;
	[tilespmem:$0xF000] =	vst v63  }
0x212: {  	_ =	swait.ge [sflag:s20], $0x2000  }
0x213: {  	[sflag:s20] =	ssyncset.done $0x0  }
0x214: {  	[sflag:s20] =	ssyncadd.s32 $0xFFFFE000  }
0x215: {  	[tilespmem:s21], [sflag:$0x2] =	stream.indirect.gather [hbm4b:s1+s18], $0x40, s18, s18, $0xb8;
	[tilespmem:$0xF000] =	vst v63  }
0x216: {  	_ = 	snop  }
0x217: {  	[spmem:s3] =	stream.indirect.scatter.add.bf16 [tilespmem:s19], [sflag:$0x3], $0x40, s17, s18, $0xb8;
	[tilespmem:$0xF000] =	vst v63  }
0x218: {  	_ =	swait.ge [sflag:s22], $0x2000  }
0x219: {  	[sflag:s22] =	ssyncset.done $0x0  }
0x21a: {  	[sflag:s22] =	ssyncadd.s32 $0xFFFFE000  }
0x21b: {  	_ =	swait.ge [sflag:s23], $0x2000  }
0x21c: {  	[sflag:s23] =	ssyncset.done $0x0  }
0x21d: {  	[sflag:s23] =	ssyncadd.s32 $0xFFFFE000  }
0x21e: {  	[tilespmem:s19], [sflag:$0x1] =	stream.indirect.gather [hbm4b:s1+s18], $0x40, s14, s18, $0xb8;
	[tilespmem:$0xF000] =	vst v63  }
0x21f: {  	_ = 	snop  }
0x220: {  	[spmem:s3] =	stream.indirect.scatter.add.bf16 [tilespmem:s21], [sflag:$0x4], $0x40, s15, s18, $0xb8;
	[tilespmem:$0xF000] =	vst v63  }
0x221: {  	_ =	swait.ge [sflag:s20], $0x2000  }
0x222: {  	[sflag:s20] =	ssyncset.done $0x0  }
0x223: {  	[sflag:s20] =	ssyncadd.s32 $0xFFFFE000  }
0x224: {  	_ =	swait.ge [sflag:s26], $0x2000  }
0x225: {  	[sflag:s26] =	ssyncset.done $0x0  }
0x226: {  	[sflag:s26] =	ssyncadd.s32 $0xFFFFE000  }
0x227: {  	[tilespmem:s21], [sflag:$0x2] =	stream.indirect.gather [hbm4b:s1+s18], $0x40, s16, s18, $0xb8;
	[tilespmem:$0xF000] =	vst v63  }
0x228: {  	_ = 	snop  }
0x229: {  	[spmem:s3] =	stream.indirect.scatter.add.bf16 [tilespmem:s19], [sflag:$0x3], $0x40, s11, s18, $0xb8;
	[tilespmem:$0xF000] =	vst v63  }
0x22a: {  	_ =	swait.ge [sflag:s22], $0x2000  }
0x22b: {  	[sflag:s22] =	ssyncset.done $0x0  }
0x22c: {  	[sflag:s22] =	ssyncadd.s32 $0xFFFFE000  }
0x22d: {  	_ =	swait.ge [sflag:s23], $0x2000  }
0x22e: {  	[sflag:s23] =	ssyncset.done $0x0  }
0x22f: {  	s16 =	simm.s32 $0x200;
	[sflag:s23] =	ssyncadd.s32 $0xFFFFE000  }
0x230: {  	[tilespmem:s19], [sflag:$0x1] =	stream.indirect.gather [hbm4b:s1+s18], $0x40, s16, s18, $0xb8;
	[tilespmem:$0xF000] =	vst v63  }
0x231: {  	s10 =	simm.s32 $0x980  }
0x232: {  	[spmem:s3] =	stream.indirect.scatter.add.bf16 [tilespmem:s21], [sflag:$0x4], $0x40, s10, s18, $0xb8;
	[tilespmem:$0xF000] =	vst v63  }
0x233: {  	_ =	swait.ge [sflag:s20], $0x2000  }
0x234: {  	[sflag:s20] =	ssyncset.done $0x0  }
0x235: {  	[sflag:s20] =	ssyncadd.s32 $0xFFFFE000  }
0x236: {  	_ =	swait.ge [sflag:s26], $0x2000  }
0x237: {  	[sflag:s26] =	ssyncset.done $0x0  }
0x238: {  	s11 =	simm.s32 $0x280;
	[sflag:s26] =	ssyncadd.s32 $0xFFFFE000  }
0x239: {  	[tilespmem:s21], [sflag:$0x2] =	stream.indirect.gather [hbm4b:s1+s18], $0x40, s11, s18, $0xb8;
	[tilespmem:$0xF000] =	vst v63  }
0x23a: {  	s13 =	simm.s32 $0xA00  }
0x23b: {  	[spmem:s3] =	stream.indirect.scatter.add.bf16 [tilespmem:s19], [sflag:$0x3], $0x40, s13, s18, $0xb8;
	[tilespmem:$0xF000] =	vst v63  }
0x23c: {  	_ =	swait.ge [sflag:s22], $0x2000  }
0x23d: {  	[sflag:s22] =	ssyncset.done $0x0  }
0x23e: {  	[sflag:s22] =	ssyncadd.s32 $0xFFFFE000  }
0x23f: {  	_ =	swait.ge [sflag:s23], $0x2000  }
0x240: {  	[sflag:s23] =	ssyncset.done $0x0  }
0x241: {  	s14 =	simm.s32 $0x300;
	[sflag:s23] =	ssyncadd.s32 $0xFFFFE000  }
0x242: {  	[tilespmem:s19], [sflag:$0x1] =	stream.indirect.gather [hbm4b:s1+s18], $0x40, s14, s18, $0xb8;
	[tilespmem:$0xF000] =	vst v63  }
0x243: {  	s15 =	simm.s32 $0xA80  }
0x244: {  	[spmem:s3] =	stream.indirect.scatter.add.bf16 [tilespmem:s21], [sflag:$0x4], $0x40, s15, s18, $0xb8;
	[tilespmem:$0xF000] =	vst v63  }
0x245: {  	_ =	swait.ge [sflag:s20], $0x2000  }
0x246: {  	[sflag:s20] =	ssyncset.done $0x0  }
0x247: {  	[sflag:s20] =	ssyncadd.s32 $0xFFFFE000  }
0x248: {  	_ =	swait.ge [sflag:s26], $0x2000  }
0x249: {  	[sflag:s26] =	ssyncset.done $0x0  }
0x24a: {  	s16 =	simm.s32 $0x380;
	[sflag:s26] =	ssyncadd.s32 $0xFFFFE000  }
0x24b: {  	[tilespmem:s21], [sflag:$0x2] =	stream.indirect.gather [hbm4b:s1+s18], $0x40, s16, s18, $0xb8;
	[tilespmem:$0xF000] =	vst v63  }
0x24c: {  	s10 =	simm.s32 $0xB00  }
0x24d: {  	[spmem:s3] =	stream.indirect.scatter.add.bf16 [tilespmem:s19], [sflag:$0x3], $0x40, s10, s18, $0xb8;
	[tilespmem:$0xF000] =	vst v63  }
0x24e: {  	_ =	swait.ge [sflag:s22], $0x2000  }
0x24f: {  	[sflag:s22] =	ssyncset.done $0x0  }
0x250: {  	[sflag:s22] =	ssyncadd.s32 $0xFFFFE000  }
0x251: {  	_ =	swait.ge [sflag:s23], $0x2000  }
0x252: {  	[sflag:s23] =	ssyncset.done $0x0  }
0x253: {  	s11 =	simm.s32 $0x400;
	[sflag:s23] =	ssyncadd.s32 $0xFFFFE000  }
0x254: {  	[tilespmem:s19], [sflag:$0x1] =	stream.indirect.gather [hbm4b:s1+s18], $0x40, s11, s18, $0xb8;
	[tilespmem:$0xF000] =	vst v63  }
0x255: {  	s13 =	simm.s32 $0xB80  }
0x256: {  	[spmem:s3] =	stream.indirect.scatter.add.bf16 [tilespmem:s21], [sflag:$0x4], $0x40, s13, s18, $0xb8;
	[tilespmem:$0xF000] =	vst v63  }
0x257: {  	_ =	swait.ge [sflag:s20], $0x2000  }
0x258: {  	[sflag:s20] =	ssyncset.done $0x0  }
0x259: {  	[sflag:s20] =	ssyncadd.s32 $0xFFFFE000  }
0x25a: {  	_ =	swait.ge [sflag:s26], $0x2000  }
0x25b: {  	[sflag:s26] =	ssyncset.done $0x0  }
0x25c: {  	s14 =	simm.s32 $0x480;
	[sflag:s26] =	ssyncadd.s32 $0xFFFFE000  }
0x25d: {  	[tilespmem:s21], [sflag:$0x2] =	stream.indirect.gather [hbm4b:s1+s18], $0x40, s14, s18, $0xb8;
	[tilespmem:$0xF000] =	vst v63  }
0x25e: {  	s15 =	simm.s32 $0xC00  }
0x25f: {  	[spmem:s3] =	stream.indirect.scatter.add.bf16 [tilespmem:s19], [sflag:$0x3], $0x40, s15, s18, $0xb8;
	[tilespmem:$0xF000] =	vst v63  }
0x260: {  	_ =	swait.ge [sflag:s22], $0x2000  }
0x261: {  	[sflag:s22] =	ssyncset.done $0x0  }
0x262: {  	[sflag:s22] =	ssyncadd.s32 $0xFFFFE000  }
0x263: {  	_ =	swait.ge [sflag:s23], $0x2000  }
0x264: {  	[sflag:s23] =	ssyncset.done $0x0  }
0x265: {  	s16 =	simm.s32 $0x500;
	[sflag:s23] =	ssyncadd.s32 $0xFFFFE000  }
0x266: {  	[tilespmem:s19], [sflag:$0x1] =	stream.indirect.gather [hbm4b:s1+s18], $0x40, s16, s18, $0xb8;
	[tilespmem:$0xF000] =	vst v63  }
0x267: {  	_ = 	snop  }
0x268: {  	[spmem:s3] =	stream.indirect.scatter.add.bf16 [tilespmem:s21], [sflag:$0x4], $0x40, s8, s18, $0xb8;
	[tilespmem:$0xF000] =	vst v63  }
0x269: {  	_ =	swait.ge [sflag:s20], $0x2000  }
0x26a: {  	[sflag:s20] =	ssyncset.done $0x0  }
0x26b: {  	[sflag:s20] =	ssyncadd.s32 $0xFFFFE000  }
0x26c: {  	_ =	swait.ge [sflag:s26], $0x2000  }
0x26d: {  	[sflag:s26] =	ssyncset.done $0x0  }
0x26e: {  	[sflag:s26] =	ssyncadd.s32 $0xFFFFE000  }
0x26f: {  	[tilespmem:s21], [sflag:$0x2] =	stream.indirect.gather [hbm4b:s1+s18], $0x40, s7, s18, $0xb8;
	[tilespmem:$0xF000] =	vst v63  }
0x270: {  	_ = 	snop  }
0x271: {  	[spmem:s3] =	stream.indirect.scatter.add.bf16 [tilespmem:s19], [sflag:$0x3], $0x40, s2, s18, $0xb8;
	[tilespmem:$0xF000] =	vst v63  }
0x272: {  	_ =	swait.ge [sflag:s22], $0x2000  }
0x273: {  	[sflag:s22] =	ssyncset.done $0x0  }
0x274: {  	[sflag:s22] =	ssyncadd.s32 $0xFFFFE000  }
0x275: {  	_ =	swait.ge [sflag:s23], $0x2000  }
0x276: {  	[sflag:s23] =	ssyncset.done $0x0  }
0x277: {  	[sflag:s23] =	ssyncadd.s32 $0xFFFFE000  }
0x278: {  	[tilespmem:s19], [sflag:$0x1] =	stream.indirect.gather [hbm4b:s1+s18], $0x40, s0, s18, $0xb8;
	[tilespmem:$0xF000] =	vst v63  }
0x279: {  	_ = 	snop  }
0x27a: {  	[spmem:s3] =	stream.indirect.scatter.add.bf16 [tilespmem:s21], [sflag:$0x4], $0x40, s31, s18, $0xb8;
	[tilespmem:$0xF000] =	vst v63  }
0x27b: {  	_ =	swait.ge [sflag:s20], $0x2000  }
0x27c: {  	[sflag:s20] =	ssyncset.done $0x0  }
0x27d: {  	[sflag:s20] =	ssyncadd.s32 $0xFFFFE000  }
0x27e: {  	_ =	swait.ge [sflag:s26], $0x2000  }
0x27f: {  	[sflag:s26] =	ssyncset.done $0x0  }
0x280: {  	[sflag:s26] =	ssyncadd.s32 $0xFFFFE000  }
0x281: {  	[tilespmem:s21], [sflag:$0x2] =	stream.indirect.gather [hbm4b:s1+s18], $0x40, s30, s18, $0xb8;
	[tilespmem:$0xF000] =	vst v63  }
0x282: {  	_ = 	snop  }
0x283: {  	[spmem:s3] =	stream.indirect.scatter.add.bf16 [tilespmem:s19], [sflag:$0x3], $0x40, s29, s18, $0xb8;
	[tilespmem:$0xF000] =	vst v63  }
0x284: {  	_ =	swait.ge [sflag:s22], $0x2000  }
0x285: {  	[sflag:s22] =	ssyncset.done $0x0  }
0x286: {  	[sflag:s22] =	ssyncadd.s32 $0xFFFFE000  }
0x287: {  	_ =	swait.ge [sflag:s23], $0x2000  }
0x288: {  	[sflag:s23] =	ssyncset.done $0x0  }
0x289: {  	[sflag:s23] =	ssyncadd.s32 $0xFFFFE000  }
0x28a: {  	[tilespmem:s19], [sflag:$0x1] =	stream.indirect.gather [hbm4b:s1+s18], $0x40, s28, s18, $0xb8;
	[tilespmem:$0xF000] =	vst v63  }
0x28b: {  	_ = 	snop  }
0x28c: {  	[spmem:s3] =	stream.indirect.scatter.add.bf16 [tilespmem:s21], [sflag:$0x4], $0x40, s25, s18, $0xb8;
	[tilespmem:$0xF000] =	vst v63  }
0x28d: {  	_ =	swait.ge [sflag:s20], $0x2000  }
0x28e: {  	[sflag:s20] =	ssyncset.done $0x0  }
0x28f: {  	[sflag:s20] =	ssyncadd.s32 $0xFFFFE000  }
0x290: {  	_ =	swait.ge [sflag:s26], $0x2000  }
0x291: {  	[sflag:s26] =	ssyncset.done $0x0  }
0x292: {  	[sflag:s26] =	ssyncadd.s32 $0xFFFFE000  }
0x293: {  	[tilespmem:s21], [sflag:$0x2] =	stream.indirect.gather [hbm4b:s1+s18], $0x40, s24, s18, $0xb8;
	[tilespmem:$0xF000] =	vst v63  }
0x294: {  	_ = 	snop  }
0x295: {  	[spmem:s3] =	stream.indirect.scatter.add.bf16 [tilespmem:s19], [sflag:$0x3], $0x40, s6, s18, $0xb8;
	[tilespmem:$0xF000] =	vst v63  }
0x296: {  	_ =	swait.ge [sflag:s22], $0x2000  }
0x297: {  	s11 =	simm.s32 $0x900;
	s15 =	simm.s32 $0x180;
	[sflag:s22] =	ssyncset.done $0x0  }
0x298: {  	s16 =	simm.s32 $0x280;
	s8 =	simm.s32 $0xC00;
	[sflag:s22] =	ssyncadd.s32 $0xFFFFE000  }
0x299: {  	[spmem:s3] =	stream.indirect.scatter.add.bf16 [tilespmem:s21], [sflag:$0x4], $0x40, s5, s18, $0xb8;
	[tilespmem:$0xF000] =	vst v63  }
0x29a: {  	s7 =	simm.s32 $0x480;
	s2 =	simm.s32 $0xB80;
	_ =	swait.ge [sflag:s26], $0x2000  }
0x29b: {  	s0 =	simm.s32 $0x400;
	s31 =	simm.s32 $0x500;
	[sflag:s26] =	ssyncset.done $0x0  }
.Ltmp4:
0x29c: {  	s30 =	simm.s32 $0xB00;
	[sflag:s26] =	ssyncadd.s32 $0xFFFFE000;
	(pc) =	sbr.rel .LBB2_6-.Ltmp4, $4  }
0x29d: {  	s29 =	simm.s32 $0x380;
	s28 =	simm.s32 $0xA80;
	_ =	swait.ge [sflag:s23], $0x2000  }
0x29e: {  	s25 =	simm.s32 $0x300;
	s24 =	simm.s32 $0xA00;
	s10 =	rddreg [dreg:$0x7]  }
0x29f: {  	s6 =	simm.s32 $0x980;
	[sflag:s23] =	ssyncset.done $0x0;
	s14 =	rddreg [dreg:$0xc]  }
0x2a0: {  	s5 =	simm.s32 $0x200;
	s13 =	rddreg [dreg:$0x11];
	[sflag:s23] =	ssyncadd.s32 $0xFFFFE000  }
.LBB2_7:
0x2a1: {  	_ =	sfence.sel $0x180000  }
0x2a2: {  	[bflag:$0x0] =	sbarrier.arrive $0xFFFF  }
0x2a3: {  	_ =	strace $0x9000004D  }
0x2a4: {  	s0 =	stileid.u32;
	[bflag:$0x2] =	sbarrier.arrive $0xFFFF  }
0x2a5: {  	p0 =	sne.s32 s0, $0x0;
	s0 =	rddreg [dreg:$0x3]  }
0x2a6: {  	s0 =	sadd.s32 @!p0 $0x100000, s0  }
0x2a7: {  	[sflag:s0] =	ssyncadd.tile.s32 @!p0 $0x1;
	_ =	shalt  }
.Lfunc_end2:
_tile_overlayer_lowered:
.L_overlay_start_2:
0x2a8: {  	(tag) =	ssettag $0x2  }
0x2a9: {  	s0 =	rddreg [dreg:$0x0];
	s2 =	stileid.u32  }
0x2aa: {  	s1 =	rddreg [dreg:$0x1];
	p0 =	sne.s32 s2, $0x0  }
0x2ab: {  	s3 =	rddreg [dreg:$0x2];
	[bflag:$0x3] =	sbarrier.arrive $0xFFFF;
	s2 =	simm.s32 @!p0 $0x1C05  }
0x2ac: {  	[timem:s3], [sflag:s2] =	dma.local @!p0 [hbm:s0], s1  }
0x2ad: {  	s0 =	simm.s32 @!p0 $0x5  }
0x2ae: {  	_ =	swait.ge @!p0 [sflag:s0], s1  }
0x2af: {  	s1 =	ssub.s32 @!p0 $0x0, s1;
	[sflag:s0] =	ssyncset.done @!p0 $0x0  }
0x2b0: {  	[sflag:s0] =	ssyncadd.s32 @!p0 s1  }
0x2b1: {  	[bflag:$0x3] =	sbarrier.arrive $0xFFFF  }
0x2b2: {  	_ =	shalt  }

// kernel: kernel.8.cloned.1.call-start
scs
__scs_entry_jumppad:
0x0: {  	(pc) =	sbr.rel $0x88, $3  }
0x1: {  	(tag) =	ssettag $0x0;
	lr =	simm.s32 $0x1  }
0x2: {  	[smem:$0x3F9B] =	sst lr;
	_ =	strace $0xD0000000  }
0x3: {  	_ = 	snop  }
0x4: {  	_ = 	snop  }
0x5: {  	_ = 	snop  }
0x6: {  	_ = 	snop  }
0x7: {  	_ = 	snop  }
__scs_overlays_trampoline_lowered:
0x8: {  	[smem:$0x3FAA] =	sst s0  }
0x9: {  	[smem:$0x3FAB] =	sst s1  }
0xa: {  	[smem:$0x3FAC] =	sst s2  }
0xb: {  	[smem:$0x3FAD] =	sst s3  }
0xc: {  	[smem:$0x3FAE] =	sst s4  }
0xd: {  	[smem:$0x3FAF] =	sst s5  }
0xe: {  	[smem:$0x3FB0] =	sst s6  }
0xf: {  	[smem:$0x3FB1] =	sst s7  }
0x10: {  	[smem:$0x3FB2] =	sst s8  }
0x11: {  	[smem:$0x3FB3] =	sst s9;
	s0 =	simm.s32 @!p0 $0x0  }
0x12: {  	s1 =	sld [smem:$0x3F99];
	s0 =	simm.s32 @p0 $0x1  }
0x13: {  	[smem:$0x3FB4] =	sst s0;
	s0 =	simm.s32 @!p1 $0x0  }
0x14: {  	s2 =	sld [smem:$0x3F98];
	s0 =	simm.s32 @p1 $0x1  }
0x15: {  	[smem:$0x3FB5] =	sst s0;
	s0 =	simm.s32 @!p2 $0x0  }
0x16: {  	s3 =	sld [smem:$0x3FDB];
	s0 =	simm.s32 @p2 $0x1  }
0x17: {  	s4 =	simm.s32 $0x1BF5;
	[smem:$0x3FB7] =	sst s0  }
0x18: {  	s0 =	sld [smem:$0x3F9A];
	_ =	swait.ge [sflag:s4], $0x0  }
0x19: {  	s7 =	sld [smem:$0x3F9B]  }
0x1a: {  	s8 =	sadd.s32 $0xFFFFE003, lr  }
0x1b: {  	s9 =	sadd.s32 $0xFFFFFEF7, lr;
	s5 =	simm.s32 $0xFFFFFFFF;
	p2 =	slt.u32 s8, $0xFFFFF086  }
0x1c: {  	p1 =	slt.u32 s9, $0xF7A;
	s5 =	simm.s32 @!p2 $0x0  }
0x1d: {  	s5 =	simm.s32 @p1 $0x1;
	p0 =	seq.s32 s7, s2  }
0x1e: {  	s7 =	smul.u32 @!p0 $0xF7A, s2;
	p2 =	seq.s32 @!p0 s5, $0x0  }
0x1f: {  	s9 =	smul.u32 $0xF7A, s1;
	s8 =	simm.s32 @!p0 $0x1BF5;
	p2 =	por !p2, p0  }
0x20: {  	[sflag:s8] =	ssyncset.s32 @!p0 $0xFFFFF086;
	s6 =	sadd.s32 @!p0 s3, s7;
	s7 =	simm.s32 @!p0 $0x108  }
0x21: {  	s3 =	sadd.s32 s3, s9;
	s6 =	sadd.s32 @!p0 $0x88, s6;
	s7 =	simm.s32 @p2 $0x1082  }
0x22: {  	[simem:s7], [sflag:s8] =	dma.local @!p0 [hbm:s6], $0xF7A  }
0x23: {  	s9 =	sor.u32 $0xD0000000, s2;
	s6 =	simm.s32 $0x108;
	_ =	swait.ge @!p0 [sflag:s8], $0x0  }
0x24: {  	s3 =	sadd.s32 $0x88, s3;
	s6 =	simm.s32 @!p1 $0x1082;
	[sflag:s4] =	ssyncset.s32 $0xFFFFF086  }
0x25: {  	[simem:s6], [sflag:s4] =	dma.local [hbm:s3], $0xF7A  }
0x26: {  	[smem:$0x3F9B] =	sst s1;
	(tag) =	ssettag s2;
	_ =	strace s9  }
0x27: {  	s1 =	sld [smem:$0x3FAB]  }
0x28: {  	s2 =	sld [smem:$0x3FAC]  }
0x29: {  	s4 =	sld [smem:$0x3FAE]  }
0x2a: {  	p0 =	seq.s32 s5, $0x0;
	s5 =	sld [smem:$0x3FAF]  }
0x2b: {  	s6 =	sld [smem:$0x3FB0]  }
0x2c: {  	s7 =	sld [smem:$0x3FB1]  }
0x2d: {  	s3 =	simm.s32 $0x108;
	s8 =	sld [smem:$0x3FB2]  }
0x2e: {  	s3 =	simm.s32 @!p0 $0x1082;
	s9 =	sld [smem:$0x3FB3]  }
0x2f: {  	lr =	sadd.s32 s0, s3;
	s0 =	sld [smem:$0x3FAA]  }
0x30: {  	s3 =	sld [smem:$0x3FAD]  }
0x31: {  	[smem:$0x3FB6] =	sst s10  }
0x32: {  	s10 =	sld [smem:$0x3FB4];
	_ =	sdelay $0x3  }
0x33: {  	p0 =	seq.s32 s10, $0x1;
	s10 =	sld [smem:$0x3FB6];
	_ =	sdelay $0x3  }
0x34: {  	[smem:$0x3FB6] =	sst s10  }
0x35: {  	s10 =	sld [smem:$0x3FB5];
	_ =	sdelay $0x3  }
0x36: {  	p1 =	seq.s32 s10, $0x1;
	s10 =	sld [smem:$0x3FB6];
	_ =	sdelay $0x3  }
0x37: {  	[smem:$0x3FB6] =	sst s10  }
0x38: {  	s10 =	sld [smem:$0x3FB7]  }
0x39: {  	_ = 	snop;
	(pc) =	sbr.ind lr, $3  }
0x3a: {  	_ = 	snop  }
0x3b: {  	_ = 	snop  }
0x3c: {  	p2 =	seq.s32 s10, $0x1;
	s10 =	sld [smem:$0x3FB6]  }
0x3d: {  	_ =	shalt  }
0x3e: {  	_ =	shalt  }
0x3f: {  	_ =	shalt  }
0x40: {  	_ =	shalt  }
0x41: {  	_ =	shalt  }
0x42: {  	_ =	shalt  }
0x43: {  	_ =	shalt  }
0x44: {  	_ =	shalt  }
0x45: {  	_ =	shalt  }
0x46: {  	_ =	shalt  }
0x47: {  	_ =	shalt  }
0x48: {  	_ =	shalt  }
0x49: {  	_ =	shalt  }
0x4a: {  	_ =	shalt  }
0x4b: {  	_ =	shalt  }
0x4c: {  	_ =	shalt  }
0x4d: {  	_ =	shalt  }
0x4e: {  	_ =	shalt  }
0x4f: {  	_ =	shalt  }
0x50: {  	_ =	shalt  }
0x51: {  	_ =	shalt  }
0x52: {  	_ =	shalt  }
0x53: {  	_ =	shalt  }
0x54: {  	_ =	shalt  }
0x55: {  	_ =	shalt  }
0x56: {  	_ =	shalt  }
0x57: {  	_ =	shalt  }
0x58: {  	_ =	shalt  }
0x59: {  	_ =	shalt  }
0x5a: {  	_ =	shalt  }
0x5b: {  	_ =	shalt  }
0x5c: {  	_ =	shalt  }
0x5d: {  	_ =	shalt  }
0x5e: {  	_ =	shalt  }
0x5f: {  	_ =	shalt  }
0x60: {  	_ =	shalt  }
0x61: {  	_ =	shalt  }
0x62: {  	_ =	shalt  }
0x63: {  	_ =	shalt  }
0x64: {  	_ =	shalt  }
0x65: {  	_ =	shalt  }
0x66: {  	_ =	shalt  }
0x67: {  	_ =	shalt  }
0x68: {  	_ =	shalt  }
0x69: {  	_ =	shalt  }
0x6a: {  	_ =	shalt  }
0x6b: {  	_ =	shalt  }
0x6c: {  	_ =	shalt  }
0x6d: {  	_ =	shalt  }
0x6e: {  	_ =	shalt  }
0x6f: {  	_ =	shalt  }
0x70: {  	_ =	shalt  }
0x71: {  	_ =	shalt  }
0x72: {  	_ =	shalt  }
0x73: {  	_ =	shalt  }
0x74: {  	_ =	shalt  }
0x75: {  	_ =	shalt  }
0x76: {  	_ =	shalt  }
0x77: {  	_ =	shalt  }
0x78: {  	_ =	shalt  }
0x79: {  	_ =	shalt  }
0x7a: {  	_ =	shalt  }
0x7b: {  	_ =	shalt  }
0x7c: {  	_ =	shalt  }
0x7d: {  	_ =	shalt  }
0x7e: {  	_ =	shalt  }
0x7f: {  	_ =	shalt  }
0x80: {  	_ =	shalt  }
0x81: {  	_ =	shalt  }
0x82: {  	_ =	shalt  }
0x83: {  	_ =	shalt  }
0x84: {  	_ =	shalt  }
0x85: {  	_ =	shalt  }
0x86: {  	_ =	shalt  }
0x87: {  	_ =	shalt  }
.Lfunc_end0:
.L_simem_size_0:
called_computation_lowered:
.L_overlay_start_0:
0x88: {  	s2 =	sld [smem:$0x3FD9]  }
0x89: {  	s3 =	sld [smem:$0x3FFE];
	_ =	sdelay $0x1  }
0x8a: {  	s1 =	srdreg.scid  }
0x8b: {  	s0 =	sand.u32 $0x1, s1  }
0x8c: {  	s17 =	sshll.u32 s0, $0xA;
	s2 =	sadd.s32 s3, s2  }
0x8d: {  	s2 =	sadd.s32 s2, s17  }
0x8e: {  	[smem:$0x3FC2] =	sst s2  }
0x8f: {  	_ = 	snop  }
0x90: {  	s2 =	sld [smem:$0x3FD0];
	(tm) =	ssettm $0x1  }
0x91: {  	s18 =	sld [smem:$0x3FFB];
	_ =	sdelay $0x3  }
0x92: {  	_ =	strace s18  }
0x93: {  	s3 =	sld [smem:$0x3FFC];
	_ =	sdelay $0x3  }
0x94: {  	_ =	strace s3  }
0x95: {  	s3 =	sld [smem:$0x3FFD];
	_ =	sdelay $0x3  }
0x96: {  	_ =	strace s3  }
0x97: {  	_ =	strace $0x8FFFFFFF  }
0x98: {  	s19 =	sld [smem:$0x3FDB];
	_ =	sdelay $0x1  }
0x99: {  	s4 =	simm.s32 $_scs_section_size  }
0x9a: {  	s5 =	simm.s32 $_size__tile_overlayer_lowered;
	s6 =	simm.s32 $_tile_overlayer_lowered  }
0x9b: {  	s22 =	simm.s32 $0x1BFF;
	s21 =	sshll.u32 s6, $0x1;
	s3 =	sadd.s32 s4, s19  }
0x9c: {  	s7 =	simm.s32 $0x0;
	s20 =	sshll.u32 s5, $0x1;
	s5 =	sadd.s32 s21, s3  }
0x9d: {  	[timem:s7], [sflag:s22] =	dma.local [hbm:s5], s20  }
0x9e: {  	_ =	swait.ge [sflag:s22], s20  }
0x9f: {  	s4 =	ssub.s32 $0x0, s20;
	[sflag:s22] =	ssyncset.done $0x0  }
0xa0: {  	[sflag:s22] =	ssyncadd.s32 s4;
	_ =	sdelay $0x1  }
0xa1: {  	s23 =	simm.s32 $0x1B8B  }
0xa2: {  	_ =	swait.ge [sflag:s23], $0x1  }
0xa3: {  	[sflag:s23] =	ssyncset.done $0x0  }
0xa4: {  	s25 =	simm.s32 $0x1B8E;
	s24 =	sld [smem:$0x3FFE];
	[sflag:s23] =	ssyncadd.s32 $0xFFFFFFFF  }
0xa5: {  	s26 =	simm.s32 $execute0_lowered;
	[smem:$0x3FD2] =	sst s25  }
0xa6: {  	s5 =	sshll.u32 s26, $0x1;
	_ =	strace $0x80000046;
	[dreg:$0x1] =	wrdreg $0xFFFFFFFF  }
0xa7: {  	s28 =	simm.s32 $_size_execute0_lowered;
	s3 =	sadd.s32 s3, s5;
	[dreg:$0x0] =	wrdreg $0x0  }
0xa8: {  	s5 =	sshll.u32 s28, $0x1;
	[dreg:$0x2] =	wrdreg s3  }
0xa9: {  	[dreg:$0x3] =	wrdreg s5  }
0xaa: {  	[dreg:$0x4] =	wrdreg $0xC0  }
0xab: {  	_ =	task [dreg:s7], $0x5FFFF  }
0xac: {  	[dreg:$0x1] =	wrdreg $0xFFFFFFFF  }
0xad: {  	[dreg:$0x0] =	wrdreg $0x60  }
0xae: {  	[dreg:$0x2] =	wrdreg s24  }
0xaf: {  	[dreg:$0x3] =	wrdreg s2  }
0xb0: {  	[dreg:$0x4] =	wrdreg $0x10000  }
0xb1: {  	[dreg:$0x5] =	wrdreg $0x9  }
0xb2: {  	_ =	task.clear_ibuf [dreg:s7], $0x6FFFF;
	_ =	strace $0x90000046  }
0xb3: {  	s29 =	simm.s32 $0x9;
	_ =	strace $0x80000048  }
0xb4: {  	_ =	swait.ge [sflag:s29], $0x1  }
0xb5: {  	[sflag:s29] =	ssyncadd.s32 $0xFFFFFFFF  }
0xb6: {  	_ =	strace $0x90000048  }
0xb7: {  	_ =	sfence  }
0xb8: {  	s30 =	sld [smem:$0x0];
	_ =	sdelay $0x2  }
0xb9: {  	s31 =	sshll.u32 s1, $0xD;
	s1 =	sshrl.u32 s1, $0x2  }
0xba: {  	s3 =	sand.u32 $0x4000, s31;
	s1 =	sadd.s32 s1, s30  }
0xbb: {  	s0 =	sor.u32 s3, s0;
	s1 =	sshll.u32 s1, $0x11  }
0xbc: {  	s0 =	sor.u32 s1, s0  }
0xbd: {  	s0 =	sadd.s32 $0x8F2B, s0  }
0xbe: {  	[sflag:s0] =	ssyncadd.remote.s32 $0x1  }
0xbf: {  	_ =	sfence.sel $0xFFFF  }
0xc0: {  	[dreg:$0x0] =	wrdreg $0xFFFFFFFF;
	(pc) =	sbr.abs _section_cstart, $3  }
0xc1: {  	[dreg:$0x1] =	wrdreg $0xFFFFFFFF  }
0xc2: {  	_ =	task.clear_ibuf [dreg:s7], $0x2FFFF;
	_ =	strace $0x9FFFFFFF  }
0xc3: {  	(tm) =	ssettm $0x7FFFFFFF  }
tec
execute0_lowered:
.L_overlay_start_1:
0x0: {  	(tag) =	ssettag $0x1  }
0x1: {  	s0 =	rddreg [dreg:$0x0]  }
0x2: {  	s3 =	rddreg [dreg:$0x1]  }
0x3: {  	s1 =	rddreg [dreg:$0x2];
	s2 =	simm.s32 $0x0  }
0x4: {  	s4 =	srdreg.scid;
	s8 =	stileid.u32;
	s13 =	simm.s32 $0x800  }
0x5: {  	s14 =	simm.s32 $0x1;
	s15 =	simm.s32 $0x80;
	s16 =	simm.s32 $0x100  }
0x6: {  	s17 =	simm.s32 $0x180;
	s18 =	simm.s32 $0x200;
	s19 =	simm.s32 $0x280  }
0x7: {  	s20 =	simm.s32 $0x300;
	s21 =	simm.s32 $0x380;
	s22 =	simm.s32 $0x400  }
0x8: {  	s23 =	simm.s32 $0x480;
	s24 =	simm.s32 $0x500;
	s28 =	simm.s32 $0x680  }
0x9: {  	s29 =	simm.s32 $0x700;
	s30 =	simm.s32 $0x780;
	s6 =	smul.u32 $0xA000, s8  }
0xa: {  	s31 =	simm.s32 $0x0;
	[smem:$0x7FF] =	sst s2;
	s9 =	smul.u32 $0x2800, s8  }
0xb: {  	s4 =	sand.u32 $0x1, s4;
	s7 =	sadd.s32 $0xB400, s0;
	s12 =	smul.u32 $0x500, s8  }
0xc: {  	s5 =	smul.u32 $0x5000, s4;
	_ =	strace $0x80000047;
	s25 =	ssub.s32 $0x2, s4  }
0xd: {  	[dreg:$0x4] =	wrdreg s7;
	s4 =	smul.u32 $0x28000, s4;
	s26 =	sshrl.u32 s25, $0x1  }
0xe: {  	s6 =	sshrl.u32 s6, $0x2;
	s0 =	sadd.s32 s5, s0;
	s11 =	ssub.s32 s25, s26  }
0xf: {  	s10 =	sadd.s32 s6, s1;
	s5 =	sadd.s32 s9, s1;
	s4 =	sadd.s32 s9, s4  }
0x10: {  	s25 =	simm.s32 $0x580;
	s26 =	simm.s32 $0x600;
	s6 =	sadd.s32 $0x800, s10  }
0x11: {  	s7 =	sadd.s32 $0x1000, s10;
	s8 =	sadd.s32 $0x1800, s10;
	s9 =	sadd.s32 $0x2000, s10  }
0x12: {  	s4 =	sshrl.u32 s4, $0x3;
	s0 =	sadd.s32 s12, s0;
	s11 =	smax.u32 s11, $0x1  }
0x13: {  	v0 =	vimm.f32 $0.0e+00;
	[dreg:$0x5] =	wrdreg s6;
	s10 =	sadd.s32 s3, s4;
	s12 =	sadd.s32 $0x1400, s0  }
.LBB2_1:
0x14: {  	s0 =	simm.s32 $0x40;
	s3 =	simm.s32 $0x0  }
.LBB2_2:
0x15: {  	p0 =	sne.s32 s0, $0x1FC0;
	[tilespmem:s3+$0x800] =	vst v0;
	s3 =	smov.u32 s0;
	s0 =	sadd.s32 $0x40, s0  }
.Ltmp0:
0x16: {  	(pc) =	sbr.rel @p0 .LBB2_2-.Ltmp0, $2  }
0x17: {  	_ =	sdelay $0x2  }
0x18: {  	s3 =	sshra.s32 s3, $0x2  }
0x19: {  	[tilespmem:s3+$0x800] =	vst v0  }
0x1a: {  	[spmem:s5] =	stream.linear.scatter [tilespmem:s13], [sflag:$0x1], $0x800, $0x38;
	[tilespmem:$0x3800] =	vst v63  }
0x1b: {  	_ =	swait.ge [sflag:s14], $0x800  }
0x1c: {  	[sflag:s14] =	ssyncset.done $0x0  }
0x1d: {  	s0 =	rddreg [dreg:$0x5];
	[sflag:s14] =	ssyncadd.s32 $0xFFFFF800  }
0x1e: {  	[spmem:s0] =	stream.linear.scatter [tilespmem:s13], [sflag:$0x1], $0x800, $0x38;
	[tilespmem:$0x3800] =	vst v63  }
0x1f: {  	_ =	swait.ge [sflag:s14], $0x800  }
0x20: {  	[sflag:s14] =	ssyncset.done $0x0  }
0x21: {  	[sflag:s14] =	ssyncadd.s32 $0xFFFFF800  }
0x22: {  	[spmem:s7] =	stream.linear.scatter [tilespmem:s13], [sflag:$0x1], $0x800, $0x38;
	[tilespmem:$0x3800] =	vst v63  }
0x23: {  	_ =	swait.ge [sflag:s14], $0x800  }
0x24: {  	[sflag:s14] =	ssyncset.done $0x0  }
0x25: {  	[sflag:s14] =	ssyncadd.s32 $0xFFFFF800  }
0x26: {  	[spmem:s8] =	stream.linear.scatter [tilespmem:s13], [sflag:$0x1], $0x800, $0x38;
	[tilespmem:$0x3800] =	vst v63  }
0x27: {  	_ =	swait.ge [sflag:s14], $0x800  }
0x28: {  	[sflag:s14] =	ssyncset.done $0x0  }
0x29: {  	[sflag:s14] =	ssyncadd.s32 $0xFFFFF800  }
0x2a: {  	[spmem:s9] =	stream.linear.scatter [tilespmem:s13], [sflag:$0x1], $0x800, $0x38;
	[tilespmem:$0x3800] =	vst v63  }
0x2b: {  	_ =	swait.ge [sflag:s14], $0x800  }
0x2c: {  	[sflag:s14] =	ssyncset.done $0x0  }
0x2d: {  	s3 =	simm.s32 $0x0;
	s4 =	rddreg [dreg:$0x4];
	[sflag:s14] =	ssyncadd.s32 $0xFFFFF800  }
0x2e: {  	[tilespmem:s13], [sflag:$0x1] =	stream.linear.gather [hbm4b:s4+s3], $0x800, $0x38;
	[tilespmem:$0x3800] =	vst v63  }
0x2f: {  	_ =	swait.ge [sflag:s14], $0x800  }
0x30: {  	[sflag:s14] =	ssyncset.done $0x0  }
0x31: {  	[sflag:s14] =	ssyncadd.s32 $0xFFFFF800  }
0x32: {  	s6 =	sadd.s32 $0x0, s12;
	[bflag:$0x0] =	sbarrier.arrive $0xFFFF  }
0x33: {  	[tilespmem:s2], [sflag:$0x1] =	stream.linear.gather [hbm4b:s6+s2], $0x800, $0x38;
	[tilespmem:$0x3800] =	vst v63  }
0x34: {  	_ =	swait.ge [sflag:s14], $0x800  }
0x35: {  	[sflag:s14] =	ssyncset.done $0x0  }
0x36: {  	[sflag:s14] =	ssyncadd.s32 $0xFFFFF800  }
0x37: {  	[spmem:s1] =	stream.indirect.scatter.add.f32 [tilespmem:s13], [sflag:$0x1], $0x10, s2, s15, $0xb8;
	[tilespmem:$0x3800] =	vst v63  }
0x38: {  	_ =	swait.ge [sflag:s14], $0x800  }
0x39: {  	[sflag:s14] =	ssyncset.done $0x0  }
0x3a: {  	[sflag:s14] =	ssyncadd.s32 $0xFFFFF800  }
0x3b: {  	[spmem:s1] =	stream.indirect.scatter.add.f32 [tilespmem:s13], [sflag:$0x1], $0x10, s15, s15, $0xb8;
	[tilespmem:$0x3800] =	vst v63  }
0x3c: {  	_ =	swait.ge [sflag:s14], $0x800  }
0x3d: {  	[sflag:s14] =	ssyncset.done $0x0  }
0x3e: {  	[sflag:s14] =	ssyncadd.s32 $0xFFFFF800  }
0x3f: {  	[spmem:s1] =	stream.indirect.scatter.add.f32 [tilespmem:s13], [sflag:$0x1], $0x10, s16, s15, $0xb8;
	[tilespmem:$0x3800] =	vst v63  }
0x40: {  	_ =	swait.ge [sflag:s14], $0x800  }
0x41: {  	[sflag:s14] =	ssyncset.done $0x0  }
0x42: {  	[sflag:s14] =	ssyncadd.s32 $0xFFFFF800  }
0x43: {  	[spmem:s1] =	stream.indirect.scatter.add.f32 [tilespmem:s13], [sflag:$0x1], $0x10, s17, s15, $0xb8;
	[tilespmem:$0x3800] =	vst v63  }
0x44: {  	_ =	swait.ge [sflag:s14], $0x800  }
0x45: {  	[sflag:s14] =	ssyncset.done $0x0  }
0x46: {  	[sflag:s14] =	ssyncadd.s32 $0xFFFFF800  }
0x47: {  	[spmem:s1] =	stream.indirect.scatter.add.f32 [tilespmem:s13], [sflag:$0x1], $0x10, s18, s15, $0xb8;
	[tilespmem:$0x3800] =	vst v63  }
0x48: {  	_ =	swait.ge [sflag:s14], $0x800  }
0x49: {  	[sflag:s14] =	ssyncset.done $0x0  }
0x4a: {  	[sflag:s14] =	ssyncadd.s32 $0xFFFFF800  }
0x4b: {  	[spmem:s1] =	stream.indirect.scatter.add.f32 [tilespmem:s13], [sflag:$0x1], $0x10, s19, s15, $0xb8;
	[tilespmem:$0x3800] =	vst v63  }
0x4c: {  	_ =	swait.ge [sflag:s14], $0x800  }
0x4d: {  	[sflag:s14] =	ssyncset.done $0x0  }
0x4e: {  	[sflag:s14] =	ssyncadd.s32 $0xFFFFF800  }
0x4f: {  	[spmem:s1] =	stream.indirect.scatter.add.f32 [tilespmem:s13], [sflag:$0x1], $0x10, s20, s15, $0xb8;
	[tilespmem:$0x3800] =	vst v63  }
0x50: {  	_ =	swait.ge [sflag:s14], $0x800  }
0x51: {  	[sflag:s14] =	ssyncset.done $0x0  }
0x52: {  	[sflag:s14] =	ssyncadd.s32 $0xFFFFF800  }
0x53: {  	[spmem:s1] =	stream.indirect.scatter.add.f32 [tilespmem:s13], [sflag:$0x1], $0x10, s21, s15, $0xb8;
	[tilespmem:$0x3800] =	vst v63  }
0x54: {  	_ =	swait.ge [sflag:s14], $0x800  }
0x55: {  	[sflag:s14] =	ssyncset.done $0x0  }
0x56: {  	[sflag:s14] =	ssyncadd.s32 $0xFFFFF800  }
0x57: {  	[spmem:s1] =	stream.indirect.scatter.add.f32 [tilespmem:s13], [sflag:$0x1], $0x10, s22, s15, $0xb8;
	[tilespmem:$0x3800] =	vst v63  }
0x58: {  	_ =	swait.ge [sflag:s14], $0x800  }
0x59: {  	[sflag:s14] =	ssyncset.done $0x0  }
0x5a: {  	[sflag:s14] =	ssyncadd.s32 $0xFFFFF800  }
0x5b: {  	[spmem:s1] =	stream.indirect.scatter.add.f32 [tilespmem:s13], [sflag:$0x1], $0x10, s23, s15, $0xb8;
	[tilespmem:$0x3800] =	vst v63  }
0x5c: {  	_ =	swait.ge [sflag:s14], $0x800  }
0x5d: {  	[sflag:s14] =	ssyncset.done $0x0  }
0x5e: {  	[sflag:s14] =	ssyncadd.s32 $0xFFFFF800  }
0x5f: {  	[spmem:s1] =	stream.indirect.scatter.add.f32 [tilespmem:s13], [sflag:$0x1], $0x10, s24, s15, $0xb8;
	[tilespmem:$0x3800] =	vst v63  }
0x60: {  	_ =	swait.ge [sflag:s14], $0x800  }
0x61: {  	[sflag:s14] =	ssyncset.done $0x0  }
0x62: {  	[sflag:s14] =	ssyncadd.s32 $0xFFFFF800  }
0x63: {  	[spmem:s1] =	stream.indirect.scatter.add.f32 [tilespmem:s13], [sflag:$0x1], $0x10, s25, s15, $0xb8;
	[tilespmem:$0x3800] =	vst v63  }
0x64: {  	_ =	swait.ge [sflag:s14], $0x800  }
0x65: {  	[sflag:s14] =	ssyncset.done $0x0  }
0x66: {  	[sflag:s14] =	ssyncadd.s32 $0xFFFFF800  }
0x67: {  	[spmem:s1] =	stream.indirect.scatter.add.f32 [tilespmem:s13], [sflag:$0x1], $0x10, s26, s15, $0xb8;
	[tilespmem:$0x3800] =	vst v63  }
0x68: {  	_ =	swait.ge [sflag:s14], $0x800  }
0x69: {  	[sflag:s14] =	ssyncset.done $0x0  }
0x6a: {  	[sflag:s14] =	ssyncadd.s32 $0xFFFFF800  }
0x6b: {  	[spmem:s1] =	stream.indirect.scatter.add.f32 [tilespmem:s13], [sflag:$0x1], $0x10, s28, s15, $0xb8;
	[tilespmem:$0x3800] =	vst v63  }
0x6c: {  	_ =	swait.ge [sflag:s14], $0x800  }
0x6d: {  	[sflag:s14] =	ssyncset.done $0x0  }
0x6e: {  	[sflag:s14] =	ssyncadd.s32 $0xFFFFF800  }
0x6f: {  	[spmem:s1] =	stream.indirect.scatter.add.f32 [tilespmem:s13], [sflag:$0x1], $0x10, s29, s15, $0xb8;
	[tilespmem:$0x3800] =	vst v63  }
0x70: {  	_ =	swait.ge [sflag:s14], $0x800  }
0x71: {  	[sflag:s14] =	ssyncset.done $0x0  }
0x72: {  	[sflag:s14] =	ssyncadd.s32 $0xFFFFF800  }
0x73: {  	[spmem:s1] =	stream.indirect.scatter.add.f32 [tilespmem:s13], [sflag:$0x1], $0x10, s30, s15, $0xb8;
	[tilespmem:$0x3800] =	vst v63  }
0x74: {  	_ =	swait.ge [sflag:s14], $0x800  }
0x75: {  	s0 =	simm.s32 $0x100;
	s3 =	simm.s32 $0x200;
	[sflag:s14] =	ssyncset.done $0x0  }
.LBB2_4:
0x76: {  	s6 =	sadd.s32 s0, s12  }
0x77: {  	[sflag:s14] =	ssyncadd.s32 $0xFFFFF800;
	s0 =	smov.u32 s3;
	s4 =	sadd.s32 $0x100, s3  }
0x78: {  	[tilespmem:s2], [sflag:$0x1] =	stream.linear.gather [hbm4b:s6+s2], $0x800, $0x38;
	[tilespmem:$0x3800] =	vst v63  }
0x79: {  	p0 =	sne.s32 s3, $0x400;
	_ =	swait.ge [sflag:s14], $0x800  }
0x7a: {  	[sflag:s14] =	ssyncset.done $0x0  }
0x7b: {  	[sflag:s14] =	ssyncadd.s32 $0xFFFFF800  }
0x7c: {  	[spmem:s1] =	stream.indirect.scatter.add.f32 [tilespmem:s13], [sflag:$0x1], $0x10, s2, s15, $0xb8;
	[tilespmem:$0x3800] =	vst v63  }
0x7d: {  	_ =	swait.ge [sflag:s14], $0x800  }
0x7e: {  	[sflag:s14] =	ssyncset.done $0x0  }
0x7f: {  	[sflag:s14] =	ssyncadd.s32 $0xFFFFF800  }
0x80: {  	[spmem:s1] =	stream.indirect.scatter.add.f32 [tilespmem:s13], [sflag:$0x1], $0x10, s15, s15, $0xb8;
	[tilespmem:$0x3800] =	vst v63  }
0x81: {  	_ =	swait.ge [sflag:s14], $0x800  }
0x82: {  	[sflag:s14] =	ssyncset.done $0x0  }
0x83: {  	[sflag:s14] =	ssyncadd.s32 $0xFFFFF800  }
0x84: {  	[spmem:s1] =	stream.indirect.scatter.add.f32 [tilespmem:s13], [sflag:$0x1], $0x10, s16, s15, $0xb8;
	[tilespmem:$0x3800] =	vst v63  }
0x85: {  	_ =	swait.ge [sflag:s14], $0x800  }
0x86: {  	[sflag:s14] =	ssyncset.done $0x0  }
0x87: {  	[sflag:s14] =	ssyncadd.s32 $0xFFFFF800  }
0x88: {  	[spmem:s1] =	stream.indirect.scatter.add.f32 [tilespmem:s13], [sflag:$0x1], $0x10, s17, s15, $0xb8;
	[tilespmem:$0x3800] =	vst v63  }
0x89: {  	_ =	swait.ge [sflag:s14], $0x800  }
0x8a: {  	[sflag:s14] =	ssyncset.done $0x0  }
0x8b: {  	[sflag:s14] =	ssyncadd.s32 $0xFFFFF800  }
0x8c: {  	[spmem:s1] =	stream.indirect.scatter.add.f32 [tilespmem:s13], [sflag:$0x1], $0x10, s18, s15, $0xb8;
	[tilespmem:$0x3800] =	vst v63  }
0x8d: {  	_ =	swait.ge [sflag:s14], $0x800  }
0x8e: {  	[sflag:s14] =	ssyncset.done $0x0  }
0x8f: {  	[sflag:s14] =	ssyncadd.s32 $0xFFFFF800  }
0x90: {  	[spmem:s1] =	stream.indirect.scatter.add.f32 [tilespmem:s13], [sflag:$0x1], $0x10, s19, s15, $0xb8;
	[tilespmem:$0x3800] =	vst v63  }
0x91: {  	_ =	swait.ge [sflag:s14], $0x800  }
0x92: {  	[sflag:s14] =	ssyncset.done $0x0  }
0x93: {  	[sflag:s14] =	ssyncadd.s32 $0xFFFFF800  }
0x94: {  	[spmem:s1] =	stream.indirect.scatter.add.f32 [tilespmem:s13], [sflag:$0x1], $0x10, s20, s15, $0xb8;
	[tilespmem:$0x3800] =	vst v63  }
0x95: {  	_ =	swait.ge [sflag:s14], $0x800  }
0x96: {  	[sflag:s14] =	ssyncset.done $0x0  }
0x97: {  	[sflag:s14] =	ssyncadd.s32 $0xFFFFF800  }
0x98: {  	[spmem:s1] =	stream.indirect.scatter.add.f32 [tilespmem:s13], [sflag:$0x1], $0x10, s21, s15, $0xb8;
	[tilespmem:$0x3800] =	vst v63  }
0x99: {  	_ =	swait.ge [sflag:s14], $0x800  }
0x9a: {  	[sflag:s14] =	ssyncset.done $0x0  }
0x9b: {  	[sflag:s14] =	ssyncadd.s32 $0xFFFFF800  }
0x9c: {  	[spmem:s1] =	stream.indirect.scatter.add.f32 [tilespmem:s13], [sflag:$0x1], $0x10, s22, s15, $0xb8;
	[tilespmem:$0x3800] =	vst v63  }
0x9d: {  	_ =	swait.ge [sflag:s14], $0x800  }
0x9e: {  	[sflag:s14] =	ssyncset.done $0x0  }
0x9f: {  	[sflag:s14] =	ssyncadd.s32 $0xFFFFF800  }
0xa0: {  	[spmem:s1] =	stream.indirect.scatter.add.f32 [tilespmem:s13], [sflag:$0x1], $0x10, s23, s15, $0xb8;
	[tilespmem:$0x3800] =	vst v63  }
0xa1: {  	_ =	swait.ge [sflag:s14], $0x800  }
0xa2: {  	[sflag:s14] =	ssyncset.done $0x0  }
0xa3: {  	[sflag:s14] =	ssyncadd.s32 $0xFFFFF800  }
0xa4: {  	[spmem:s1] =	stream.indirect.scatter.add.f32 [tilespmem:s13], [sflag:$0x1], $0x10, s24, s15, $0xb8;
	[tilespmem:$0x3800] =	vst v63  }
0xa5: {  	_ =	swait.ge [sflag:s14], $0x800  }
0xa6: {  	[sflag:s14] =	ssyncset.done $0x0  }
0xa7: {  	[sflag:s14] =	ssyncadd.s32 $0xFFFFF800  }
0xa8: {  	[spmem:s1] =	stream.indirect.scatter.add.f32 [tilespmem:s13], [sflag:$0x1], $0x10, s25, s15, $0xb8;
	[tilespmem:$0x3800] =	vst v63  }
0xa9: {  	_ =	swait.ge [sflag:s14], $0x800  }
0xaa: {  	[sflag:s14] =	ssyncset.done $0x0  }
0xab: {  	[sflag:s14] =	ssyncadd.s32 $0xFFFFF800  }
0xac: {  	[spmem:s1] =	stream.indirect.scatter.add.f32 [tilespmem:s13], [sflag:$0x1], $0x10, s26, s15, $0xb8;
	[tilespmem:$0x3800] =	vst v63  }
0xad: {  	_ =	swait.ge [sflag:s14], $0x800  }
0xae: {  	[sflag:s14] =	ssyncset.done $0x0  }
0xaf: {  	[sflag:s14] =	ssyncadd.s32 $0xFFFFF800  }
0xb0: {  	[spmem:s1] =	stream.indirect.scatter.add.f32 [tilespmem:s13], [sflag:$0x1], $0x10, s28, s15, $0xb8;
	[tilespmem:$0x3800] =	vst v63  }
0xb1: {  	_ =	swait.ge [sflag:s14], $0x800  }
0xb2: {  	[sflag:s14] =	ssyncset.done $0x0  }
0xb3: {  	[sflag:s14] =	ssyncadd.s32 $0xFFFFF800  }
0xb4: {  	[spmem:s1] =	stream.indirect.scatter.add.f32 [tilespmem:s13], [sflag:$0x1], $0x10, s29, s15, $0xb8;
	[tilespmem:$0x3800] =	vst v63  }
0xb5: {  	_ =	swait.ge [sflag:s14], $0x800  }
.Ltmp1:
0xb6: {  	[sflag:s14] =	ssyncset.done $0x0;
	(pc) =	sbr.rel @p0 .LBB2_4-.Ltmp1, $4  }
0xb7: {  	[sflag:s14] =	ssyncadd.s32 $0xFFFFF800  }
0xb8: {  	[spmem:s1] =	stream.indirect.scatter.add.f32 [tilespmem:s13], [sflag:$0x1], $0x10, s30, s15, $0xb8;
	[tilespmem:$0x3800] =	vst v63  }
0xb9: {  	_ =	swait.ge [sflag:s14], $0x800  }
0xba: {  	s3 =	smov.u32 s4;
	[sflag:s14] =	ssyncset.done $0x0  }
0xbb: {  	s0 =	sadd.s32 s0, s12;
	[sflag:s14] =	ssyncadd.s32 $0xFFFFF800  }
0xbc: {  	[tilespmem:s2], [sflag:$0x1] =	stream.linear.gather [hbm4b:s0+s2], $0x800, $0x38;
	[tilespmem:$0x3800] =	vst v63  }
0xbd: {  	_ =	swait.ge [sflag:s14], $0x800  }
0xbe: {  	[sflag:s14] =	ssyncset.done $0x0  }
0xbf: {  	[sflag:s14] =	ssyncadd.s32 $0xFFFFF800  }
0xc0: {  	[spmem:s1] =	stream.indirect.scatter.add.f32 [tilespmem:s13], [sflag:$0x1], $0x10, s2, s15, $0xb8;
	[tilespmem:$0x3800] =	vst v63  }
0xc1: {  	_ =	swait.ge [sflag:s14], $0x800  }
0xc2: {  	[sflag:s14] =	ssyncset.done $0x0  }
0xc3: {  	[sflag:s14] =	ssyncadd.s32 $0xFFFFF800  }
0xc4: {  	[spmem:s1] =	stream.indirect.scatter.add.f32 [tilespmem:s13], [sflag:$0x1], $0x10, s15, s15, $0xb8;
	[tilespmem:$0x3800] =	vst v63  }
0xc5: {  	_ =	swait.ge [sflag:s14], $0x800  }
0xc6: {  	[sflag:s14] =	ssyncset.done $0x0  }
0xc7: {  	[sflag:s14] =	ssyncadd.s32 $0xFFFFF800  }
0xc8: {  	[spmem:s1] =	stream.indirect.scatter.add.f32 [tilespmem:s13], [sflag:$0x1], $0x10, s16, s15, $0xb8;
	[tilespmem:$0x3800] =	vst v63  }
0xc9: {  	_ =	swait.ge [sflag:s14], $0x800  }
0xca: {  	[sflag:s14] =	ssyncset.done $0x0  }
0xcb: {  	[sflag:s14] =	ssyncadd.s32 $0xFFFFF800  }
0xcc: {  	[spmem:s1] =	stream.indirect.scatter.add.f32 [tilespmem:s13], [sflag:$0x1], $0x10, s17, s15, $0xb8;
	[tilespmem:$0x3800] =	vst v63  }
0xcd: {  	_ =	swait.ge [sflag:s14], $0x800  }
0xce: {  	[sflag:s14] =	ssyncset.done $0x0  }
0xcf: {  	[sflag:s14] =	ssyncadd.s32 $0xFFFFF800  }
0xd0: {  	[spmem:s1] =	stream.indirect.scatter.add.f32 [tilespmem:s13], [sflag:$0x1], $0x10, s18, s15, $0xb8;
	[tilespmem:$0x3800] =	vst v63  }
0xd1: {  	_ =	swait.ge [sflag:s14], $0x800  }
0xd2: {  	[sflag:s14] =	ssyncset.done $0x0  }
0xd3: {  	[sflag:s14] =	ssyncadd.s32 $0xFFFFF800  }
0xd4: {  	[spmem:s1] =	stream.indirect.scatter.add.f32 [tilespmem:s13], [sflag:$0x1], $0x10, s19, s15, $0xb8;
	[tilespmem:$0x3800] =	vst v63  }
0xd5: {  	_ =	swait.ge [sflag:s14], $0x800  }
0xd6: {  	[sflag:s14] =	ssyncset.done $0x0  }
0xd7: {  	[sflag:s14] =	ssyncadd.s32 $0xFFFFF800  }
0xd8: {  	[spmem:s1] =	stream.indirect.scatter.add.f32 [tilespmem:s13], [sflag:$0x1], $0x10, s20, s15, $0xb8;
	[tilespmem:$0x3800] =	vst v63  }
0xd9: {  	_ =	swait.ge [sflag:s14], $0x800  }
0xda: {  	[sflag:s14] =	ssyncset.done $0x0  }
0xdb: {  	[sflag:s14] =	ssyncadd.s32 $0xFFFFF800  }
0xdc: {  	[spmem:s1] =	stream.indirect.scatter.add.f32 [tilespmem:s13], [sflag:$0x1], $0x10, s21, s15, $0xb8;
	[tilespmem:$0x3800] =	vst v63  }
0xdd: {  	_ =	swait.ge [sflag:s14], $0x800  }
0xde: {  	[sflag:s14] =	ssyncset.done $0x0  }
0xdf: {  	[sflag:s14] =	ssyncadd.s32 $0xFFFFF800  }
0xe0: {  	[spmem:s1] =	stream.indirect.scatter.add.f32 [tilespmem:s13], [sflag:$0x1], $0x10, s22, s15, $0xb8;
	[tilespmem:$0x3800] =	vst v63  }
0xe1: {  	_ =	swait.ge [sflag:s14], $0x800  }
0xe2: {  	[sflag:s14] =	ssyncset.done $0x0  }
0xe3: {  	[sflag:s14] =	ssyncadd.s32 $0xFFFFF800  }
0xe4: {  	[spmem:s1] =	stream.indirect.scatter.add.f32 [tilespmem:s13], [sflag:$0x1], $0x10, s23, s15, $0xb8;
	[tilespmem:$0x3800] =	vst v63  }
0xe5: {  	_ =	swait.ge [sflag:s14], $0x800  }
0xe6: {  	[sflag:s14] =	ssyncset.done $0x0  }
0xe7: {  	[sflag:s14] =	ssyncadd.s32 $0xFFFFF800  }
0xe8: {  	[spmem:s1] =	stream.indirect.scatter.add.f32 [tilespmem:s13], [sflag:$0x1], $0x10, s24, s15, $0xb8;
	[tilespmem:$0x3800] =	vst v63  }
0xe9: {  	_ =	swait.ge [sflag:s14], $0x800  }
0xea: {  	[sflag:s14] =	ssyncset.done $0x0  }
0xeb: {  	[sflag:s14] =	ssyncadd.s32 $0xFFFFF800  }
0xec: {  	[spmem:s1] =	stream.indirect.scatter.add.f32 [tilespmem:s13], [sflag:$0x1], $0x10, s25, s15, $0xb8;
	[tilespmem:$0x3800] =	vst v63  }
0xed: {  	_ =	swait.ge [sflag:s14], $0x800  }
0xee: {  	[sflag:s14] =	ssyncset.done $0x0  }
0xef: {  	[sflag:s14] =	ssyncadd.s32 $0xFFFFF800  }
0xf0: {  	[spmem:s1] =	stream.indirect.scatter.add.f32 [tilespmem:s13], [sflag:$0x1], $0x10, s26, s15, $0xb8;
	[tilespmem:$0x3800] =	vst v63  }
0xf1: {  	_ =	swait.ge [sflag:s14], $0x800  }
0xf2: {  	[sflag:s14] =	ssyncset.done $0x0  }
0xf3: {  	[sflag:s14] =	ssyncadd.s32 $0xFFFFF800  }
0xf4: {  	[spmem:s1] =	stream.indirect.scatter.add.f32 [tilespmem:s13], [sflag:$0x1], $0x10, s28, s15, $0xb8;
	[tilespmem:$0x3800] =	vst v63  }
0xf5: {  	_ =	swait.ge [sflag:s14], $0x800  }
0xf6: {  	[sflag:s14] =	ssyncset.done $0x0  }
0xf7: {  	[sflag:s14] =	ssyncadd.s32 $0xFFFFF800  }
0xf8: {  	[spmem:s1] =	stream.indirect.scatter.add.f32 [tilespmem:s13], [sflag:$0x1], $0x10, s29, s15, $0xb8;
	[tilespmem:$0x3800] =	vst v63  }
0xf9: {  	_ =	swait.ge [sflag:s14], $0x800  }
0xfa: {  	[sflag:s14] =	ssyncset.done $0x0  }
0xfb: {  	[sflag:s14] =	ssyncadd.s32 $0xFFFFF800  }
0xfc: {  	[spmem:s1] =	stream.indirect.scatter.add.f32 [tilespmem:s13], [sflag:$0x1], $0x10, s30, s15, $0xb8;
	[tilespmem:$0x3800] =	vst v63  }
0xfd: {  	s6 =	stileid.u32;
	_ =	swait.ge [sflag:s14], $0x800  }
0xfe: {  	s3 =	sshrl.u32 s5, $0x3;
	s31 =	sadd.s32 $0x1, s31;
	[sflag:s14] =	ssyncset.done $0x0  }
0xff: {  	s0 =	sshll.u32 s6, $0x6;
	p0 =	sne.s32 s31, s11;
	[sflag:s14] =	ssyncadd.s32 $0xFFFFF800  }
.Ltmp2:
0x100: {  	s0 =	sor.u32 $0x1C01, s0;
	[bflag:$0x0] =	sbarrier.arrive $0xFFFF;
	(pc) =	sbr.rel @p0 .LBB2_1-.Ltmp2, $4  }
0x101: {  	[hbm:s10], [sflag:s0] =	dma.local [spmem:s3], $0x500  }
0x102: {  	_ =	swait.ge [sflag:s14], $0x500  }
0x103: {  	[sflag:s14] =	ssyncset.done $0x0  }
0x104: {  	[sflag:s14] =	ssyncadd.s32 $0xFFFFFB00  }
0x105: {  	_ =	sfence.sel $0x180000  }
0x106: {  	[bflag:$0x0] =	sbarrier.arrive $0xFFFF  }
0x107: {  	_ =	strace $0x90000047  }
0x108: {  	s0 =	stileid.u32;
	[bflag:$0x2] =	sbarrier.arrive $0xFFFF  }
0x109: {  	p0 =	sne.s32 s0, $0x0;
	s0 =	rddreg [dreg:$0x3]  }
0x10a: {  	s0 =	sadd.s32 @!p0 $0x100000, s0  }
0x10b: {  	[sflag:s0] =	ssyncadd.tile.s32 @!p0 $0x1;
	_ =	shalt  }
.Lfunc_end2:
_tile_overlayer_lowered:
.L_overlay_start_2:
0x10c: {  	(tag) =	ssettag $0x2  }
0x10d: {  	s0 =	rddreg [dreg:$0x0];
	s2 =	stileid.u32  }
0x10e: {  	s1 =	rddreg [dreg:$0x1];
	p0 =	sne.s32 s2, $0x0  }
0x10f: {  	s3 =	rddreg [dreg:$0x2];
	[bflag:$0x3] =	sbarrier.arrive $0xFFFF;
	s2 =	simm.s32 @!p0 $0x1C01  }
0x110: {  	[timem:s3], [sflag:s2] =	dma.local @!p0 [hbm:s0], s1  }
0x111: {  	s0 =	simm.s32 @!p0 $0x1  }
0x112: {  	_ =	swait.ge @!p0 [sflag:s0], s1  }
0x113: {  	s1 =	ssub.s32 @!p0 $0x0, s1;
	[sflag:s0] =	ssyncset.done @!p0 $0x0  }
0x114: {  	[sflag:s0] =	ssyncadd.s32 @!p0 s1  }
0x115: {  	[bflag:$0x3] =	sbarrier.arrive $0xFFFF  }
0x116: {  	_ =	shalt  }

</sc_bundles>
